<compile_context>
chip_gen: v7x
topology: tpu7x:2x2x1
jax: 0.10.2.dev20260603
libtpu: 0.0.44.dev20260713+nightly
codegen_flags: <defaults>
</compile_context>

<pallas_src>
import jax
import jax.numpy as jnp
from jax import lax
from jax.experimental import pallas as pl
from jax.experimental.pallas import tpu as pltpu
from jax.experimental.pallas import tpu_sc as plsc

_ALPHA = 0.05
_TARGET = -0.01
_HUBER_DELTA = 0.01

_N = 1048576
_K = max(1, int(_N * _ALPHA))

_NTILES = 16
_CHUNK = _N // _NTILES
_VECS = _CHUNK // 16
_B1 = 2048
_B2 = 2048
_B3 = 1024
_MASK31 = 0x7FFFFFFF


def _splat(x):
    return jnp.full((16,), x, dtype=jnp.int32)


def _splatf(x):
    return jnp.full((16,), x, dtype=jnp.float32)


def _huber_vec(x):
    a = jnp.abs(x)
    return jnp.where(a <= jnp.float32(_HUBER_DELTA),
                     jnp.float32(0.5) * x * x,
                     jnp.float32(_HUBER_DELTA)
                     * (a - jnp.float32(0.5 * _HUBER_DELTA)))


def _sc_body(x_hbm, out_hbm, keys_v, hist_v, merged_v, recv_v, sums_v,
             sums16_v, out_v, load_sem, sh_hist, sh_merged, sh_sums):
    tid = lax.axis_index("s")
    lanes = lax.iota(jnp.int32, 16)
    fifteen = jnp.full((16,), 15, dtype=jnp.int32)
    lane_off1 = lanes * jnp.int32(_B1)
    lane_off3 = lanes * jnp.int32(_B3)
    ones = jnp.ones((16,), jnp.int32)
    zero16 = jnp.zeros((16,), jnp.int32)
    zf = _splatf(0.0)

    with jax.named_scope("ph_load"):
        cp = pltpu.make_async_copy(x_hbm.at[pl.ds(tid * _CHUNK, _CHUNK)],
                                   keys_v, load_sem)
        cp.start()

    with jax.named_scope("ph_zero"):
        @plsc.parallel_loop(0, (_NTILES * _B1) // 16, unroll=8)
        def _z(i):
            hist_v[pl.ds(i * 16, 16)] = zero16
        cp.wait()

    with jax.named_scope("ph_p1"):
        @plsc.parallel_loop(0, _VECS, unroll=8)
        def _p1(i):
            raw = plsc.bitcast(keys_v[pl.ds(i * 16, 16)], jnp.int32)
            key = raw ^ ((raw >> 31) & jnp.int32(_MASK31))
            keys_v[pl.ds(i * 16, 16)] = plsc.bitcast(key, jnp.float32)
            b = (key >> 21) + jnp.int32(1024)
            plsc.addupdate_scatter(hist_v, [lane_off1 + b], ones)

    def merge_level(nbuckets, krem):
        nslices = nbuckets // 16

        @plsc.parallel_loop(0, nslices, unroll=2)
        def _lm(i):
            acc = jnp.zeros((16,), jnp.int32)
            for t in range(_NTILES):
                acc = acc + hist_v[pl.ds(t * nbuckets + i * 16, 16)]
                hist_v[pl.ds(t * nbuckets + i * 16, 16)] = zero16
            merged_v[pl.ds(i * 16, 16)] = acc

        pltpu.sync_copy(merged_v.at[pl.ds(0, nbuckets)],
                        sh_hist.at[tid, pl.ds(0, nbuckets)])
        plsc.subcore_barrier()

        slice_w = nbuckets // _NTILES
        for t in range(_NTILES):
            pltpu.sync_copy(sh_hist.at[t, pl.ds(tid * slice_w, slice_w)],
                            recv_v.at[pl.ds(t * slice_w, slice_w)])

        @plsc.parallel_loop(0, slice_w // 16, unroll=2)
        def _sm(i):
            acc = jnp.zeros((16,), jnp.int32)
            for t in range(_NTILES):
                acc = acc + recv_v[pl.ds(t * slice_w + i * 16, 16)]
            merged_v[pl.ds(i * 16, 16)] = acc
        pltpu.sync_copy(merged_v.at[pl.ds(0, slice_w)],
                        sh_merged.at[pl.ds(tid * slice_w, slice_w)])
        plsc.subcore_barrier()

        pltpu.sync_copy(sh_merged.at[pl.ds(0, nbuckets)],
                        merged_v.at[pl.ds(0, nbuckets)])
        krem_vec = _splat(krem)

        def scan_step(i, carry):
            c_vec, b_acc, c_acc = carry
            mv = merged_v[pl.ds(i * 16, 16)]
            cum = plsc.cumsum(mv) + c_vec
            lt = (cum < krem_vec).astype(jnp.int32)
            b_acc = b_acc + lt
            c_acc = c_acc + lt * mv
            c_vec = lax.gather(
                cum, fifteen[:, None],
                lax.GatherDimensionNumbers(offset_dims=(),
                                           collapsed_slice_dims=(0,),
                                           start_index_map=(0,)),
                (1,), mode=lax.GatherScatterMode.PROMISE_IN_BOUNDS)
            return (c_vec, b_acc, c_acc)

        _, b_acc, c_acc = lax.fori_loop(
            0, nslices, scan_step, (zero16, zero16, zero16))
        return jnp.sum(b_acc), jnp.sum(c_acc)

    with jax.named_scope("ph_m1"):
        b1, c1 = merge_level(_B1, jnp.int32(_K))
    krem2 = jnp.int32(_K) - c1
    hi11 = b1 - jnp.int32(1024)

    hi11_vec = _splat(hi11)

    with jax.named_scope("ph_p2"):
        @plsc.parallel_loop(0, _VECS, unroll=8)
        def _p2(i):
            key = plsc.bitcast(keys_v[pl.ds(i * 16, 16)], jnp.int32)
            m = (key >> 21) == hi11_vec
            b = (key >> 10) & jnp.int32(2047)
            plsc.addupdate_scatter(hist_v, [lane_off1 + b], ones, mask=m)
    with jax.named_scope("ph_m2"):
        b2, c2 = merge_level(_B2, krem2)
    krem3 = krem2 - c2
    hi22 = hi11 * jnp.int32(2048) + b2

    hi22_vec = _splat(hi22)

    with jax.named_scope("ph_p3"):
        @plsc.parallel_loop(0, _VECS, unroll=8)
        def _p3(i):
            key = plsc.bitcast(keys_v[pl.ds(i * 16, 16)], jnp.int32)
            m = (key >> 10) == hi22_vec
            b = key & jnp.int32(1023)
            plsc.addupdate_scatter(hist_v, [lane_off3 + b], ones, mask=m)
    with jax.named_scope("ph_m3"):
        b3, c3 = merge_level(_B3, krem3)

    t_key = hi22 * jnp.int32(1024) + b3
    c_below = c1 + c2 + c3

    t_vec = _splat(t_key)
    m31 = _splat(_MASK31)

    delta_vec = _splatf(_HUBER_DELTA)
    with jax.named_scope("ph_p4"):
        @plsc.parallel_loop(0, _VECS // 4, carry=(zf, zf, zf, zf), unroll=2)
        def acc4(i, accs):
            outs = []
            for j in range(4):
                key = plsc.bitcast(keys_v[pl.ds((i * 4 + j) * 16, 16)],
                                   jnp.int32)
                a = plsc.bitcast((key ^ (key >> 31)) & m31, jnp.float32)
                b = jnp.minimum(a, delta_vec)
                hl = jnp.float32(0.5) * b * b                     + jnp.float32(_HUBER_DELTA) * (a - b)
                outs.append(accs[j] + jnp.where(key < t_vec, hl, zf))
            return tuple(outs)
        acc = acc4[0] + acc4[1] + acc4[2] + acc4[3]
    s_tile = jnp.sum(acc)

    sums_v[...] = _splatf(s_tile)
    pltpu.sync_copy(sums_v, sh_sums.at[pl.ds(tid * 16, 16)])
    plsc.subcore_barrier()

    @pl.when(tid == 0)
    def _():
        pltpu.sync_copy(sh_sums, sums16_v)

        def fs_step(t, acc):
            return acc + sums16_v[pl.ds(t * 16, 16)]

        s_tot = lax.fori_loop(0, _NTILES, fs_step, zf, unroll=4)

        tb = t_key ^ ((t_key >> 31) & jnp.int32(_MASK31))
        tx = plsc.bitcast(_splat(tb), jnp.float32)
        hub_t = _huber_vec(tx)
        ties = (_splat(_K) - _splat(c_below)).astype(jnp.float32)
        total = s_tot + ties * hub_t
        cvar = -total / jnp.float32(_K)
        viol = jnp.maximum(_splatf(_TARGET) - cvar, zf) * jnp.float32(5.0)
        idx = lax.iota(jnp.int32, 16)
        out_v[...] = jnp.where(idx == 0, cvar, jnp.where(idx == 1, viol, zf))
        pltpu.sync_copy(out_v, out_hbm)


_sc_kernel = pl.kernel(
    _sc_body,
    out_type=jax.ShapeDtypeStruct((16,), jnp.float32),
    mesh=plsc.VectorSubcoreMesh(core_axis_name="c", subcore_axis_name="s",
                                num_cores=1, num_subcores=_NTILES),
    compiler_params=pltpu.CompilerParams(needs_layout_passes=False),
    scratch_types=[
        pltpu.VMEM((_CHUNK,), jnp.float32),
        pltpu.VMEM((_NTILES * _B1,), jnp.int32),
        pltpu.VMEM((_B1,), jnp.int32),
        pltpu.VMEM((_B1,), jnp.int32),
        pltpu.VMEM((16,), jnp.float32),
        pltpu.VMEM((_NTILES * 16,), jnp.float32),
        pltpu.VMEM((16,), jnp.float32),
        pltpu.SemaphoreType.DMA,
        pltpu.VMEM_SHARED((_NTILES, _B1), jnp.int32),
        pltpu.VMEM_SHARED((_B1,), jnp.int32),
        pltpu.VMEM_SHARED((_NTILES * 16,), jnp.float32),
    ],
)


@jax.jit
def kernel(returns):
    out = _sc_kernel(returns)
    return (out[0], out[1])

# --- scband reference (transcript-rebuilt; emitter-appended) ---
"""Pipeline reference for scband-cva-rconstraint-85701777425070 (READ-ONLY COPY).

The authoritative reference and input builder live on the scoring server;
editing this copy changes nothing except your own understanding.
"""

import jax, jax.numpy as jnp
import numpy as np

ALPHA = 0.05
TARGET = -0.01


def setup_inputs(seed: int = 0) -> dict:
    key = jax.random.key(seed)
    returns = jax.random.normal(key, (1048576,), dtype=jnp.float32)
    return {"returns": returns}


def reference(returns):
    n = returns.shape[0]
    k = max(1, int(n * ALPHA))
    bottom_k, _ = jax.lax.top_k(-returns, k)
    huber_delta = 0.01
    abs_bottom_k = jnp.abs(bottom_k)
    huber_mask = abs_bottom_k <= huber_delta
    huber_loss = jnp.where(huber_mask, 0.5 * bottom_k ** 2, huber_delta * (abs_bottom_k - 0.5 * huber_delta))
    cvar = -jnp.mean(huber_loss)
    violation = jax.nn.relu(TARGET - cvar) * 5.0
    return (cvar, violation)

if __name__ == "__main__":
    import jax
    _d = setup_inputs()
    print(jax.jit(kernel)(*tuple(_d.values())))

</pallas_src>

<mosaic_0001>
#map = affine_map<(d0, d1) -> (0)>
module attributes {stable_mosaic.version = 14 : i64} {
  func.func @_sc_body(%arg0: i32, %arg1: i32, %arg2: memref<1048576xf32, #tpu.memory_space<hbm>>, %arg3: memref<16xf32, #tpu.memory_space<hbm>>, %arg4: memref<65536xf32, #tpu.memory_space<vmem>>, %arg5: memref<32768xi32, #tpu.memory_space<vmem>>, %arg6: memref<2048xi32, #tpu.memory_space<vmem>>, %arg7: memref<2048xi32, #tpu.memory_space<vmem>>, %arg8: memref<16xf32, #tpu.memory_space<vmem>>, %arg9: memref<256xf32, #tpu.memory_space<vmem>>, %arg10: memref<16xf32, #tpu.memory_space<vmem>>, %arg11: memref<!tpu.dma_semaphore, #tpu.memory_space<semaphore_mem>>, %arg12: memref<16x2048xi32, #tpu.memory_space<vmem_shared>>, %arg13: memref<2048xi32, #tpu.memory_space<vmem_shared>>, %arg14: memref<256xf32, #tpu.memory_space<vmem_shared>>) attributes {dimension_semantics = [#tpu.dimension_semantics<core_parallel>, #tpu.dimension_semantics<subcore_parallel>], iteration_bounds = array<i64: 1, 16>, scalar_prefetch = 0 : i64, scratch_operands = 11 : i64, tpu.core_type = #tpu.core_type<sc_vector_subcore>, window_params = [{transform_indices = #map}, {transform_indices = #map}]} {
    %iota3A = tpu.iota {dimensions = array<i32: 0>} : vector<16xi32>
    %broadcast_in_dim3A = arith.constant 15 : i32
    %broadcast_in_dim3A_0 = vector.broadcast %broadcast_in_dim3A : i32 to vector<16xi32>
    %mul3A = arith.constant 2048 : i32
    %mul3A_1 = vector.broadcast %mul3A : i32 to vector<16xi32>
    %mul3A_2 = arith.muli %iota3A, %mul3A_1 : vector<16xi32>
    %mul3A_3 = arith.constant 1024 : i32
    %mul3A_4 = vector.broadcast %mul3A_3 : i32 to vector<16xi32>
    %mul3A_5 = arith.muli %iota3A, %mul3A_4 : vector<16xi32>
    %broadcast_in_dim3A_6 = arith.constant 1 : i32
    %broadcast_in_dim3A_7 = vector.broadcast %broadcast_in_dim3A_6 : i32 to vector<16xi32>
    %broadcast_in_dim3A_8 = arith.constant 0 : i32
    %broadcast_in_dim3A_9 = vector.broadcast %broadcast_in_dim3A_8 : i32 to vector<16xi32>
    %broadcast_in_dim3A_10 = arith.constant 0.000000e+00 : f32
    %broadcast_in_dim3A_11 = vector.broadcast %broadcast_in_dim3A_10 : f32 to vector<16xf32>
    "tpu.trace_start"() <{level = 10 : i32, message = "ph_load"}> : () -> ()
    %mul3A_12 = arith.constant 65536 : i32
    %mul3A_13 = arith.muli %arg1, %mul3A_12 : i32
    %dma_start3A = tpu.memref_slice %arg2[%mul3A_13] : memref<1048576xf32, #tpu.memory_space<hbm>> -> memref<65536xf32, #tpu.memory_space<hbm>>
    %dma_start3A_14 = tpu.memref_slice %arg2[%mul3A_13] : memref<1048576xf32, #tpu.memory_space<hbm>> -> memref<65536xf32, #tpu.memory_space<hbm>>
    tpu.enqueue_dma source(%dma_start3A_14 : memref<65536xf32, #tpu.memory_space<hbm>>) target(%arg4 : memref<65536xf32, #tpu.memory_space<vmem>>) target_semaphore(%arg11 : memref<!tpu.dma_semaphore, #tpu.memory_space<semaphore_mem>>)
    %parallel_loop3A = arith.constant 0 : i32
    %parallel_loop3A_15 = arith.constant 2048 : i32
    %parallel_loop3A_16 = arith.constant 1 : i32
    "tpu.trace_stop"() : () -> ()
    "tpu.trace_start"() <{level = 10 : i32, message = "ph_zero"}> : () -> ()
    scf.for %parallel_loop3A_279 = %parallel_loop3A to %parallel_loop3A_15 step %parallel_loop3A_16  : i32 {
      %parallel_loop3A_280 = arith.constant 16 : i32
      %parallel_loop3A_281 = arith.muli %parallel_loop3A_279, %parallel_loop3A_280 : i32
      %parallel_loop3A_282 = arith.index_cast %parallel_loop3A_281 : i32 to index
      %parallel_loop3A_283 = tpu.vector_load %arg5[%parallel_loop3A_282] {strides = array<i32>} : memref<32768xi32, #tpu.memory_space<vmem>>, vector<16xi32>,
      tpu.vector_store %arg5[%parallel_loop3A_282], %broadcast_in_dim3A_9 {strides = array<i32>} : memref<32768xi32, #tpu.memory_space<vmem>>, vector<16xi32>,
    } {sc.loop_unroll_factor = 8 : i64, sc.parallel_access}
    %dma_wait3A = tpu.memref_slice %arg2[%mul3A_13] : memref<1048576xf32, #tpu.memory_space<hbm>> -> memref<65536xf32, #tpu.memory_space<hbm>>
    %dma_wait3A_17 = tpu.memref_slice %arg2[%mul3A_13] : memref<1048576xf32, #tpu.memory_space<hbm>> -> memref<65536xf32, #tpu.memory_space<hbm>>
    tpu.wait_dma2 semaphore(%arg11 : memref<!tpu.dma_semaphore, #tpu.memory_space<semaphore_mem>>) src(%dma_wait3A_17 : memref<65536xf32, #tpu.memory_space<hbm>>) dst(%arg4 : memref<65536xf32, #tpu.memory_space<vmem>>)
    %parallel_loop3A_18 = arith.constant 0 : i32
    %parallel_loop3A_19 = arith.constant 4096 : i32
    %parallel_loop3A_20 = arith.constant 1 : i32
    "tpu.trace_stop"() : () -> ()
    "tpu.trace_start"() <{level = 10 : i32, message = "ph_p1"}> : () -> ()
    scf.for %parallel_loop3A_279 = %parallel_loop3A_18 to %parallel_loop3A_19 step %parallel_loop3A_20  : i32 {
      %parallel_loop3A_280 = arith.constant 16 : i32
      %parallel_loop3A_281 = arith.muli %parallel_loop3A_279, %parallel_loop3A_280 : i32
      %parallel_loop3A_282 = arith.index_cast %parallel_loop3A_281 : i32 to index
      %parallel_loop3A_283 = tpu.vector_load %arg4[%parallel_loop3A_282] {strides = array<i32>} : memref<65536xf32, #tpu.memory_space<vmem>>, vector<16xf32>,
      %parallel_loop3A_284 = vector.bitcast %parallel_loop3A_283 : vector<16xf32> to vector<16xi32>
      %parallel_loop3A_285 = arith.constant 31 : i32
      %parallel_loop3A_286 = vector.broadcast %parallel_loop3A_285 : i32 to vector<16xi32>
      %parallel_loop3A_287 = arith.shrsi %parallel_loop3A_284, %parallel_loop3A_286 : vector<16xi32>
      %parallel_loop3A_288 = arith.constant 2147483647 : i32
      %parallel_loop3A_289 = vector.broadcast %parallel_loop3A_288 : i32 to vector<16xi32>
      %parallel_loop3A_290 = arith.andi %parallel_loop3A_287, %parallel_loop3A_289 : vector<16xi32>
      %parallel_loop3A_291 = arith.xori %parallel_loop3A_284, %parallel_loop3A_290 : vector<16xi32>
      %parallel_loop3A_292 = vector.bitcast %parallel_loop3A_291 : vector<16xi32> to vector<16xf32>
      %parallel_loop3A_293 = arith.constant 16 : i32
      %parallel_loop3A_294 = arith.muli %parallel_loop3A_279, %parallel_loop3A_293 : i32
      %parallel_loop3A_295 = arith.index_cast %parallel_loop3A_294 : i32 to index
      %parallel_loop3A_296 = tpu.vector_load %arg4[%parallel_loop3A_295] {strides = array<i32>} : memref<65536xf32, #tpu.memory_space<vmem>>, vector<16xf32>,
      tpu.vector_store %arg4[%parallel_loop3A_295], %parallel_loop3A_292 {strides = array<i32>} : memref<65536xf32, #tpu.memory_space<vmem>>, vector<16xf32>,
      %parallel_loop3A_297 = arith.constant 21 : i32
      %parallel_loop3A_298 = vector.broadcast %parallel_loop3A_297 : i32 to vector<16xi32>
      %parallel_loop3A_299 = arith.shrsi %parallel_loop3A_291, %parallel_loop3A_298 : vector<16xi32>
      %parallel_loop3A_300 = arith.constant 1024 : i32
      %parallel_loop3A_301 = vector.broadcast %parallel_loop3A_300 : i32 to vector<16xi32>
      %parallel_loop3A_302 = arith.addi %parallel_loop3A_299, %parallel_loop3A_301 : vector<16xi32>
      %parallel_loop3A_303 = arith.addi %mul3A_2, %parallel_loop3A_302 : vector<16xi32>
      tpu.vector_store_idx %arg5[%parallel_loop3A_303], %broadcast_in_dim3A_7 {add = true} : memref<32768xi32, #tpu.memory_space<vmem>>[vector<16xi32>], vector<16xi32>,
    } {sc.loop_unroll_factor = 8 : i64, sc.parallel_access}
    %parallel_loop3A_21 = arith.constant 0 : i32
    %parallel_loop3A_22 = arith.constant 128 : i32
    %parallel_loop3A_23 = arith.constant 1 : i32
    "tpu.trace_stop"() : () -> ()
    "tpu.trace_start"() <{level = 10 : i32, message = "ph_m1"}> : () -> ()
    scf.for %parallel_loop3A_279 = %parallel_loop3A_21 to %parallel_loop3A_22 step %parallel_loop3A_23  : i32 {
      %parallel_loop3A_280 = arith.constant 0 : i32
      %parallel_loop3A_281 = vector.broadcast %parallel_loop3A_280 : i32 to vector<16xi32>
      %parallel_loop3A_282 = arith.constant 16 : i32
      %parallel_loop3A_283 = arith.muli %parallel_loop3A_279, %parallel_loop3A_282 : i32
      %parallel_loop3A_284 = arith.constant 0 : i32
      %parallel_loop3A_285 = arith.addi %parallel_loop3A_284, %parallel_loop3A_283 : i32
      %parallel_loop3A_286 = arith.index_cast %parallel_loop3A_285 : i32 to index
      %parallel_loop3A_287 = tpu.vector_load %arg5[%parallel_loop3A_286] {strides = array<i32>} : memref<32768xi32, #tpu.memory_space<vmem>>, vector<16xi32>,
      %parallel_loop3A_288 = arith.addi %parallel_loop3A_281, %parallel_loop3A_287 : vector<16xi32>
      %parallel_loop3A_289 = arith.constant 16 : i32
      %parallel_loop3A_290 = arith.muli %parallel_loop3A_279, %parallel_loop3A_289 : i32
      %parallel_loop3A_291 = arith.constant 0 : i32
      %parallel_loop3A_292 = arith.addi %parallel_loop3A_291, %parallel_loop3A_290 : i32
      %parallel_loop3A_293 = arith.index_cast %parallel_loop3A_292 : i32 to index
      %parallel_loop3A_294 = tpu.vector_load %arg5[%parallel_loop3A_293] {strides = array<i32>} : memref<32768xi32, #tpu.memory_space<vmem>>, vector<16xi32>,
      tpu.vector_store %arg5[%parallel_loop3A_293], %broadcast_in_dim3A_9 {strides = array<i32>} : memref<32768xi32, #tpu.memory_space<vmem>>, vector<16xi32>,
      %parallel_loop3A_295 = arith.constant 16 : i32
      %parallel_loop3A_296 = arith.muli %parallel_loop3A_279, %parallel_loop3A_295 : i32
      %parallel_loop3A_297 = arith.constant 2048 : i32
      %parallel_loop3A_298 = arith.addi %parallel_loop3A_297, %parallel_loop3A_296 : i32
      %parallel_loop3A_299 = arith.index_cast %parallel_loop3A_298 : i32 to index
      %parallel_loop3A_300 = tpu.vector_load %arg5[%parallel_loop3A_299] {strides = array<i32>} : memref<32768xi32, #tpu.memory_space<vmem>>, vector<16xi32>,
      %parallel_loop3A_301 = arith.addi %parallel_loop3A_288, %parallel_loop3A_300 : vector<16xi32>
      %parallel_loop3A_302 = arith.constant 16 : i32
      %parallel_loop3A_303 = arith.muli %parallel_loop3A_279, %parallel_loop3A_302 : i32
      %parallel_loop3A_304 = arith.constant 2048 : i32
      %parallel_loop3A_305 = arith.addi %parallel_loop3A_304, %parallel_loop3A_303 : i32
      %parallel_loop3A_306 = arith.index_cast %parallel_loop3A_305 : i32 to index
      %parallel_loop3A_307 = tpu.vector_load %arg5[%parallel_loop3A_306] {strides = array<i32>} : memref<32768xi32, #tpu.memory_space<vmem>>, vector<16xi32>,
      tpu.vector_store %arg5[%parallel_loop3A_306], %broadcast_in_dim3A_9 {strides = array<i32>} : memref<32768xi32, #tpu.memory_space<vmem>>, vector<16xi32>,
      %parallel_loop3A_308 = arith.constant 16 : i32
      %parallel_loop3A_309 = arith.muli %parallel_loop3A_279, %parallel_loop3A_308 : i32
      %parallel_loop3A_310 = arith.constant 4096 : i32
      %parallel_loop3A_311 = arith.addi %parallel_loop3A_310, %parallel_loop3A_309 : i32
      %parallel_loop3A_312 = arith.index_cast %parallel_loop3A_311 : i32 to index
      %parallel_loop3A_313 = tpu.vector_load %arg5[%parallel_loop3A_312] {strides = array<i32>} : memref<32768xi32, #tpu.memory_space<vmem>>, vector<16xi32>,
      %parallel_loop3A_314 = arith.addi %parallel_loop3A_301, %parallel_loop3A_313 : vector<16xi32>
      %parallel_loop3A_315 = arith.constant 16 : i32
      %parallel_loop3A_316 = arith.muli %parallel_loop3A_279, %parallel_loop3A_315 : i32
      %parallel_loop3A_317 = arith.constant 4096 : i32
      %parallel_loop3A_318 = arith.addi %parallel_loop3A_317, %parallel_loop3A_316 : i32
      %parallel_loop3A_319 = arith.index_cast %parallel_loop3A_318 : i32 to index
      %parallel_loop3A_320 = tpu.vector_load %arg5[%parallel_loop3A_319] {strides = array<i32>} : memref<32768xi32, #tpu.memory_space<vmem>>, vector<16xi32>,
      tpu.vector_store %arg5[%parallel_loop3A_319], %broadcast_in_dim3A_9 {strides = array<i32>} : memref<32768xi32, #tpu.memory_space<vmem>>, vector<16xi32>,
      %parallel_loop3A_321 = arith.constant 16 : i32
      %parallel_loop3A_322 = arith.muli %parallel_loop3A_279, %parallel_loop3A_321 : i32
      %parallel_loop3A_323 = arith.constant 6144 : i32
      %parallel_loop3A_324 = arith.addi %parallel_loop3A_323, %parallel_loop3A_322 : i32
      %parallel_loop3A_325 = arith.index_cast %parallel_loop3A_324 : i32 to index
      %parallel_loop3A_326 = tpu.vector_load %arg5[%parallel_loop3A_325] {strides = array<i32>} : memref<32768xi32, #tpu.memory_space<vmem>>, vector<16xi32>,
      %parallel_loop3A_327 = arith.addi %parallel_loop3A_314, %parallel_loop3A_326 : vector<16xi32>
      %parallel_loop3A_328 = arith.constant 16 : i32
      %parallel_loop3A_329 = arith.muli %parallel_loop3A_279, %parallel_loop3A_328 : i32
      %parallel_loop3A_330 = arith.constant 6144 : i32
      %parallel_loop3A_331 = arith.addi %parallel_loop3A_330, %parallel_loop3A_329 : i32
      %parallel_loop3A_332 = arith.index_cast %parallel_loop3A_331 : i32 to index
      %parallel_loop3A_333 = tpu.vector_load %arg5[%parallel_loop3A_332] {strides = array<i32>} : memref<32768xi32, #tpu.memory_space<vmem>>, vector<16xi32>,
      tpu.vector_store %arg5[%parallel_loop3A_332], %broadcast_in_dim3A_9 {strides = array<i32>} : memref<32768xi32, #tpu.memory_space<vmem>>, vector<16xi32>,
      %parallel_loop3A_334 = arith.constant 16 : i32
      %parallel_loop3A_335 = arith.muli %parallel_loop3A_279, %parallel_loop3A_334 : i32
      %parallel_loop3A_336 = arith.constant 8192 : i32
      %parallel_loop3A_337 = arith.addi %parallel_loop3A_336, %parallel_loop3A_335 : i32
      %parallel_loop3A_338 = arith.index_cast %parallel_loop3A_337 : i32 to index
      %parallel_loop3A_339 = tpu.vector_load %arg5[%parallel_loop3A_338] {strides = array<i32>} : memref<32768xi32, #tpu.memory_space<vmem>>, vector<16xi32>,
      %parallel_loop3A_340 = arith.addi %parallel_loop3A_327, %parallel_loop3A_339 : vector<16xi32>
      %parallel_loop3A_341 = arith.constant 16 : i32
      %parallel_loop3A_342 = arith.muli %parallel_loop3A_279, %parallel_loop3A_341 : i32
      %parallel_loop3A_343 = arith.constant 8192 : i32
      %parallel_loop3A_344 = arith.addi %parallel_loop3A_343, %parallel_loop3A_342 : i32
      %parallel_loop3A_345 = arith.index_cast %parallel_loop3A_344 : i32 to index
      %parallel_loop3A_346 = tpu.vector_load %arg5[%parallel_loop3A_345] {strides = array<i32>} : memref<32768xi32, #tpu.memory_space<vmem>>, vector<16xi32>,
      tpu.vector_store %arg5[%parallel_loop3A_345], %broadcast_in_dim3A_9 {strides = array<i32>} : memref<32768xi32, #tpu.memory_space<vmem>>, vector<16xi32>,
      %parallel_loop3A_347 = arith.constant 16 : i32
      %parallel_loop3A_348 = arith.muli %parallel_loop3A_279, %parallel_loop3A_347 : i32
      %parallel_loop3A_349 = arith.constant 10240 : i32
      %parallel_loop3A_350 = arith.addi %parallel_loop3A_349, %parallel_loop3A_348 : i32
      %parallel_loop3A_351 = arith.index_cast %parallel_loop3A_350 : i32 to index
      %parallel_loop3A_352 = tpu.vector_load %arg5[%parallel_loop3A_351] {strides = array<i32>} : memref<32768xi32, #tpu.memory_space<vmem>>, vector<16xi32>,
      %parallel_loop3A_353 = arith.addi %parallel_loop3A_340, %parallel_loop3A_352 : vector<16xi32>
      %parallel_loop3A_354 = arith.constant 16 : i32
      %parallel_loop3A_355 = arith.muli %parallel_loop3A_279, %parallel_loop3A_354 : i32
      %parallel_loop3A_356 = arith.constant 10240 : i32
      %parallel_loop3A_357 = arith.addi %parallel_loop3A_356, %parallel_loop3A_355 : i32
      %parallel_loop3A_358 = arith.index_cast %parallel_loop3A_357 : i32 to index
      %parallel_loop3A_359 = tpu.vector_load %arg5[%parallel_loop3A_358] {strides = array<i32>} : memref<32768xi32, #tpu.memory_space<vmem>>, vector<16xi32>,
      tpu.vector_store %arg5[%parallel_loop3A_358], %broadcast_in_dim3A_9 {strides = array<i32>} : memref<32768xi32, #tpu.memory_space<vmem>>, vector<16xi32>,
      %parallel_loop3A_360 = arith.constant 16 : i32
      %parallel_loop3A_361 = arith.muli %parallel_loop3A_279, %parallel_loop3A_360 : i32
      %parallel_loop3A_362 = arith.constant 12288 : i32
      %parallel_loop3A_363 = arith.addi %parallel_loop3A_362, %parallel_loop3A_361 : i32
      %parallel_loop3A_364 = arith.index_cast %parallel_loop3A_363 : i32 to index
      %parallel_loop3A_365 = tpu.vector_load %arg5[%parallel_loop3A_364] {strides = array<i32>} : memref<32768xi32, #tpu.memory_space<vmem>>, vector<16xi32>,
      %parallel_loop3A_366 = arith.addi %parallel_loop3A_353, %parallel_loop3A_365 : vector<16xi32>
      %parallel_loop3A_367 = arith.constant 16 : i32
      %parallel_loop3A_368 = arith.muli %parallel_loop3A_279, %parallel_loop3A_367 : i32
      %parallel_loop3A_369 = arith.constant 12288 : i32
      %parallel_loop3A_370 = arith.addi %parallel_loop3A_369, %parallel_loop3A_368 : i32
      %parallel_loop3A_371 = arith.index_cast %parallel_loop3A_370 : i32 to index
      %parallel_loop3A_372 = tpu.vector_load %arg5[%parallel_loop3A_371] {strides = array<i32>} : memref<32768xi32, #tpu.memory_space<vmem>>, vector<16xi32>,
      tpu.vector_store %arg5[%parallel_loop3A_371], %broadcast_in_dim3A_9 {strides = array<i32>} : memref<32768xi32, #tpu.memory_space<vmem>>, vector<16xi32>,
      %parallel_loop3A_373 = arith.constant 16 : i32
      %parallel_loop3A_374 = arith.muli %parallel_loop3A_279, %parallel_loop3A_373 : i32
      %parallel_loop3A_375 = arith.constant 14336 : i32
      %parallel_loop3A_376 = arith.addi %parallel_loop3A_375, %parallel_loop3A_374 : i32
      %parallel_loop3A_377 = arith.index_cast %parallel_loop3A_376 : i32 to index
      %parallel_loop3A_378 = tpu.vector_load %arg5[%parallel_loop3A_377] {strides = array<i32>} : memref<32768xi32, #tpu.memory_space<vmem>>, vector<16xi32>,
      %parallel_loop3A_379 = arith.addi %parallel_loop3A_366, %parallel_loop3A_378 : vector<16xi32>
      %parallel_loop3A_380 = arith.constant 16 : i32
      %parallel_loop3A_381 = arith.muli %parallel_loop3A_279, %parallel_loop3A_380 : i32
      %parallel_loop3A_382 = arith.constant 14336 : i32
      %parallel_loop3A_383 = arith.addi %parallel_loop3A_382, %parallel_loop3A_381 : i32
      %parallel_loop3A_384 = arith.index_cast %parallel_loop3A_383 : i32 to index
      %parallel_loop3A_385 = tpu.vector_load %arg5[%parallel_loop3A_384] {strides = array<i32>} : memref<32768xi32, #tpu.memory_space<vmem>>, vector<16xi32>,
      tpu.vector_store %arg5[%parallel_loop3A_384], %broadcast_in_dim3A_9 {strides = array<i32>} : memref<32768xi32, #tpu.memory_space<vmem>>, vector<16xi32>,
      %parallel_loop3A_386 = arith.constant 16 : i32
      %parallel_loop3A_387 = arith.muli %parallel_loop3A_279, %parallel_loop3A_386 : i32
      %parallel_loop3A_388 = arith.constant 16384 : i32
      %parallel_loop3A_389 = arith.addi %parallel_loop3A_388, %parallel_loop3A_387 : i32
      %parallel_loop3A_390 = arith.index_cast %parallel_loop3A_389 : i32 to index
      %parallel_loop3A_391 = tpu.vector_load %arg5[%parallel_loop3A_390] {strides = array<i32>} : memref<32768xi32, #tpu.memory_space<vmem>>, vector<16xi32>,
      %parallel_loop3A_392 = arith.addi %parallel_loop3A_379, %parallel_loop3A_391 : vector<16xi32>
      %parallel_loop3A_393 = arith.constant 16 : i32
      %parallel_loop3A_394 = arith.muli %parallel_loop3A_279, %parallel_loop3A_393 : i32
      %parallel_loop3A_395 = arith.constant 16384 : i32
      %parallel_loop3A_396 = arith.addi %parallel_loop3A_395, %parallel_loop3A_394 : i32
      %parallel_loop3A_397 = arith.index_cast %parallel_loop3A_396 : i32 to index
      %parallel_loop3A_398 = tpu.vector_load %arg5[%parallel_loop3A_397] {strides = array<i32>} : memref<32768xi32, #tpu.memory_space<vmem>>, vector<16xi32>,
      tpu.vector_store %arg5[%parallel_loop3A_397], %broadcast_in_dim3A_9 {strides = array<i32>} : memref<32768xi32, #tpu.memory_space<vmem>>, vector<16xi32>,
      %parallel_loop3A_399 = arith.constant 16 : i32
      %parallel_loop3A_400 = arith.muli %parallel_loop3A_279, %parallel_loop3A_399 : i32
      %parallel_loop3A_401 = arith.constant 18432 : i32
      %parallel_loop3A_402 = arith.addi %parallel_loop3A_401, %parallel_loop3A_400 : i32
      %parallel_loop3A_403 = arith.index_cast %parallel_loop3A_402 : i32 to index
      %parallel_loop3A_404 = tpu.vector_load %arg5[%parallel_loop3A_403] {strides = array<i32>} : memref<32768xi32, #tpu.memory_space<vmem>>, vector<16xi32>,
      %parallel_loop3A_405 = arith.addi %parallel_loop3A_392, %parallel_loop3A_404 : vector<16xi32>
      %parallel_loop3A_406 = arith.constant 16 : i32
      %parallel_loop3A_407 = arith.muli %parallel_loop3A_279, %parallel_loop3A_406 : i32
      %parallel_loop3A_408 = arith.constant 18432 : i32
      %parallel_loop3A_409 = arith.addi %parallel_loop3A_408, %parallel_loop3A_407 : i32
      %parallel_loop3A_410 = arith.index_cast %parallel_loop3A_409 : i32 to index
      %parallel_loop3A_411 = tpu.vector_load %arg5[%parallel_loop3A_410] {strides = array<i32>} : memref<32768xi32, #tpu.memory_space<vmem>>, vector<16xi32>,
      tpu.vector_store %arg5[%parallel_loop3A_410], %broadcast_in_dim3A_9 {strides = array<i32>} : memref<32768xi32, #tpu.memory_space<vmem>>, vector<16xi32>,
      %parallel_loop3A_412 = arith.constant 16 : i32
      %parallel_loop3A_413 = arith.muli %parallel_loop3A_279, %parallel_loop3A_412 : i32
      %parallel_loop3A_414 = arith.constant 20480 : i32
      %parallel_loop3A_415 = arith.addi %parallel_loop3A_414, %parallel_loop3A_413 : i32
      %parallel_loop3A_416 = arith.index_cast %parallel_loop3A_415 : i32 to index
      %parallel_loop3A_417 = tpu.vector_load %arg5[%parallel_loop3A_416] {strides = array<i32>} : memref<32768xi32, #tpu.memory_space<vmem>>, vector<16xi32>,
      %parallel_loop3A_418 = arith.addi %parallel_loop3A_405, %parallel_loop3A_417 : vector<16xi32>
      %parallel_loop3A_419 = arith.constant 16 : i32
      %parallel_loop3A_420 = arith.muli %parallel_loop3A_279, %parallel_loop3A_419 : i32
      %parallel_loop3A_421 = arith.constant 20480 : i32
      %parallel_loop3A_422 = arith.addi %parallel_loop3A_421, %parallel_loop3A_420 : i32
      %parallel_loop3A_423 = arith.index_cast %parallel_loop3A_422 : i32 to index
      %parallel_loop3A_424 = tpu.vector_load %arg5[%parallel_loop3A_423] {strides = array<i32>} : memref<32768xi32, #tpu.memory_space<vmem>>, vector<16xi32>,
      tpu.vector_store %arg5[%parallel_loop3A_423], %broadcast_in_dim3A_9 {strides = array<i32>} : memref<32768xi32, #tpu.memory_space<vmem>>, vector<16xi32>,
      %parallel_loop3A_425 = arith.constant 16 : i32
      %parallel_loop3A_426 = arith.muli %parallel_loop3A_279, %parallel_loop3A_425 : i32
      %parallel_loop3A_427 = arith.constant 22528 : i32
      %parallel_loop3A_428 = arith.addi %parallel_loop3A_427, %parallel_loop3A_426 : i32
      %parallel_loop3A_429 = arith.index_cast %parallel_loop3A_428 : i32 to index
      %parallel_loop3A_430 = tpu.vector_load %arg5[%parallel_loop3A_429] {strides = array<i32>} : memref<32768xi32, #tpu.memory_space<vmem>>, vector<16xi32>,
      %parallel_loop3A_431 = arith.addi %parallel_loop3A_418, %parallel_loop3A_430 : vector<16xi32>
      %parallel_loop3A_432 = arith.constant 16 : i32
      %parallel_loop3A_433 = arith.muli %parallel_loop3A_279, %parallel_loop3A_432 : i32
      %parallel_loop3A_434 = arith.constant 22528 : i32
      %parallel_loop3A_435 = arith.addi %parallel_loop3A_434, %parallel_loop3A_433 : i32
      %parallel_loop3A_436 = arith.index_cast %parallel_loop3A_435 : i32 to index
      %parallel_loop3A_437 = tpu.vector_load %arg5[%parallel_loop3A_436] {strides = array<i32>} : memref<32768xi32, #tpu.memory_space<vmem>>, vector<16xi32>,
      tpu.vector_store %arg5[%parallel_loop3A_436], %broadcast_in_dim3A_9 {strides = array<i32>} : memref<32768xi32, #tpu.memory_space<vmem>>, vector<16xi32>,
      %parallel_loop3A_438 = arith.constant 16 : i32
      %parallel_loop3A_439 = arith.muli %parallel_loop3A_279, %parallel_loop3A_438 : i32
      %parallel_loop3A_440 = arith.constant 24576 : i32
      %parallel_loop3A_441 = arith.addi %parallel_loop3A_440, %parallel_loop3A_439 : i32
      %parallel_loop3A_442 = arith.index_cast %parallel_loop3A_441 : i32 to index
      %parallel_loop3A_443 = tpu.vector_load %arg5[%parallel_loop3A_442] {strides = array<i32>} : memref<32768xi32, #tpu.memory_space<vmem>>, vector<16xi32>,
      %parallel_loop3A_444 = arith.addi %parallel_loop3A_431, %parallel_loop3A_443 : vector<16xi32>
      %parallel_loop3A_445 = arith.constant 16 : i32
      %parallel_loop3A_446 = arith.muli %parallel_loop3A_279, %parallel_loop3A_445 : i32
      %parallel_loop3A_447 = arith.constant 24576 : i32
      %parallel_loop3A_448 = arith.addi %parallel_loop3A_447, %parallel_loop3A_446 : i32
      %parallel_loop3A_449 = arith.index_cast %parallel_loop3A_448 : i32 to index
      %parallel_loop3A_450 = tpu.vector_load %arg5[%parallel_loop3A_449] {strides = array<i32>} : memref<32768xi32, #tpu.memory_space<vmem>>, vector<16xi32>,
      tpu.vector_store %arg5[%parallel_loop3A_449], %broadcast_in_dim3A_9 {strides = array<i32>} : memref<32768xi32, #tpu.memory_space<vmem>>, vector<16xi32>,
      %parallel_loop3A_451 = arith.constant 16 : i32
      %parallel_loop3A_452 = arith.muli %parallel_loop3A_279, %parallel_loop3A_451 : i32
      %parallel_loop3A_453 = arith.constant 26624 : i32
      %parallel_loop3A_454 = arith.addi %parallel_loop3A_453, %parallel_loop3A_452 : i32
      %parallel_loop3A_455 = arith.index_cast %parallel_loop3A_454 : i32 to index
      %parallel_loop3A_456 = tpu.vector_load %arg5[%parallel_loop3A_455] {strides = array<i32>} : memref<32768xi32, #tpu.memory_space<vmem>>, vector<16xi32>,
      %parallel_loop3A_457 = arith.addi %parallel_loop3A_444, %parallel_loop3A_456 : vector<16xi32>
      %parallel_loop3A_458 = arith.constant 16 : i32
      %parallel_loop3A_459 = arith.muli %parallel_loop3A_279, %parallel_loop3A_458 : i32
      %parallel_loop3A_460 = arith.constant 26624 : i32
      %parallel_loop3A_461 = arith.addi %parallel_loop3A_460, %parallel_loop3A_459 : i32
      %parallel_loop3A_462 = arith.index_cast %parallel_loop3A_461 : i32 to index
      %parallel_loop3A_463 = tpu.vector_load %arg5[%parallel_loop3A_462] {strides = array<i32>} : memref<32768xi32, #tpu.memory_space<vmem>>, vector<16xi32>,
      tpu.vector_store %arg5[%parallel_loop3A_462], %broadcast_in_dim3A_9 {strides = array<i32>} : memref<32768xi32, #tpu.memory_space<vmem>>, vector<16xi32>,
      %parallel_loop3A_464 = arith.constant 16 : i32
      %parallel_loop3A_465 = arith.muli %parallel_loop3A_279, %parallel_loop3A_464 : i32
      %parallel_loop3A_466 = arith.constant 28672 : i32
      %parallel_loop3A_467 = arith.addi %parallel_loop3A_466, %parallel_loop3A_465 : i32
      %parallel_loop3A_468 = arith.index_cast %parallel_loop3A_467 : i32 to index
      %parallel_loop3A_469 = tpu.vector_load %arg5[%parallel_loop3A_468] {strides = array<i32>} : memref<32768xi32, #tpu.memory_space<vmem>>, vector<16xi32>,
      %parallel_loop3A_470 = arith.addi %parallel_loop3A_457, %parallel_loop3A_469 : vector<16xi32>
      %parallel_loop3A_471 = arith.constant 16 : i32
      %parallel_loop3A_472 = arith.muli %parallel_loop3A_279, %parallel_loop3A_471 : i32
      %parallel_loop3A_473 = arith.constant 28672 : i32
      %parallel_loop3A_474 = arith.addi %parallel_loop3A_473, %parallel_loop3A_472 : i32
      %parallel_loop3A_475 = arith.index_cast %parallel_loop3A_474 : i32 to index
      %parallel_loop3A_476 = tpu.vector_load %arg5[%parallel_loop3A_475] {strides = array<i32>} : memref<32768xi32, #tpu.memory_space<vmem>>, vector<16xi32>,
      tpu.vector_store %arg5[%parallel_loop3A_475], %broadcast_in_dim3A_9 {strides = array<i32>} : memref<32768xi32, #tpu.memory_space<vmem>>, vector<16xi32>,
      %parallel_loop3A_477 = arith.constant 16 : i32
      %parallel_loop3A_478 = arith.muli %parallel_loop3A_279, %parallel_loop3A_477 : i32
      %parallel_loop3A_479 = arith.constant 30720 : i32
      %parallel_loop3A_480 = arith.addi %parallel_loop3A_479, %parallel_loop3A_478 : i32
      %parallel_loop3A_481 = arith.index_cast %parallel_loop3A_480 : i32 to index
      %parallel_loop3A_482 = tpu.vector_load %arg5[%parallel_loop3A_481] {strides = array<i32>} : memref<32768xi32, #tpu.memory_space<vmem>>, vector<16xi32>,
      %parallel_loop3A_483 = arith.addi %parallel_loop3A_470, %parallel_loop3A_482 : vector<16xi32>
      %parallel_loop3A_484 = arith.constant 16 : i32
      %parallel_loop3A_485 = arith.muli %parallel_loop3A_279, %parallel_loop3A_484 : i32
      %parallel_loop3A_486 = arith.constant 30720 : i32
      %parallel_loop3A_487 = arith.addi %parallel_loop3A_486, %parallel_loop3A_485 : i32
      %parallel_loop3A_488 = arith.index_cast %parallel_loop3A_487 : i32 to index
      %parallel_loop3A_489 = tpu.vector_load %arg5[%parallel_loop3A_488] {strides = array<i32>} : memref<32768xi32, #tpu.memory_space<vmem>>, vector<16xi32>,
      tpu.vector_store %arg5[%parallel_loop3A_488], %broadcast_in_dim3A_9 {strides = array<i32>} : memref<32768xi32, #tpu.memory_space<vmem>>, vector<16xi32>,
      %parallel_loop3A_490 = arith.constant 16 : i32
      %parallel_loop3A_491 = arith.muli %parallel_loop3A_279, %parallel_loop3A_490 : i32
      %parallel_loop3A_492 = arith.index_cast %parallel_loop3A_491 : i32 to index
      %parallel_loop3A_493 = tpu.vector_load %arg6[%parallel_loop3A_492] {strides = array<i32>} : memref<2048xi32, #tpu.memory_space<vmem>>, vector<16xi32>,
      tpu.vector_store %arg6[%parallel_loop3A_492], %parallel_loop3A_483 {strides = array<i32>} : memref<2048xi32, #tpu.memory_space<vmem>>, vector<16xi32>,
    } {sc.loop_unroll_factor = 2 : i64, sc.parallel_access}
    "tpu.region"() ({
      %run_scoped3A_279 = tpu.sem_alloc : memref<!tpu.dma_semaphore, #tpu.memory_space<semaphore_mem>>
      %dma_start3A_280 = arith.constant 0 : i32
      %dma_start3A_281 = tpu.memref_slice %arg6[%dma_start3A_280] : memref<2048xi32, #tpu.memory_space<vmem>> -> memref<2048xi32, #tpu.memory_space<vmem>>
      %dma_start3A_282 = arith.constant 0 : i32
      %dma_start3A_283 = tpu.memref_slice %arg12[%arg1, %dma_start3A_282] : memref<16x2048xi32, #tpu.memory_space<vmem_shared>> -> memref<1x2048xi32, #tpu.memory_space<vmem_shared>>
      %dma_start3A_284 = tpu.memref_squeeze %dma_start3A_283 : memref<1x2048xi32, #tpu.memory_space<vmem_shared>> -> memref<2048xi32, #tpu.memory_space<vmem_shared>>
      %dma_start3A_285 = arith.constant 0 : i32
      %dma_start3A_286 = tpu.memref_slice %arg12[%arg1, %dma_start3A_285] : memref<16x2048xi32, #tpu.memory_space<vmem_shared>> -> memref<1x2048xi32, #tpu.memory_space<vmem_shared>>
      %dma_start3A_287 = tpu.memref_squeeze %dma_start3A_286 : memref<1x2048xi32, #tpu.memory_space<vmem_shared>> -> memref<2048xi32, #tpu.memory_space<vmem_shared>>
      %dma_start3A_288 = arith.constant 0 : i32
      %dma_start3A_289 = tpu.memref_slice %arg6[%dma_start3A_288] : memref<2048xi32, #tpu.memory_space<vmem>> -> memref<2048xi32, #tpu.memory_space<vmem>>
      tpu.enqueue_dma source(%dma_start3A_289 : memref<2048xi32, #tpu.memory_space<vmem>>) target(%dma_start3A_287 : memref<2048xi32, #tpu.memory_space<vmem_shared>>) target_semaphore(%run_scoped3A_279 : memref<!tpu.dma_semaphore, #tpu.memory_space<semaphore_mem>>)
      %dma_wait3A_290 = arith.constant 0 : i32
      %dma_wait3A_291 = tpu.memref_slice %arg6[%dma_wait3A_290] : memref<2048xi32, #tpu.memory_space<vmem>> -> memref<2048xi32, #tpu.memory_space<vmem>>
      %dma_wait3A_292 = arith.constant 0 : i32
      %dma_wait3A_293 = tpu.memref_slice %arg12[%arg1, %dma_wait3A_292] : memref<16x2048xi32, #tpu.memory_space<vmem_shared>> -> memref<1x2048xi32, #tpu.memory_space<vmem_shared>>
      %dma_wait3A_294 = tpu.memref_squeeze %dma_wait3A_293 : memref<1x2048xi32, #tpu.memory_space<vmem_shared>> -> memref<2048xi32, #tpu.memory_space<vmem_shared>>
      %dma_wait3A_295 = arith.constant 0 : i32
      %dma_wait3A_296 = tpu.memref_slice %arg12[%arg1, %dma_wait3A_295] : memref<16x2048xi32, #tpu.memory_space<vmem_shared>> -> memref<1x2048xi32, #tpu.memory_space<vmem_shared>>
      %dma_wait3A_297 = tpu.memref_squeeze %dma_wait3A_296 : memref<1x2048xi32, #tpu.memory_space<vmem_shared>> -> memref<2048xi32, #tpu.memory_space<vmem_shared>>
      %dma_wait3A_298 = arith.constant 0 : i32
      %dma_wait3A_299 = tpu.memref_slice %arg6[%dma_wait3A_298] : memref<2048xi32, #tpu.memory_space<vmem>> -> memref<2048xi32, #tpu.memory_space<vmem>>
      tpu.wait_dma2 semaphore(%run_scoped3A_279 : memref<!tpu.dma_semaphore, #tpu.memory_space<semaphore_mem>>) src(%dma_wait3A_299 : memref<2048xi32, #tpu.memory_space<vmem>>) dst(%dma_wait3A_297 : memref<2048xi32, #tpu.memory_space<vmem_shared>>)
      tpu.yield
    }) : () -> ()
    %barrier3A = arith.constant 0 : index
    tpu.barrier barrier_id(%barrier3A)
    %mul3A_24 = arith.constant 128 : i32
    %mul3A_25 = arith.muli %arg1, %mul3A_24 : i32
    %run_scoped3A = arith.constant 0 : i32
    "tpu.region"() ({
      %run_scoped3A_279 = tpu.sem_alloc : memref<!tpu.dma_semaphore, #tpu.memory_space<semaphore_mem>>
      %dma_start3A_280 = arith.constant 0 : i32
      %dma_start3A_281 = tpu.memref_slice %arg7[%dma_start3A_280] : memref<2048xi32, #tpu.memory_space<vmem>> -> memref<128xi32, #tpu.memory_space<vmem>>
      %dma_start3A_282 = tpu.memref_slice %arg12[%run_scoped3A, %mul3A_25] : memref<16x2048xi32, #tpu.memory_space<vmem_shared>> -> memref<1x128xi32, #tpu.memory_space<vmem_shared>>
      %dma_start3A_283 = tpu.memref_squeeze %dma_start3A_282 : memref<1x128xi32, #tpu.memory_space<vmem_shared>> -> memref<128xi32, #tpu.memory_space<vmem_shared>>
      %dma_start3A_284 = arith.constant 0 : i32
      %dma_start3A_285 = tpu.memref_slice %arg7[%dma_start3A_284] : memref<2048xi32, #tpu.memory_space<vmem>> -> memref<128xi32, #tpu.memory_space<vmem>>
      %dma_start3A_286 = tpu.memref_slice %arg12[%run_scoped3A, %mul3A_25] : memref<16x2048xi32, #tpu.memory_space<vmem_shared>> -> memref<1x128xi32, #tpu.memory_space<vmem_shared>>
      %dma_start3A_287 = tpu.memref_squeeze %dma_start3A_286 : memref<1x128xi32, #tpu.memory_space<vmem_shared>> -> memref<128xi32, #tpu.memory_space<vmem_shared>>
      tpu.enqueue_dma source(%dma_start3A_287 : memref<128xi32, #tpu.memory_space<vmem_shared>>) target(%dma_start3A_285 : memref<128xi32, #tpu.memory_space<vmem>>) target_semaphore(%run_scoped3A_279 : memref<!tpu.dma_semaphore, #tpu.memory_space<semaphore_mem>>)
      %dma_wait3A_288 = arith.constant 0 : i32
      %dma_wait3A_289 = tpu.memref_slice %arg7[%dma_wait3A_288] : memref<2048xi32, #tpu.memory_space<vmem>> -> memref<128xi32, #tpu.memory_space<vmem>>
      %dma_wait3A_290 = tpu.memref_slice %arg12[%run_scoped3A, %mul3A_25] : memref<16x2048xi32, #tpu.memory_space<vmem_shared>> -> memref<1x128xi32, #tpu.memory_space<vmem_shared>>
      %dma_wait3A_291 = tpu.memref_squeeze %dma_wait3A_290 : memref<1x128xi32, #tpu.memory_space<vmem_shared>> -> memref<128xi32, #tpu.memory_space<vmem_shared>>
      %dma_wait3A_292 = arith.constant 0 : i32
      %dma_wait3A_293 = tpu.memref_slice %arg7[%dma_wait3A_292] : memref<2048xi32, #tpu.memory_space<vmem>> -> memref<128xi32, #tpu.memory_space<vmem>>
      %dma_wait3A_294 = tpu.memref_slice %arg12[%run_scoped3A, %mul3A_25] : memref<16x2048xi32, #tpu.memory_space<vmem_shared>> -> memref<1x128xi32, #tpu.memory_space<vmem_shared>>
      %dma_wait3A_295 = tpu.memref_squeeze %dma_wait3A_294 : memref<1x128xi32, #tpu.memory_space<vmem_shared>> -> memref<128xi32, #tpu.memory_space<vmem_shared>>
      tpu.wait_dma2 semaphore(%run_scoped3A_279 : memref<!tpu.dma_semaphore, #tpu.memory_space<semaphore_mem>>) src(%dma_wait3A_295 : memref<128xi32, #tpu.memory_space<vmem_shared>>) dst(%dma_wait3A_293 : memref<128xi32, #tpu.memory_space<vmem>>)
      tpu.yield
    }) : () -> ()
    %mul3A_26 = arith.constant 128 : i32
    %mul3A_27 = arith.muli %arg1, %mul3A_26 : i32
    %run_scoped3A_28 = arith.constant 1 : i32
    "tpu.region"() ({
      %run_scoped3A_279 = tpu.sem_alloc : memref<!tpu.dma_semaphore, #tpu.memory_space<semaphore_mem>>
      %dma_start3A_280 = arith.constant 128 : i32
      %dma_start3A_281 = tpu.memref_slice %arg7[%dma_start3A_280] : memref<2048xi32, #tpu.memory_space<vmem>> -> memref<128xi32, #tpu.memory_space<vmem>>
      %dma_start3A_282 = tpu.memref_slice %arg12[%run_scoped3A_28, %mul3A_27] : memref<16x2048xi32, #tpu.memory_space<vmem_shared>> -> memref<1x128xi32, #tpu.memory_space<vmem_shared>>
      %dma_start3A_283 = tpu.memref_squeeze %dma_start3A_282 : memref<1x128xi32, #tpu.memory_space<vmem_shared>> -> memref<128xi32, #tpu.memory_space<vmem_shared>>
      %dma_start3A_284 = arith.constant 128 : i32
      %dma_start3A_285 = tpu.memref_slice %arg7[%dma_start3A_284] : memref<2048xi32, #tpu.memory_space<vmem>> -> memref<128xi32, #tpu.memory_space<vmem>>
      %dma_start3A_286 = tpu.memref_slice %arg12[%run_scoped3A_28, %mul3A_27] : memref<16x2048xi32, #tpu.memory_space<vmem_shared>> -> memref<1x128xi32, #tpu.memory_space<vmem_shared>>
      %dma_start3A_287 = tpu.memref_squeeze %dma_start3A_286 : memref<1x128xi32, #tpu.memory_space<vmem_shared>> -> memref<128xi32, #tpu.memory_space<vmem_shared>>
      tpu.enqueue_dma source(%dma_start3A_287 : memref<128xi32, #tpu.memory_space<vmem_shared>>) target(%dma_start3A_285 : memref<128xi32, #tpu.memory_space<vmem>>) target_semaphore(%run_scoped3A_279 : memref<!tpu.dma_semaphore, #tpu.memory_space<semaphore_mem>>)
      %dma_wait3A_288 = arith.constant 128 : i32
      %dma_wait3A_289 = tpu.memref_slice %arg7[%dma_wait3A_288] : memref<2048xi32, #tpu.memory_space<vmem>> -> memref<128xi32, #tpu.memory_space<vmem>>
      %dma_wait3A_290 = tpu.memref_slice %arg12[%run_scoped3A_28, %mul3A_27] : memref<16x2048xi32, #tpu.memory_space<vmem_shared>> -> memref<1x128xi32, #tpu.memory_space<vmem_shared>>
      %dma_wait3A_291 = tpu.memref_squeeze %dma_wait3A_290 : memref<1x128xi32, #tpu.memory_space<vmem_shared>> -> memref<128xi32, #tpu.memory_space<vmem_shared>>
      %dma_wait3A_292 = arith.constant 128 : i32
      %dma_wait3A_293 = tpu.memref_slice %arg7[%dma_wait3A_292] : memref<2048xi32, #tpu.memory_space<vmem>> -> memref<128xi32, #tpu.memory_space<vmem>>
      %dma_wait3A_294 = tpu.memref_slice %arg12[%run_scoped3A_28, %mul3A_27] : memref<16x2048xi32, #tpu.memory_space<vmem_shared>> -> memref<1x128xi32, #tpu.memory_space<vmem_shared>>
      %dma_wait3A_295 = tpu.memref_squeeze %dma_wait3A_294 : memref<1x128xi32, #tpu.memory_space<vmem_shared>> -> memref<128xi32, #tpu.memory_space<vmem_shared>>
      tpu.wait_dma2 semaphore(%run_scoped3A_279 : memref<!tpu.dma_semaphore, #tpu.memory_space<semaphore_mem>>) src(%dma_wait3A_295 : memref<128xi32, #tpu.memory_space<vmem_shared>>) dst(%dma_wait3A_293 : memref<128xi32, #tpu.memory_space<vmem>>)
      tpu.yield
    }) : () -> ()
    %mul3A_29 = arith.constant 128 : i32
    %mul3A_30 = arith.muli %arg1, %mul3A_29 : i32
    %run_scoped3A_31 = arith.constant 2 : i32
    "tpu.region"() ({
      %run_scoped3A_279 = tpu.sem_alloc : memref<!tpu.dma_semaphore, #tpu.memory_space<semaphore_mem>>
      %dma_start3A_280 = arith.constant 256 : i32
      %dma_start3A_281 = tpu.memref_slice %arg7[%dma_start3A_280] : memref<2048xi32, #tpu.memory_space<vmem>> -> memref<128xi32, #tpu.memory_space<vmem>>
      %dma_start3A_282 = tpu.memref_slice %arg12[%run_scoped3A_31, %mul3A_30] : memref<16x2048xi32, #tpu.memory_space<vmem_shared>> -> memref<1x128xi32, #tpu.memory_space<vmem_shared>>
      %dma_start3A_283 = tpu.memref_squeeze %dma_start3A_282 : memref<1x128xi32, #tpu.memory_space<vmem_shared>> -> memref<128xi32, #tpu.memory_space<vmem_shared>>
      %dma_start3A_284 = arith.constant 256 : i32
      %dma_start3A_285 = tpu.memref_slice %arg7[%dma_start3A_284] : memref<2048xi32, #tpu.memory_space<vmem>> -> memref<128xi32, #tpu.memory_space<vmem>>
      %dma_start3A_286 = tpu.memref_slice %arg12[%run_scoped3A_31, %mul3A_30] : memref<16x2048xi32, #tpu.memory_space<vmem_shared>> -> memref<1x128xi32, #tpu.memory_space<vmem_shared>>
      %dma_start3A_287 = tpu.memref_squeeze %dma_start3A_286 : memref<1x128xi32, #tpu.memory_space<vmem_shared>> -> memref<128xi32, #tpu.memory_space<vmem_shared>>
      tpu.enqueue_dma source(%dma_start3A_287 : memref<128xi32, #tpu.memory_space<vmem_shared>>) target(%dma_start3A_285 : memref<128xi32, #tpu.memory_space<vmem>>) target_semaphore(%run_scoped3A_279 : memref<!tpu.dma_semaphore, #tpu.memory_space<semaphore_mem>>)
      %dma_wait3A_288 = arith.constant 256 : i32
      %dma_wait3A_289 = tpu.memref_slice %arg7[%dma_wait3A_288] : memref<2048xi32, #tpu.memory_space<vmem>> -> memref<128xi32, #tpu.memory_space<vmem>>
      %dma_wait3A_290 = tpu.memref_slice %arg12[%run_scoped3A_31, %mul3A_30] : memref<16x2048xi32, #tpu.memory_space<vmem_shared>> -> memref<1x128xi32, #tpu.memory_space<vmem_shared>>
      %dma_wait3A_291 = tpu.memref_squeeze %dma_wait3A_290 : memref<1x128xi32, #tpu.memory_space<vmem_shared>> -> memref<128xi32, #tpu.memory_space<vmem_shared>>
      %dma_wait3A_292 = arith.constant 256 : i32
      %dma_wait3A_293 = tpu.memref_slice %arg7[%dma_wait3A_292] : memref<2048xi32, #tpu.memory_space<vmem>> -> memref<128xi32, #tpu.memory_space<vmem>>
      %dma_wait3A_294 = tpu.memref_slice %arg12[%run_scoped3A_31, %mul3A_30] : memref<16x2048xi32, #tpu.memory_space<vmem_shared>> -> memref<1x128xi32, #tpu.memory_space<vmem_shared>>
      %dma_wait3A_295 = tpu.memref_squeeze %dma_wait3A_294 : memref<1x128xi32, #tpu.memory_space<vmem_shared>> -> memref<128xi32, #tpu.memory_space<vmem_shared>>
      tpu.wait_dma2 semaphore(%run_scoped3A_279 : memref<!tpu.dma_semaphore, #tpu.memory_space<semaphore_mem>>) src(%dma_wait3A_295 : memref<128xi32, #tpu.memory_space<vmem_shared>>) dst(%dma_wait3A_293 : memref<128xi32, #tpu.memory_space<vmem>>)
      tpu.yield
    }) : () -> ()
    %mul3A_32 = arith.constant 128 : i32
    %mul3A_33 = arith.muli %arg1, %mul3A_32 : i32
    %run_scoped3A_34 = arith.constant 3 : i32
    "tpu.region"() ({
      %run_scoped3A_279 = tpu.sem_alloc : memref<!tpu.dma_semaphore, #tpu.memory_space<semaphore_mem>>
      %dma_start3A_280 = arith.constant 384 : i32
      %dma_start3A_281 = tpu.memref_slice %arg7[%dma_start3A_280] : memref<2048xi32, #tpu.memory_space<vmem>> -> memref<128xi32, #tpu.memory_space<vmem>>
      %dma_start3A_282 = tpu.memref_slice %arg12[%run_scoped3A_34, %mul3A_33] : memref<16x2048xi32, #tpu.memory_space<vmem_shared>> -> memref<1x128xi32, #tpu.memory_space<vmem_shared>>
      %dma_start3A_283 = tpu.memref_squeeze %dma_start3A_282 : memref<1x128xi32, #tpu.memory_space<vmem_shared>> -> memref<128xi32, #tpu.memory_space<vmem_shared>>
      %dma_start3A_284 = arith.constant 384 : i32
      %dma_start3A_285 = tpu.memref_slice %arg7[%dma_start3A_284] : memref<2048xi32, #tpu.memory_space<vmem>> -> memref<128xi32, #tpu.memory_space<vmem>>
      %dma_start3A_286 = tpu.memref_slice %arg12[%run_scoped3A_34, %mul3A_33] : memref<16x2048xi32, #tpu.memory_space<vmem_shared>> -> memref<1x128xi32, #tpu.memory_space<vmem_shared>>
      %dma_start3A_287 = tpu.memref_squeeze %dma_start3A_286 : memref<1x128xi32, #tpu.memory_space<vmem_shared>> -> memref<128xi32, #tpu.memory_space<vmem_shared>>
      tpu.enqueue_dma source(%dma_start3A_287 : memref<128xi32, #tpu.memory_space<vmem_shared>>) target(%dma_start3A_285 : memref<128xi32, #tpu.memory_space<vmem>>) target_semaphore(%run_scoped3A_279 : memref<!tpu.dma_semaphore, #tpu.memory_space<semaphore_mem>>)
      %dma_wait3A_288 = arith.constant 384 : i32
      %dma_wait3A_289 = tpu.memref_slice %arg7[%dma_wait3A_288] : memref<2048xi32, #tpu.memory_space<vmem>> -> memref<128xi32, #tpu.memory_space<vmem>>
      %dma_wait3A_290 = tpu.memref_slice %arg12[%run_scoped3A_34, %mul3A_33] : memref<16x2048xi32, #tpu.memory_space<vmem_shared>> -> memref<1x128xi32, #tpu.memory_space<vmem_shared>>
      %dma_wait3A_291 = tpu.memref_squeeze %dma_wait3A_290 : memref<1x128xi32, #tpu.memory_space<vmem_shared>> -> memref<128xi32, #tpu.memory_space<vmem_shared>>
      %dma_wait3A_292 = arith.constant 384 : i32
      %dma_wait3A_293 = tpu.memref_slice %arg7[%dma_wait3A_292] : memref<2048xi32, #tpu.memory_space<vmem>> -> memref<128xi32, #tpu.memory_space<vmem>>
      %dma_wait3A_294 = tpu.memref_slice %arg12[%run_scoped3A_34, %mul3A_33] : memref<16x2048xi32, #tpu.memory_space<vmem_shared>> -> memref<1x128xi32, #tpu.memory_space<vmem_shared>>
      %dma_wait3A_295 = tpu.memref_squeeze %dma_wait3A_294 : memref<1x128xi32, #tpu.memory_space<vmem_shared>> -> memref<128xi32, #tpu.memory_space<vmem_shared>>
      tpu.wait_dma2 semaphore(%run_scoped3A_279 : memref<!tpu.dma_semaphore, #tpu.memory_space<semaphore_mem>>) src(%dma_wait3A_295 : memref<128xi32, #tpu.memory_space<vmem_shared>>) dst(%dma_wait3A_293 : memref<128xi32, #tpu.memory_space<vmem>>)
      tpu.yield
    }) : () -> ()
    %mul3A_35 = arith.constant 128 : i32
    %mul3A_36 = arith.muli %arg1, %mul3A_35 : i32
    %run_scoped3A_37 = arith.constant 4 : i32
    "tpu.region"() ({
      %run_scoped3A_279 = tpu.sem_alloc : memref<!tpu.dma_semaphore, #tpu.memory_space<semaphore_mem>>
      %dma_start3A_280 = arith.constant 512 : i32
      %dma_start3A_281 = tpu.memref_slice %arg7[%dma_start3A_280] : memref<2048xi32, #tpu.memory_space<vmem>> -> memref<128xi32, #tpu.memory_space<vmem>>
      %dma_start3A_282 = tpu.memref_slice %arg12[%run_scoped3A_37, %mul3A_36] : memref<16x2048xi32, #tpu.memory_space<vmem_shared>> -> memref<1x128xi32, #tpu.memory_space<vmem_shared>>
      %dma_start3A_283 = tpu.memref_squeeze %dma_start3A_282 : memref<1x128xi32, #tpu.memory_space<vmem_shared>> -> memref<128xi32, #tpu.memory_space<vmem_shared>>
      %dma_start3A_284 = arith.constant 512 : i32
      %dma_start3A_285 = tpu.memref_slice %arg7[%dma_start3A_284] : memref<2048xi32, #tpu.memory_space<vmem>> -> memref<128xi32, #tpu.memory_space<vmem>>
      %dma_start3A_286 = tpu.memref_slice %arg12[%run_scoped3A_37, %mul3A_36] : memref<16x2048xi32, #tpu.memory_space<vmem_shared>> -> memref<1x128xi32, #tpu.memory_space<vmem_shared>>
      %dma_start3A_287 = tpu.memref_squeeze %dma_start3A_286 : memref<1x128xi32, #tpu.memory_space<vmem_shared>> -> memref<128xi32, #tpu.memory_space<vmem_shared>>
      tpu.enqueue_dma source(%dma_start3A_287 : memref<128xi32, #tpu.memory_space<vmem_shared>>) target(%dma_start3A_285 : memref<128xi32, #tpu.memory_space<vmem>>) target_semaphore(%run_scoped3A_279 : memref<!tpu.dma_semaphore, #tpu.memory_space<semaphore_mem>>)
      %dma_wait3A_288 = arith.constant 512 : i32
      %dma_wait3A_289 = tpu.memref_slice %arg7[%dma_wait3A_288] : memref<2048xi32, #tpu.memory_space<vmem>> -> memref<128xi32, #tpu.memory_space<vmem>>
      %dma_wait3A_290 = tpu.memref_slice %arg12[%run_scoped3A_37, %mul3A_36] : memref<16x2048xi32, #tpu.memory_space<vmem_shared>> -> memref<1x128xi32, #tpu.memory_space<vmem_shared>>
      %dma_wait3A_291 = tpu.memref_squeeze %dma_wait3A_290 : memref<1x128xi32, #tpu.memory_space<vmem_shared>> -> memref<128xi32, #tpu.memory_space<vmem_shared>>
      %dma_wait3A_292 = arith.constant 512 : i32
      %dma_wait3A_293 = tpu.memref_slice %arg7[%dma_wait3A_292] : memref<2048xi32, #tpu.memory_space<vmem>> -> memref<128xi32, #tpu.memory_space<vmem>>
      %dma_wait3A_294 = tpu.memref_slice %arg12[%run_scoped3A_37, %mul3A_36] : memref<16x2048xi32, #tpu.memory_space<vmem_shared>> -> memref<1x128xi32, #tpu.memory_space<vmem_shared>>
      %dma_wait3A_295 = tpu.memref_squeeze %dma_wait3A_294 : memref<1x128xi32, #tpu.memory_space<vmem_shared>> -> memref<128xi32, #tpu.memory_space<vmem_shared>>
      tpu.wait_dma2 semaphore(%run_scoped3A_279 : memref<!tpu.dma_semaphore, #tpu.memory_space<semaphore_mem>>) src(%dma_wait3A_295 : memref<128xi32, #tpu.memory_space<vmem_shared>>) dst(%dma_wait3A_293 : memref<128xi32, #tpu.memory_space<vmem>>)
      tpu.yield
    }) : () -> ()
    %mul3A_38 = arith.constant 128 : i32
    %mul3A_39 = arith.muli %arg1, %mul3A_38 : i32
    %run_scoped3A_40 = arith.constant 5 : i32
    "tpu.region"() ({
      %run_scoped3A_279 = tpu.sem_alloc : memref<!tpu.dma_semaphore, #tpu.memory_space<semaphore_mem>>
      %dma_start3A_280 = arith.constant 640 : i32
      %dma_start3A_281 = tpu.memref_slice %arg7[%dma_start3A_280] : memref<2048xi32, #tpu.memory_space<vmem>> -> memref<128xi32, #tpu.memory_space<vmem>>
      %dma_start3A_282 = tpu.memref_slice %arg12[%run_scoped3A_40, %mul3A_39] : memref<16x2048xi32, #tpu.memory_space<vmem_shared>> -> memref<1x128xi32, #tpu.memory_space<vmem_shared>>
      %dma_start3A_283 = tpu.memref_squeeze %dma_start3A_282 : memref<1x128xi32, #tpu.memory_space<vmem_shared>> -> memref<128xi32, #tpu.memory_space<vmem_shared>>
      %dma_start3A_284 = arith.constant 640 : i32
      %dma_start3A_285 = tpu.memref_slice %arg7[%dma_start3A_284] : memref<2048xi32, #tpu.memory_space<vmem>> -> memref<128xi32, #tpu.memory_space<vmem>>
      %dma_start3A_286 = tpu.memref_slice %arg12[%run_scoped3A_40, %mul3A_39] : memref<16x2048xi32, #tpu.memory_space<vmem_shared>> -> memref<1x128xi32, #tpu.memory_space<vmem_shared>>
      %dma_start3A_287 = tpu.memref_squeeze %dma_start3A_286 : memref<1x128xi32, #tpu.memory_space<vmem_shared>> -> memref<128xi32, #tpu.memory_space<vmem_shared>>
      tpu.enqueue_dma source(%dma_start3A_287 : memref<128xi32, #tpu.memory_space<vmem_shared>>) target(%dma_start3A_285 : memref<128xi32, #tpu.memory_space<vmem>>) target_semaphore(%run_scoped3A_279 : memref<!tpu.dma_semaphore, #tpu.memory_space<semaphore_mem>>)
      %dma_wait3A_288 = arith.constant 640 : i32
      %dma_wait3A_289 = tpu.memref_slice %arg7[%dma_wait3A_288] : memref<2048xi32, #tpu.memory_space<vmem>> -> memref<128xi32, #tpu.memory_space<vmem>>
      %dma_wait3A_290 = tpu.memref_slice %arg12[%run_scoped3A_40, %mul3A_39] : memref<16x2048xi32, #tpu.memory_space<vmem_shared>> -> memref<1x128xi32, #tpu.memory_space<vmem_shared>>
      %dma_wait3A_291 = tpu.memref_squeeze %dma_wait3A_290 : memref<1x128xi32, #tpu.memory_space<vmem_shared>> -> memref<128xi32, #tpu.memory_space<vmem_shared>>
      %dma_wait3A_292 = arith.constant 640 : i32
      %dma_wait3A_293 = tpu.memref_slice %arg7[%dma_wait3A_292] : memref<2048xi32, #tpu.memory_space<vmem>> -> memref<128xi32, #tpu.memory_space<vmem>>
      %dma_wait3A_294 = tpu.memref_slice %arg12[%run_scoped3A_40, %mul3A_39] : memref<16x2048xi32, #tpu.memory_space<vmem_shared>> -> memref<1x128xi32, #tpu.memory_space<vmem_shared>>
      %dma_wait3A_295 = tpu.memref_squeeze %dma_wait3A_294 : memref<1x128xi32, #tpu.memory_space<vmem_shared>> -> memref<128xi32, #tpu.memory_space<vmem_shared>>
      tpu.wait_dma2 semaphore(%run_scoped3A_279 : memref<!tpu.dma_semaphore, #tpu.memory_space<semaphore_mem>>) src(%dma_wait3A_295 : memref<128xi32, #tpu.memory_space<vmem_shared>>) dst(%dma_wait3A_293 : memref<128xi32, #tpu.memory_space<vmem>>)
      tpu.yield
    }) : () -> ()
    %mul3A_41 = arith.constant 128 : i32
    %mul3A_42 = arith.muli %arg1, %mul3A_41 : i32
    %run_scoped3A_43 = arith.constant 6 : i32
    "tpu.region"() ({
      %run_scoped3A_279 = tpu.sem_alloc : memref<!tpu.dma_semaphore, #tpu.memory_space<semaphore_mem>>
      %dma_start3A_280 = arith.constant 768 : i32
      %dma_start3A_281 = tpu.memref_slice %arg7[%dma_start3A_280] : memref<2048xi32, #tpu.memory_space<vmem>> -> memref<128xi32, #tpu.memory_space<vmem>>
      %dma_start3A_282 = tpu.memref_slice %arg12[%run_scoped3A_43, %mul3A_42] : memref<16x2048xi32, #tpu.memory_space<vmem_shared>> -> memref<1x128xi32, #tpu.memory_space<vmem_shared>>
      %dma_start3A_283 = tpu.memref_squeeze %dma_start3A_282 : memref<1x128xi32, #tpu.memory_space<vmem_shared>> -> memref<128xi32, #tpu.memory_space<vmem_shared>>
      %dma_start3A_284 = arith.constant 768 : i32
      %dma_start3A_285 = tpu.memref_slice %arg7[%dma_start3A_284] : memref<2048xi32, #tpu.memory_space<vmem>> -> memref<128xi32, #tpu.memory_space<vmem>>
      %dma_start3A_286 = tpu.memref_slice %arg12[%run_scoped3A_43, %mul3A_42] : memref<16x2048xi32, #tpu.memory_space<vmem_shared>> -> memref<1x128xi32, #tpu.memory_space<vmem_shared>>
      %dma_start3A_287 = tpu.memref_squeeze %dma_start3A_286 : memref<1x128xi32, #tpu.memory_space<vmem_shared>> -> memref<128xi32, #tpu.memory_space<vmem_shared>>
      tpu.enqueue_dma source(%dma_start3A_287 : memref<128xi32, #tpu.memory_space<vmem_shared>>) target(%dma_start3A_285 : memref<128xi32, #tpu.memory_space<vmem>>) target_semaphore(%run_scoped3A_279 : memref<!tpu.dma_semaphore, #tpu.memory_space<semaphore_mem>>)
      %dma_wait3A_288 = arith.constant 768 : i32
      %dma_wait3A_289 = tpu.memref_slice %arg7[%dma_wait3A_288] : memref<2048xi32, #tpu.memory_space<vmem>> -> memref<128xi32, #tpu.memory_space<vmem>>
      %dma_wait3A_290 = tpu.memref_slice %arg12[%run_scoped3A_43, %mul3A_42] : memref<16x2048xi32, #tpu.memory_space<vmem_shared>> -> memref<1x128xi32, #tpu.memory_space<vmem_shared>>
      %dma_wait3A_291 = tpu.memref_squeeze %dma_wait3A_290 : memref<1x128xi32, #tpu.memory_space<vmem_shared>> -> memref<128xi32, #tpu.memory_space<vmem_shared>>
      %dma_wait3A_292 = arith.constant 768 : i32
      %dma_wait3A_293 = tpu.memref_slice %arg7[%dma_wait3A_292] : memref<2048xi32, #tpu.memory_space<vmem>> -> memref<128xi32, #tpu.memory_space<vmem>>
      %dma_wait3A_294 = tpu.memref_slice %arg12[%run_scoped3A_43, %mul3A_42] : memref<16x2048xi32, #tpu.memory_space<vmem_shared>> -> memref<1x128xi32, #tpu.memory_space<vmem_shared>>
      %dma_wait3A_295 = tpu.memref_squeeze %dma_wait3A_294 : memref<1x128xi32, #tpu.memory_space<vmem_shared>> -> memref<128xi32, #tpu.memory_space<vmem_shared>>
      tpu.wait_dma2 semaphore(%run_scoped3A_279 : memref<!tpu.dma_semaphore, #tpu.memory_space<semaphore_mem>>) src(%dma_wait3A_295 : memref<128xi32, #tpu.memory_space<vmem_shared>>) dst(%dma_wait3A_293 : memref<128xi32, #tpu.memory_space<vmem>>)
      tpu.yield
    }) : () -> ()
    %mul3A_44 = arith.constant 128 : i32
    %mul3A_45 = arith.muli %arg1, %mul3A_44 : i32
    %run_scoped3A_46 = arith.constant 7 : i32
    "tpu.region"() ({
      %run_scoped3A_279 = tpu.sem_alloc : memref<!tpu.dma_semaphore, #tpu.memory_space<semaphore_mem>>
      %dma_start3A_280 = arith.constant 896 : i32
      %dma_start3A_281 = tpu.memref_slice %arg7[%dma_start3A_280] : memref<2048xi32, #tpu.memory_space<vmem>> -> memref<128xi32, #tpu.memory_space<vmem>>
      %dma_start3A_282 = tpu.memref_slice %arg12[%run_scoped3A_46, %mul3A_45] : memref<16x2048xi32, #tpu.memory_space<vmem_shared>> -> memref<1x128xi32, #tpu.memory_space<vmem_shared>>
      %dma_start3A_283 = tpu.memref_squeeze %dma_start3A_282 : memref<1x128xi32, #tpu.memory_space<vmem_shared>> -> memref<128xi32, #tpu.memory_space<vmem_shared>>
      %dma_start3A_284 = arith.constant 896 : i32
      %dma_start3A_285 = tpu.memref_slice %arg7[%dma_start3A_284] : memref<2048xi32, #tpu.memory_space<vmem>> -> memref<128xi32, #tpu.memory_space<vmem>>
      %dma_start3A_286 = tpu.memref_slice %arg12[%run_scoped3A_46, %mul3A_45] : memref<16x2048xi32, #tpu.memory_space<vmem_shared>> -> memref<1x128xi32, #tpu.memory_space<vmem_shared>>
      %dma_start3A_287 = tpu.memref_squeeze %dma_start3A_286 : memref<1x128xi32, #tpu.memory_space<vmem_shared>> -> memref<128xi32, #tpu.memory_space<vmem_shared>>
      tpu.enqueue_dma source(%dma_start3A_287 : memref<128xi32, #tpu.memory_space<vmem_shared>>) target(%dma_start3A_285 : memref<128xi32, #tpu.memory_space<vmem>>) target_semaphore(%run_scoped3A_279 : memref<!tpu.dma_semaphore, #tpu.memory_space<semaphore_mem>>)
      %dma_wait3A_288 = arith.constant 896 : i32
      %dma_wait3A_289 = tpu.memref_slice %arg7[%dma_wait3A_288] : memref<2048xi32, #tpu.memory_space<vmem>> -> memref<128xi32, #tpu.memory_space<vmem>>
      %dma_wait3A_290 = tpu.memref_slice %arg12[%run_scoped3A_46, %mul3A_45] : memref<16x2048xi32, #tpu.memory_space<vmem_shared>> -> memref<1x128xi32, #tpu.memory_space<vmem_shared>>
      %dma_wait3A_291 = tpu.memref_squeeze %dma_wait3A_290 : memref<1x128xi32, #tpu.memory_space<vmem_shared>> -> memref<128xi32, #tpu.memory_space<vmem_shared>>
      %dma_wait3A_292 = arith.constant 896 : i32
      %dma_wait3A_293 = tpu.memref_slice %arg7[%dma_wait3A_292] : memref<2048xi32, #tpu.memory_space<vmem>> -> memref<128xi32, #tpu.memory_space<vmem>>
      %dma_wait3A_294 = tpu.memref_slice %arg12[%run_scoped3A_46, %mul3A_45] : memref<16x2048xi32, #tpu.memory_space<vmem_shared>> -> memref<1x128xi32, #tpu.memory_space<vmem_shared>>
      %dma_wait3A_295 = tpu.memref_squeeze %dma_wait3A_294 : memref<1x128xi32, #tpu.memory_space<vmem_shared>> -> memref<128xi32, #tpu.memory_space<vmem_shared>>
      tpu.wait_dma2 semaphore(%run_scoped3A_279 : memref<!tpu.dma_semaphore, #tpu.memory_space<semaphore_mem>>) src(%dma_wait3A_295 : memref<128xi32, #tpu.memory_space<vmem_shared>>) dst(%dma_wait3A_293 : memref<128xi32, #tpu.memory_space<vmem>>)
      tpu.yield
    }) : () -> ()
    %mul3A_47 = arith.constant 128 : i32
    %mul3A_48 = arith.muli %arg1, %mul3A_47 : i32
    %run_scoped3A_49 = arith.constant 8 : i32
    "tpu.region"() ({
      %run_scoped3A_279 = tpu.sem_alloc : memref<!tpu.dma_semaphore, #tpu.memory_space<semaphore_mem>>
      %dma_start3A_280 = arith.constant 1024 : i32
      %dma_start3A_281 = tpu.memref_slice %arg7[%dma_start3A_280] : memref<2048xi32, #tpu.memory_space<vmem>> -> memref<128xi32, #tpu.memory_space<vmem>>
      %dma_start3A_282 = tpu.memref_slice %arg12[%run_scoped3A_49, %mul3A_48] : memref<16x2048xi32, #tpu.memory_space<vmem_shared>> -> memref<1x128xi32, #tpu.memory_space<vmem_shared>>
      %dma_start3A_283 = tpu.memref_squeeze %dma_start3A_282 : memref<1x128xi32, #tpu.memory_space<vmem_shared>> -> memref<128xi32, #tpu.memory_space<vmem_shared>>
      %dma_start3A_284 = arith.constant 1024 : i32
      %dma_start3A_285 = tpu.memref_slice %arg7[%dma_start3A_284] : memref<2048xi32, #tpu.memory_space<vmem>> -> memref<128xi32, #tpu.memory_space<vmem>>
      %dma_start3A_286 = tpu.memref_slice %arg12[%run_scoped3A_49, %mul3A_48] : memref<16x2048xi32, #tpu.memory_space<vmem_shared>> -> memref<1x128xi32, #tpu.memory_space<vmem_shared>>
      %dma_start3A_287 = tpu.memref_squeeze %dma_start3A_286 : memref<1x128xi32, #tpu.memory_space<vmem_shared>> -> memref<128xi32, #tpu.memory_space<vmem_shared>>
      tpu.enqueue_dma source(%dma_start3A_287 : memref<128xi32, #tpu.memory_space<vmem_shared>>) target(%dma_start3A_285 : memref<128xi32, #tpu.memory_space<vmem>>) target_semaphore(%run_scoped3A_279 : memref<!tpu.dma_semaphore, #tpu.memory_space<semaphore_mem>>)
      %dma_wait3A_288 = arith.constant 1024 : i32
      %dma_wait3A_289 = tpu.memref_slice %arg7[%dma_wait3A_288] : memref<2048xi32, #tpu.memory_space<vmem>> -> memref<128xi32, #tpu.memory_space<vmem>>
      %dma_wait3A_290 = tpu.memref_slice %arg12[%run_scoped3A_49, %mul3A_48] : memref<16x2048xi32, #tpu.memory_space<vmem_shared>> -> memref<1x128xi32, #tpu.memory_space<vmem_shared>>
      %dma_wait3A_291 = tpu.memref_squeeze %dma_wait3A_290 : memref<1x128xi32, #tpu.memory_space<vmem_shared>> -> memref<128xi32, #tpu.memory_space<vmem_shared>>
      %dma_wait3A_292 = arith.constant 1024 : i32
      %dma_wait3A_293 = tpu.memref_slice %arg7[%dma_wait3A_292] : memref<2048xi32, #tpu.memory_space<vmem>> -> memref<128xi32, #tpu.memory_space<vmem>>
      %dma_wait3A_294 = tpu.memref_slice %arg12[%run_scoped3A_49, %mul3A_48] : memref<16x2048xi32, #tpu.memory_space<vmem_shared>> -> memref<1x128xi32, #tpu.memory_space<vmem_shared>>
      %dma_wait3A_295 = tpu.memref_squeeze %dma_wait3A_294 : memref<1x128xi32, #tpu.memory_space<vmem_shared>> -> memref<128xi32, #tpu.memory_space<vmem_shared>>
      tpu.wait_dma2 semaphore(%run_scoped3A_279 : memref<!tpu.dma_semaphore, #tpu.memory_space<semaphore_mem>>) src(%dma_wait3A_295 : memref<128xi32, #tpu.memory_space<vmem_shared>>) dst(%dma_wait3A_293 : memref<128xi32, #tpu.memory_space<vmem>>)
      tpu.yield
    }) : () -> ()
    %mul3A_50 = arith.constant 128 : i32
    %mul3A_51 = arith.muli %arg1, %mul3A_50 : i32
    %run_scoped3A_52 = arith.constant 9 : i32
    "tpu.region"() ({
      %run_scoped3A_279 = tpu.sem_alloc : memref<!tpu.dma_semaphore, #tpu.memory_space<semaphore_mem>>
      %dma_start3A_280 = arith.constant 1152 : i32
      %dma_start3A_281 = tpu.memref_slice %arg7[%dma_start3A_280] : memref<2048xi32, #tpu.memory_space<vmem>> -> memref<128xi32, #tpu.memory_space<vmem>>
      %dma_start3A_282 = tpu.memref_slice %arg12[%run_scoped3A_52, %mul3A_51] : memref<16x2048xi32, #tpu.memory_space<vmem_shared>> -> memref<1x128xi32, #tpu.memory_space<vmem_shared>>
      %dma_start3A_283 = tpu.memref_squeeze %dma_start3A_282 : memref<1x128xi32, #tpu.memory_space<vmem_shared>> -> memref<128xi32, #tpu.memory_space<vmem_shared>>
      %dma_start3A_284 = arith.constant 1152 : i32
      %dma_start3A_285 = tpu.memref_slice %arg7[%dma_start3A_284] : memref<2048xi32, #tpu.memory_space<vmem>> -> memref<128xi32, #tpu.memory_space<vmem>>
      %dma_start3A_286 = tpu.memref_slice %arg12[%run_scoped3A_52, %mul3A_51] : memref<16x2048xi32, #tpu.memory_space<vmem_shared>> -> memref<1x128xi32, #tpu.memory_space<vmem_shared>>
      %dma_start3A_287 = tpu.memref_squeeze %dma_start3A_286 : memref<1x128xi32, #tpu.memory_space<vmem_shared>> -> memref<128xi32, #tpu.memory_space<vmem_shared>>
      tpu.enqueue_dma source(%dma_start3A_287 : memref<128xi32, #tpu.memory_space<vmem_shared>>) target(%dma_start3A_285 : memref<128xi32, #tpu.memory_space<vmem>>) target_semaphore(%run_scoped3A_279 : memref<!tpu.dma_semaphore, #tpu.memory_space<semaphore_mem>>)
      %dma_wait3A_288 = arith.constant 1152 : i32
      %dma_wait3A_289 = tpu.memref_slice %arg7[%dma_wait3A_288] : memref<2048xi32, #tpu.memory_space<vmem>> -> memref<128xi32, #tpu.memory_space<vmem>>
      %dma_wait3A_290 = tpu.memref_slice %arg12[%run_scoped3A_52, %mul3A_51] : memref<16x2048xi32, #tpu.memory_space<vmem_shared>> -> memref<1x128xi32, #tpu.memory_space<vmem_shared>>
      %dma_wait3A_291 = tpu.memref_squeeze %dma_wait3A_290 : memref<1x128xi32, #tpu.memory_space<vmem_shared>> -> memref<128xi32, #tpu.memory_space<vmem_shared>>
      %dma_wait3A_292 = arith.constant 1152 : i32
      %dma_wait3A_293 = tpu.memref_slice %arg7[%dma_wait3A_292] : memref<2048xi32, #tpu.memory_space<vmem>> -> memref<128xi32, #tpu.memory_space<vmem>>
      %dma_wait3A_294 = tpu.memref_slice %arg12[%run_scoped3A_52, %mul3A_51] : memref<16x2048xi32, #tpu.memory_space<vmem_shared>> -> memref<1x128xi32, #tpu.memory_space<vmem_shared>>
      %dma_wait3A_295 = tpu.memref_squeeze %dma_wait3A_294 : memref<1x128xi32, #tpu.memory_space<vmem_shared>> -> memref<128xi32, #tpu.memory_space<vmem_shared>>
      tpu.wait_dma2 semaphore(%run_scoped3A_279 : memref<!tpu.dma_semaphore, #tpu.memory_space<semaphore_mem>>) src(%dma_wait3A_295 : memref<128xi32, #tpu.memory_space<vmem_shared>>) dst(%dma_wait3A_293 : memref<128xi32, #tpu.memory_space<vmem>>)
      tpu.yield
    }) : () -> ()
    %mul3A_53 = arith.constant 128 : i32
    %mul3A_54 = arith.muli %arg1, %mul3A_53 : i32
    %run_scoped3A_55 = arith.constant 10 : i32
    "tpu.region"() ({
      %run_scoped3A_279 = tpu.sem_alloc : memref<!tpu.dma_semaphore, #tpu.memory_space<semaphore_mem>>
      %dma_start3A_280 = arith.constant 1280 : i32
      %dma_start3A_281 = tpu.memref_slice %arg7[%dma_start3A_280] : memref<2048xi32, #tpu.memory_space<vmem>> -> memref<128xi32, #tpu.memory_space<vmem>>
      %dma_start3A_282 = tpu.memref_slice %arg12[%run_scoped3A_55, %mul3A_54] : memref<16x2048xi32, #tpu.memory_space<vmem_shared>> -> memref<1x128xi32, #tpu.memory_space<vmem_shared>>
      %dma_start3A_283 = tpu.memref_squeeze %dma_start3A_282 : memref<1x128xi32, #tpu.memory_space<vmem_shared>> -> memref<128xi32, #tpu.memory_space<vmem_shared>>
      %dma_start3A_284 = arith.constant 1280 : i32
      %dma_start3A_285 = tpu.memref_slice %arg7[%dma_start3A_284] : memref<2048xi32, #tpu.memory_space<vmem>> -> memref<128xi32, #tpu.memory_space<vmem>>
      %dma_start3A_286 = tpu.memref_slice %arg12[%run_scoped3A_55, %mul3A_54] : memref<16x2048xi32, #tpu.memory_space<vmem_shared>> -> memref<1x128xi32, #tpu.memory_space<vmem_shared>>
      %dma_start3A_287 = tpu.memref_squeeze %dma_start3A_286 : memref<1x128xi32, #tpu.memory_space<vmem_shared>> -> memref<128xi32, #tpu.memory_space<vmem_shared>>
      tpu.enqueue_dma source(%dma_start3A_287 : memref<128xi32, #tpu.memory_space<vmem_shared>>) target(%dma_start3A_285 : memref<128xi32, #tpu.memory_space<vmem>>) target_semaphore(%run_scoped3A_279 : memref<!tpu.dma_semaphore, #tpu.memory_space<semaphore_mem>>)
      %dma_wait3A_288 = arith.constant 1280 : i32
      %dma_wait3A_289 = tpu.memref_slice %arg7[%dma_wait3A_288] : memref<2048xi32, #tpu.memory_space<vmem>> -> memref<128xi32, #tpu.memory_space<vmem>>
      %dma_wait3A_290 = tpu.memref_slice %arg12[%run_scoped3A_55, %mul3A_54] : memref<16x2048xi32, #tpu.memory_space<vmem_shared>> -> memref<1x128xi32, #tpu.memory_space<vmem_shared>>
      %dma_wait3A_291 = tpu.memref_squeeze %dma_wait3A_290 : memref<1x128xi32, #tpu.memory_space<vmem_shared>> -> memref<128xi32, #tpu.memory_space<vmem_shared>>
      %dma_wait3A_292 = arith.constant 1280 : i32
      %dma_wait3A_293 = tpu.memref_slice %arg7[%dma_wait3A_292] : memref<2048xi32, #tpu.memory_space<vmem>> -> memref<128xi32, #tpu.memory_space<vmem>>
      %dma_wait3A_294 = tpu.memref_slice %arg12[%run_scoped3A_55, %mul3A_54] : memref<16x2048xi32, #tpu.memory_space<vmem_shared>> -> memref<1x128xi32, #tpu.memory_space<vmem_shared>>
      %dma_wait3A_295 = tpu.memref_squeeze %dma_wait3A_294 : memref<1x128xi32, #tpu.memory_space<vmem_shared>> -> memref<128xi32, #tpu.memory_space<vmem_shared>>
      tpu.wait_dma2 semaphore(%run_scoped3A_279 : memref<!tpu.dma_semaphore, #tpu.memory_space<semaphore_mem>>) src(%dma_wait3A_295 : memref<128xi32, #tpu.memory_space<vmem_shared>>) dst(%dma_wait3A_293 : memref<128xi32, #tpu.memory_space<vmem>>)
      tpu.yield
    }) : () -> ()
    %mul3A_56 = arith.constant 128 : i32
    %mul3A_57 = arith.muli %arg1, %mul3A_56 : i32
    %run_scoped3A_58 = arith.constant 11 : i32
    "tpu.region"() ({
      %run_scoped3A_279 = tpu.sem_alloc : memref<!tpu.dma_semaphore, #tpu.memory_space<semaphore_mem>>
      %dma_start3A_280 = arith.constant 1408 : i32
      %dma_start3A_281 = tpu.memref_slice %arg7[%dma_start3A_280] : memref<2048xi32, #tpu.memory_space<vmem>> -> memref<128xi32, #tpu.memory_space<vmem>>
      %dma_start3A_282 = tpu.memref_slice %arg12[%run_scoped3A_58, %mul3A_57] : memref<16x2048xi32, #tpu.memory_space<vmem_shared>> -> memref<1x128xi32, #tpu.memory_space<vmem_shared>>
      %dma_start3A_283 = tpu.memref_squeeze %dma_start3A_282 : memref<1x128xi32, #tpu.memory_space<vmem_shared>> -> memref<128xi32, #tpu.memory_space<vmem_shared>>
      %dma_start3A_284 = arith.constant 1408 : i32
      %dma_start3A_285 = tpu.memref_slice %arg7[%dma_start3A_284] : memref<2048xi32, #tpu.memory_space<vmem>> -> memref<128xi32, #tpu.memory_space<vmem>>
      %dma_start3A_286 = tpu.memref_slice %arg12[%run_scoped3A_58, %mul3A_57] : memref<16x2048xi32, #tpu.memory_space<vmem_shared>> -> memref<1x128xi32, #tpu.memory_space<vmem_shared>>
      %dma_start3A_287 = tpu.memref_squeeze %dma_start3A_286 : memref<1x128xi32, #tpu.memory_space<vmem_shared>> -> memref<128xi32, #tpu.memory_space<vmem_shared>>
      tpu.enqueue_dma source(%dma_start3A_287 : memref<128xi32, #tpu.memory_space<vmem_shared>>) target(%dma_start3A_285 : memref<128xi32, #tpu.memory_space<vmem>>) target_semaphore(%run_scoped3A_279 : memref<!tpu.dma_semaphore, #tpu.memory_space<semaphore_mem>>)
      %dma_wait3A_288 = arith.constant 1408 : i32
      %dma_wait3A_289 = tpu.memref_slice %arg7[%dma_wait3A_288] : memref<2048xi32, #tpu.memory_space<vmem>> -> memref<128xi32, #tpu.memory_space<vmem>>
      %dma_wait3A_290 = tpu.memref_slice %arg12[%run_scoped3A_58, %mul3A_57] : memref<16x2048xi32, #tpu.memory_space<vmem_shared>> -> memref<1x128xi32, #tpu.memory_space<vmem_shared>>
      %dma_wait3A_291 = tpu.memref_squeeze %dma_wait3A_290 : memref<1x128xi32, #tpu.memory_space<vmem_shared>> -> memref<128xi32, #tpu.memory_space<vmem_shared>>
      %dma_wait3A_292 = arith.constant 1408 : i32
      %dma_wait3A_293 = tpu.memref_slice %arg7[%dma_wait3A_292] : memref<2048xi32, #tpu.memory_space<vmem>> -> memref<128xi32, #tpu.memory_space<vmem>>
      %dma_wait3A_294 = tpu.memref_slice %arg12[%run_scoped3A_58, %mul3A_57] : memref<16x2048xi32, #tpu.memory_space<vmem_shared>> -> memref<1x128xi32, #tpu.memory_space<vmem_shared>>
      %dma_wait3A_295 = tpu.memref_squeeze %dma_wait3A_294 : memref<1x128xi32, #tpu.memory_space<vmem_shared>> -> memref<128xi32, #tpu.memory_space<vmem_shared>>
      tpu.wait_dma2 semaphore(%run_scoped3A_279 : memref<!tpu.dma_semaphore, #tpu.memory_space<semaphore_mem>>) src(%dma_wait3A_295 : memref<128xi32, #tpu.memory_space<vmem_shared>>) dst(%dma_wait3A_293 : memref<128xi32, #tpu.memory_space<vmem>>)
      tpu.yield
    }) : () -> ()
    %mul3A_59 = arith.constant 128 : i32
    %mul3A_60 = arith.muli %arg1, %mul3A_59 : i32
    %run_scoped3A_61 = arith.constant 12 : i32
    "tpu.region"() ({
      %run_scoped3A_279 = tpu.sem_alloc : memref<!tpu.dma_semaphore, #tpu.memory_space<semaphore_mem>>
      %dma_start3A_280 = arith.constant 1536 : i32
      %dma_start3A_281 = tpu.memref_slice %arg7[%dma_start3A_280] : memref<2048xi32, #tpu.memory_space<vmem>> -> memref<128xi32, #tpu.memory_space<vmem>>
      %dma_start3A_282 = tpu.memref_slice %arg12[%run_scoped3A_61, %mul3A_60] : memref<16x2048xi32, #tpu.memory_space<vmem_shared>> -> memref<1x128xi32, #tpu.memory_space<vmem_shared>>
      %dma_start3A_283 = tpu.memref_squeeze %dma_start3A_282 : memref<1x128xi32, #tpu.memory_space<vmem_shared>> -> memref<128xi32, #tpu.memory_space<vmem_shared>>
      %dma_start3A_284 = arith.constant 1536 : i32
      %dma_start3A_285 = tpu.memref_slice %arg7[%dma_start3A_284] : memref<2048xi32, #tpu.memory_space<vmem>> -> memref<128xi32, #tpu.memory_space<vmem>>
      %dma_start3A_286 = tpu.memref_slice %arg12[%run_scoped3A_61, %mul3A_60] : memref<16x2048xi32, #tpu.memory_space<vmem_shared>> -> memref<1x128xi32, #tpu.memory_space<vmem_shared>>
      %dma_start3A_287 = tpu.memref_squeeze %dma_start3A_286 : memref<1x128xi32, #tpu.memory_space<vmem_shared>> -> memref<128xi32, #tpu.memory_space<vmem_shared>>
      tpu.enqueue_dma source(%dma_start3A_287 : memref<128xi32, #tpu.memory_space<vmem_shared>>) target(%dma_start3A_285 : memref<128xi32, #tpu.memory_space<vmem>>) target_semaphore(%run_scoped3A_279 : memref<!tpu.dma_semaphore, #tpu.memory_space<semaphore_mem>>)
      %dma_wait3A_288 = arith.constant 1536 : i32
      %dma_wait3A_289 = tpu.memref_slice %arg7[%dma_wait3A_288] : memref<2048xi32, #tpu.memory_space<vmem>> -> memref<128xi32, #tpu.memory_space<vmem>>
      %dma_wait3A_290 = tpu.memref_slice %arg12[%run_scoped3A_61, %mul3A_60] : memref<16x2048xi32, #tpu.memory_space<vmem_shared>> -> memref<1x128xi32, #tpu.memory_space<vmem_shared>>
      %dma_wait3A_291 = tpu.memref_squeeze %dma_wait3A_290 : memref<1x128xi32, #tpu.memory_space<vmem_shared>> -> memref<128xi32, #tpu.memory_space<vmem_shared>>
      %dma_wait3A_292 = arith.constant 1536 : i32
      %dma_wait3A_293 = tpu.memref_slice %arg7[%dma_wait3A_292] : memref<2048xi32, #tpu.memory_space<vmem>> -> memref<128xi32, #tpu.memory_space<vmem>>
      %dma_wait3A_294 = tpu.memref_slice %arg12[%run_scoped3A_61, %mul3A_60] : memref<16x2048xi32, #tpu.memory_space<vmem_shared>> -> memref<1x128xi32, #tpu.memory_space<vmem_shared>>
      %dma_wait3A_295 = tpu.memref_squeeze %dma_wait3A_294 : memref<1x128xi32, #tpu.memory_space<vmem_shared>> -> memref<128xi32, #tpu.memory_space<vmem_shared>>
      tpu.wait_dma2 semaphore(%run_scoped3A_279 : memref<!tpu.dma_semaphore, #tpu.memory_space<semaphore_mem>>) src(%dma_wait3A_295 : memref<128xi32, #tpu.memory_space<vmem_shared>>) dst(%dma_wait3A_293 : memref<128xi32, #tpu.memory_space<vmem>>)
      tpu.yield
    }) : () -> ()
    %mul3A_62 = arith.constant 128 : i32
    %mul3A_63 = arith.muli %arg1, %mul3A_62 : i32
    %run_scoped3A_64 = arith.constant 13 : i32
    "tpu.region"() ({
      %run_scoped3A_279 = tpu.sem_alloc : memref<!tpu.dma_semaphore, #tpu.memory_space<semaphore_mem>>
      %dma_start3A_280 = arith.constant 1664 : i32
      %dma_start3A_281 = tpu.memref_slice %arg7[%dma_start3A_280] : memref<2048xi32, #tpu.memory_space<vmem>> -> memref<128xi32, #tpu.memory_space<vmem>>
      %dma_start3A_282 = tpu.memref_slice %arg12[%run_scoped3A_64, %mul3A_63] : memref<16x2048xi32, #tpu.memory_space<vmem_shared>> -> memref<1x128xi32, #tpu.memory_space<vmem_shared>>
      %dma_start3A_283 = tpu.memref_squeeze %dma_start3A_282 : memref<1x128xi32, #tpu.memory_space<vmem_shared>> -> memref<128xi32, #tpu.memory_space<vmem_shared>>
      %dma_start3A_284 = arith.constant 1664 : i32
      %dma_start3A_285 = tpu.memref_slice %arg7[%dma_start3A_284] : memref<2048xi32, #tpu.memory_space<vmem>> -> memref<128xi32, #tpu.memory_space<vmem>>
      %dma_start3A_286 = tpu.memref_slice %arg12[%run_scoped3A_64, %mul3A_63] : memref<16x2048xi32, #tpu.memory_space<vmem_shared>> -> memref<1x128xi32, #tpu.memory_space<vmem_shared>>
      %dma_start3A_287 = tpu.memref_squeeze %dma_start3A_286 : memref<1x128xi32, #tpu.memory_space<vmem_shared>> -> memref<128xi32, #tpu.memory_space<vmem_shared>>
      tpu.enqueue_dma source(%dma_start3A_287 : memref<128xi32, #tpu.memory_space<vmem_shared>>) target(%dma_start3A_285 : memref<128xi32, #tpu.memory_space<vmem>>) target_semaphore(%run_scoped3A_279 : memref<!tpu.dma_semaphore, #tpu.memory_space<semaphore_mem>>)
      %dma_wait3A_288 = arith.constant 1664 : i32
      %dma_wait3A_289 = tpu.memref_slice %arg7[%dma_wait3A_288] : memref<2048xi32, #tpu.memory_space<vmem>> -> memref<128xi32, #tpu.memory_space<vmem>>
      %dma_wait3A_290 = tpu.memref_slice %arg12[%run_scoped3A_64, %mul3A_63] : memref<16x2048xi32, #tpu.memory_space<vmem_shared>> -> memref<1x128xi32, #tpu.memory_space<vmem_shared>>
      %dma_wait3A_291 = tpu.memref_squeeze %dma_wait3A_290 : memref<1x128xi32, #tpu.memory_space<vmem_shared>> -> memref<128xi32, #tpu.memory_space<vmem_shared>>
      %dma_wait3A_292 = arith.constant 1664 : i32
      %dma_wait3A_293 = tpu.memref_slice %arg7[%dma_wait3A_292] : memref<2048xi32, #tpu.memory_space<vmem>> -> memref<128xi32, #tpu.memory_space<vmem>>
      %dma_wait3A_294 = tpu.memref_slice %arg12[%run_scoped3A_64, %mul3A_63] : memref<16x2048xi32, #tpu.memory_space<vmem_shared>> -> memref<1x128xi32, #tpu.memory_space<vmem_shared>>
      %dma_wait3A_295 = tpu.memref_squeeze %dma_wait3A_294 : memref<1x128xi32, #tpu.memory_space<vmem_shared>> -> memref<128xi32, #tpu.memory_space<vmem_shared>>
      tpu.wait_dma2 semaphore(%run_scoped3A_279 : memref<!tpu.dma_semaphore, #tpu.memory_space<semaphore_mem>>) src(%dma_wait3A_295 : memref<128xi32, #tpu.memory_space<vmem_shared>>) dst(%dma_wait3A_293 : memref<128xi32, #tpu.memory_space<vmem>>)
      tpu.yield
    }) : () -> ()
    %mul3A_65 = arith.constant 128 : i32
    %mul3A_66 = arith.muli %arg1, %mul3A_65 : i32
    %run_scoped3A_67 = arith.constant 14 : i32
    "tpu.region"() ({
      %run_scoped3A_279 = tpu.sem_alloc : memref<!tpu.dma_semaphore, #tpu.memory_space<semaphore_mem>>
      %dma_start3A_280 = arith.constant 1792 : i32
      %dma_start3A_281 = tpu.memref_slice %arg7[%dma_start3A_280] : memref<2048xi32, #tpu.memory_space<vmem>> -> memref<128xi32, #tpu.memory_space<vmem>>
      %dma_start3A_282 = tpu.memref_slice %arg12[%run_scoped3A_67, %mul3A_66] : memref<16x2048xi32, #tpu.memory_space<vmem_shared>> -> memref<1x128xi32, #tpu.memory_space<vmem_shared>>
      %dma_start3A_283 = tpu.memref_squeeze %dma_start3A_282 : memref<1x128xi32, #tpu.memory_space<vmem_shared>> -> memref<128xi32, #tpu.memory_space<vmem_shared>>
      %dma_start3A_284 = arith.constant 1792 : i32
      %dma_start3A_285 = tpu.memref_slice %arg7[%dma_start3A_284] : memref<2048xi32, #tpu.memory_space<vmem>> -> memref<128xi32, #tpu.memory_space<vmem>>
      %dma_start3A_286 = tpu.memref_slice %arg12[%run_scoped3A_67, %mul3A_66] : memref<16x2048xi32, #tpu.memory_space<vmem_shared>> -> memref<1x128xi32, #tpu.memory_space<vmem_shared>>
      %dma_start3A_287 = tpu.memref_squeeze %dma_start3A_286 : memref<1x128xi32, #tpu.memory_space<vmem_shared>> -> memref<128xi32, #tpu.memory_space<vmem_shared>>
      tpu.enqueue_dma source(%dma_start3A_287 : memref<128xi32, #tpu.memory_space<vmem_shared>>) target(%dma_start3A_285 : memref<128xi32, #tpu.memory_space<vmem>>) target_semaphore(%run_scoped3A_279 : memref<!tpu.dma_semaphore, #tpu.memory_space<semaphore_mem>>)
      %dma_wait3A_288 = arith.constant 1792 : i32
      %dma_wait3A_289 = tpu.memref_slice %arg7[%dma_wait3A_288] : memref<2048xi32, #tpu.memory_space<vmem>> -> memref<128xi32, #tpu.memory_space<vmem>>
      %dma_wait3A_290 = tpu.memref_slice %arg12[%run_scoped3A_67, %mul3A_66] : memref<16x2048xi32, #tpu.memory_space<vmem_shared>> -> memref<1x128xi32, #tpu.memory_space<vmem_shared>>
      %dma_wait3A_291 = tpu.memref_squeeze %dma_wait3A_290 : memref<1x128xi32, #tpu.memory_space<vmem_shared>> -> memref<128xi32, #tpu.memory_space<vmem_shared>>
      %dma_wait3A_292 = arith.constant 1792 : i32
      %dma_wait3A_293 = tpu.memref_slice %arg7[%dma_wait3A_292] : memref<2048xi32, #tpu.memory_space<vmem>> -> memref<128xi32, #tpu.memory_space<vmem>>
      %dma_wait3A_294 = tpu.memref_slice %arg12[%run_scoped3A_67, %mul3A_66] : memref<16x2048xi32, #tpu.memory_space<vmem_shared>> -> memref<1x128xi32, #tpu.memory_space<vmem_shared>>
      %dma_wait3A_295 = tpu.memref_squeeze %dma_wait3A_294 : memref<1x128xi32, #tpu.memory_space<vmem_shared>> -> memref<128xi32, #tpu.memory_space<vmem_shared>>
      tpu.wait_dma2 semaphore(%run_scoped3A_279 : memref<!tpu.dma_semaphore, #tpu.memory_space<semaphore_mem>>) src(%dma_wait3A_295 : memref<128xi32, #tpu.memory_space<vmem_shared>>) dst(%dma_wait3A_293 : memref<128xi32, #tpu.memory_space<vmem>>)
      tpu.yield
    }) : () -> ()
    %mul3A_68 = arith.constant 128 : i32
    %mul3A_69 = arith.muli %arg1, %mul3A_68 : i32
    %run_scoped3A_70 = arith.constant 15 : i32
    "tpu.region"() ({
      %run_scoped3A_279 = tpu.sem_alloc : memref<!tpu.dma_semaphore, #tpu.memory_space<semaphore_mem>>
      %dma_start3A_280 = arith.constant 1920 : i32
      %dma_start3A_281 = tpu.memref_slice %arg7[%dma_start3A_280] : memref<2048xi32, #tpu.memory_space<vmem>> -> memref<128xi32, #tpu.memory_space<vmem>>
      %dma_start3A_282 = tpu.memref_slice %arg12[%run_scoped3A_70, %mul3A_69] : memref<16x2048xi32, #tpu.memory_space<vmem_shared>> -> memref<1x128xi32, #tpu.memory_space<vmem_shared>>
      %dma_start3A_283 = tpu.memref_squeeze %dma_start3A_282 : memref<1x128xi32, #tpu.memory_space<vmem_shared>> -> memref<128xi32, #tpu.memory_space<vmem_shared>>
      %dma_start3A_284 = arith.constant 1920 : i32
      %dma_start3A_285 = tpu.memref_slice %arg7[%dma_start3A_284] : memref<2048xi32, #tpu.memory_space<vmem>> -> memref<128xi32, #tpu.memory_space<vmem>>
      %dma_start3A_286 = tpu.memref_slice %arg12[%run_scoped3A_70, %mul3A_69] : memref<16x2048xi32, #tpu.memory_space<vmem_shared>> -> memref<1x128xi32, #tpu.memory_space<vmem_shared>>
      %dma_start3A_287 = tpu.memref_squeeze %dma_start3A_286 : memref<1x128xi32, #tpu.memory_space<vmem_shared>> -> memref<128xi32, #tpu.memory_space<vmem_shared>>
      tpu.enqueue_dma source(%dma_start3A_287 : memref<128xi32, #tpu.memory_space<vmem_shared>>) target(%dma_start3A_285 : memref<128xi32, #tpu.memory_space<vmem>>) target_semaphore(%run_scoped3A_279 : memref<!tpu.dma_semaphore, #tpu.memory_space<semaphore_mem>>)
      %dma_wait3A_288 = arith.constant 1920 : i32
      %dma_wait3A_289 = tpu.memref_slice %arg7[%dma_wait3A_288] : memref<2048xi32, #tpu.memory_space<vmem>> -> memref<128xi32, #tpu.memory_space<vmem>>
      %dma_wait3A_290 = tpu.memref_slice %arg12[%run_scoped3A_70, %mul3A_69] : memref<16x2048xi32, #tpu.memory_space<vmem_shared>> -> memref<1x128xi32, #tpu.memory_space<vmem_shared>>
      %dma_wait3A_291 = tpu.memref_squeeze %dma_wait3A_290 : memref<1x128xi32, #tpu.memory_space<vmem_shared>> -> memref<128xi32, #tpu.memory_space<vmem_shared>>
      %dma_wait3A_292 = arith.constant 1920 : i32
      %dma_wait3A_293 = tpu.memref_slice %arg7[%dma_wait3A_292] : memref<2048xi32, #tpu.memory_space<vmem>> -> memref<128xi32, #tpu.memory_space<vmem>>
      %dma_wait3A_294 = tpu.memref_slice %arg12[%run_scoped3A_70, %mul3A_69] : memref<16x2048xi32, #tpu.memory_space<vmem_shared>> -> memref<1x128xi32, #tpu.memory_space<vmem_shared>>
      %dma_wait3A_295 = tpu.memref_squeeze %dma_wait3A_294 : memref<1x128xi32, #tpu.memory_space<vmem_shared>> -> memref<128xi32, #tpu.memory_space<vmem_shared>>
      tpu.wait_dma2 semaphore(%run_scoped3A_279 : memref<!tpu.dma_semaphore, #tpu.memory_space<semaphore_mem>>) src(%dma_wait3A_295 : memref<128xi32, #tpu.memory_space<vmem_shared>>) dst(%dma_wait3A_293 : memref<128xi32, #tpu.memory_space<vmem>>)
      tpu.yield
    }) : () -> ()
    %parallel_loop3A_71 = arith.constant 0 : i32
    %parallel_loop3A_72 = arith.constant 8 : i32
    %parallel_loop3A_73 = arith.constant 1 : i32
    scf.for %parallel_loop3A_279 = %parallel_loop3A_71 to %parallel_loop3A_72 step %parallel_loop3A_73  : i32 {
      %parallel_loop3A_280 = arith.constant 0 : i32
      %parallel_loop3A_281 = vector.broadcast %parallel_loop3A_280 : i32 to vector<16xi32>
      %parallel_loop3A_282 = arith.constant 16 : i32
      %parallel_loop3A_283 = arith.muli %parallel_loop3A_279, %parallel_loop3A_282 : i32
      %parallel_loop3A_284 = arith.constant 0 : i32
      %parallel_loop3A_285 = arith.addi %parallel_loop3A_284, %parallel_loop3A_283 : i32
      %parallel_loop3A_286 = arith.index_cast %parallel_loop3A_285 : i32 to index
      %parallel_loop3A_287 = tpu.vector_load %arg7[%parallel_loop3A_286] {strides = array<i32>} : memref<2048xi32, #tpu.memory_space<vmem>>, vector<16xi32>,
      %parallel_loop3A_288 = arith.addi %parallel_loop3A_281, %parallel_loop3A_287 : vector<16xi32>
      %parallel_loop3A_289 = arith.constant 16 : i32
      %parallel_loop3A_290 = arith.muli %parallel_loop3A_279, %parallel_loop3A_289 : i32
      %parallel_loop3A_291 = arith.constant 128 : i32
      %parallel_loop3A_292 = arith.addi %parallel_loop3A_291, %parallel_loop3A_290 : i32
      %parallel_loop3A_293 = arith.index_cast %parallel_loop3A_292 : i32 to index
      %parallel_loop3A_294 = tpu.vector_load %arg7[%parallel_loop3A_293] {strides = array<i32>} : memref<2048xi32, #tpu.memory_space<vmem>>, vector<16xi32>,
      %parallel_loop3A_295 = arith.addi %parallel_loop3A_288, %parallel_loop3A_294 : vector<16xi32>
      %parallel_loop3A_296 = arith.constant 16 : i32
      %parallel_loop3A_297 = arith.muli %parallel_loop3A_279, %parallel_loop3A_296 : i32
      %parallel_loop3A_298 = arith.constant 256 : i32
      %parallel_loop3A_299 = arith.addi %parallel_loop3A_298, %parallel_loop3A_297 : i32
      %parallel_loop3A_300 = arith.index_cast %parallel_loop3A_299 : i32 to index
      %parallel_loop3A_301 = tpu.vector_load %arg7[%parallel_loop3A_300] {strides = array<i32>} : memref<2048xi32, #tpu.memory_space<vmem>>, vector<16xi32>,
      %parallel_loop3A_302 = arith.addi %parallel_loop3A_295, %parallel_loop3A_301 : vector<16xi32>
      %parallel_loop3A_303 = arith.constant 16 : i32
      %parallel_loop3A_304 = arith.muli %parallel_loop3A_279, %parallel_loop3A_303 : i32
      %parallel_loop3A_305 = arith.constant 384 : i32
      %parallel_loop3A_306 = arith.addi %parallel_loop3A_305, %parallel_loop3A_304 : i32
      %parallel_loop3A_307 = arith.index_cast %parallel_loop3A_306 : i32 to index
      %parallel_loop3A_308 = tpu.vector_load %arg7[%parallel_loop3A_307] {strides = array<i32>} : memref<2048xi32, #tpu.memory_space<vmem>>, vector<16xi32>,
      %parallel_loop3A_309 = arith.addi %parallel_loop3A_302, %parallel_loop3A_308 : vector<16xi32>
      %parallel_loop3A_310 = arith.constant 16 : i32
      %parallel_loop3A_311 = arith.muli %parallel_loop3A_279, %parallel_loop3A_310 : i32
      %parallel_loop3A_312 = arith.constant 512 : i32
      %parallel_loop3A_313 = arith.addi %parallel_loop3A_312, %parallel_loop3A_311 : i32
      %parallel_loop3A_314 = arith.index_cast %parallel_loop3A_313 : i32 to index
      %parallel_loop3A_315 = tpu.vector_load %arg7[%parallel_loop3A_314] {strides = array<i32>} : memref<2048xi32, #tpu.memory_space<vmem>>, vector<16xi32>,
      %parallel_loop3A_316 = arith.addi %parallel_loop3A_309, %parallel_loop3A_315 : vector<16xi32>
      %parallel_loop3A_317 = arith.constant 16 : i32
      %parallel_loop3A_318 = arith.muli %parallel_loop3A_279, %parallel_loop3A_317 : i32
      %parallel_loop3A_319 = arith.constant 640 : i32
      %parallel_loop3A_320 = arith.addi %parallel_loop3A_319, %parallel_loop3A_318 : i32
      %parallel_loop3A_321 = arith.index_cast %parallel_loop3A_320 : i32 to index
      %parallel_loop3A_322 = tpu.vector_load %arg7[%parallel_loop3A_321] {strides = array<i32>} : memref<2048xi32, #tpu.memory_space<vmem>>, vector<16xi32>,
      %parallel_loop3A_323 = arith.addi %parallel_loop3A_316, %parallel_loop3A_322 : vector<16xi32>
      %parallel_loop3A_324 = arith.constant 16 : i32
      %parallel_loop3A_325 = arith.muli %parallel_loop3A_279, %parallel_loop3A_324 : i32
      %parallel_loop3A_326 = arith.constant 768 : i32
      %parallel_loop3A_327 = arith.addi %parallel_loop3A_326, %parallel_loop3A_325 : i32
      %parallel_loop3A_328 = arith.index_cast %parallel_loop3A_327 : i32 to index
      %parallel_loop3A_329 = tpu.vector_load %arg7[%parallel_loop3A_328] {strides = array<i32>} : memref<2048xi32, #tpu.memory_space<vmem>>, vector<16xi32>,
      %parallel_loop3A_330 = arith.addi %parallel_loop3A_323, %parallel_loop3A_329 : vector<16xi32>
      %parallel_loop3A_331 = arith.constant 16 : i32
      %parallel_loop3A_332 = arith.muli %parallel_loop3A_279, %parallel_loop3A_331 : i32
      %parallel_loop3A_333 = arith.constant 896 : i32
      %parallel_loop3A_334 = arith.addi %parallel_loop3A_333, %parallel_loop3A_332 : i32
      %parallel_loop3A_335 = arith.index_cast %parallel_loop3A_334 : i32 to index
      %parallel_loop3A_336 = tpu.vector_load %arg7[%parallel_loop3A_335] {strides = array<i32>} : memref<2048xi32, #tpu.memory_space<vmem>>, vector<16xi32>,
      %parallel_loop3A_337 = arith.addi %parallel_loop3A_330, %parallel_loop3A_336 : vector<16xi32>
      %parallel_loop3A_338 = arith.constant 16 : i32
      %parallel_loop3A_339 = arith.muli %parallel_loop3A_279, %parallel_loop3A_338 : i32
      %parallel_loop3A_340 = arith.constant 1024 : i32
      %parallel_loop3A_341 = arith.addi %parallel_loop3A_340, %parallel_loop3A_339 : i32
      %parallel_loop3A_342 = arith.index_cast %parallel_loop3A_341 : i32 to index
      %parallel_loop3A_343 = tpu.vector_load %arg7[%parallel_loop3A_342] {strides = array<i32>} : memref<2048xi32, #tpu.memory_space<vmem>>, vector<16xi32>,
      %parallel_loop3A_344 = arith.addi %parallel_loop3A_337, %parallel_loop3A_343 : vector<16xi32>
      %parallel_loop3A_345 = arith.constant 16 : i32
      %parallel_loop3A_346 = arith.muli %parallel_loop3A_279, %parallel_loop3A_345 : i32
      %parallel_loop3A_347 = arith.constant 1152 : i32
      %parallel_loop3A_348 = arith.addi %parallel_loop3A_347, %parallel_loop3A_346 : i32
      %parallel_loop3A_349 = arith.index_cast %parallel_loop3A_348 : i32 to index
      %parallel_loop3A_350 = tpu.vector_load %arg7[%parallel_loop3A_349] {strides = array<i32>} : memref<2048xi32, #tpu.memory_space<vmem>>, vector<16xi32>,
      %parallel_loop3A_351 = arith.addi %parallel_loop3A_344, %parallel_loop3A_350 : vector<16xi32>
      %parallel_loop3A_352 = arith.constant 16 : i32
      %parallel_loop3A_353 = arith.muli %parallel_loop3A_279, %parallel_loop3A_352 : i32
      %parallel_loop3A_354 = arith.constant 1280 : i32
      %parallel_loop3A_355 = arith.addi %parallel_loop3A_354, %parallel_loop3A_353 : i32
      %parallel_loop3A_356 = arith.index_cast %parallel_loop3A_355 : i32 to index
      %parallel_loop3A_357 = tpu.vector_load %arg7[%parallel_loop3A_356] {strides = array<i32>} : memref<2048xi32, #tpu.memory_space<vmem>>, vector<16xi32>,
      %parallel_loop3A_358 = arith.addi %parallel_loop3A_351, %parallel_loop3A_357 : vector<16xi32>
      %parallel_loop3A_359 = arith.constant 16 : i32
      %parallel_loop3A_360 = arith.muli %parallel_loop3A_279, %parallel_loop3A_359 : i32
      %parallel_loop3A_361 = arith.constant 1408 : i32
      %parallel_loop3A_362 = arith.addi %parallel_loop3A_361, %parallel_loop3A_360 : i32
      %parallel_loop3A_363 = arith.index_cast %parallel_loop3A_362 : i32 to index
      %parallel_loop3A_364 = tpu.vector_load %arg7[%parallel_loop3A_363] {strides = array<i32>} : memref<2048xi32, #tpu.memory_space<vmem>>, vector<16xi32>,
      %parallel_loop3A_365 = arith.addi %parallel_loop3A_358, %parallel_loop3A_364 : vector<16xi32>
      %parallel_loop3A_366 = arith.constant 16 : i32
      %parallel_loop3A_367 = arith.muli %parallel_loop3A_279, %parallel_loop3A_366 : i32
      %parallel_loop3A_368 = arith.constant 1536 : i32
      %parallel_loop3A_369 = arith.addi %parallel_loop3A_368, %parallel_loop3A_367 : i32
      %parallel_loop3A_370 = arith.index_cast %parallel_loop3A_369 : i32 to index
      %parallel_loop3A_371 = tpu.vector_load %arg7[%parallel_loop3A_370] {strides = array<i32>} : memref<2048xi32, #tpu.memory_space<vmem>>, vector<16xi32>,
      %parallel_loop3A_372 = arith.addi %parallel_loop3A_365, %parallel_loop3A_371 : vector<16xi32>
      %parallel_loop3A_373 = arith.constant 16 : i32
      %parallel_loop3A_374 = arith.muli %parallel_loop3A_279, %parallel_loop3A_373 : i32
      %parallel_loop3A_375 = arith.constant 1664 : i32
      %parallel_loop3A_376 = arith.addi %parallel_loop3A_375, %parallel_loop3A_374 : i32
      %parallel_loop3A_377 = arith.index_cast %parallel_loop3A_376 : i32 to index
      %parallel_loop3A_378 = tpu.vector_load %arg7[%parallel_loop3A_377] {strides = array<i32>} : memref<2048xi32, #tpu.memory_space<vmem>>, vector<16xi32>,
      %parallel_loop3A_379 = arith.addi %parallel_loop3A_372, %parallel_loop3A_378 : vector<16xi32>
      %parallel_loop3A_380 = arith.constant 16 : i32
      %parallel_loop3A_381 = arith.muli %parallel_loop3A_279, %parallel_loop3A_380 : i32
      %parallel_loop3A_382 = arith.constant 1792 : i32
      %parallel_loop3A_383 = arith.addi %parallel_loop3A_382, %parallel_loop3A_381 : i32
      %parallel_loop3A_384 = arith.index_cast %parallel_loop3A_383 : i32 to index
      %parallel_loop3A_385 = tpu.vector_load %arg7[%parallel_loop3A_384] {strides = array<i32>} : memref<2048xi32, #tpu.memory_space<vmem>>, vector<16xi32>,
      %parallel_loop3A_386 = arith.addi %parallel_loop3A_379, %parallel_loop3A_385 : vector<16xi32>
      %parallel_loop3A_387 = arith.constant 16 : i32
      %parallel_loop3A_388 = arith.muli %parallel_loop3A_279, %parallel_loop3A_387 : i32
      %parallel_loop3A_389 = arith.constant 1920 : i32
      %parallel_loop3A_390 = arith.addi %parallel_loop3A_389, %parallel_loop3A_388 : i32
      %parallel_loop3A_391 = arith.index_cast %parallel_loop3A_390 : i32 to index
      %parallel_loop3A_392 = tpu.vector_load %arg7[%parallel_loop3A_391] {strides = array<i32>} : memref<2048xi32, #tpu.memory_space<vmem>>, vector<16xi32>,
      %parallel_loop3A_393 = arith.addi %parallel_loop3A_386, %parallel_loop3A_392 : vector<16xi32>
      %parallel_loop3A_394 = arith.constant 16 : i32
      %parallel_loop3A_395 = arith.muli %parallel_loop3A_279, %parallel_loop3A_394 : i32
      %parallel_loop3A_396 = arith.index_cast %parallel_loop3A_395 : i32 to index
      %parallel_loop3A_397 = tpu.vector_load %arg6[%parallel_loop3A_396] {strides = array<i32>} : memref<2048xi32, #tpu.memory_space<vmem>>, vector<16xi32>,
      tpu.vector_store %arg6[%parallel_loop3A_396], %parallel_loop3A_393 {strides = array<i32>} : memref<2048xi32, #tpu.memory_space<vmem>>, vector<16xi32>,
    } {sc.loop_unroll_factor = 2 : i64, sc.parallel_access}
    %mul3A_74 = arith.constant 128 : i32
    %mul3A_75 = arith.muli %arg1, %mul3A_74 : i32
    "tpu.region"() ({
      %run_scoped3A_279 = tpu.sem_alloc : memref<!tpu.dma_semaphore, #tpu.memory_space<semaphore_mem>>
      %dma_start3A_280 = arith.constant 0 : i32
      %dma_start3A_281 = tpu.memref_slice %arg6[%dma_start3A_280] : memref<2048xi32, #tpu.memory_space<vmem>> -> memref<128xi32, #tpu.memory_space<vmem>>
      %dma_start3A_282 = tpu.memref_slice %arg13[%mul3A_75] : memref<2048xi32, #tpu.memory_space<vmem_shared>> -> memref<128xi32, #tpu.memory_space<vmem_shared>>
      %dma_start3A_283 = tpu.memref_slice %arg13[%mul3A_75] : memref<2048xi32, #tpu.memory_space<vmem_shared>> -> memref<128xi32, #tpu.memory_space<vmem_shared>>
      %dma_start3A_284 = arith.constant 0 : i32
      %dma_start3A_285 = tpu.memref_slice %arg6[%dma_start3A_284] : memref<2048xi32, #tpu.memory_space<vmem>> -> memref<128xi32, #tpu.memory_space<vmem>>
      tpu.enqueue_dma source(%dma_start3A_285 : memref<128xi32, #tpu.memory_space<vmem>>) target(%dma_start3A_283 : memref<128xi32, #tpu.memory_space<vmem_shared>>) target_semaphore(%run_scoped3A_279 : memref<!tpu.dma_semaphore, #tpu.memory_space<semaphore_mem>>)
      %dma_wait3A_286 = arith.constant 0 : i32
      %dma_wait3A_287 = tpu.memref_slice %arg6[%dma_wait3A_286] : memref<2048xi32, #tpu.memory_space<vmem>> -> memref<128xi32, #tpu.memory_space<vmem>>
      %dma_wait3A_288 = tpu.memref_slice %arg13[%mul3A_75] : memref<2048xi32, #tpu.memory_space<vmem_shared>> -> memref<128xi32, #tpu.memory_space<vmem_shared>>
      %dma_wait3A_289 = tpu.memref_slice %arg13[%mul3A_75] : memref<2048xi32, #tpu.memory_space<vmem_shared>> -> memref<128xi32, #tpu.memory_space<vmem_shared>>
      %dma_wait3A_290 = arith.constant 0 : i32
      %dma_wait3A_291 = tpu.memref_slice %arg6[%dma_wait3A_290] : memref<2048xi32, #tpu.memory_space<vmem>> -> memref<128xi32, #tpu.memory_space<vmem>>
      tpu.wait_dma2 semaphore(%run_scoped3A_279 : memref<!tpu.dma_semaphore, #tpu.memory_space<semaphore_mem>>) src(%dma_wait3A_291 : memref<128xi32, #tpu.memory_space<vmem>>) dst(%dma_wait3A_289 : memref<128xi32, #tpu.memory_space<vmem_shared>>)
      tpu.yield
    }) : () -> ()
    %barrier3A_76 = arith.constant 0 : index
    tpu.barrier barrier_id(%barrier3A_76)
    "tpu.region"() ({
      %run_scoped3A_279 = tpu.sem_alloc : memref<!tpu.dma_semaphore, #tpu.memory_space<semaphore_mem>>
      %dma_start3A_280 = arith.constant 0 : i32
      %dma_start3A_281 = tpu.memref_slice %arg6[%dma_start3A_280] : memref<2048xi32, #tpu.memory_space<vmem>> -> memref<2048xi32, #tpu.memory_space<vmem>>
      %dma_start3A_282 = arith.constant 0 : i32
      %dma_start3A_283 = tpu.memref_slice %arg13[%dma_start3A_282] : memref<2048xi32, #tpu.memory_space<vmem_shared>> -> memref<2048xi32, #tpu.memory_space<vmem_shared>>
      %dma_start3A_284 = arith.constant 0 : i32
      %dma_start3A_285 = tpu.memref_slice %arg6[%dma_start3A_284] : memref<2048xi32, #tpu.memory_space<vmem>> -> memref<2048xi32, #tpu.memory_space<vmem>>
      %dma_start3A_286 = arith.constant 0 : i32
      %dma_start3A_287 = tpu.memref_slice %arg13[%dma_start3A_286] : memref<2048xi32, #tpu.memory_space<vmem_shared>> -> memref<2048xi32, #tpu.memory_space<vmem_shared>>
      tpu.enqueue_dma source(%dma_start3A_287 : memref<2048xi32, #tpu.memory_space<vmem_shared>>) target(%dma_start3A_285 : memref<2048xi32, #tpu.memory_space<vmem>>) target_semaphore(%run_scoped3A_279 : memref<!tpu.dma_semaphore, #tpu.memory_space<semaphore_mem>>)
      %dma_wait3A_288 = arith.constant 0 : i32
      %dma_wait3A_289 = tpu.memref_slice %arg6[%dma_wait3A_288] : memref<2048xi32, #tpu.memory_space<vmem>> -> memref<2048xi32, #tpu.memory_space<vmem>>
      %dma_wait3A_290 = arith.constant 0 : i32
      %dma_wait3A_291 = tpu.memref_slice %arg13[%dma_wait3A_290] : memref<2048xi32, #tpu.memory_space<vmem_shared>> -> memref<2048xi32, #tpu.memory_space<vmem_shared>>
      %dma_wait3A_292 = arith.constant 0 : i32
      %dma_wait3A_293 = tpu.memref_slice %arg6[%dma_wait3A_292] : memref<2048xi32, #tpu.memory_space<vmem>> -> memref<2048xi32, #tpu.memory_space<vmem>>
      %dma_wait3A_294 = arith.constant 0 : i32
      %dma_wait3A_295 = tpu.memref_slice %arg13[%dma_wait3A_294] : memref<2048xi32, #tpu.memory_space<vmem_shared>> -> memref<2048xi32, #tpu.memory_space<vmem_shared>>
      tpu.wait_dma2 semaphore(%run_scoped3A_279 : memref<!tpu.dma_semaphore, #tpu.memory_space<semaphore_mem>>) src(%dma_wait3A_295 : memref<2048xi32, #tpu.memory_space<vmem_shared>>) dst(%dma_wait3A_293 : memref<2048xi32, #tpu.memory_space<vmem>>)
      tpu.yield
    }) : () -> ()
    %broadcast_in_dim3A_77 = arith.constant 52428 : i32
    %broadcast_in_dim3A_78 = vector.broadcast %broadcast_in_dim3A_77 : i32 to vector<16xi32>
    %scan3A = arith.constant 0 : i32
    %scan3A_79 = arith.constant 128 : i32
    %scan3A_80 = arith.addi %scan3A, %scan3A_79 : i32
    %scan3A_81 = arith.constant 1 : i32
    %scan3A_82:3 = scf.for %scan3A_279 = %scan3A to %scan3A_80 step %scan3A_81 iter_args(%scan3A_280 = %broadcast_in_dim3A_9, %scan3A_281 = %broadcast_in_dim3A_9, %scan3A_282 = %broadcast_in_dim3A_9) -> (vector<16xi32>, vector<16xi32>, vector<16xi32>)  : i32 {
      %mul3A_283 = arith.constant 16 : i32
      %mul3A_284 = arith.muli %scan3A_279, %mul3A_283 : i32
      %get3A = arith.index_cast %mul3A_284 : i32 to index
      %get3A_285 = tpu.vector_load %arg6[%get3A] {strides = array<i32>} : memref<2048xi32, #tpu.memory_space<vmem>>, vector<16xi32>,
      %broadcast_in_dim3A_286 = arith.constant true
      %broadcast_in_dim3A_287 = vector.broadcast %broadcast_in_dim3A_286 : i1 to vector<16xi1>
      %masked_cumsum3A = tpu.scan <sum>, %get3A_285 masked %broadcast_in_dim3A_287 : vector<16xi32>, vector<16xi1> -> vector<16xi32>
      %add3A_288 = arith.addi %masked_cumsum3A, %scan3A_280 : vector<16xi32>
      %lt3A = arith.cmpi slt, %add3A_288, %broadcast_in_dim3A_78 : vector<16xi32>
      %convert_element_type3A_289 = arith.extui %lt3A : vector<16xi1> to vector<16xi32>
      %add3A_290 = arith.addi %scan3A_281, %convert_element_type3A_289 : vector<16xi32>
      %mul3A_291 = arith.muli %convert_element_type3A_289, %get3A_285 : vector<16xi32>
      %add3A_292 = arith.addi %scan3A_282, %mul3A_291 : vector<16xi32>
      %broadcast_in_dim3A_293 = vector.shape_cast %broadcast_in_dim3A_0 : vector<16xi32> to vector<16x1xi32>
      %gather3A = vector.shape_cast %broadcast_in_dim3A_293 : vector<16x1xi32> to vector<16xi32>
      %gather3A_294 = tpu.dynamic_gather %add3A_288[%gather3A] in [0] : vector<16xi32>, vector<16xi32> -> vector<16xi32>
      scf.yield %gather3A_294, %add3A_290, %add3A_292 : vector<16xi32>, vector<16xi32>, vector<16xi32>
    }
    %scan3A_83 = arith.constant 128 : i32
    %reduce_sum3A = arith.constant true
    %reduce_sum3A_84 = vector.broadcast %reduce_sum3A : i1 to vector<16xi1>
    %reduce_sum3A_85 = tpu.scan <sum>, %scan3A_82#1 masked %reduce_sum3A_84 : vector<16xi32>, vector<16xi1> -> vector<16xi32>
    %reduce_sum3A_86 = vector.extract %reduce_sum3A_85[15] : i32 from vector<16xi32>
    %reduce_sum3A_87 = arith.constant true
    %reduce_sum3A_88 = vector.broadcast %reduce_sum3A_87 : i1 to vector<16xi1>
    %reduce_sum3A_89 = tpu.scan <sum>, %scan3A_82#2 masked %reduce_sum3A_88 : vector<16xi32>, vector<16xi1> -> vector<16xi32>
    %reduce_sum3A_90 = vector.extract %reduce_sum3A_89[15] : i32 from vector<16xi32>
    "tpu.trace_stop"() : () -> ()
    %sub3A = arith.constant 52428 : i32
    %sub3A_91 = arith.subi %sub3A, %reduce_sum3A_90 : i32
    %sub3A_92 = arith.constant 1024 : i32
    %sub3A_93 = arith.subi %reduce_sum3A_86, %sub3A_92 : i32
    %broadcast_in_dim3A_94 = vector.broadcast %sub3A_93 : i32 to vector<16xi32>
    %parallel_loop3A_95 = arith.constant 0 : i32
    %parallel_loop3A_96 = arith.constant 4096 : i32
    %parallel_loop3A_97 = arith.constant 1 : i32
    "tpu.trace_start"() <{level = 10 : i32, message = "ph_p2"}> : () -> ()
    scf.for %parallel_loop3A_279 = %parallel_loop3A_95 to %parallel_loop3A_96 step %parallel_loop3A_97  : i32 {
      %parallel_loop3A_280 = arith.constant 16 : i32
      %parallel_loop3A_281 = arith.muli %parallel_loop3A_279, %parallel_loop3A_280 : i32
      %parallel_loop3A_282 = arith.index_cast %parallel_loop3A_281 : i32 to index
      %parallel_loop3A_283 = tpu.vector_load %arg4[%parallel_loop3A_282] {strides = array<i32>} : memref<65536xf32, #tpu.memory_space<vmem>>, vector<16xf32>,
      %parallel_loop3A_284 = vector.bitcast %parallel_loop3A_283 : vector<16xf32> to vector<16xi32>
      %parallel_loop3A_285 = arith.constant 21 : i32
      %parallel_loop3A_286 = vector.broadcast %parallel_loop3A_285 : i32 to vector<16xi32>
      %parallel_loop3A_287 = arith.shrsi %parallel_loop3A_284, %parallel_loop3A_286 : vector<16xi32>
      %parallel_loop3A_288 = arith.cmpi eq, %parallel_loop3A_287, %broadcast_in_dim3A_94 : vector<16xi32>
      %parallel_loop3A_289 = arith.constant 10 : i32
      %parallel_loop3A_290 = vector.broadcast %parallel_loop3A_289 : i32 to vector<16xi32>
      %parallel_loop3A_291 = arith.shrsi %parallel_loop3A_284, %parallel_loop3A_290 : vector<16xi32>
      %parallel_loop3A_292 = arith.constant 2047 : i32
      %parallel_loop3A_293 = vector.broadcast %parallel_loop3A_292 : i32 to vector<16xi32>
      %parallel_loop3A_294 = arith.andi %parallel_loop3A_291, %parallel_loop3A_293 : vector<16xi32>
      %parallel_loop3A_295 = arith.addi %mul3A_2, %parallel_loop3A_294 : vector<16xi32>
      tpu.vector_store_idx %arg5[%parallel_loop3A_295], %broadcast_in_dim3A_7 masked %parallel_loop3A_288 {add = true} : memref<32768xi32, #tpu.memory_space<vmem>>[vector<16xi32>], vector<16xi32>, vector<16xi1>
    } {sc.loop_unroll_factor = 8 : i64, sc.parallel_access}
    %parallel_loop3A_98 = arith.constant 0 : i32
    %parallel_loop3A_99 = arith.constant 128 : i32
    %parallel_loop3A_100 = arith.constant 1 : i32
    "tpu.trace_stop"() : () -> ()
    "tpu.trace_start"() <{level = 10 : i32, message = "ph_m2"}> : () -> ()
    scf.for %parallel_loop3A_279 = %parallel_loop3A_98 to %parallel_loop3A_99 step %parallel_loop3A_100  : i32 {
      %parallel_loop3A_280 = arith.constant 0 : i32
      %parallel_loop3A_281 = vector.broadcast %parallel_loop3A_280 : i32 to vector<16xi32>
      %parallel_loop3A_282 = arith.constant 16 : i32
      %parallel_loop3A_283 = arith.muli %parallel_loop3A_279, %parallel_loop3A_282 : i32
      %parallel_loop3A_284 = arith.constant 0 : i32
      %parallel_loop3A_285 = arith.addi %parallel_loop3A_284, %parallel_loop3A_283 : i32
      %parallel_loop3A_286 = arith.index_cast %parallel_loop3A_285 : i32 to index
      %parallel_loop3A_287 = tpu.vector_load %arg5[%parallel_loop3A_286] {strides = array<i32>} : memref<32768xi32, #tpu.memory_space<vmem>>, vector<16xi32>,
      %parallel_loop3A_288 = arith.addi %parallel_loop3A_281, %parallel_loop3A_287 : vector<16xi32>
      %parallel_loop3A_289 = arith.constant 16 : i32
      %parallel_loop3A_290 = arith.muli %parallel_loop3A_279, %parallel_loop3A_289 : i32
      %parallel_loop3A_291 = arith.constant 0 : i32
      %parallel_loop3A_292 = arith.addi %parallel_loop3A_291, %parallel_loop3A_290 : i32
      %parallel_loop3A_293 = arith.index_cast %parallel_loop3A_292 : i32 to index
      %parallel_loop3A_294 = tpu.vector_load %arg5[%parallel_loop3A_293] {strides = array<i32>} : memref<32768xi32, #tpu.memory_space<vmem>>, vector<16xi32>,
      tpu.vector_store %arg5[%parallel_loop3A_293], %broadcast_in_dim3A_9 {strides = array<i32>} : memref<32768xi32, #tpu.memory_space<vmem>>, vector<16xi32>,
      %parallel_loop3A_295 = arith.constant 16 : i32
      %parallel_loop3A_296 = arith.muli %parallel_loop3A_279, %parallel_loop3A_295 : i32
      %parallel_loop3A_297 = arith.constant 2048 : i32
      %parallel_loop3A_298 = arith.addi %parallel_loop3A_297, %parallel_loop3A_296 : i32
      %parallel_loop3A_299 = arith.index_cast %parallel_loop3A_298 : i32 to index
      %parallel_loop3A_300 = tpu.vector_load %arg5[%parallel_loop3A_299] {strides = array<i32>} : memref<32768xi32, #tpu.memory_space<vmem>>, vector<16xi32>,
      %parallel_loop3A_301 = arith.addi %parallel_loop3A_288, %parallel_loop3A_300 : vector<16xi32>
      %parallel_loop3A_302 = arith.constant 16 : i32
      %parallel_loop3A_303 = arith.muli %parallel_loop3A_279, %parallel_loop3A_302 : i32
      %parallel_loop3A_304 = arith.constant 2048 : i32
      %parallel_loop3A_305 = arith.addi %parallel_loop3A_304, %parallel_loop3A_303 : i32
      %parallel_loop3A_306 = arith.index_cast %parallel_loop3A_305 : i32 to index
      %parallel_loop3A_307 = tpu.vector_load %arg5[%parallel_loop3A_306] {strides = array<i32>} : memref<32768xi32, #tpu.memory_space<vmem>>, vector<16xi32>,
      tpu.vector_store %arg5[%parallel_loop3A_306], %broadcast_in_dim3A_9 {strides = array<i32>} : memref<32768xi32, #tpu.memory_space<vmem>>, vector<16xi32>,
      %parallel_loop3A_308 = arith.constant 16 : i32
      %parallel_loop3A_309 = arith.muli %parallel_loop3A_279, %parallel_loop3A_308 : i32
      %parallel_loop3A_310 = arith.constant 4096 : i32
      %parallel_loop3A_311 = arith.addi %parallel_loop3A_310, %parallel_loop3A_309 : i32
      %parallel_loop3A_312 = arith.index_cast %parallel_loop3A_311 : i32 to index
      %parallel_loop3A_313 = tpu.vector_load %arg5[%parallel_loop3A_312] {strides = array<i32>} : memref<32768xi32, #tpu.memory_space<vmem>>, vector<16xi32>,
      %parallel_loop3A_314 = arith.addi %parallel_loop3A_301, %parallel_loop3A_313 : vector<16xi32>
      %parallel_loop3A_315 = arith.constant 16 : i32
      %parallel_loop3A_316 = arith.muli %parallel_loop3A_279, %parallel_loop3A_315 : i32
      %parallel_loop3A_317 = arith.constant 4096 : i32
      %parallel_loop3A_318 = arith.addi %parallel_loop3A_317, %parallel_loop3A_316 : i32
      %parallel_loop3A_319 = arith.index_cast %parallel_loop3A_318 : i32 to index
      %parallel_loop3A_320 = tpu.vector_load %arg5[%parallel_loop3A_319] {strides = array<i32>} : memref<32768xi32, #tpu.memory_space<vmem>>, vector<16xi32>,
      tpu.vector_store %arg5[%parallel_loop3A_319], %broadcast_in_dim3A_9 {strides = array<i32>} : memref<32768xi32, #tpu.memory_space<vmem>>, vector<16xi32>,
      %parallel_loop3A_321 = arith.constant 16 : i32
      %parallel_loop3A_322 = arith.muli %parallel_loop3A_279, %parallel_loop3A_321 : i32
      %parallel_loop3A_323 = arith.constant 6144 : i32
      %parallel_loop3A_324 = arith.addi %parallel_loop3A_323, %parallel_loop3A_322 : i32
      %parallel_loop3A_325 = arith.index_cast %parallel_loop3A_324 : i32 to index
      %parallel_loop3A_326 = tpu.vector_load %arg5[%parallel_loop3A_325] {strides = array<i32>} : memref<32768xi32, #tpu.memory_space<vmem>>, vector<16xi32>,
      %parallel_loop3A_327 = arith.addi %parallel_loop3A_314, %parallel_loop3A_326 : vector<16xi32>
      %parallel_loop3A_328 = arith.constant 16 : i32
      %parallel_loop3A_329 = arith.muli %parallel_loop3A_279, %parallel_loop3A_328 : i32
      %parallel_loop3A_330 = arith.constant 6144 : i32
      %parallel_loop3A_331 = arith.addi %parallel_loop3A_330, %parallel_loop3A_329 : i32
      %parallel_loop3A_332 = arith.index_cast %parallel_loop3A_331 : i32 to index
      %parallel_loop3A_333 = tpu.vector_load %arg5[%parallel_loop3A_332] {strides = array<i32>} : memref<32768xi32, #tpu.memory_space<vmem>>, vector<16xi32>,
      tpu.vector_store %arg5[%parallel_loop3A_332], %broadcast_in_dim3A_9 {strides = array<i32>} : memref<32768xi32, #tpu.memory_space<vmem>>, vector<16xi32>,
      %parallel_loop3A_334 = arith.constant 16 : i32
      %parallel_loop3A_335 = arith.muli %parallel_loop3A_279, %parallel_loop3A_334 : i32
      %parallel_loop3A_336 = arith.constant 8192 : i32
      %parallel_loop3A_337 = arith.addi %parallel_loop3A_336, %parallel_loop3A_335 : i32
      %parallel_loop3A_338 = arith.index_cast %parallel_loop3A_337 : i32 to index
      %parallel_loop3A_339 = tpu.vector_load %arg5[%parallel_loop3A_338] {strides = array<i32>} : memref<32768xi32, #tpu.memory_space<vmem>>, vector<16xi32>,
      %parallel_loop3A_340 = arith.addi %parallel_loop3A_327, %parallel_loop3A_339 : vector<16xi32>
      %parallel_loop3A_341 = arith.constant 16 : i32
      %parallel_loop3A_342 = arith.muli %parallel_loop3A_279, %parallel_loop3A_341 : i32
      %parallel_loop3A_343 = arith.constant 8192 : i32
      %parallel_loop3A_344 = arith.addi %parallel_loop3A_343, %parallel_loop3A_342 : i32
      %parallel_loop3A_345 = arith.index_cast %parallel_loop3A_344 : i32 to index
      %parallel_loop3A_346 = tpu.vector_load %arg5[%parallel_loop3A_345] {strides = array<i32>} : memref<32768xi32, #tpu.memory_space<vmem>>, vector<16xi32>,
      tpu.vector_store %arg5[%parallel_loop3A_345], %broadcast_in_dim3A_9 {strides = array<i32>} : memref<32768xi32, #tpu.memory_space<vmem>>, vector<16xi32>,
      %parallel_loop3A_347 = arith.constant 16 : i32
      %parallel_loop3A_348 = arith.muli %parallel_loop3A_279, %parallel_loop3A_347 : i32
      %parallel_loop3A_349 = arith.constant 10240 : i32
      %parallel_loop3A_350 = arith.addi %parallel_loop3A_349, %parallel_loop3A_348 : i32
      %parallel_loop3A_351 = arith.index_cast %parallel_loop3A_350 : i32 to index
      %parallel_loop3A_352 = tpu.vector_load %arg5[%parallel_loop3A_351] {strides = array<i32>} : memref<32768xi32, #tpu.memory_space<vmem>>, vector<16xi32>,
      %parallel_loop3A_353 = arith.addi %parallel_loop3A_340, %parallel_loop3A_352 : vector<16xi32>
      %parallel_loop3A_354 = arith.constant 16 : i32
      %parallel_loop3A_355 = arith.muli %parallel_loop3A_279, %parallel_loop3A_354 : i32
      %parallel_loop3A_356 = arith.constant 10240 : i32
      %parallel_loop3A_357 = arith.addi %parallel_loop3A_356, %parallel_loop3A_355 : i32
      %parallel_loop3A_358 = arith.index_cast %parallel_loop3A_357 : i32 to index
      %parallel_loop3A_359 = tpu.vector_load %arg5[%parallel_loop3A_358] {strides = array<i32>} : memref<32768xi32, #tpu.memory_space<vmem>>, vector<16xi32>,
      tpu.vector_store %arg5[%parallel_loop3A_358], %broadcast_in_dim3A_9 {strides = array<i32>} : memref<32768xi32, #tpu.memory_space<vmem>>, vector<16xi32>,
      %parallel_loop3A_360 = arith.constant 16 : i32
      %parallel_loop3A_361 = arith.muli %parallel_loop3A_279, %parallel_loop3A_360 : i32
      %parallel_loop3A_362 = arith.constant 12288 : i32
      %parallel_loop3A_363 = arith.addi %parallel_loop3A_362, %parallel_loop3A_361 : i32
      %parallel_loop3A_364 = arith.index_cast %parallel_loop3A_363 : i32 to index
      %parallel_loop3A_365 = tpu.vector_load %arg5[%parallel_loop3A_364] {strides = array<i32>} : memref<32768xi32, #tpu.memory_space<vmem>>, vector<16xi32>,
      %parallel_loop3A_366 = arith.addi %parallel_loop3A_353, %parallel_loop3A_365 : vector<16xi32>
      %parallel_loop3A_367 = arith.constant 16 : i32
      %parallel_loop3A_368 = arith.muli %parallel_loop3A_279, %parallel_loop3A_367 : i32
      %parallel_loop3A_369 = arith.constant 12288 : i32
      %parallel_loop3A_370 = arith.addi %parallel_loop3A_369, %parallel_loop3A_368 : i32
      %parallel_loop3A_371 = arith.index_cast %parallel_loop3A_370 : i32 to index
      %parallel_loop3A_372 = tpu.vector_load %arg5[%parallel_loop3A_371] {strides = array<i32>} : memref<32768xi32, #tpu.memory_space<vmem>>, vector<16xi32>,
      tpu.vector_store %arg5[%parallel_loop3A_371], %broadcast_in_dim3A_9 {strides = array<i32>} : memref<32768xi32, #tpu.memory_space<vmem>>, vector<16xi32>,
      %parallel_loop3A_373 = arith.constant 16 : i32
      %parallel_loop3A_374 = arith.muli %parallel_loop3A_279, %parallel_loop3A_373 : i32
      %parallel_loop3A_375 = arith.constant 14336 : i32
      %parallel_loop3A_376 = arith.addi %parallel_loop3A_375, %parallel_loop3A_374 : i32
      %parallel_loop3A_377 = arith.index_cast %parallel_loop3A_376 : i32 to index
      %parallel_loop3A_378 = tpu.vector_load %arg5[%parallel_loop3A_377] {strides = array<i32>} : memref<32768xi32, #tpu.memory_space<vmem>>, vector<16xi32>,
      %parallel_loop3A_379 = arith.addi %parallel_loop3A_366, %parallel_loop3A_378 : vector<16xi32>
      %parallel_loop3A_380 = arith.constant 16 : i32
      %parallel_loop3A_381 = arith.muli %parallel_loop3A_279, %parallel_loop3A_380 : i32
      %parallel_loop3A_382 = arith.constant 14336 : i32
      %parallel_loop3A_383 = arith.addi %parallel_loop3A_382, %parallel_loop3A_381 : i32
      %parallel_loop3A_384 = arith.index_cast %parallel_loop3A_383 : i32 to index
      %parallel_loop3A_385 = tpu.vector_load %arg5[%parallel_loop3A_384] {strides = array<i32>} : memref<32768xi32, #tpu.memory_space<vmem>>, vector<16xi32>,
      tpu.vector_store %arg5[%parallel_loop3A_384], %broadcast_in_dim3A_9 {strides = array<i32>} : memref<32768xi32, #tpu.memory_space<vmem>>, vector<16xi32>,
      %parallel_loop3A_386 = arith.constant 16 : i32
      %parallel_loop3A_387 = arith.muli %parallel_loop3A_279, %parallel_loop3A_386 : i32
      %parallel_loop3A_388 = arith.constant 16384 : i32
      %parallel_loop3A_389 = arith.addi %parallel_loop3A_388, %parallel_loop3A_387 : i32
      %parallel_loop3A_390 = arith.index_cast %parallel_loop3A_389 : i32 to index
      %parallel_loop3A_391 = tpu.vector_load %arg5[%parallel_loop3A_390] {strides = array<i32>} : memref<32768xi32, #tpu.memory_space<vmem>>, vector<16xi32>,
      %parallel_loop3A_392 = arith.addi %parallel_loop3A_379, %parallel_loop3A_391 : vector<16xi32>
      %parallel_loop3A_393 = arith.constant 16 : i32
      %parallel_loop3A_394 = arith.muli %parallel_loop3A_279, %parallel_loop3A_393 : i32
      %parallel_loop3A_395 = arith.constant 16384 : i32
      %parallel_loop3A_396 = arith.addi %parallel_loop3A_395, %parallel_loop3A_394 : i32
      %parallel_loop3A_397 = arith.index_cast %parallel_loop3A_396 : i32 to index
      %parallel_loop3A_398 = tpu.vector_load %arg5[%parallel_loop3A_397] {strides = array<i32>} : memref<32768xi32, #tpu.memory_space<vmem>>, vector<16xi32>,
      tpu.vector_store %arg5[%parallel_loop3A_397], %broadcast_in_dim3A_9 {strides = array<i32>} : memref<32768xi32, #tpu.memory_space<vmem>>, vector<16xi32>,
      %parallel_loop3A_399 = arith.constant 16 : i32
      %parallel_loop3A_400 = arith.muli %parallel_loop3A_279, %parallel_loop3A_399 : i32
      %parallel_loop3A_401 = arith.constant 18432 : i32
      %parallel_loop3A_402 = arith.addi %parallel_loop3A_401, %parallel_loop3A_400 : i32
      %parallel_loop3A_403 = arith.index_cast %parallel_loop3A_402 : i32 to index
      %parallel_loop3A_404 = tpu.vector_load %arg5[%parallel_loop3A_403] {strides = array<i32>} : memref<32768xi32, #tpu.memory_space<vmem>>, vector<16xi32>,
      %parallel_loop3A_405 = arith.addi %parallel_loop3A_392, %parallel_loop3A_404 : vector<16xi32>
      %parallel_loop3A_406 = arith.constant 16 : i32
      %parallel_loop3A_407 = arith.muli %parallel_loop3A_279, %parallel_loop3A_406 : i32
      %parallel_loop3A_408 = arith.constant 18432 : i32
      %parallel_loop3A_409 = arith.addi %parallel_loop3A_408, %parallel_loop3A_407 : i32
      %parallel_loop3A_410 = arith.index_cast %parallel_loop3A_409 : i32 to index
      %parallel_loop3A_411 = tpu.vector_load %arg5[%parallel_loop3A_410] {strides = array<i32>} : memref<32768xi32, #tpu.memory_space<vmem>>, vector<16xi32>,
      tpu.vector_store %arg5[%parallel_loop3A_410], %broadcast_in_dim3A_9 {strides = array<i32>} : memref<32768xi32, #tpu.memory_space<vmem>>, vector<16xi32>,
      %parallel_loop3A_412 = arith.constant 16 : i32
      %parallel_loop3A_413 = arith.muli %parallel_loop3A_279, %parallel_loop3A_412 : i32
      %parallel_loop3A_414 = arith.constant 20480 : i32
      %parallel_loop3A_415 = arith.addi %parallel_loop3A_414, %parallel_loop3A_413 : i32
      %parallel_loop3A_416 = arith.index_cast %parallel_loop3A_415 : i32 to index
      %parallel_loop3A_417 = tpu.vector_load %arg5[%parallel_loop3A_416] {strides = array<i32>} : memref<32768xi32, #tpu.memory_space<vmem>>, vector<16xi32>,
      %parallel_loop3A_418 = arith.addi %parallel_loop3A_405, %parallel_loop3A_417 : vector<16xi32>
      %parallel_loop3A_419 = arith.constant 16 : i32
      %parallel_loop3A_420 = arith.muli %parallel_loop3A_279, %parallel_loop3A_419 : i32
      %parallel_loop3A_421 = arith.constant 20480 : i32
      %parallel_loop3A_422 = arith.addi %parallel_loop3A_421, %parallel_loop3A_420 : i32
      %parallel_loop3A_423 = arith.index_cast %parallel_loop3A_422 : i32 to index
      %parallel_loop3A_424 = tpu.vector_load %arg5[%parallel_loop3A_423] {strides = array<i32>} : memref<32768xi32, #tpu.memory_space<vmem>>, vector<16xi32>,
      tpu.vector_store %arg5[%parallel_loop3A_423], %broadcast_in_dim3A_9 {strides = array<i32>} : memref<32768xi32, #tpu.memory_space<vmem>>, vector<16xi32>,
      %parallel_loop3A_425 = arith.constant 16 : i32
      %parallel_loop3A_426 = arith.muli %parallel_loop3A_279, %parallel_loop3A_425 : i32
      %parallel_loop3A_427 = arith.constant 22528 : i32
      %parallel_loop3A_428 = arith.addi %parallel_loop3A_427, %parallel_loop3A_426 : i32
      %parallel_loop3A_429 = arith.index_cast %parallel_loop3A_428 : i32 to index
      %parallel_loop3A_430 = tpu.vector_load %arg5[%parallel_loop3A_429] {strides = array<i32>} : memref<32768xi32, #tpu.memory_space<vmem>>, vector<16xi32>,
      %parallel_loop3A_431 = arith.addi %parallel_loop3A_418, %parallel_loop3A_430 : vector<16xi32>
      %parallel_loop3A_432 = arith.constant 16 : i32
      %parallel_loop3A_433 = arith.muli %parallel_loop3A_279, %parallel_loop3A_432 : i32
      %parallel_loop3A_434 = arith.constant 22528 : i32
      %parallel_loop3A_435 = arith.addi %parallel_loop3A_434, %parallel_loop3A_433 : i32
      %parallel_loop3A_436 = arith.index_cast %parallel_loop3A_435 : i32 to index
      %parallel_loop3A_437 = tpu.vector_load %arg5[%parallel_loop3A_436] {strides = array<i32>} : memref<32768xi32, #tpu.memory_space<vmem>>, vector<16xi32>,
      tpu.vector_store %arg5[%parallel_loop3A_436], %broadcast_in_dim3A_9 {strides = array<i32>} : memref<32768xi32, #tpu.memory_space<vmem>>, vector<16xi32>,
      %parallel_loop3A_438 = arith.constant 16 : i32
      %parallel_loop3A_439 = arith.muli %parallel_loop3A_279, %parallel_loop3A_438 : i32
      %parallel_loop3A_440 = arith.constant 24576 : i32
      %parallel_loop3A_441 = arith.addi %parallel_loop3A_440, %parallel_loop3A_439 : i32
      %parallel_loop3A_442 = arith.index_cast %parallel_loop3A_441 : i32 to index
      %parallel_loop3A_443 = tpu.vector_load %arg5[%parallel_loop3A_442] {strides = array<i32>} : memref<32768xi32, #tpu.memory_space<vmem>>, vector<16xi32>,
      %parallel_loop3A_444 = arith.addi %parallel_loop3A_431, %parallel_loop3A_443 : vector<16xi32>
      %parallel_loop3A_445 = arith.constant 16 : i32
      %parallel_loop3A_446 = arith.muli %parallel_loop3A_279, %parallel_loop3A_445 : i32
      %parallel_loop3A_447 = arith.constant 24576 : i32
      %parallel_loop3A_448 = arith.addi %parallel_loop3A_447, %parallel_loop3A_446 : i32
      %parallel_loop3A_449 = arith.index_cast %parallel_loop3A_448 : i32 to index
      %parallel_loop3A_450 = tpu.vector_load %arg5[%parallel_loop3A_449] {strides = array<i32>} : memref<32768xi32, #tpu.memory_space<vmem>>, vector<16xi32>,
      tpu.vector_store %arg5[%parallel_loop3A_449], %broadcast_in_dim3A_9 {strides = array<i32>} : memref<32768xi32, #tpu.memory_space<vmem>>, vector<16xi32>,
      %parallel_loop3A_451 = arith.constant 16 : i32
      %parallel_loop3A_452 = arith.muli %parallel_loop3A_279, %parallel_loop3A_451 : i32
      %parallel_loop3A_453 = arith.constant 26624 : i32
      %parallel_loop3A_454 = arith.addi %parallel_loop3A_453, %parallel_loop3A_452 : i32
      %parallel_loop3A_455 = arith.index_cast %parallel_loop3A_454 : i32 to index
      %parallel_loop3A_456 = tpu.vector_load %arg5[%parallel_loop3A_455] {strides = array<i32>} : memref<32768xi32, #tpu.memory_space<vmem>>, vector<16xi32>,
      %parallel_loop3A_457 = arith.addi %parallel_loop3A_444, %parallel_loop3A_456 : vector<16xi32>
      %parallel_loop3A_458 = arith.constant 16 : i32
      %parallel_loop3A_459 = arith.muli %parallel_loop3A_279, %parallel_loop3A_458 : i32
      %parallel_loop3A_460 = arith.constant 26624 : i32
      %parallel_loop3A_461 = arith.addi %parallel_loop3A_460, %parallel_loop3A_459 : i32
      %parallel_loop3A_462 = arith.index_cast %parallel_loop3A_461 : i32 to index
      %parallel_loop3A_463 = tpu.vector_load %arg5[%parallel_loop3A_462] {strides = array<i32>} : memref<32768xi32, #tpu.memory_space<vmem>>, vector<16xi32>,
      tpu.vector_store %arg5[%parallel_loop3A_462], %broadcast_in_dim3A_9 {strides = array<i32>} : memref<32768xi32, #tpu.memory_space<vmem>>, vector<16xi32>,
      %parallel_loop3A_464 = arith.constant 16 : i32
      %parallel_loop3A_465 = arith.muli %parallel_loop3A_279, %parallel_loop3A_464 : i32
      %parallel_loop3A_466 = arith.constant 28672 : i32
      %parallel_loop3A_467 = arith.addi %parallel_loop3A_466, %parallel_loop3A_465 : i32
      %parallel_loop3A_468 = arith.index_cast %parallel_loop3A_467 : i32 to index
      %parallel_loop3A_469 = tpu.vector_load %arg5[%parallel_loop3A_468] {strides = array<i32>} : memref<32768xi32, #tpu.memory_space<vmem>>, vector<16xi32>,
      %parallel_loop3A_470 = arith.addi %parallel_loop3A_457, %parallel_loop3A_469 : vector<16xi32>
      %parallel_loop3A_471 = arith.constant 16 : i32
      %parallel_loop3A_472 = arith.muli %parallel_loop3A_279, %parallel_loop3A_471 : i32
      %parallel_loop3A_473 = arith.constant 28672 : i32
      %parallel_loop3A_474 = arith.addi %parallel_loop3A_473, %parallel_loop3A_472 : i32
      %parallel_loop3A_475 = arith.index_cast %parallel_loop3A_474 : i32 to index
      %parallel_loop3A_476 = tpu.vector_load %arg5[%parallel_loop3A_475] {strides = array<i32>} : memref<32768xi32, #tpu.memory_space<vmem>>, vector<16xi32>,
      tpu.vector_store %arg5[%parallel_loop3A_475], %broadcast_in_dim3A_9 {strides = array<i32>} : memref<32768xi32, #tpu.memory_space<vmem>>, vector<16xi32>,
      %parallel_loop3A_477 = arith.constant 16 : i32
      %parallel_loop3A_478 = arith.muli %parallel_loop3A_279, %parallel_loop3A_477 : i32
      %parallel_loop3A_479 = arith.constant 30720 : i32
      %parallel_loop3A_480 = arith.addi %parallel_loop3A_479, %parallel_loop3A_478 : i32
      %parallel_loop3A_481 = arith.index_cast %parallel_loop3A_480 : i32 to index
      %parallel_loop3A_482 = tpu.vector_load %arg5[%parallel_loop3A_481] {strides = array<i32>} : memref<32768xi32, #tpu.memory_space<vmem>>, vector<16xi32>,
      %parallel_loop3A_483 = arith.addi %parallel_loop3A_470, %parallel_loop3A_482 : vector<16xi32>
      %parallel_loop3A_484 = arith.constant 16 : i32
      %parallel_loop3A_485 = arith.muli %parallel_loop3A_279, %parallel_loop3A_484 : i32
      %parallel_loop3A_486 = arith.constant 30720 : i32
      %parallel_loop3A_487 = arith.addi %parallel_loop3A_486, %parallel_loop3A_485 : i32
      %parallel_loop3A_488 = arith.index_cast %parallel_loop3A_487 : i32 to index
      %parallel_loop3A_489 = tpu.vector_load %arg5[%parallel_loop3A_488] {strides = array<i32>} : memref<32768xi32, #tpu.memory_space<vmem>>, vector<16xi32>,
      tpu.vector_store %arg5[%parallel_loop3A_488], %broadcast_in_dim3A_9 {strides = array<i32>} : memref<32768xi32, #tpu.memory_space<vmem>>, vector<16xi32>,
      %parallel_loop3A_490 = arith.constant 16 : i32
      %parallel_loop3A_491 = arith.muli %parallel_loop3A_279, %parallel_loop3A_490 : i32
      %parallel_loop3A_492 = arith.index_cast %parallel_loop3A_491 : i32 to index
      %parallel_loop3A_493 = tpu.vector_load %arg6[%parallel_loop3A_492] {strides = array<i32>} : memref<2048xi32, #tpu.memory_space<vmem>>, vector<16xi32>,
      tpu.vector_store %arg6[%parallel_loop3A_492], %parallel_loop3A_483 {strides = array<i32>} : memref<2048xi32, #tpu.memory_space<vmem>>, vector<16xi32>,
    } {sc.loop_unroll_factor = 2 : i64, sc.parallel_access}
    "tpu.region"() ({
      %run_scoped3A_279 = tpu.sem_alloc : memref<!tpu.dma_semaphore, #tpu.memory_space<semaphore_mem>>
      %dma_start3A_280 = arith.constant 0 : i32
      %dma_start3A_281 = tpu.memref_slice %arg6[%dma_start3A_280] : memref<2048xi32, #tpu.memory_space<vmem>> -> memref<2048xi32, #tpu.memory_space<vmem>>
      %dma_start3A_282 = arith.constant 0 : i32
      %dma_start3A_283 = tpu.memref_slice %arg12[%arg1, %dma_start3A_282] : memref<16x2048xi32, #tpu.memory_space<vmem_shared>> -> memref<1x2048xi32, #tpu.memory_space<vmem_shared>>
      %dma_start3A_284 = tpu.memref_squeeze %dma_start3A_283 : memref<1x2048xi32, #tpu.memory_space<vmem_shared>> -> memref<2048xi32, #tpu.memory_space<vmem_shared>>
      %dma_start3A_285 = arith.constant 0 : i32
      %dma_start3A_286 = tpu.memref_slice %arg12[%arg1, %dma_start3A_285] : memref<16x2048xi32, #tpu.memory_space<vmem_shared>> -> memref<1x2048xi32, #tpu.memory_space<vmem_shared>>
      %dma_start3A_287 = tpu.memref_squeeze %dma_start3A_286 : memref<1x2048xi32, #tpu.memory_space<vmem_shared>> -> memref<2048xi32, #tpu.memory_space<vmem_shared>>
      %dma_start3A_288 = arith.constant 0 : i32
      %dma_start3A_289 = tpu.memref_slice %arg6[%dma_start3A_288] : memref<2048xi32, #tpu.memory_space<vmem>> -> memref<2048xi32, #tpu.memory_space<vmem>>
      tpu.enqueue_dma source(%dma_start3A_289 : memref<2048xi32, #tpu.memory_space<vmem>>) target(%dma_start3A_287 : memref<2048xi32, #tpu.memory_space<vmem_shared>>) target_semaphore(%run_scoped3A_279 : memref<!tpu.dma_semaphore, #tpu.memory_space<semaphore_mem>>)
      %dma_wait3A_290 = arith.constant 0 : i32
      %dma_wait3A_291 = tpu.memref_slice %arg6[%dma_wait3A_290] : memref<2048xi32, #tpu.memory_space<vmem>> -> memref<2048xi32, #tpu.memory_space<vmem>>
      %dma_wait3A_292 = arith.constant 0 : i32
      %dma_wait3A_293 = tpu.memref_slice %arg12[%arg1, %dma_wait3A_292] : memref<16x2048xi32, #tpu.memory_space<vmem_shared>> -> memref<1x2048xi32, #tpu.memory_space<vmem_shared>>
      %dma_wait3A_294 = tpu.memref_squeeze %dma_wait3A_293 : memref<1x2048xi32, #tpu.memory_space<vmem_shared>> -> memref<2048xi32, #tpu.memory_space<vmem_shared>>
      %dma_wait3A_295 = arith.constant 0 : i32
      %dma_wait3A_296 = tpu.memref_slice %arg12[%arg1, %dma_wait3A_295] : memref<16x2048xi32, #tpu.memory_space<vmem_shared>> -> memref<1x2048xi32, #tpu.memory_space<vmem_shared>>
      %dma_wait3A_297 = tpu.memref_squeeze %dma_wait3A_296 : memref<1x2048xi32, #tpu.memory_space<vmem_shared>> -> memref<2048xi32, #tpu.memory_space<vmem_shared>>
      %dma_wait3A_298 = arith.constant 0 : i32
      %dma_wait3A_299 = tpu.memref_slice %arg6[%dma_wait3A_298] : memref<2048xi32, #tpu.memory_space<vmem>> -> memref<2048xi32, #tpu.memory_space<vmem>>
      tpu.wait_dma2 semaphore(%run_scoped3A_279 : memref<!tpu.dma_semaphore, #tpu.memory_space<semaphore_mem>>) src(%dma_wait3A_299 : memref<2048xi32, #tpu.memory_space<vmem>>) dst(%dma_wait3A_297 : memref<2048xi32, #tpu.memory_space<vmem_shared>>)
      tpu.yield
    }) : () -> ()
    %barrier3A_101 = arith.constant 0 : index
    tpu.barrier barrier_id(%barrier3A_101)
    %mul3A_102 = arith.constant 128 : i32
    %mul3A_103 = arith.muli %arg1, %mul3A_102 : i32
    %run_scoped3A_104 = arith.constant 0 : i32
    "tpu.region"() ({
      %run_scoped3A_279 = tpu.sem_alloc : memref<!tpu.dma_semaphore, #tpu.memory_space<semaphore_mem>>
      %dma_start3A_280 = arith.constant 0 : i32
      %dma_start3A_281 = tpu.memref_slice %arg7[%dma_start3A_280] : memref<2048xi32, #tpu.memory_space<vmem>> -> memref<128xi32, #tpu.memory_space<vmem>>
      %dma_start3A_282 = tpu.memref_slice %arg12[%run_scoped3A_104, %mul3A_103] : memref<16x2048xi32, #tpu.memory_space<vmem_shared>> -> memref<1x128xi32, #tpu.memory_space<vmem_shared>>
      %dma_start3A_283 = tpu.memref_squeeze %dma_start3A_282 : memref<1x128xi32, #tpu.memory_space<vmem_shared>> -> memref<128xi32, #tpu.memory_space<vmem_shared>>
      %dma_start3A_284 = arith.constant 0 : i32
      %dma_start3A_285 = tpu.memref_slice %arg7[%dma_start3A_284] : memref<2048xi32, #tpu.memory_space<vmem>> -> memref<128xi32, #tpu.memory_space<vmem>>
      %dma_start3A_286 = tpu.memref_slice %arg12[%run_scoped3A_104, %mul3A_103] : memref<16x2048xi32, #tpu.memory_space<vmem_shared>> -> memref<1x128xi32, #tpu.memory_space<vmem_shared>>
      %dma_start3A_287 = tpu.memref_squeeze %dma_start3A_286 : memref<1x128xi32, #tpu.memory_space<vmem_shared>> -> memref<128xi32, #tpu.memory_space<vmem_shared>>
      tpu.enqueue_dma source(%dma_start3A_287 : memref<128xi32, #tpu.memory_space<vmem_shared>>) target(%dma_start3A_285 : memref<128xi32, #tpu.memory_space<vmem>>) target_semaphore(%run_scoped3A_279 : memref<!tpu.dma_semaphore, #tpu.memory_space<semaphore_mem>>)
      %dma_wait3A_288 = arith.constant 0 : i32
      %dma_wait3A_289 = tpu.memref_slice %arg7[%dma_wait3A_288] : memref<2048xi32, #tpu.memory_space<vmem>> -> memref<128xi32, #tpu.memory_space<vmem>>
      %dma_wait3A_290 = tpu.memref_slice %arg12[%run_scoped3A_104, %mul3A_103] : memref<16x2048xi32, #tpu.memory_space<vmem_shared>> -> memref<1x128xi32, #tpu.memory_space<vmem_shared>>
      %dma_wait3A_291 = tpu.memref_squeeze %dma_wait3A_290 : memref<1x128xi32, #tpu.memory_space<vmem_shared>> -> memref<128xi32, #tpu.memory_space<vmem_shared>>
      %dma_wait3A_292 = arith.constant 0 : i32
      %dma_wait3A_293 = tpu.memref_slice %arg7[%dma_wait3A_292] : memref<2048xi32, #tpu.memory_space<vmem>> -> memref<128xi32, #tpu.memory_space<vmem>>
      %dma_wait3A_294 = tpu.memref_slice %arg12[%run_scoped3A_104, %mul3A_103] : memref<16x2048xi32, #tpu.memory_space<vmem_shared>> -> memref<1x128xi32, #tpu.memory_space<vmem_shared>>
      %dma_wait3A_295 = tpu.memref_squeeze %dma_wait3A_294 : memref<1x128xi32, #tpu.memory_space<vmem_shared>> -> memref<128xi32, #tpu.memory_space<vmem_shared>>
      tpu.wait_dma2 semaphore(%run_scoped3A_279 : memref<!tpu.dma_semaphore, #tpu.memory_space<semaphore_mem>>) src(%dma_wait3A_295 : memref<128xi32, #tpu.memory_space<vmem_shared>>) dst(%dma_wait3A_293 : memref<128xi32, #tpu.memory_space<vmem>>)
      tpu.yield
    }) : () -> ()
    %mul3A_105 = arith.constant 128 : i32
    %mul3A_106 = arith.muli %arg1, %mul3A_105 : i32
    %run_scoped3A_107 = arith.constant 1 : i32
    "tpu.region"() ({
      %run_scoped3A_279 = tpu.sem_alloc : memref<!tpu.dma_semaphore, #tpu.memory_space<semaphore_mem>>
      %dma_start3A_280 = arith.constant 128 : i32
      %dma_start3A_281 = tpu.memref_slice %arg7[%dma_start3A_280] : memref<2048xi32, #tpu.memory_space<vmem>> -> memref<128xi32, #tpu.memory_space<vmem>>
      %dma_start3A_282 = tpu.memref_slice %arg12[%run_scoped3A_107, %mul3A_106] : memref<16x2048xi32, #tpu.memory_space<vmem_shared>> -> memref<1x128xi32, #tpu.memory_space<vmem_shared>>
      %dma_start3A_283 = tpu.memref_squeeze %dma_start3A_282 : memref<1x128xi32, #tpu.memory_space<vmem_shared>> -> memref<128xi32, #tpu.memory_space<vmem_shared>>
      %dma_start3A_284 = arith.constant 128 : i32
      %dma_start3A_285 = tpu.memref_slice %arg7[%dma_start3A_284] : memref<2048xi32, #tpu.memory_space<vmem>> -> memref<128xi32, #tpu.memory_space<vmem>>
      %dma_start3A_286 = tpu.memref_slice %arg12[%run_scoped3A_107, %mul3A_106] : memref<16x2048xi32, #tpu.memory_space<vmem_shared>> -> memref<1x128xi32, #tpu.memory_space<vmem_shared>>
      %dma_start3A_287 = tpu.memref_squeeze %dma_start3A_286 : memref<1x128xi32, #tpu.memory_space<vmem_shared>> -> memref<128xi32, #tpu.memory_space<vmem_shared>>
      tpu.enqueue_dma source(%dma_start3A_287 : memref<128xi32, #tpu.memory_space<vmem_shared>>) target(%dma_start3A_285 : memref<128xi32, #tpu.memory_space<vmem>>) target_semaphore(%run_scoped3A_279 : memref<!tpu.dma_semaphore, #tpu.memory_space<semaphore_mem>>)
      %dma_wait3A_288 = arith.constant 128 : i32
      %dma_wait3A_289 = tpu.memref_slice %arg7[%dma_wait3A_288] : memref<2048xi32, #tpu.memory_space<vmem>> -> memref<128xi32, #tpu.memory_space<vmem>>
      %dma_wait3A_290 = tpu.memref_slice %arg12[%run_scoped3A_107, %mul3A_106] : memref<16x2048xi32, #tpu.memory_space<vmem_shared>> -> memref<1x128xi32, #tpu.memory_space<vmem_shared>>
      %dma_wait3A_291 = tpu.memref_squeeze %dma_wait3A_290 : memref<1x128xi32, #tpu.memory_space<vmem_shared>> -> memref<128xi32, #tpu.memory_space<vmem_shared>>
      %dma_wait3A_292 = arith.constant 128 : i32
      %dma_wait3A_293 = tpu.memref_slice %arg7[%dma_wait3A_292] : memref<2048xi32, #tpu.memory_space<vmem>> -> memref<128xi32, #tpu.memory_space<vmem>>
      %dma_wait3A_294 = tpu.memref_slice %arg12[%run_scoped3A_107, %mul3A_106] : memref<16x2048xi32, #tpu.memory_space<vmem_shared>> -> memref<1x128xi32, #tpu.memory_space<vmem_shared>>
      %dma_wait3A_295 = tpu.memref_squeeze %dma_wait3A_294 : memref<1x128xi32, #tpu.memory_space<vmem_shared>> -> memref<128xi32, #tpu.memory_space<vmem_shared>>
      tpu.wait_dma2 semaphore(%run_scoped3A_279 : memref<!tpu.dma_semaphore, #tpu.memory_space<semaphore_mem>>) src(%dma_wait3A_295 : memref<128xi32, #tpu.memory_space<vmem_shared>>) dst(%dma_wait3A_293 : memref<128xi32, #tpu.memory_space<vmem>>)
      tpu.yield
    }) : () -> ()
    %mul3A_108 = arith.constant 128 : i32
    %mul3A_109 = arith.muli %arg1, %mul3A_108 : i32
    %run_scoped3A_110 = arith.constant 2 : i32
    "tpu.region"() ({
      %run_scoped3A_279 = tpu.sem_alloc : memref<!tpu.dma_semaphore, #tpu.memory_space<semaphore_mem>>
      %dma_start3A_280 = arith.constant 256 : i32
      %dma_start3A_281 = tpu.memref_slice %arg7[%dma_start3A_280] : memref<2048xi32, #tpu.memory_space<vmem>> -> memref<128xi32, #tpu.memory_space<vmem>>
      %dma_start3A_282 = tpu.memref_slice %arg12[%run_scoped3A_110, %mul3A_109] : memref<16x2048xi32, #tpu.memory_space<vmem_shared>> -> memref<1x128xi32, #tpu.memory_space<vmem_shared>>
      %dma_start3A_283 = tpu.memref_squeeze %dma_start3A_282 : memref<1x128xi32, #tpu.memory_space<vmem_shared>> -> memref<128xi32, #tpu.memory_space<vmem_shared>>
      %dma_start3A_284 = arith.constant 256 : i32
      %dma_start3A_285 = tpu.memref_slice %arg7[%dma_start3A_284] : memref<2048xi32, #tpu.memory_space<vmem>> -> memref<128xi32, #tpu.memory_space<vmem>>
      %dma_start3A_286 = tpu.memref_slice %arg12[%run_scoped3A_110, %mul3A_109] : memref<16x2048xi32, #tpu.memory_space<vmem_shared>> -> memref<1x128xi32, #tpu.memory_space<vmem_shared>>
      %dma_start3A_287 = tpu.memref_squeeze %dma_start3A_286 : memref<1x128xi32, #tpu.memory_space<vmem_shared>> -> memref<128xi32, #tpu.memory_space<vmem_shared>>
      tpu.enqueue_dma source(%dma_start3A_287 : memref<128xi32, #tpu.memory_space<vmem_shared>>) target(%dma_start3A_285 : memref<128xi32, #tpu.memory_space<vmem>>) target_semaphore(%run_scoped3A_279 : memref<!tpu.dma_semaphore, #tpu.memory_space<semaphore_mem>>)
      %dma_wait3A_288 = arith.constant 256 : i32
      %dma_wait3A_289 = tpu.memref_slice %arg7[%dma_wait3A_288] : memref<2048xi32, #tpu.memory_space<vmem>> -> memref<128xi32, #tpu.memory_space<vmem>>
      %dma_wait3A_290 = tpu.memref_slice %arg12[%run_scoped3A_110, %mul3A_109] : memref<16x2048xi32, #tpu.memory_space<vmem_shared>> -> memref<1x128xi32, #tpu.memory_space<vmem_shared>>
      %dma_wait3A_291 = tpu.memref_squeeze %dma_wait3A_290 : memref<1x128xi32, #tpu.memory_space<vmem_shared>> -> memref<128xi32, #tpu.memory_space<vmem_shared>>
      %dma_wait3A_292 = arith.constant 256 : i32
      %dma_wait3A_293 = tpu.memref_slice %arg7[%dma_wait3A_292] : memref<2048xi32, #tpu.memory_space<vmem>> -> memref<128xi32, #tpu.memory_space<vmem>>
      %dma_wait3A_294 = tpu.memref_slice %arg12[%run_scoped3A_110, %mul3A_109] : memref<16x2048xi32, #tpu.memory_space<vmem_shared>> -> memref<1x128xi32, #tpu.memory_space<vmem_shared>>
      %dma_wait3A_295 = tpu.memref_squeeze %dma_wait3A_294 : memref<1x128xi32, #tpu.memory_space<vmem_shared>> -> memref<128xi32, #tpu.memory_space<vmem_shared>>
      tpu.wait_dma2 semaphore(%run_scoped3A_279 : memref<!tpu.dma_semaphore, #tpu.memory_space<semaphore_mem>>) src(%dma_wait3A_295 : memref<128xi32, #tpu.memory_space<vmem_shared>>) dst(%dma_wait3A_293 : memref<128xi32, #tpu.memory_space<vmem>>)
      tpu.yield
    }) : () -> ()
    %mul3A_111 = arith.constant 128 : i32
    %mul3A_112 = arith.muli %arg1, %mul3A_111 : i32
    %run_scoped3A_113 = arith.constant 3 : i32
    "tpu.region"() ({
      %run_scoped3A_279 = tpu.sem_alloc : memref<!tpu.dma_semaphore, #tpu.memory_space<semaphore_mem>>
      %dma_start3A_280 = arith.constant 384 : i32
      %dma_start3A_281 = tpu.memref_slice %arg7[%dma_start3A_280] : memref<2048xi32, #tpu.memory_space<vmem>> -> memref<128xi32, #tpu.memory_space<vmem>>
      %dma_start3A_282 = tpu.memref_slice %arg12[%run_scoped3A_113, %mul3A_112] : memref<16x2048xi32, #tpu.memory_space<vmem_shared>> -> memref<1x128xi32, #tpu.memory_space<vmem_shared>>
      %dma_start3A_283 = tpu.memref_squeeze %dma_start3A_282 : memref<1x128xi32, #tpu.memory_space<vmem_shared>> -> memref<128xi32, #tpu.memory_space<vmem_shared>>
      %dma_start3A_284 = arith.constant 384 : i32
      %dma_start3A_285 = tpu.memref_slice %arg7[%dma_start3A_284] : memref<2048xi32, #tpu.memory_space<vmem>> -> memref<128xi32, #tpu.memory_space<vmem>>
      %dma_start3A_286 = tpu.memref_slice %arg12[%run_scoped3A_113, %mul3A_112] : memref<16x2048xi32, #tpu.memory_space<vmem_shared>> -> memref<1x128xi32, #tpu.memory_space<vmem_shared>>
      %dma_start3A_287 = tpu.memref_squeeze %dma_start3A_286 : memref<1x128xi32, #tpu.memory_space<vmem_shared>> -> memref<128xi32, #tpu.memory_space<vmem_shared>>
      tpu.enqueue_dma source(%dma_start3A_287 : memref<128xi32, #tpu.memory_space<vmem_shared>>) target(%dma_start3A_285 : memref<128xi32, #tpu.memory_space<vmem>>) target_semaphore(%run_scoped3A_279 : memref<!tpu.dma_semaphore, #tpu.memory_space<semaphore_mem>>)
      %dma_wait3A_288 = arith.constant 384 : i32
      %dma_wait3A_289 = tpu.memref_slice %arg7[%dma_wait3A_288] : memref<2048xi32, #tpu.memory_space<vmem>> -> memref<128xi32, #tpu.memory_space<vmem>>
      %dma_wait3A_290 = tpu.memref_slice %arg12[%run_scoped3A_113, %mul3A_112] : memref<16x2048xi32, #tpu.memory_space<vmem_shared>> -> memref<1x128xi32, #tpu.memory_space<vmem_shared>>
      %dma_wait3A_291 = tpu.memref_squeeze %dma_wait3A_290 : memref<1x128xi32, #tpu.memory_space<vmem_shared>> -> memref<128xi32, #tpu.memory_space<vmem_shared>>
      %dma_wait3A_292 = arith.constant 384 : i32
      %dma_wait3A_293 = tpu.memref_slice %arg7[%dma_wait3A_292] : memref<2048xi32, #tpu.memory_space<vmem>> -> memref<128xi32, #tpu.memory_space<vmem>>
      %dma_wait3A_294 = tpu.memref_slice %arg12[%run_scoped3A_113, %mul3A_112] : memref<16x2048xi32, #tpu.memory_space<vmem_shared>> -> memref<1x128xi32, #tpu.memory_space<vmem_shared>>
      %dma_wait3A_295 = tpu.memref_squeeze %dma_wait3A_294 : memref<1x128xi32, #tpu.memory_space<vmem_shared>> -> memref<128xi32, #tpu.memory_space<vmem_shared>>
      tpu.wait_dma2 semaphore(%run_scoped3A_279 : memref<!tpu.dma_semaphore, #tpu.memory_space<semaphore_mem>>) src(%dma_wait3A_295 : memref<128xi32, #tpu.memory_space<vmem_shared>>) dst(%dma_wait3A_293 : memref<128xi32, #tpu.memory_space<vmem>>)
      tpu.yield
    }) : () -> ()
    %mul3A_114 = arith.constant 128 : i32
    %mul3A_115 = arith.muli %arg1, %mul3A_114 : i32
    %run_scoped3A_116 = arith.constant 4 : i32
    "tpu.region"() ({
      %run_scoped3A_279 = tpu.sem_alloc : memref<!tpu.dma_semaphore, #tpu.memory_space<semaphore_mem>>
      %dma_start3A_280 = arith.constant 512 : i32
      %dma_start3A_281 = tpu.memref_slice %arg7[%dma_start3A_280] : memref<2048xi32, #tpu.memory_space<vmem>> -> memref<128xi32, #tpu.memory_space<vmem>>
      %dma_start3A_282 = tpu.memref_slice %arg12[%run_scoped3A_116, %mul3A_115] : memref<16x2048xi32, #tpu.memory_space<vmem_shared>> -> memref<1x128xi32, #tpu.memory_space<vmem_shared>>
      %dma_start3A_283 = tpu.memref_squeeze %dma_start3A_282 : memref<1x128xi32, #tpu.memory_space<vmem_shared>> -> memref<128xi32, #tpu.memory_space<vmem_shared>>
      %dma_start3A_284 = arith.constant 512 : i32
      %dma_start3A_285 = tpu.memref_slice %arg7[%dma_start3A_284] : memref<2048xi32, #tpu.memory_space<vmem>> -> memref<128xi32, #tpu.memory_space<vmem>>
      %dma_start3A_286 = tpu.memref_slice %arg12[%run_scoped3A_116, %mul3A_115] : memref<16x2048xi32, #tpu.memory_space<vmem_shared>> -> memref<1x128xi32, #tpu.memory_space<vmem_shared>>
      %dma_start3A_287 = tpu.memref_squeeze %dma_start3A_286 : memref<1x128xi32, #tpu.memory_space<vmem_shared>> -> memref<128xi32, #tpu.memory_space<vmem_shared>>
      tpu.enqueue_dma source(%dma_start3A_287 : memref<128xi32, #tpu.memory_space<vmem_shared>>) target(%dma_start3A_285 : memref<128xi32, #tpu.memory_space<vmem>>) target_semaphore(%run_scoped3A_279 : memref<!tpu.dma_semaphore, #tpu.memory_space<semaphore_mem>>)
      %dma_wait3A_288 = arith.constant 512 : i32
      %dma_wait3A_289 = tpu.memref_slice %arg7[%dma_wait3A_288] : memref<2048xi32, #tpu.memory_space<vmem>> -> memref<128xi32, #tpu.memory_space<vmem>>
      %dma_wait3A_290 = tpu.memref_slice %arg12[%run_scoped3A_116, %mul3A_115] : memref<16x2048xi32, #tpu.memory_space<vmem_shared>> -> memref<1x128xi32, #tpu.memory_space<vmem_shared>>
      %dma_wait3A_291 = tpu.memref_squeeze %dma_wait3A_290 : memref<1x128xi32, #tpu.memory_space<vmem_shared>> -> memref<128xi32, #tpu.memory_space<vmem_shared>>
      %dma_wait3A_292 = arith.constant 512 : i32
      %dma_wait3A_293 = tpu.memref_slice %arg7[%dma_wait3A_292] : memref<2048xi32, #tpu.memory_space<vmem>> -> memref<128xi32, #tpu.memory_space<vmem>>
      %dma_wait3A_294 = tpu.memref_slice %arg12[%run_scoped3A_116, %mul3A_115] : memref<16x2048xi32, #tpu.memory_space<vmem_shared>> -> memref<1x128xi32, #tpu.memory_space<vmem_shared>>
      %dma_wait3A_295 = tpu.memref_squeeze %dma_wait3A_294 : memref<1x128xi32, #tpu.memory_space<vmem_shared>> -> memref<128xi32, #tpu.memory_space<vmem_shared>>
      tpu.wait_dma2 semaphore(%run_scoped3A_279 : memref<!tpu.dma_semaphore, #tpu.memory_space<semaphore_mem>>) src(%dma_wait3A_295 : memref<128xi32, #tpu.memory_space<vmem_shared>>) dst(%dma_wait3A_293 : memref<128xi32, #tpu.memory_space<vmem>>)
      tpu.yield
    }) : () -> ()
    %mul3A_117 = arith.constant 128 : i32
    %mul3A_118 = arith.muli %arg1, %mul3A_117 : i32
    %run_scoped3A_119 = arith.constant 5 : i32
    "tpu.region"() ({
      %run_scoped3A_279 = tpu.sem_alloc : memref<!tpu.dma_semaphore, #tpu.memory_space<semaphore_mem>>
      %dma_start3A_280 = arith.constant 640 : i32
      %dma_start3A_281 = tpu.memref_slice %arg7[%dma_start3A_280] : memref<2048xi32, #tpu.memory_space<vmem>> -> memref<128xi32, #tpu.memory_space<vmem>>
      %dma_start3A_282 = tpu.memref_slice %arg12[%run_scoped3A_119, %mul3A_118] : memref<16x2048xi32, #tpu.memory_space<vmem_shared>> -> memref<1x128xi32, #tpu.memory_space<vmem_shared>>
      %dma_start3A_283 = tpu.memref_squeeze %dma_start3A_282 : memref<1x128xi32, #tpu.memory_space<vmem_shared>> -> memref<128xi32, #tpu.memory_space<vmem_shared>>
      %dma_start3A_284 = arith.constant 640 : i32
      %dma_start3A_285 = tpu.memref_slice %arg7[%dma_start3A_284] : memref<2048xi32, #tpu.memory_space<vmem>> -> memref<128xi32, #tpu.memory_space<vmem>>
      %dma_start3A_286 = tpu.memref_slice %arg12[%run_scoped3A_119, %mul3A_118] : memref<16x2048xi32, #tpu.memory_space<vmem_shared>> -> memref<1x128xi32, #tpu.memory_space<vmem_shared>>
      %dma_start3A_287 = tpu.memref_squeeze %dma_start3A_286 : memref<1x128xi32, #tpu.memory_space<vmem_shared>> -> memref<128xi32, #tpu.memory_space<vmem_shared>>
      tpu.enqueue_dma source(%dma_start3A_287 : memref<128xi32, #tpu.memory_space<vmem_shared>>) target(%dma_start3A_285 : memref<128xi32, #tpu.memory_space<vmem>>) target_semaphore(%run_scoped3A_279 : memref<!tpu.dma_semaphore, #tpu.memory_space<semaphore_mem>>)
      %dma_wait3A_288 = arith.constant 640 : i32
      %dma_wait3A_289 = tpu.memref_slice %arg7[%dma_wait3A_288] : memref<2048xi32, #tpu.memory_space<vmem>> -> memref<128xi32, #tpu.memory_space<vmem>>
      %dma_wait3A_290 = tpu.memref_slice %arg12[%run_scoped3A_119, %mul3A_118] : memref<16x2048xi32, #tpu.memory_space<vmem_shared>> -> memref<1x128xi32, #tpu.memory_space<vmem_shared>>
      %dma_wait3A_291 = tpu.memref_squeeze %dma_wait3A_290 : memref<1x128xi32, #tpu.memory_space<vmem_shared>> -> memref<128xi32, #tpu.memory_space<vmem_shared>>
      %dma_wait3A_292 = arith.constant 640 : i32
      %dma_wait3A_293 = tpu.memref_slice %arg7[%dma_wait3A_292] : memref<2048xi32, #tpu.memory_space<vmem>> -> memref<128xi32, #tpu.memory_space<vmem>>
      %dma_wait3A_294 = tpu.memref_slice %arg12[%run_scoped3A_119, %mul3A_118] : memref<16x2048xi32, #tpu.memory_space<vmem_shared>> -> memref<1x128xi32, #tpu.memory_space<vmem_shared>>
      %dma_wait3A_295 = tpu.memref_squeeze %dma_wait3A_294 : memref<1x128xi32, #tpu.memory_space<vmem_shared>> -> memref<128xi32, #tpu.memory_space<vmem_shared>>
      tpu.wait_dma2 semaphore(%run_scoped3A_279 : memref<!tpu.dma_semaphore, #tpu.memory_space<semaphore_mem>>) src(%dma_wait3A_295 : memref<128xi32, #tpu.memory_space<vmem_shared>>) dst(%dma_wait3A_293 : memref<128xi32, #tpu.memory_space<vmem>>)
      tpu.yield
    }) : () -> ()
    %mul3A_120 = arith.constant 128 : i32
    %mul3A_121 = arith.muli %arg1, %mul3A_120 : i32
    %run_scoped3A_122 = arith.constant 6 : i32
    "tpu.region"() ({
      %run_scoped3A_279 = tpu.sem_alloc : memref<!tpu.dma_semaphore, #tpu.memory_space<semaphore_mem>>
      %dma_start3A_280 = arith.constant 768 : i32
      %dma_start3A_281 = tpu.memref_slice %arg7[%dma_start3A_280] : memref<2048xi32, #tpu.memory_space<vmem>> -> memref<128xi32, #tpu.memory_space<vmem>>
      %dma_start3A_282 = tpu.memref_slice %arg12[%run_scoped3A_122, %mul3A_121] : memref<16x2048xi32, #tpu.memory_space<vmem_shared>> -> memref<1x128xi32, #tpu.memory_space<vmem_shared>>
      %dma_start3A_283 = tpu.memref_squeeze %dma_start3A_282 : memref<1x128xi32, #tpu.memory_space<vmem_shared>> -> memref<128xi32, #tpu.memory_space<vmem_shared>>
      %dma_start3A_284 = arith.constant 768 : i32
      %dma_start3A_285 = tpu.memref_slice %arg7[%dma_start3A_284] : memref<2048xi32, #tpu.memory_space<vmem>> -> memref<128xi32, #tpu.memory_space<vmem>>
      %dma_start3A_286 = tpu.memref_slice %arg12[%run_scoped3A_122, %mul3A_121] : memref<16x2048xi32, #tpu.memory_space<vmem_shared>> -> memref<1x128xi32, #tpu.memory_space<vmem_shared>>
      %dma_start3A_287 = tpu.memref_squeeze %dma_start3A_286 : memref<1x128xi32, #tpu.memory_space<vmem_shared>> -> memref<128xi32, #tpu.memory_space<vmem_shared>>
      tpu.enqueue_dma source(%dma_start3A_287 : memref<128xi32, #tpu.memory_space<vmem_shared>>) target(%dma_start3A_285 : memref<128xi32, #tpu.memory_space<vmem>>) target_semaphore(%run_scoped3A_279 : memref<!tpu.dma_semaphore, #tpu.memory_space<semaphore_mem>>)
      %dma_wait3A_288 = arith.constant 768 : i32
      %dma_wait3A_289 = tpu.memref_slice %arg7[%dma_wait3A_288] : memref<2048xi32, #tpu.memory_space<vmem>> -> memref<128xi32, #tpu.memory_space<vmem>>
      %dma_wait3A_290 = tpu.memref_slice %arg12[%run_scoped3A_122, %mul3A_121] : memref<16x2048xi32, #tpu.memory_space<vmem_shared>> -> memref<1x128xi32, #tpu.memory_space<vmem_shared>>
      %dma_wait3A_291 = tpu.memref_squeeze %dma_wait3A_290 : memref<1x128xi32, #tpu.memory_space<vmem_shared>> -> memref<128xi32, #tpu.memory_space<vmem_shared>>
      %dma_wait3A_292 = arith.constant 768 : i32
      %dma_wait3A_293 = tpu.memref_slice %arg7[%dma_wait3A_292] : memref<2048xi32, #tpu.memory_space<vmem>> -> memref<128xi32, #tpu.memory_space<vmem>>
      %dma_wait3A_294 = tpu.memref_slice %arg12[%run_scoped3A_122, %mul3A_121] : memref<16x2048xi32, #tpu.memory_space<vmem_shared>> -> memref<1x128xi32, #tpu.memory_space<vmem_shared>>
      %dma_wait3A_295 = tpu.memref_squeeze %dma_wait3A_294 : memref<1x128xi32, #tpu.memory_space<vmem_shared>> -> memref<128xi32, #tpu.memory_space<vmem_shared>>
      tpu.wait_dma2 semaphore(%run_scoped3A_279 : memref<!tpu.dma_semaphore, #tpu.memory_space<semaphore_mem>>) src(%dma_wait3A_295 : memref<128xi32, #tpu.memory_space<vmem_shared>>) dst(%dma_wait3A_293 : memref<128xi32, #tpu.memory_space<vmem>>)
      tpu.yield
    }) : () -> ()
    %mul3A_123 = arith.constant 128 : i32
    %mul3A_124 = arith.muli %arg1, %mul3A_123 : i32
    %run_scoped3A_125 = arith.constant 7 : i32
    "tpu.region"() ({
      %run_scoped3A_279 = tpu.sem_alloc : memref<!tpu.dma_semaphore, #tpu.memory_space<semaphore_mem>>
      %dma_start3A_280 = arith.constant 896 : i32
      %dma_start3A_281 = tpu.memref_slice %arg7[%dma_start3A_280] : memref<2048xi32, #tpu.memory_space<vmem>> -> memref<128xi32, #tpu.memory_space<vmem>>
      %dma_start3A_282 = tpu.memref_slice %arg12[%run_scoped3A_125, %mul3A_124] : memref<16x2048xi32, #tpu.memory_space<vmem_shared>> -> memref<1x128xi32, #tpu.memory_space<vmem_shared>>
      %dma_start3A_283 = tpu.memref_squeeze %dma_start3A_282 : memref<1x128xi32, #tpu.memory_space<vmem_shared>> -> memref<128xi32, #tpu.memory_space<vmem_shared>>
      %dma_start3A_284 = arith.constant 896 : i32
      %dma_start3A_285 = tpu.memref_slice %arg7[%dma_start3A_284] : memref<2048xi32, #tpu.memory_space<vmem>> -> memref<128xi32, #tpu.memory_space<vmem>>
      %dma_start3A_286 = tpu.memref_slice %arg12[%run_scoped3A_125, %mul3A_124] : memref<16x2048xi32, #tpu.memory_space<vmem_shared>> -> memref<1x128xi32, #tpu.memory_space<vmem_shared>>
      %dma_start3A_287 = tpu.memref_squeeze %dma_start3A_286 : memref<1x128xi32, #tpu.memory_space<vmem_shared>> -> memref<128xi32, #tpu.memory_space<vmem_shared>>
      tpu.enqueue_dma source(%dma_start3A_287 : memref<128xi32, #tpu.memory_space<vmem_shared>>) target(%dma_start3A_285 : memref<128xi32, #tpu.memory_space<vmem>>) target_semaphore(%run_scoped3A_279 : memref<!tpu.dma_semaphore, #tpu.memory_space<semaphore_mem>>)
      %dma_wait3A_288 = arith.constant 896 : i32
      %dma_wait3A_289 = tpu.memref_slice %arg7[%dma_wait3A_288] : memref<2048xi32, #tpu.memory_space<vmem>> -> memref<128xi32, #tpu.memory_space<vmem>>
      %dma_wait3A_290 = tpu.memref_slice %arg12[%run_scoped3A_125, %mul3A_124] : memref<16x2048xi32, #tpu.memory_space<vmem_shared>> -> memref<1x128xi32, #tpu.memory_space<vmem_shared>>
      %dma_wait3A_291 = tpu.memref_squeeze %dma_wait3A_290 : memref<1x128xi32, #tpu.memory_space<vmem_shared>> -> memref<128xi32, #tpu.memory_space<vmem_shared>>
      %dma_wait3A_292 = arith.constant 896 : i32
      %dma_wait3A_293 = tpu.memref_slice %arg7[%dma_wait3A_292] : memref<2048xi32, #tpu.memory_space<vmem>> -> memref<128xi32, #tpu.memory_space<vmem>>
      %dma_wait3A_294 = tpu.memref_slice %arg12[%run_scoped3A_125, %mul3A_124] : memref<16x2048xi32, #tpu.memory_space<vmem_shared>> -> memref<1x128xi32, #tpu.memory_space<vmem_shared>>
      %dma_wait3A_295 = tpu.memref_squeeze %dma_wait3A_294 : memref<1x128xi32, #tpu.memory_space<vmem_shared>> -> memref<128xi32, #tpu.memory_space<vmem_shared>>
      tpu.wait_dma2 semaphore(%run_scoped3A_279 : memref<!tpu.dma_semaphore, #tpu.memory_space<semaphore_mem>>) src(%dma_wait3A_295 : memref<128xi32, #tpu.memory_space<vmem_shared>>) dst(%dma_wait3A_293 : memref<128xi32, #tpu.memory_space<vmem>>)
      tpu.yield
    }) : () -> ()
    %mul3A_126 = arith.constant 128 : i32
    %mul3A_127 = arith.muli %arg1, %mul3A_126 : i32
    %run_scoped3A_128 = arith.constant 8 : i32
    "tpu.region"() ({
      %run_scoped3A_279 = tpu.sem_alloc : memref<!tpu.dma_semaphore, #tpu.memory_space<semaphore_mem>>
      %dma_start3A_280 = arith.constant 1024 : i32
      %dma_start3A_281 = tpu.memref_slice %arg7[%dma_start3A_280] : memref<2048xi32, #tpu.memory_space<vmem>> -> memref<128xi32, #tpu.memory_space<vmem>>
      %dma_start3A_282 = tpu.memref_slice %arg12[%run_scoped3A_128, %mul3A_127] : memref<16x2048xi32, #tpu.memory_space<vmem_shared>> -> memref<1x128xi32, #tpu.memory_space<vmem_shared>>
      %dma_start3A_283 = tpu.memref_squeeze %dma_start3A_282 : memref<1x128xi32, #tpu.memory_space<vmem_shared>> -> memref<128xi32, #tpu.memory_space<vmem_shared>>
      %dma_start3A_284 = arith.constant 1024 : i32
      %dma_start3A_285 = tpu.memref_slice %arg7[%dma_start3A_284] : memref<2048xi32, #tpu.memory_space<vmem>> -> memref<128xi32, #tpu.memory_space<vmem>>
      %dma_start3A_286 = tpu.memref_slice %arg12[%run_scoped3A_128, %mul3A_127] : memref<16x2048xi32, #tpu.memory_space<vmem_shared>> -> memref<1x128xi32, #tpu.memory_space<vmem_shared>>
      %dma_start3A_287 = tpu.memref_squeeze %dma_start3A_286 : memref<1x128xi32, #tpu.memory_space<vmem_shared>> -> memref<128xi32, #tpu.memory_space<vmem_shared>>
      tpu.enqueue_dma source(%dma_start3A_287 : memref<128xi32, #tpu.memory_space<vmem_shared>>) target(%dma_start3A_285 : memref<128xi32, #tpu.memory_space<vmem>>) target_semaphore(%run_scoped3A_279 : memref<!tpu.dma_semaphore, #tpu.memory_space<semaphore_mem>>)
      %dma_wait3A_288 = arith.constant 1024 : i32
      %dma_wait3A_289 = tpu.memref_slice %arg7[%dma_wait3A_288] : memref<2048xi32, #tpu.memory_space<vmem>> -> memref<128xi32, #tpu.memory_space<vmem>>
      %dma_wait3A_290 = tpu.memref_slice %arg12[%run_scoped3A_128, %mul3A_127] : memref<16x2048xi32, #tpu.memory_space<vmem_shared>> -> memref<1x128xi32, #tpu.memory_space<vmem_shared>>
      %dma_wait3A_291 = tpu.memref_squeeze %dma_wait3A_290 : memref<1x128xi32, #tpu.memory_space<vmem_shared>> -> memref<128xi32, #tpu.memory_space<vmem_shared>>
      %dma_wait3A_292 = arith.constant 1024 : i32
      %dma_wait3A_293 = tpu.memref_slice %arg7[%dma_wait3A_292] : memref<2048xi32, #tpu.memory_space<vmem>> -> memref<128xi32, #tpu.memory_space<vmem>>
      %dma_wait3A_294 = tpu.memref_slice %arg12[%run_scoped3A_128, %mul3A_127] : memref<16x2048xi32, #tpu.memory_space<vmem_shared>> -> memref<1x128xi32, #tpu.memory_space<vmem_shared>>
      %dma_wait3A_295 = tpu.memref_squeeze %dma_wait3A_294 : memref<1x128xi32, #tpu.memory_space<vmem_shared>> -> memref<128xi32, #tpu.memory_space<vmem_shared>>
      tpu.wait_dma2 semaphore(%run_scoped3A_279 : memref<!tpu.dma_semaphore, #tpu.memory_space<semaphore_mem>>) src(%dma_wait3A_295 : memref<128xi32, #tpu.memory_space<vmem_shared>>) dst(%dma_wait3A_293 : memref<128xi32, #tpu.memory_space<vmem>>)
      tpu.yield
    }) : () -> ()
    %mul3A_129 = arith.constant 128 : i32
    %mul3A_130 = arith.muli %arg1, %mul3A_129 : i32
    %run_scoped3A_131 = arith.constant 9 : i32
    "tpu.region"() ({
      %run_scoped3A_279 = tpu.sem_alloc : memref<!tpu.dma_semaphore, #tpu.memory_space<semaphore_mem>>
      %dma_start3A_280 = arith.constant 1152 : i32
      %dma_start3A_281 = tpu.memref_slice %arg7[%dma_start3A_280] : memref<2048xi32, #tpu.memory_space<vmem>> -> memref<128xi32, #tpu.memory_space<vmem>>
      %dma_start3A_282 = tpu.memref_slice %arg12[%run_scoped3A_131, %mul3A_130] : memref<16x2048xi32, #tpu.memory_space<vmem_shared>> -> memref<1x128xi32, #tpu.memory_space<vmem_shared>>
      %dma_start3A_283 = tpu.memref_squeeze %dma_start3A_282 : memref<1x128xi32, #tpu.memory_space<vmem_shared>> -> memref<128xi32, #tpu.memory_space<vmem_shared>>
      %dma_start3A_284 = arith.constant 1152 : i32
      %dma_start3A_285 = tpu.memref_slice %arg7[%dma_start3A_284] : memref<2048xi32, #tpu.memory_space<vmem>> -> memref<128xi32, #tpu.memory_space<vmem>>
      %dma_start3A_286 = tpu.memref_slice %arg12[%run_scoped3A_131, %mul3A_130] : memref<16x2048xi32, #tpu.memory_space<vmem_shared>> -> memref<1x128xi32, #tpu.memory_space<vmem_shared>>
      %dma_start3A_287 = tpu.memref_squeeze %dma_start3A_286 : memref<1x128xi32, #tpu.memory_space<vmem_shared>> -> memref<128xi32, #tpu.memory_space<vmem_shared>>
      tpu.enqueue_dma source(%dma_start3A_287 : memref<128xi32, #tpu.memory_space<vmem_shared>>) target(%dma_start3A_285 : memref<128xi32, #tpu.memory_space<vmem>>) target_semaphore(%run_scoped3A_279 : memref<!tpu.dma_semaphore, #tpu.memory_space<semaphore_mem>>)
      %dma_wait3A_288 = arith.constant 1152 : i32
      %dma_wait3A_289 = tpu.memref_slice %arg7[%dma_wait3A_288] : memref<2048xi32, #tpu.memory_space<vmem>> -> memref<128xi32, #tpu.memory_space<vmem>>
      %dma_wait3A_290 = tpu.memref_slice %arg12[%run_scoped3A_131, %mul3A_130] : memref<16x2048xi32, #tpu.memory_space<vmem_shared>> -> memref<1x128xi32, #tpu.memory_space<vmem_shared>>
      %dma_wait3A_291 = tpu.memref_squeeze %dma_wait3A_290 : memref<1x128xi32, #tpu.memory_space<vmem_shared>> -> memref<128xi32, #tpu.memory_space<vmem_shared>>
      %dma_wait3A_292 = arith.constant 1152 : i32
      %dma_wait3A_293 = tpu.memref_slice %arg7[%dma_wait3A_292] : memref<2048xi32, #tpu.memory_space<vmem>> -> memref<128xi32, #tpu.memory_space<vmem>>
      %dma_wait3A_294 = tpu.memref_slice %arg12[%run_scoped3A_131, %mul3A_130] : memref<16x2048xi32, #tpu.memory_space<vmem_shared>> -> memref<1x128xi32, #tpu.memory_space<vmem_shared>>
      %dma_wait3A_295 = tpu.memref_squeeze %dma_wait3A_294 : memref<1x128xi32, #tpu.memory_space<vmem_shared>> -> memref<128xi32, #tpu.memory_space<vmem_shared>>
      tpu.wait_dma2 semaphore(%run_scoped3A_279 : memref<!tpu.dma_semaphore, #tpu.memory_space<semaphore_mem>>) src(%dma_wait3A_295 : memref<128xi32, #tpu.memory_space<vmem_shared>>) dst(%dma_wait3A_293 : memref<128xi32, #tpu.memory_space<vmem>>)
      tpu.yield
    }) : () -> ()
    %mul3A_132 = arith.constant 128 : i32
    %mul3A_133 = arith.muli %arg1, %mul3A_132 : i32
    %run_scoped3A_134 = arith.constant 10 : i32
    "tpu.region"() ({
      %run_scoped3A_279 = tpu.sem_alloc : memref<!tpu.dma_semaphore, #tpu.memory_space<semaphore_mem>>
      %dma_start3A_280 = arith.constant 1280 : i32
      %dma_start3A_281 = tpu.memref_slice %arg7[%dma_start3A_280] : memref<2048xi32, #tpu.memory_space<vmem>> -> memref<128xi32, #tpu.memory_space<vmem>>
      %dma_start3A_282 = tpu.memref_slice %arg12[%run_scoped3A_134, %mul3A_133] : memref<16x2048xi32, #tpu.memory_space<vmem_shared>> -> memref<1x128xi32, #tpu.memory_space<vmem_shared>>
      %dma_start3A_283 = tpu.memref_squeeze %dma_start3A_282 : memref<1x128xi32, #tpu.memory_space<vmem_shared>> -> memref<128xi32, #tpu.memory_space<vmem_shared>>
      %dma_start3A_284 = arith.constant 1280 : i32
      %dma_start3A_285 = tpu.memref_slice %arg7[%dma_start3A_284] : memref<2048xi32, #tpu.memory_space<vmem>> -> memref<128xi32, #tpu.memory_space<vmem>>
      %dma_start3A_286 = tpu.memref_slice %arg12[%run_scoped3A_134, %mul3A_133] : memref<16x2048xi32, #tpu.memory_space<vmem_shared>> -> memref<1x128xi32, #tpu.memory_space<vmem_shared>>
      %dma_start3A_287 = tpu.memref_squeeze %dma_start3A_286 : memref<1x128xi32, #tpu.memory_space<vmem_shared>> -> memref<128xi32, #tpu.memory_space<vmem_shared>>
      tpu.enqueue_dma source(%dma_start3A_287 : memref<128xi32, #tpu.memory_space<vmem_shared>>) target(%dma_start3A_285 : memref<128xi32, #tpu.memory_space<vmem>>) target_semaphore(%run_scoped3A_279 : memref<!tpu.dma_semaphore, #tpu.memory_space<semaphore_mem>>)
      %dma_wait3A_288 = arith.constant 1280 : i32
      %dma_wait3A_289 = tpu.memref_slice %arg7[%dma_wait3A_288] : memref<2048xi32, #tpu.memory_space<vmem>> -> memref<128xi32, #tpu.memory_space<vmem>>
      %dma_wait3A_290 = tpu.memref_slice %arg12[%run_scoped3A_134, %mul3A_133] : memref<16x2048xi32, #tpu.memory_space<vmem_shared>> -> memref<1x128xi32, #tpu.memory_space<vmem_shared>>
      %dma_wait3A_291 = tpu.memref_squeeze %dma_wait3A_290 : memref<1x128xi32, #tpu.memory_space<vmem_shared>> -> memref<128xi32, #tpu.memory_space<vmem_shared>>
      %dma_wait3A_292 = arith.constant 1280 : i32
      %dma_wait3A_293 = tpu.memref_slice %arg7[%dma_wait3A_292] : memref<2048xi32, #tpu.memory_space<vmem>> -> memref<128xi32, #tpu.memory_space<vmem>>
      %dma_wait3A_294 = tpu.memref_slice %arg12[%run_scoped3A_134, %mul3A_133] : memref<16x2048xi32, #tpu.memory_space<vmem_shared>> -> memref<1x128xi32, #tpu.memory_space<vmem_shared>>
      %dma_wait3A_295 = tpu.memref_squeeze %dma_wait3A_294 : memref<1x128xi32, #tpu.memory_space<vmem_shared>> -> memref<128xi32, #tpu.memory_space<vmem_shared>>
      tpu.wait_dma2 semaphore(%run_scoped3A_279 : memref<!tpu.dma_semaphore, #tpu.memory_space<semaphore_mem>>) src(%dma_wait3A_295 : memref<128xi32, #tpu.memory_space<vmem_shared>>) dst(%dma_wait3A_293 : memref<128xi32, #tpu.memory_space<vmem>>)
      tpu.yield
    }) : () -> ()
    %mul3A_135 = arith.constant 128 : i32
    %mul3A_136 = arith.muli %arg1, %mul3A_135 : i32
    %run_scoped3A_137 = arith.constant 11 : i32
    "tpu.region"() ({
      %run_scoped3A_279 = tpu.sem_alloc : memref<!tpu.dma_semaphore, #tpu.memory_space<semaphore_mem>>
      %dma_start3A_280 = arith.constant 1408 : i32
      %dma_start3A_281 = tpu.memref_slice %arg7[%dma_start3A_280] : memref<2048xi32, #tpu.memory_space<vmem>> -> memref<128xi32, #tpu.memory_space<vmem>>
      %dma_start3A_282 = tpu.memref_slice %arg12[%run_scoped3A_137, %mul3A_136] : memref<16x2048xi32, #tpu.memory_space<vmem_shared>> -> memref<1x128xi32, #tpu.memory_space<vmem_shared>>
      %dma_start3A_283 = tpu.memref_squeeze %dma_start3A_282 : memref<1x128xi32, #tpu.memory_space<vmem_shared>> -> memref<128xi32, #tpu.memory_space<vmem_shared>>
      %dma_start3A_284 = arith.constant 1408 : i32
      %dma_start3A_285 = tpu.memref_slice %arg7[%dma_start3A_284] : memref<2048xi32, #tpu.memory_space<vmem>> -> memref<128xi32, #tpu.memory_space<vmem>>
      %dma_start3A_286 = tpu.memref_slice %arg12[%run_scoped3A_137, %mul3A_136] : memref<16x2048xi32, #tpu.memory_space<vmem_shared>> -> memref<1x128xi32, #tpu.memory_space<vmem_shared>>
      %dma_start3A_287 = tpu.memref_squeeze %dma_start3A_286 : memref<1x128xi32, #tpu.memory_space<vmem_shared>> -> memref<128xi32, #tpu.memory_space<vmem_shared>>
      tpu.enqueue_dma source(%dma_start3A_287 : memref<128xi32, #tpu.memory_space<vmem_shared>>) target(%dma_start3A_285 : memref<128xi32, #tpu.memory_space<vmem>>) target_semaphore(%run_scoped3A_279 : memref<!tpu.dma_semaphore, #tpu.memory_space<semaphore_mem>>)
      %dma_wait3A_288 = arith.constant 1408 : i32
      %dma_wait3A_289 = tpu.memref_slice %arg7[%dma_wait3A_288] : memref<2048xi32, #tpu.memory_space<vmem>> -> memref<128xi32, #tpu.memory_space<vmem>>
      %dma_wait3A_290 = tpu.memref_slice %arg12[%run_scoped3A_137, %mul3A_136] : memref<16x2048xi32, #tpu.memory_space<vmem_shared>> -> memref<1x128xi32, #tpu.memory_space<vmem_shared>>
      %dma_wait3A_291 = tpu.memref_squeeze %dma_wait3A_290 : memref<1x128xi32, #tpu.memory_space<vmem_shared>> -> memref<128xi32, #tpu.memory_space<vmem_shared>>
      %dma_wait3A_292 = arith.constant 1408 : i32
      %dma_wait3A_293 = tpu.memref_slice %arg7[%dma_wait3A_292] : memref<2048xi32, #tpu.memory_space<vmem>> -> memref<128xi32, #tpu.memory_space<vmem>>
      %dma_wait3A_294 = tpu.memref_slice %arg12[%run_scoped3A_137, %mul3A_136] : memref<16x2048xi32, #tpu.memory_space<vmem_shared>> -> memref<1x128xi32, #tpu.memory_space<vmem_shared>>
      %dma_wait3A_295 = tpu.memref_squeeze %dma_wait3A_294 : memref<1x128xi32, #tpu.memory_space<vmem_shared>> -> memref<128xi32, #tpu.memory_space<vmem_shared>>
      tpu.wait_dma2 semaphore(%run_scoped3A_279 : memref<!tpu.dma_semaphore, #tpu.memory_space<semaphore_mem>>) src(%dma_wait3A_295 : memref<128xi32, #tpu.memory_space<vmem_shared>>) dst(%dma_wait3A_293 : memref<128xi32, #tpu.memory_space<vmem>>)
      tpu.yield
    }) : () -> ()
    %mul3A_138 = arith.constant 128 : i32
    %mul3A_139 = arith.muli %arg1, %mul3A_138 : i32
    %run_scoped3A_140 = arith.constant 12 : i32
    "tpu.region"() ({
      %run_scoped3A_279 = tpu.sem_alloc : memref<!tpu.dma_semaphore, #tpu.memory_space<semaphore_mem>>
      %dma_start3A_280 = arith.constant 1536 : i32
      %dma_start3A_281 = tpu.memref_slice %arg7[%dma_start3A_280] : memref<2048xi32, #tpu.memory_space<vmem>> -> memref<128xi32, #tpu.memory_space<vmem>>
      %dma_start3A_282 = tpu.memref_slice %arg12[%run_scoped3A_140, %mul3A_139] : memref<16x2048xi32, #tpu.memory_space<vmem_shared>> -> memref<1x128xi32, #tpu.memory_space<vmem_shared>>
      %dma_start3A_283 = tpu.memref_squeeze %dma_start3A_282 : memref<1x128xi32, #tpu.memory_space<vmem_shared>> -> memref<128xi32, #tpu.memory_space<vmem_shared>>
      %dma_start3A_284 = arith.constant 1536 : i32
      %dma_start3A_285 = tpu.memref_slice %arg7[%dma_start3A_284] : memref<2048xi32, #tpu.memory_space<vmem>> -> memref<128xi32, #tpu.memory_space<vmem>>
      %dma_start3A_286 = tpu.memref_slice %arg12[%run_scoped3A_140, %mul3A_139] : memref<16x2048xi32, #tpu.memory_space<vmem_shared>> -> memref<1x128xi32, #tpu.memory_space<vmem_shared>>
      %dma_start3A_287 = tpu.memref_squeeze %dma_start3A_286 : memref<1x128xi32, #tpu.memory_space<vmem_shared>> -> memref<128xi32, #tpu.memory_space<vmem_shared>>
      tpu.enqueue_dma source(%dma_start3A_287 : memref<128xi32, #tpu.memory_space<vmem_shared>>) target(%dma_start3A_285 : memref<128xi32, #tpu.memory_space<vmem>>) target_semaphore(%run_scoped3A_279 : memref<!tpu.dma_semaphore, #tpu.memory_space<semaphore_mem>>)
      %dma_wait3A_288 = arith.constant 1536 : i32
      %dma_wait3A_289 = tpu.memref_slice %arg7[%dma_wait3A_288] : memref<2048xi32, #tpu.memory_space<vmem>> -> memref<128xi32, #tpu.memory_space<vmem>>
      %dma_wait3A_290 = tpu.memref_slice %arg12[%run_scoped3A_140, %mul3A_139] : memref<16x2048xi32, #tpu.memory_space<vmem_shared>> -> memref<1x128xi32, #tpu.memory_space<vmem_shared>>
      %dma_wait3A_291 = tpu.memref_squeeze %dma_wait3A_290 : memref<1x128xi32, #tpu.memory_space<vmem_shared>> -> memref<128xi32, #tpu.memory_space<vmem_shared>>
      %dma_wait3A_292 = arith.constant 1536 : i32
      %dma_wait3A_293 = tpu.memref_slice %arg7[%dma_wait3A_292] : memref<2048xi32, #tpu.memory_space<vmem>> -> memref<128xi32, #tpu.memory_space<vmem>>
      %dma_wait3A_294 = tpu.memref_slice %arg12[%run_scoped3A_140, %mul3A_139] : memref<16x2048xi32, #tpu.memory_space<vmem_shared>> -> memref<1x128xi32, #tpu.memory_space<vmem_shared>>
      %dma_wait3A_295 = tpu.memref_squeeze %dma_wait3A_294 : memref<1x128xi32, #tpu.memory_space<vmem_shared>> -> memref<128xi32, #tpu.memory_space<vmem_shared>>
      tpu.wait_dma2 semaphore(%run_scoped3A_279 : memref<!tpu.dma_semaphore, #tpu.memory_space<semaphore_mem>>) src(%dma_wait3A_295 : memref<128xi32, #tpu.memory_space<vmem_shared>>) dst(%dma_wait3A_293 : memref<128xi32, #tpu.memory_space<vmem>>)
      tpu.yield
    }) : () -> ()
    %mul3A_141 = arith.constant 128 : i32
    %mul3A_142 = arith.muli %arg1, %mul3A_141 : i32
    %run_scoped3A_143 = arith.constant 13 : i32
    "tpu.region"() ({
      %run_scoped3A_279 = tpu.sem_alloc : memref<!tpu.dma_semaphore, #tpu.memory_space<semaphore_mem>>
      %dma_start3A_280 = arith.constant 1664 : i32
      %dma_start3A_281 = tpu.memref_slice %arg7[%dma_start3A_280] : memref<2048xi32, #tpu.memory_space<vmem>> -> memref<128xi32, #tpu.memory_space<vmem>>
      %dma_start3A_282 = tpu.memref_slice %arg12[%run_scoped3A_143, %mul3A_142] : memref<16x2048xi32, #tpu.memory_space<vmem_shared>> -> memref<1x128xi32, #tpu.memory_space<vmem_shared>>
      %dma_start3A_283 = tpu.memref_squeeze %dma_start3A_282 : memref<1x128xi32, #tpu.memory_space<vmem_shared>> -> memref<128xi32, #tpu.memory_space<vmem_shared>>
      %dma_start3A_284 = arith.constant 1664 : i32
      %dma_start3A_285 = tpu.memref_slice %arg7[%dma_start3A_284] : memref<2048xi32, #tpu.memory_space<vmem>> -> memref<128xi32, #tpu.memory_space<vmem>>
      %dma_start3A_286 = tpu.memref_slice %arg12[%run_scoped3A_143, %mul3A_142] : memref<16x2048xi32, #tpu.memory_space<vmem_shared>> -> memref<1x128xi32, #tpu.memory_space<vmem_shared>>
      %dma_start3A_287 = tpu.memref_squeeze %dma_start3A_286 : memref<1x128xi32, #tpu.memory_space<vmem_shared>> -> memref<128xi32, #tpu.memory_space<vmem_shared>>
      tpu.enqueue_dma source(%dma_start3A_287 : memref<128xi32, #tpu.memory_space<vmem_shared>>) target(%dma_start3A_285 : memref<128xi32, #tpu.memory_space<vmem>>) target_semaphore(%run_scoped3A_279 : memref<!tpu.dma_semaphore, #tpu.memory_space<semaphore_mem>>)
      %dma_wait3A_288 = arith.constant 1664 : i32
      %dma_wait3A_289 = tpu.memref_slice %arg7[%dma_wait3A_288] : memref<2048xi32, #tpu.memory_space<vmem>> -> memref<128xi32, #tpu.memory_space<vmem>>
      %dma_wait3A_290 = tpu.memref_slice %arg12[%run_scoped3A_143, %mul3A_142] : memref<16x2048xi32, #tpu.memory_space<vmem_shared>> -> memref<1x128xi32, #tpu.memory_space<vmem_shared>>
      %dma_wait3A_291 = tpu.memref_squeeze %dma_wait3A_290 : memref<1x128xi32, #tpu.memory_space<vmem_shared>> -> memref<128xi32, #tpu.memory_space<vmem_shared>>
      %dma_wait3A_292 = arith.constant 1664 : i32
      %dma_wait3A_293 = tpu.memref_slice %arg7[%dma_wait3A_292] : memref<2048xi32, #tpu.memory_space<vmem>> -> memref<128xi32, #tpu.memory_space<vmem>>
      %dma_wait3A_294 = tpu.memref_slice %arg12[%run_scoped3A_143, %mul3A_142] : memref<16x2048xi32, #tpu.memory_space<vmem_shared>> -> memref<1x128xi32, #tpu.memory_space<vmem_shared>>
      %dma_wait3A_295 = tpu.memref_squeeze %dma_wait3A_294 : memref<1x128xi32, #tpu.memory_space<vmem_shared>> -> memref<128xi32, #tpu.memory_space<vmem_shared>>
      tpu.wait_dma2 semaphore(%run_scoped3A_279 : memref<!tpu.dma_semaphore, #tpu.memory_space<semaphore_mem>>) src(%dma_wait3A_295 : memref<128xi32, #tpu.memory_space<vmem_shared>>) dst(%dma_wait3A_293 : memref<128xi32, #tpu.memory_space<vmem>>)
      tpu.yield
    }) : () -> ()
    %mul3A_144 = arith.constant 128 : i32
    %mul3A_145 = arith.muli %arg1, %mul3A_144 : i32
    %run_scoped3A_146 = arith.constant 14 : i32
    "tpu.region"() ({
      %run_scoped3A_279 = tpu.sem_alloc : memref<!tpu.dma_semaphore, #tpu.memory_space<semaphore_mem>>
      %dma_start3A_280 = arith.constant 1792 : i32
      %dma_start3A_281 = tpu.memref_slice %arg7[%dma_start3A_280] : memref<2048xi32, #tpu.memory_space<vmem>> -> memref<128xi32, #tpu.memory_space<vmem>>
      %dma_start3A_282 = tpu.memref_slice %arg12[%run_scoped3A_146, %mul3A_145] : memref<16x2048xi32, #tpu.memory_space<vmem_shared>> -> memref<1x128xi32, #tpu.memory_space<vmem_shared>>
      %dma_start3A_283 = tpu.memref_squeeze %dma_start3A_282 : memref<1x128xi32, #tpu.memory_space<vmem_shared>> -> memref<128xi32, #tpu.memory_space<vmem_shared>>
      %dma_start3A_284 = arith.constant 1792 : i32
      %dma_start3A_285 = tpu.memref_slice %arg7[%dma_start3A_284] : memref<2048xi32, #tpu.memory_space<vmem>> -> memref<128xi32, #tpu.memory_space<vmem>>
      %dma_start3A_286 = tpu.memref_slice %arg12[%run_scoped3A_146, %mul3A_145] : memref<16x2048xi32, #tpu.memory_space<vmem_shared>> -> memref<1x128xi32, #tpu.memory_space<vmem_shared>>
      %dma_start3A_287 = tpu.memref_squeeze %dma_start3A_286 : memref<1x128xi32, #tpu.memory_space<vmem_shared>> -> memref<128xi32, #tpu.memory_space<vmem_shared>>
      tpu.enqueue_dma source(%dma_start3A_287 : memref<128xi32, #tpu.memory_space<vmem_shared>>) target(%dma_start3A_285 : memref<128xi32, #tpu.memory_space<vmem>>) target_semaphore(%run_scoped3A_279 : memref<!tpu.dma_semaphore, #tpu.memory_space<semaphore_mem>>)
      %dma_wait3A_288 = arith.constant 1792 : i32
      %dma_wait3A_289 = tpu.memref_slice %arg7[%dma_wait3A_288] : memref<2048xi32, #tpu.memory_space<vmem>> -> memref<128xi32, #tpu.memory_space<vmem>>
      %dma_wait3A_290 = tpu.memref_slice %arg12[%run_scoped3A_146, %mul3A_145] : memref<16x2048xi32, #tpu.memory_space<vmem_shared>> -> memref<1x128xi32, #tpu.memory_space<vmem_shared>>
      %dma_wait3A_291 = tpu.memref_squeeze %dma_wait3A_290 : memref<1x128xi32, #tpu.memory_space<vmem_shared>> -> memref<128xi32, #tpu.memory_space<vmem_shared>>
      %dma_wait3A_292 = arith.constant 1792 : i32
      %dma_wait3A_293 = tpu.memref_slice %arg7[%dma_wait3A_292] : memref<2048xi32, #tpu.memory_space<vmem>> -> memref<128xi32, #tpu.memory_space<vmem>>
      %dma_wait3A_294 = tpu.memref_slice %arg12[%run_scoped3A_146, %mul3A_145] : memref<16x2048xi32, #tpu.memory_space<vmem_shared>> -> memref<1x128xi32, #tpu.memory_space<vmem_shared>>
      %dma_wait3A_295 = tpu.memref_squeeze %dma_wait3A_294 : memref<1x128xi32, #tpu.memory_space<vmem_shared>> -> memref<128xi32, #tpu.memory_space<vmem_shared>>
      tpu.wait_dma2 semaphore(%run_scoped3A_279 : memref<!tpu.dma_semaphore, #tpu.memory_space<semaphore_mem>>) src(%dma_wait3A_295 : memref<128xi32, #tpu.memory_space<vmem_shared>>) dst(%dma_wait3A_293 : memref<128xi32, #tpu.memory_space<vmem>>)
      tpu.yield
    }) : () -> ()
    %mul3A_147 = arith.constant 128 : i32
    %mul3A_148 = arith.muli %arg1, %mul3A_147 : i32
    %run_scoped3A_149 = arith.constant 15 : i32
    "tpu.region"() ({
      %run_scoped3A_279 = tpu.sem_alloc : memref<!tpu.dma_semaphore, #tpu.memory_space<semaphore_mem>>
      %dma_start3A_280 = arith.constant 1920 : i32
      %dma_start3A_281 = tpu.memref_slice %arg7[%dma_start3A_280] : memref<2048xi32, #tpu.memory_space<vmem>> -> memref<128xi32, #tpu.memory_space<vmem>>
      %dma_start3A_282 = tpu.memref_slice %arg12[%run_scoped3A_149, %mul3A_148] : memref<16x2048xi32, #tpu.memory_space<vmem_shared>> -> memref<1x128xi32, #tpu.memory_space<vmem_shared>>
      %dma_start3A_283 = tpu.memref_squeeze %dma_start3A_282 : memref<1x128xi32, #tpu.memory_space<vmem_shared>> -> memref<128xi32, #tpu.memory_space<vmem_shared>>
      %dma_start3A_284 = arith.constant 1920 : i32
      %dma_start3A_285 = tpu.memref_slice %arg7[%dma_start3A_284] : memref<2048xi32, #tpu.memory_space<vmem>> -> memref<128xi32, #tpu.memory_space<vmem>>
      %dma_start3A_286 = tpu.memref_slice %arg12[%run_scoped3A_149, %mul3A_148] : memref<16x2048xi32, #tpu.memory_space<vmem_shared>> -> memref<1x128xi32, #tpu.memory_space<vmem_shared>>
      %dma_start3A_287 = tpu.memref_squeeze %dma_start3A_286 : memref<1x128xi32, #tpu.memory_space<vmem_shared>> -> memref<128xi32, #tpu.memory_space<vmem_shared>>
      tpu.enqueue_dma source(%dma_start3A_287 : memref<128xi32, #tpu.memory_space<vmem_shared>>) target(%dma_start3A_285 : memref<128xi32, #tpu.memory_space<vmem>>) target_semaphore(%run_scoped3A_279 : memref<!tpu.dma_semaphore, #tpu.memory_space<semaphore_mem>>)
      %dma_wait3A_288 = arith.constant 1920 : i32
      %dma_wait3A_289 = tpu.memref_slice %arg7[%dma_wait3A_288] : memref<2048xi32, #tpu.memory_space<vmem>> -> memref<128xi32, #tpu.memory_space<vmem>>
      %dma_wait3A_290 = tpu.memref_slice %arg12[%run_scoped3A_149, %mul3A_148] : memref<16x2048xi32, #tpu.memory_space<vmem_shared>> -> memref<1x128xi32, #tpu.memory_space<vmem_shared>>
      %dma_wait3A_291 = tpu.memref_squeeze %dma_wait3A_290 : memref<1x128xi32, #tpu.memory_space<vmem_shared>> -> memref<128xi32, #tpu.memory_space<vmem_shared>>
      %dma_wait3A_292 = arith.constant 1920 : i32
      %dma_wait3A_293 = tpu.memref_slice %arg7[%dma_wait3A_292] : memref<2048xi32, #tpu.memory_space<vmem>> -> memref<128xi32, #tpu.memory_space<vmem>>
      %dma_wait3A_294 = tpu.memref_slice %arg12[%run_scoped3A_149, %mul3A_148] : memref<16x2048xi32, #tpu.memory_space<vmem_shared>> -> memref<1x128xi32, #tpu.memory_space<vmem_shared>>
      %dma_wait3A_295 = tpu.memref_squeeze %dma_wait3A_294 : memref<1x128xi32, #tpu.memory_space<vmem_shared>> -> memref<128xi32, #tpu.memory_space<vmem_shared>>
      tpu.wait_dma2 semaphore(%run_scoped3A_279 : memref<!tpu.dma_semaphore, #tpu.memory_space<semaphore_mem>>) src(%dma_wait3A_295 : memref<128xi32, #tpu.memory_space<vmem_shared>>) dst(%dma_wait3A_293 : memref<128xi32, #tpu.memory_space<vmem>>)
      tpu.yield
    }) : () -> ()
    %parallel_loop3A_150 = arith.constant 0 : i32
    %parallel_loop3A_151 = arith.constant 8 : i32
    %parallel_loop3A_152 = arith.constant 1 : i32
    scf.for %parallel_loop3A_279 = %parallel_loop3A_150 to %parallel_loop3A_151 step %parallel_loop3A_152  : i32 {
      %parallel_loop3A_280 = arith.constant 0 : i32
      %parallel_loop3A_281 = vector.broadcast %parallel_loop3A_280 : i32 to vector<16xi32>
      %parallel_loop3A_282 = arith.constant 16 : i32
      %parallel_loop3A_283 = arith.muli %parallel_loop3A_279, %parallel_loop3A_282 : i32
      %parallel_loop3A_284 = arith.constant 0 : i32
      %parallel_loop3A_285 = arith.addi %parallel_loop3A_284, %parallel_loop3A_283 : i32
      %parallel_loop3A_286 = arith.index_cast %parallel_loop3A_285 : i32 to index
      %parallel_loop3A_287 = tpu.vector_load %arg7[%parallel_loop3A_286] {strides = array<i32>} : memref<2048xi32, #tpu.memory_space<vmem>>, vector<16xi32>,
      %parallel_loop3A_288 = arith.addi %parallel_loop3A_281, %parallel_loop3A_287 : vector<16xi32>
      %parallel_loop3A_289 = arith.constant 16 : i32
      %parallel_loop3A_290 = arith.muli %parallel_loop3A_279, %parallel_loop3A_289 : i32
      %parallel_loop3A_291 = arith.constant 128 : i32
      %parallel_loop3A_292 = arith.addi %parallel_loop3A_291, %parallel_loop3A_290 : i32
      %parallel_loop3A_293 = arith.index_cast %parallel_loop3A_292 : i32 to index
      %parallel_loop3A_294 = tpu.vector_load %arg7[%parallel_loop3A_293] {strides = array<i32>} : memref<2048xi32, #tpu.memory_space<vmem>>, vector<16xi32>,
      %parallel_loop3A_295 = arith.addi %parallel_loop3A_288, %parallel_loop3A_294 : vector<16xi32>
      %parallel_loop3A_296 = arith.constant 16 : i32
      %parallel_loop3A_297 = arith.muli %parallel_loop3A_279, %parallel_loop3A_296 : i32
      %parallel_loop3A_298 = arith.constant 256 : i32
      %parallel_loop3A_299 = arith.addi %parallel_loop3A_298, %parallel_loop3A_297 : i32
      %parallel_loop3A_300 = arith.index_cast %parallel_loop3A_299 : i32 to index
      %parallel_loop3A_301 = tpu.vector_load %arg7[%parallel_loop3A_300] {strides = array<i32>} : memref<2048xi32, #tpu.memory_space<vmem>>, vector<16xi32>,
      %parallel_loop3A_302 = arith.addi %parallel_loop3A_295, %parallel_loop3A_301 : vector<16xi32>
      %parallel_loop3A_303 = arith.constant 16 : i32
      %parallel_loop3A_304 = arith.muli %parallel_loop3A_279, %parallel_loop3A_303 : i32
      %parallel_loop3A_305 = arith.constant 384 : i32
      %parallel_loop3A_306 = arith.addi %parallel_loop3A_305, %parallel_loop3A_304 : i32
      %parallel_loop3A_307 = arith.index_cast %parallel_loop3A_306 : i32 to index
      %parallel_loop3A_308 = tpu.vector_load %arg7[%parallel_loop3A_307] {strides = array<i32>} : memref<2048xi32, #tpu.memory_space<vmem>>, vector<16xi32>,
      %parallel_loop3A_309 = arith.addi %parallel_loop3A_302, %parallel_loop3A_308 : vector<16xi32>
      %parallel_loop3A_310 = arith.constant 16 : i32
      %parallel_loop3A_311 = arith.muli %parallel_loop3A_279, %parallel_loop3A_310 : i32
      %parallel_loop3A_312 = arith.constant 512 : i32
      %parallel_loop3A_313 = arith.addi %parallel_loop3A_312, %parallel_loop3A_311 : i32
      %parallel_loop3A_314 = arith.index_cast %parallel_loop3A_313 : i32 to index
      %parallel_loop3A_315 = tpu.vector_load %arg7[%parallel_loop3A_314] {strides = array<i32>} : memref<2048xi32, #tpu.memory_space<vmem>>, vector<16xi32>,
      %parallel_loop3A_316 = arith.addi %parallel_loop3A_309, %parallel_loop3A_315 : vector<16xi32>
      %parallel_loop3A_317 = arith.constant 16 : i32
      %parallel_loop3A_318 = arith.muli %parallel_loop3A_279, %parallel_loop3A_317 : i32
      %parallel_loop3A_319 = arith.constant 640 : i32
      %parallel_loop3A_320 = arith.addi %parallel_loop3A_319, %parallel_loop3A_318 : i32
      %parallel_loop3A_321 = arith.index_cast %parallel_loop3A_320 : i32 to index
      %parallel_loop3A_322 = tpu.vector_load %arg7[%parallel_loop3A_321] {strides = array<i32>} : memref<2048xi32, #tpu.memory_space<vmem>>, vector<16xi32>,
      %parallel_loop3A_323 = arith.addi %parallel_loop3A_316, %parallel_loop3A_322 : vector<16xi32>
      %parallel_loop3A_324 = arith.constant 16 : i32
      %parallel_loop3A_325 = arith.muli %parallel_loop3A_279, %parallel_loop3A_324 : i32
      %parallel_loop3A_326 = arith.constant 768 : i32
      %parallel_loop3A_327 = arith.addi %parallel_loop3A_326, %parallel_loop3A_325 : i32
      %parallel_loop3A_328 = arith.index_cast %parallel_loop3A_327 : i32 to index
      %parallel_loop3A_329 = tpu.vector_load %arg7[%parallel_loop3A_328] {strides = array<i32>} : memref<2048xi32, #tpu.memory_space<vmem>>, vector<16xi32>,
      %parallel_loop3A_330 = arith.addi %parallel_loop3A_323, %parallel_loop3A_329 : vector<16xi32>
      %parallel_loop3A_331 = arith.constant 16 : i32
      %parallel_loop3A_332 = arith.muli %parallel_loop3A_279, %parallel_loop3A_331 : i32
      %parallel_loop3A_333 = arith.constant 896 : i32
      %parallel_loop3A_334 = arith.addi %parallel_loop3A_333, %parallel_loop3A_332 : i32
      %parallel_loop3A_335 = arith.index_cast %parallel_loop3A_334 : i32 to index
      %parallel_loop3A_336 = tpu.vector_load %arg7[%parallel_loop3A_335] {strides = array<i32>} : memref<2048xi32, #tpu.memory_space<vmem>>, vector<16xi32>,
      %parallel_loop3A_337 = arith.addi %parallel_loop3A_330, %parallel_loop3A_336 : vector<16xi32>
      %parallel_loop3A_338 = arith.constant 16 : i32
      %parallel_loop3A_339 = arith.muli %parallel_loop3A_279, %parallel_loop3A_338 : i32
      %parallel_loop3A_340 = arith.constant 1024 : i32
      %parallel_loop3A_341 = arith.addi %parallel_loop3A_340, %parallel_loop3A_339 : i32
      %parallel_loop3A_342 = arith.index_cast %parallel_loop3A_341 : i32 to index
      %parallel_loop3A_343 = tpu.vector_load %arg7[%parallel_loop3A_342] {strides = array<i32>} : memref<2048xi32, #tpu.memory_space<vmem>>, vector<16xi32>,
      %parallel_loop3A_344 = arith.addi %parallel_loop3A_337, %parallel_loop3A_343 : vector<16xi32>
      %parallel_loop3A_345 = arith.constant 16 : i32
      %parallel_loop3A_346 = arith.muli %parallel_loop3A_279, %parallel_loop3A_345 : i32
      %parallel_loop3A_347 = arith.constant 1152 : i32
      %parallel_loop3A_348 = arith.addi %parallel_loop3A_347, %parallel_loop3A_346 : i32
      %parallel_loop3A_349 = arith.index_cast %parallel_loop3A_348 : i32 to index
      %parallel_loop3A_350 = tpu.vector_load %arg7[%parallel_loop3A_349] {strides = array<i32>} : memref<2048xi32, #tpu.memory_space<vmem>>, vector<16xi32>,
      %parallel_loop3A_351 = arith.addi %parallel_loop3A_344, %parallel_loop3A_350 : vector<16xi32>
      %parallel_loop3A_352 = arith.constant 16 : i32
      %parallel_loop3A_353 = arith.muli %parallel_loop3A_279, %parallel_loop3A_352 : i32
      %parallel_loop3A_354 = arith.constant 1280 : i32
      %parallel_loop3A_355 = arith.addi %parallel_loop3A_354, %parallel_loop3A_353 : i32
      %parallel_loop3A_356 = arith.index_cast %parallel_loop3A_355 : i32 to index
      %parallel_loop3A_357 = tpu.vector_load %arg7[%parallel_loop3A_356] {strides = array<i32>} : memref<2048xi32, #tpu.memory_space<vmem>>, vector<16xi32>,
      %parallel_loop3A_358 = arith.addi %parallel_loop3A_351, %parallel_loop3A_357 : vector<16xi32>
      %parallel_loop3A_359 = arith.constant 16 : i32
      %parallel_loop3A_360 = arith.muli %parallel_loop3A_279, %parallel_loop3A_359 : i32
      %parallel_loop3A_361 = arith.constant 1408 : i32
      %parallel_loop3A_362 = arith.addi %parallel_loop3A_361, %parallel_loop3A_360 : i32
      %parallel_loop3A_363 = arith.index_cast %parallel_loop3A_362 : i32 to index
      %parallel_loop3A_364 = tpu.vector_load %arg7[%parallel_loop3A_363] {strides = array<i32>} : memref<2048xi32, #tpu.memory_space<vmem>>, vector<16xi32>,
      %parallel_loop3A_365 = arith.addi %parallel_loop3A_358, %parallel_loop3A_364 : vector<16xi32>
      %parallel_loop3A_366 = arith.constant 16 : i32
      %parallel_loop3A_367 = arith.muli %parallel_loop3A_279, %parallel_loop3A_366 : i32
      %parallel_loop3A_368 = arith.constant 1536 : i32
      %parallel_loop3A_369 = arith.addi %parallel_loop3A_368, %parallel_loop3A_367 : i32
      %parallel_loop3A_370 = arith.index_cast %parallel_loop3A_369 : i32 to index
      %parallel_loop3A_371 = tpu.vector_load %arg7[%parallel_loop3A_370] {strides = array<i32>} : memref<2048xi32, #tpu.memory_space<vmem>>, vector<16xi32>,
      %parallel_loop3A_372 = arith.addi %parallel_loop3A_365, %parallel_loop3A_371 : vector<16xi32>
      %parallel_loop3A_373 = arith.constant 16 : i32
      %parallel_loop3A_374 = arith.muli %parallel_loop3A_279, %parallel_loop3A_373 : i32
      %parallel_loop3A_375 = arith.constant 1664 : i32
      %parallel_loop3A_376 = arith.addi %parallel_loop3A_375, %parallel_loop3A_374 : i32
      %parallel_loop3A_377 = arith.index_cast %parallel_loop3A_376 : i32 to index
      %parallel_loop3A_378 = tpu.vector_load %arg7[%parallel_loop3A_377] {strides = array<i32>} : memref<2048xi32, #tpu.memory_space<vmem>>, vector<16xi32>,
      %parallel_loop3A_379 = arith.addi %parallel_loop3A_372, %parallel_loop3A_378 : vector<16xi32>
      %parallel_loop3A_380 = arith.constant 16 : i32
      %parallel_loop3A_381 = arith.muli %parallel_loop3A_279, %parallel_loop3A_380 : i32
      %parallel_loop3A_382 = arith.constant 1792 : i32
      %parallel_loop3A_383 = arith.addi %parallel_loop3A_382, %parallel_loop3A_381 : i32
      %parallel_loop3A_384 = arith.index_cast %parallel_loop3A_383 : i32 to index
      %parallel_loop3A_385 = tpu.vector_load %arg7[%parallel_loop3A_384] {strides = array<i32>} : memref<2048xi32, #tpu.memory_space<vmem>>, vector<16xi32>,
      %parallel_loop3A_386 = arith.addi %parallel_loop3A_379, %parallel_loop3A_385 : vector<16xi32>
      %parallel_loop3A_387 = arith.constant 16 : i32
      %parallel_loop3A_388 = arith.muli %parallel_loop3A_279, %parallel_loop3A_387 : i32
      %parallel_loop3A_389 = arith.constant 1920 : i32
      %parallel_loop3A_390 = arith.addi %parallel_loop3A_389, %parallel_loop3A_388 : i32
      %parallel_loop3A_391 = arith.index_cast %parallel_loop3A_390 : i32 to index
      %parallel_loop3A_392 = tpu.vector_load %arg7[%parallel_loop3A_391] {strides = array<i32>} : memref<2048xi32, #tpu.memory_space<vmem>>, vector<16xi32>,
      %parallel_loop3A_393 = arith.addi %parallel_loop3A_386, %parallel_loop3A_392 : vector<16xi32>
      %parallel_loop3A_394 = arith.constant 16 : i32
      %parallel_loop3A_395 = arith.muli %parallel_loop3A_279, %parallel_loop3A_394 : i32
      %parallel_loop3A_396 = arith.index_cast %parallel_loop3A_395 : i32 to index
      %parallel_loop3A_397 = tpu.vector_load %arg6[%parallel_loop3A_396] {strides = array<i32>} : memref<2048xi32, #tpu.memory_space<vmem>>, vector<16xi32>,
      tpu.vector_store %arg6[%parallel_loop3A_396], %parallel_loop3A_393 {strides = array<i32>} : memref<2048xi32, #tpu.memory_space<vmem>>, vector<16xi32>,
    } {sc.loop_unroll_factor = 2 : i64, sc.parallel_access}
    %mul3A_153 = arith.constant 128 : i32
    %mul3A_154 = arith.muli %arg1, %mul3A_153 : i32
    "tpu.region"() ({
      %run_scoped3A_279 = tpu.sem_alloc : memref<!tpu.dma_semaphore, #tpu.memory_space<semaphore_mem>>
      %dma_start3A_280 = arith.constant 0 : i32
      %dma_start3A_281 = tpu.memref_slice %arg6[%dma_start3A_280] : memref<2048xi32, #tpu.memory_space<vmem>> -> memref<128xi32, #tpu.memory_space<vmem>>
      %dma_start3A_282 = tpu.memref_slice %arg13[%mul3A_154] : memref<2048xi32, #tpu.memory_space<vmem_shared>> -> memref<128xi32, #tpu.memory_space<vmem_shared>>
      %dma_start3A_283 = tpu.memref_slice %arg13[%mul3A_154] : memref<2048xi32, #tpu.memory_space<vmem_shared>> -> memref<128xi32, #tpu.memory_space<vmem_shared>>
      %dma_start3A_284 = arith.constant 0 : i32
      %dma_start3A_285 = tpu.memref_slice %arg6[%dma_start3A_284] : memref<2048xi32, #tpu.memory_space<vmem>> -> memref<128xi32, #tpu.memory_space<vmem>>
      tpu.enqueue_dma source(%dma_start3A_285 : memref<128xi32, #tpu.memory_space<vmem>>) target(%dma_start3A_283 : memref<128xi32, #tpu.memory_space<vmem_shared>>) target_semaphore(%run_scoped3A_279 : memref<!tpu.dma_semaphore, #tpu.memory_space<semaphore_mem>>)
      %dma_wait3A_286 = arith.constant 0 : i32
      %dma_wait3A_287 = tpu.memref_slice %arg6[%dma_wait3A_286] : memref<2048xi32, #tpu.memory_space<vmem>> -> memref<128xi32, #tpu.memory_space<vmem>>
      %dma_wait3A_288 = tpu.memref_slice %arg13[%mul3A_154] : memref<2048xi32, #tpu.memory_space<vmem_shared>> -> memref<128xi32, #tpu.memory_space<vmem_shared>>
      %dma_wait3A_289 = tpu.memref_slice %arg13[%mul3A_154] : memref<2048xi32, #tpu.memory_space<vmem_shared>> -> memref<128xi32, #tpu.memory_space<vmem_shared>>
      %dma_wait3A_290 = arith.constant 0 : i32
      %dma_wait3A_291 = tpu.memref_slice %arg6[%dma_wait3A_290] : memref<2048xi32, #tpu.memory_space<vmem>> -> memref<128xi32, #tpu.memory_space<vmem>>
      tpu.wait_dma2 semaphore(%run_scoped3A_279 : memref<!tpu.dma_semaphore, #tpu.memory_space<semaphore_mem>>) src(%dma_wait3A_291 : memref<128xi32, #tpu.memory_space<vmem>>) dst(%dma_wait3A_289 : memref<128xi32, #tpu.memory_space<vmem_shared>>)
      tpu.yield
    }) : () -> ()
    %barrier3A_155 = arith.constant 0 : index
    tpu.barrier barrier_id(%barrier3A_155)
    "tpu.region"() ({
      %run_scoped3A_279 = tpu.sem_alloc : memref<!tpu.dma_semaphore, #tpu.memory_space<semaphore_mem>>
      %dma_start3A_280 = arith.constant 0 : i32
      %dma_start3A_281 = tpu.memref_slice %arg6[%dma_start3A_280] : memref<2048xi32, #tpu.memory_space<vmem>> -> memref<2048xi32, #tpu.memory_space<vmem>>
      %dma_start3A_282 = arith.constant 0 : i32
      %dma_start3A_283 = tpu.memref_slice %arg13[%dma_start3A_282] : memref<2048xi32, #tpu.memory_space<vmem_shared>> -> memref<2048xi32, #tpu.memory_space<vmem_shared>>
      %dma_start3A_284 = arith.constant 0 : i32
      %dma_start3A_285 = tpu.memref_slice %arg6[%dma_start3A_284] : memref<2048xi32, #tpu.memory_space<vmem>> -> memref<2048xi32, #tpu.memory_space<vmem>>
      %dma_start3A_286 = arith.constant 0 : i32
      %dma_start3A_287 = tpu.memref_slice %arg13[%dma_start3A_286] : memref<2048xi32, #tpu.memory_space<vmem_shared>> -> memref<2048xi32, #tpu.memory_space<vmem_shared>>
      tpu.enqueue_dma source(%dma_start3A_287 : memref<2048xi32, #tpu.memory_space<vmem_shared>>) target(%dma_start3A_285 : memref<2048xi32, #tpu.memory_space<vmem>>) target_semaphore(%run_scoped3A_279 : memref<!tpu.dma_semaphore, #tpu.memory_space<semaphore_mem>>)
      %dma_wait3A_288 = arith.constant 0 : i32
      %dma_wait3A_289 = tpu.memref_slice %arg6[%dma_wait3A_288] : memref<2048xi32, #tpu.memory_space<vmem>> -> memref<2048xi32, #tpu.memory_space<vmem>>
      %dma_wait3A_290 = arith.constant 0 : i32
      %dma_wait3A_291 = tpu.memref_slice %arg13[%dma_wait3A_290] : memref<2048xi32, #tpu.memory_space<vmem_shared>> -> memref<2048xi32, #tpu.memory_space<vmem_shared>>
      %dma_wait3A_292 = arith.constant 0 : i32
      %dma_wait3A_293 = tpu.memref_slice %arg6[%dma_wait3A_292] : memref<2048xi32, #tpu.memory_space<vmem>> -> memref<2048xi32, #tpu.memory_space<vmem>>
      %dma_wait3A_294 = arith.constant 0 : i32
      %dma_wait3A_295 = tpu.memref_slice %arg13[%dma_wait3A_294] : memref<2048xi32, #tpu.memory_space<vmem_shared>> -> memref<2048xi32, #tpu.memory_space<vmem_shared>>
      tpu.wait_dma2 semaphore(%run_scoped3A_279 : memref<!tpu.dma_semaphore, #tpu.memory_space<semaphore_mem>>) src(%dma_wait3A_295 : memref<2048xi32, #tpu.memory_space<vmem_shared>>) dst(%dma_wait3A_293 : memref<2048xi32, #tpu.memory_space<vmem>>)
      tpu.yield
    }) : () -> ()
    %broadcast_in_dim3A_156 = vector.broadcast %sub3A_91 : i32 to vector<16xi32>
    %scan3A_157 = arith.constant 0 : i32
    %scan3A_158 = arith.constant 128 : i32
    %scan3A_159 = arith.addi %scan3A_157, %scan3A_158 : i32
    %scan3A_160 = arith.constant 1 : i32
    %scan3A_161:3 = scf.for %scan3A_279 = %scan3A_157 to %scan3A_159 step %scan3A_160 iter_args(%scan3A_280 = %broadcast_in_dim3A_9, %scan3A_281 = %broadcast_in_dim3A_9, %scan3A_282 = %broadcast_in_dim3A_9) -> (vector<16xi32>, vector<16xi32>, vector<16xi32>)  : i32 {
      %mul3A_283 = arith.constant 16 : i32
      %mul3A_284 = arith.muli %scan3A_279, %mul3A_283 : i32
      %get3A = arith.index_cast %mul3A_284 : i32 to index
      %get3A_285 = tpu.vector_load %arg6[%get3A] {strides = array<i32>} : memref<2048xi32, #tpu.memory_space<vmem>>, vector<16xi32>,
      %broadcast_in_dim3A_286 = arith.constant true
      %broadcast_in_dim3A_287 = vector.broadcast %broadcast_in_dim3A_286 : i1 to vector<16xi1>
      %masked_cumsum3A = tpu.scan <sum>, %get3A_285 masked %broadcast_in_dim3A_287 : vector<16xi32>, vector<16xi1> -> vector<16xi32>
      %add3A_288 = arith.addi %masked_cumsum3A, %scan3A_280 : vector<16xi32>
      %lt3A = arith.cmpi slt, %add3A_288, %broadcast_in_dim3A_156 : vector<16xi32>
      %convert_element_type3A_289 = arith.extui %lt3A : vector<16xi1> to vector<16xi32>
      %add3A_290 = arith.addi %scan3A_281, %convert_element_type3A_289 : vector<16xi32>
      %mul3A_291 = arith.muli %convert_element_type3A_289, %get3A_285 : vector<16xi32>
      %add3A_292 = arith.addi %scan3A_282, %mul3A_291 : vector<16xi32>
      %broadcast_in_dim3A_293 = vector.shape_cast %broadcast_in_dim3A_0 : vector<16xi32> to vector<16x1xi32>
      %gather3A = vector.shape_cast %broadcast_in_dim3A_293 : vector<16x1xi32> to vector<16xi32>
      %gather3A_294 = tpu.dynamic_gather %add3A_288[%gather3A] in [0] : vector<16xi32>, vector<16xi32> -> vector<16xi32>
      scf.yield %gather3A_294, %add3A_290, %add3A_292 : vector<16xi32>, vector<16xi32>, vector<16xi32>
    }
    %scan3A_162 = arith.constant 128 : i32
    %reduce_sum3A_163 = arith.constant true
    %reduce_sum3A_164 = vector.broadcast %reduce_sum3A_163 : i1 to vector<16xi1>
    %reduce_sum3A_165 = tpu.scan <sum>, %scan3A_161#1 masked %reduce_sum3A_164 : vector<16xi32>, vector<16xi1> -> vector<16xi32>
    %reduce_sum3A_166 = vector.extract %reduce_sum3A_165[15] : i32 from vector<16xi32>
    %reduce_sum3A_167 = arith.constant true
    %reduce_sum3A_168 = vector.broadcast %reduce_sum3A_167 : i1 to vector<16xi1>
    %reduce_sum3A_169 = tpu.scan <sum>, %scan3A_161#2 masked %reduce_sum3A_168 : vector<16xi32>, vector<16xi1> -> vector<16xi32>
    %reduce_sum3A_170 = vector.extract %reduce_sum3A_169[15] : i32 from vector<16xi32>
    "tpu.trace_stop"() : () -> ()
    %sub3A_171 = arith.subi %sub3A_91, %reduce_sum3A_170 : i32
    %mul3A_172 = arith.constant 2048 : i32
    %mul3A_173 = arith.muli %sub3A_93, %mul3A_172 : i32
    %add3A = arith.addi %mul3A_173, %reduce_sum3A_166 : i32
    %broadcast_in_dim3A_174 = vector.broadcast %add3A : i32 to vector<16xi32>
    %parallel_loop3A_175 = arith.constant 0 : i32
    %parallel_loop3A_176 = arith.constant 4096 : i32
    %parallel_loop3A_177 = arith.constant 1 : i32
    "tpu.trace_start"() <{level = 10 : i32, message = "ph_p3"}> : () -> ()
    scf.for %parallel_loop3A_279 = %parallel_loop3A_175 to %parallel_loop3A_176 step %parallel_loop3A_177  : i32 {
      %parallel_loop3A_280 = arith.constant 16 : i32
      %parallel_loop3A_281 = arith.muli %parallel_loop3A_279, %parallel_loop3A_280 : i32
      %parallel_loop3A_282 = arith.index_cast %parallel_loop3A_281 : i32 to index
      %parallel_loop3A_283 = tpu.vector_load %arg4[%parallel_loop3A_282] {strides = array<i32>} : memref<65536xf32, #tpu.memory_space<vmem>>, vector<16xf32>,
      %parallel_loop3A_284 = vector.bitcast %parallel_loop3A_283 : vector<16xf32> to vector<16xi32>
      %parallel_loop3A_285 = arith.constant 10 : i32
      %parallel_loop3A_286 = vector.broadcast %parallel_loop3A_285 : i32 to vector<16xi32>
      %parallel_loop3A_287 = arith.shrsi %parallel_loop3A_284, %parallel_loop3A_286 : vector<16xi32>
      %parallel_loop3A_288 = arith.cmpi eq, %parallel_loop3A_287, %broadcast_in_dim3A_174 : vector<16xi32>
      %parallel_loop3A_289 = arith.constant 1023 : i32
      %parallel_loop3A_290 = vector.broadcast %parallel_loop3A_289 : i32 to vector<16xi32>
      %parallel_loop3A_291 = arith.andi %parallel_loop3A_284, %parallel_loop3A_290 : vector<16xi32>
      %parallel_loop3A_292 = arith.addi %mul3A_5, %parallel_loop3A_291 : vector<16xi32>
      tpu.vector_store_idx %arg5[%parallel_loop3A_292], %broadcast_in_dim3A_7 masked %parallel_loop3A_288 {add = true} : memref<32768xi32, #tpu.memory_space<vmem>>[vector<16xi32>], vector<16xi32>, vector<16xi1>
    } {sc.loop_unroll_factor = 8 : i64, sc.parallel_access}
    %parallel_loop3A_178 = arith.constant 0 : i32
    %parallel_loop3A_179 = arith.constant 64 : i32
    %parallel_loop3A_180 = arith.constant 1 : i32
    "tpu.trace_stop"() : () -> ()
    "tpu.trace_start"() <{level = 10 : i32, message = "ph_m3"}> : () -> ()
    scf.for %parallel_loop3A_279 = %parallel_loop3A_178 to %parallel_loop3A_179 step %parallel_loop3A_180  : i32 {
      %parallel_loop3A_280 = arith.constant 0 : i32
      %parallel_loop3A_281 = vector.broadcast %parallel_loop3A_280 : i32 to vector<16xi32>
      %parallel_loop3A_282 = arith.constant 16 : i32
      %parallel_loop3A_283 = arith.muli %parallel_loop3A_279, %parallel_loop3A_282 : i32
      %parallel_loop3A_284 = arith.constant 0 : i32
      %parallel_loop3A_285 = arith.addi %parallel_loop3A_284, %parallel_loop3A_283 : i32
      %parallel_loop3A_286 = arith.index_cast %parallel_loop3A_285 : i32 to index
      %parallel_loop3A_287 = tpu.vector_load %arg5[%parallel_loop3A_286] {strides = array<i32>} : memref<32768xi32, #tpu.memory_space<vmem>>, vector<16xi32>,
      %parallel_loop3A_288 = arith.addi %parallel_loop3A_281, %parallel_loop3A_287 : vector<16xi32>
      %parallel_loop3A_289 = arith.constant 16 : i32
      %parallel_loop3A_290 = arith.muli %parallel_loop3A_279, %parallel_loop3A_289 : i32
      %parallel_loop3A_291 = arith.constant 0 : i32
      %parallel_loop3A_292 = arith.addi %parallel_loop3A_291, %parallel_loop3A_290 : i32
      %parallel_loop3A_293 = arith.index_cast %parallel_loop3A_292 : i32 to index
      %parallel_loop3A_294 = tpu.vector_load %arg5[%parallel_loop3A_293] {strides = array<i32>} : memref<32768xi32, #tpu.memory_space<vmem>>, vector<16xi32>,
      tpu.vector_store %arg5[%parallel_loop3A_293], %broadcast_in_dim3A_9 {strides = array<i32>} : memref<32768xi32, #tpu.memory_space<vmem>>, vector<16xi32>,
      %parallel_loop3A_295 = arith.constant 16 : i32
      %parallel_loop3A_296 = arith.muli %parallel_loop3A_279, %parallel_loop3A_295 : i32
      %parallel_loop3A_297 = arith.constant 1024 : i32
      %parallel_loop3A_298 = arith.addi %parallel_loop3A_297, %parallel_loop3A_296 : i32
      %parallel_loop3A_299 = arith.index_cast %parallel_loop3A_298 : i32 to index
      %parallel_loop3A_300 = tpu.vector_load %arg5[%parallel_loop3A_299] {strides = array<i32>} : memref<32768xi32, #tpu.memory_space<vmem>>, vector<16xi32>,
      %parallel_loop3A_301 = arith.addi %parallel_loop3A_288, %parallel_loop3A_300 : vector<16xi32>
      %parallel_loop3A_302 = arith.constant 16 : i32
      %parallel_loop3A_303 = arith.muli %parallel_loop3A_279, %parallel_loop3A_302 : i32
      %parallel_loop3A_304 = arith.constant 1024 : i32
      %parallel_loop3A_305 = arith.addi %parallel_loop3A_304, %parallel_loop3A_303 : i32
      %parallel_loop3A_306 = arith.index_cast %parallel_loop3A_305 : i32 to index
      %parallel_loop3A_307 = tpu.vector_load %arg5[%parallel_loop3A_306] {strides = array<i32>} : memref<32768xi32, #tpu.memory_space<vmem>>, vector<16xi32>,
      tpu.vector_store %arg5[%parallel_loop3A_306], %broadcast_in_dim3A_9 {strides = array<i32>} : memref<32768xi32, #tpu.memory_space<vmem>>, vector<16xi32>,
      %parallel_loop3A_308 = arith.constant 16 : i32
      %parallel_loop3A_309 = arith.muli %parallel_loop3A_279, %parallel_loop3A_308 : i32
      %parallel_loop3A_310 = arith.constant 2048 : i32
      %parallel_loop3A_311 = arith.addi %parallel_loop3A_310, %parallel_loop3A_309 : i32
      %parallel_loop3A_312 = arith.index_cast %parallel_loop3A_311 : i32 to index
      %parallel_loop3A_313 = tpu.vector_load %arg5[%parallel_loop3A_312] {strides = array<i32>} : memref<32768xi32, #tpu.memory_space<vmem>>, vector<16xi32>,
      %parallel_loop3A_314 = arith.addi %parallel_loop3A_301, %parallel_loop3A_313 : vector<16xi32>
      %parallel_loop3A_315 = arith.constant 16 : i32
      %parallel_loop3A_316 = arith.muli %parallel_loop3A_279, %parallel_loop3A_315 : i32
      %parallel_loop3A_317 = arith.constant 2048 : i32
      %parallel_loop3A_318 = arith.addi %parallel_loop3A_317, %parallel_loop3A_316 : i32
      %parallel_loop3A_319 = arith.index_cast %parallel_loop3A_318 : i32 to index
      %parallel_loop3A_320 = tpu.vector_load %arg5[%parallel_loop3A_319] {strides = array<i32>} : memref<32768xi32, #tpu.memory_space<vmem>>, vector<16xi32>,
      tpu.vector_store %arg5[%parallel_loop3A_319], %broadcast_in_dim3A_9 {strides = array<i32>} : memref<32768xi32, #tpu.memory_space<vmem>>, vector<16xi32>,
      %parallel_loop3A_321 = arith.constant 16 : i32
      %parallel_loop3A_322 = arith.muli %parallel_loop3A_279, %parallel_loop3A_321 : i32
      %parallel_loop3A_323 = arith.constant 3072 : i32
      %parallel_loop3A_324 = arith.addi %parallel_loop3A_323, %parallel_loop3A_322 : i32
      %parallel_loop3A_325 = arith.index_cast %parallel_loop3A_324 : i32 to index
      %parallel_loop3A_326 = tpu.vector_load %arg5[%parallel_loop3A_325] {strides = array<i32>} : memref<32768xi32, #tpu.memory_space<vmem>>, vector<16xi32>,
      %parallel_loop3A_327 = arith.addi %parallel_loop3A_314, %parallel_loop3A_326 : vector<16xi32>
      %parallel_loop3A_328 = arith.constant 16 : i32
      %parallel_loop3A_329 = arith.muli %parallel_loop3A_279, %parallel_loop3A_328 : i32
      %parallel_loop3A_330 = arith.constant 3072 : i32
      %parallel_loop3A_331 = arith.addi %parallel_loop3A_330, %parallel_loop3A_329 : i32
      %parallel_loop3A_332 = arith.index_cast %parallel_loop3A_331 : i32 to index
      %parallel_loop3A_333 = tpu.vector_load %arg5[%parallel_loop3A_332] {strides = array<i32>} : memref<32768xi32, #tpu.memory_space<vmem>>, vector<16xi32>,
      tpu.vector_store %arg5[%parallel_loop3A_332], %broadcast_in_dim3A_9 {strides = array<i32>} : memref<32768xi32, #tpu.memory_space<vmem>>, vector<16xi32>,
      %parallel_loop3A_334 = arith.constant 16 : i32
      %parallel_loop3A_335 = arith.muli %parallel_loop3A_279, %parallel_loop3A_334 : i32
      %parallel_loop3A_336 = arith.constant 4096 : i32
      %parallel_loop3A_337 = arith.addi %parallel_loop3A_336, %parallel_loop3A_335 : i32
      %parallel_loop3A_338 = arith.index_cast %parallel_loop3A_337 : i32 to index
      %parallel_loop3A_339 = tpu.vector_load %arg5[%parallel_loop3A_338] {strides = array<i32>} : memref<32768xi32, #tpu.memory_space<vmem>>, vector<16xi32>,
      %parallel_loop3A_340 = arith.addi %parallel_loop3A_327, %parallel_loop3A_339 : vector<16xi32>
      %parallel_loop3A_341 = arith.constant 16 : i32
      %parallel_loop3A_342 = arith.muli %parallel_loop3A_279, %parallel_loop3A_341 : i32
      %parallel_loop3A_343 = arith.constant 4096 : i32
      %parallel_loop3A_344 = arith.addi %parallel_loop3A_343, %parallel_loop3A_342 : i32
      %parallel_loop3A_345 = arith.index_cast %parallel_loop3A_344 : i32 to index
      %parallel_loop3A_346 = tpu.vector_load %arg5[%parallel_loop3A_345] {strides = array<i32>} : memref<32768xi32, #tpu.memory_space<vmem>>, vector<16xi32>,
      tpu.vector_store %arg5[%parallel_loop3A_345], %broadcast_in_dim3A_9 {strides = array<i32>} : memref<32768xi32, #tpu.memory_space<vmem>>, vector<16xi32>,
      %parallel_loop3A_347 = arith.constant 16 : i32
      %parallel_loop3A_348 = arith.muli %parallel_loop3A_279, %parallel_loop3A_347 : i32
      %parallel_loop3A_349 = arith.constant 5120 : i32
      %parallel_loop3A_350 = arith.addi %parallel_loop3A_349, %parallel_loop3A_348 : i32
      %parallel_loop3A_351 = arith.index_cast %parallel_loop3A_350 : i32 to index
      %parallel_loop3A_352 = tpu.vector_load %arg5[%parallel_loop3A_351] {strides = array<i32>} : memref<32768xi32, #tpu.memory_space<vmem>>, vector<16xi32>,
      %parallel_loop3A_353 = arith.addi %parallel_loop3A_340, %parallel_loop3A_352 : vector<16xi32>
      %parallel_loop3A_354 = arith.constant 16 : i32
      %parallel_loop3A_355 = arith.muli %parallel_loop3A_279, %parallel_loop3A_354 : i32
      %parallel_loop3A_356 = arith.constant 5120 : i32
      %parallel_loop3A_357 = arith.addi %parallel_loop3A_356, %parallel_loop3A_355 : i32
      %parallel_loop3A_358 = arith.index_cast %parallel_loop3A_357 : i32 to index
      %parallel_loop3A_359 = tpu.vector_load %arg5[%parallel_loop3A_358] {strides = array<i32>} : memref<32768xi32, #tpu.memory_space<vmem>>, vector<16xi32>,
      tpu.vector_store %arg5[%parallel_loop3A_358], %broadcast_in_dim3A_9 {strides = array<i32>} : memref<32768xi32, #tpu.memory_space<vmem>>, vector<16xi32>,
      %parallel_loop3A_360 = arith.constant 16 : i32
      %parallel_loop3A_361 = arith.muli %parallel_loop3A_279, %parallel_loop3A_360 : i32
      %parallel_loop3A_362 = arith.constant 6144 : i32
      %parallel_loop3A_363 = arith.addi %parallel_loop3A_362, %parallel_loop3A_361 : i32
      %parallel_loop3A_364 = arith.index_cast %parallel_loop3A_363 : i32 to index
      %parallel_loop3A_365 = tpu.vector_load %arg5[%parallel_loop3A_364] {strides = array<i32>} : memref<32768xi32, #tpu.memory_space<vmem>>, vector<16xi32>,
      %parallel_loop3A_366 = arith.addi %parallel_loop3A_353, %parallel_loop3A_365 : vector<16xi32>
      %parallel_loop3A_367 = arith.constant 16 : i32
      %parallel_loop3A_368 = arith.muli %parallel_loop3A_279, %parallel_loop3A_367 : i32
      %parallel_loop3A_369 = arith.constant 6144 : i32
      %parallel_loop3A_370 = arith.addi %parallel_loop3A_369, %parallel_loop3A_368 : i32
      %parallel_loop3A_371 = arith.index_cast %parallel_loop3A_370 : i32 to index
      %parallel_loop3A_372 = tpu.vector_load %arg5[%parallel_loop3A_371] {strides = array<i32>} : memref<32768xi32, #tpu.memory_space<vmem>>, vector<16xi32>,
      tpu.vector_store %arg5[%parallel_loop3A_371], %broadcast_in_dim3A_9 {strides = array<i32>} : memref<32768xi32, #tpu.memory_space<vmem>>, vector<16xi32>,
      %parallel_loop3A_373 = arith.constant 16 : i32
      %parallel_loop3A_374 = arith.muli %parallel_loop3A_279, %parallel_loop3A_373 : i32
      %parallel_loop3A_375 = arith.constant 7168 : i32
      %parallel_loop3A_376 = arith.addi %parallel_loop3A_375, %parallel_loop3A_374 : i32
      %parallel_loop3A_377 = arith.index_cast %parallel_loop3A_376 : i32 to index
      %parallel_loop3A_378 = tpu.vector_load %arg5[%parallel_loop3A_377] {strides = array<i32>} : memref<32768xi32, #tpu.memory_space<vmem>>, vector<16xi32>,
      %parallel_loop3A_379 = arith.addi %parallel_loop3A_366, %parallel_loop3A_378 : vector<16xi32>
      %parallel_loop3A_380 = arith.constant 16 : i32
      %parallel_loop3A_381 = arith.muli %parallel_loop3A_279, %parallel_loop3A_380 : i32
      %parallel_loop3A_382 = arith.constant 7168 : i32
      %parallel_loop3A_383 = arith.addi %parallel_loop3A_382, %parallel_loop3A_381 : i32
      %parallel_loop3A_384 = arith.index_cast %parallel_loop3A_383 : i32 to index
      %parallel_loop3A_385 = tpu.vector_load %arg5[%parallel_loop3A_384] {strides = array<i32>} : memref<32768xi32, #tpu.memory_space<vmem>>, vector<16xi32>,
      tpu.vector_store %arg5[%parallel_loop3A_384], %broadcast_in_dim3A_9 {strides = array<i32>} : memref<32768xi32, #tpu.memory_space<vmem>>, vector<16xi32>,
      %parallel_loop3A_386 = arith.constant 16 : i32
      %parallel_loop3A_387 = arith.muli %parallel_loop3A_279, %parallel_loop3A_386 : i32
      %parallel_loop3A_388 = arith.constant 8192 : i32
      %parallel_loop3A_389 = arith.addi %parallel_loop3A_388, %parallel_loop3A_387 : i32
      %parallel_loop3A_390 = arith.index_cast %parallel_loop3A_389 : i32 to index
      %parallel_loop3A_391 = tpu.vector_load %arg5[%parallel_loop3A_390] {strides = array<i32>} : memref<32768xi32, #tpu.memory_space<vmem>>, vector<16xi32>,
      %parallel_loop3A_392 = arith.addi %parallel_loop3A_379, %parallel_loop3A_391 : vector<16xi32>
      %parallel_loop3A_393 = arith.constant 16 : i32
      %parallel_loop3A_394 = arith.muli %parallel_loop3A_279, %parallel_loop3A_393 : i32
      %parallel_loop3A_395 = arith.constant 8192 : i32
      %parallel_loop3A_396 = arith.addi %parallel_loop3A_395, %parallel_loop3A_394 : i32
      %parallel_loop3A_397 = arith.index_cast %parallel_loop3A_396 : i32 to index
      %parallel_loop3A_398 = tpu.vector_load %arg5[%parallel_loop3A_397] {strides = array<i32>} : memref<32768xi32, #tpu.memory_space<vmem>>, vector<16xi32>,
      tpu.vector_store %arg5[%parallel_loop3A_397], %broadcast_in_dim3A_9 {strides = array<i32>} : memref<32768xi32, #tpu.memory_space<vmem>>, vector<16xi32>,
      %parallel_loop3A_399 = arith.constant 16 : i32
      %parallel_loop3A_400 = arith.muli %parallel_loop3A_279, %parallel_loop3A_399 : i32
      %parallel_loop3A_401 = arith.constant 9216 : i32
      %parallel_loop3A_402 = arith.addi %parallel_loop3A_401, %parallel_loop3A_400 : i32
      %parallel_loop3A_403 = arith.index_cast %parallel_loop3A_402 : i32 to index
      %parallel_loop3A_404 = tpu.vector_load %arg5[%parallel_loop3A_403] {strides = array<i32>} : memref<32768xi32, #tpu.memory_space<vmem>>, vector<16xi32>,
      %parallel_loop3A_405 = arith.addi %parallel_loop3A_392, %parallel_loop3A_404 : vector<16xi32>
      %parallel_loop3A_406 = arith.constant 16 : i32
      %parallel_loop3A_407 = arith.muli %parallel_loop3A_279, %parallel_loop3A_406 : i32
      %parallel_loop3A_408 = arith.constant 9216 : i32
      %parallel_loop3A_409 = arith.addi %parallel_loop3A_408, %parallel_loop3A_407 : i32
      %parallel_loop3A_410 = arith.index_cast %parallel_loop3A_409 : i32 to index
      %parallel_loop3A_411 = tpu.vector_load %arg5[%parallel_loop3A_410] {strides = array<i32>} : memref<32768xi32, #tpu.memory_space<vmem>>, vector<16xi32>,
      tpu.vector_store %arg5[%parallel_loop3A_410], %broadcast_in_dim3A_9 {strides = array<i32>} : memref<32768xi32, #tpu.memory_space<vmem>>, vector<16xi32>,
      %parallel_loop3A_412 = arith.constant 16 : i32
      %parallel_loop3A_413 = arith.muli %parallel_loop3A_279, %parallel_loop3A_412 : i32
      %parallel_loop3A_414 = arith.constant 10240 : i32
      %parallel_loop3A_415 = arith.addi %parallel_loop3A_414, %parallel_loop3A_413 : i32
      %parallel_loop3A_416 = arith.index_cast %parallel_loop3A_415 : i32 to index
      %parallel_loop3A_417 = tpu.vector_load %arg5[%parallel_loop3A_416] {strides = array<i32>} : memref<32768xi32, #tpu.memory_space<vmem>>, vector<16xi32>,
      %parallel_loop3A_418 = arith.addi %parallel_loop3A_405, %parallel_loop3A_417 : vector<16xi32>
      %parallel_loop3A_419 = arith.constant 16 : i32
      %parallel_loop3A_420 = arith.muli %parallel_loop3A_279, %parallel_loop3A_419 : i32
      %parallel_loop3A_421 = arith.constant 10240 : i32
      %parallel_loop3A_422 = arith.addi %parallel_loop3A_421, %parallel_loop3A_420 : i32
      %parallel_loop3A_423 = arith.index_cast %parallel_loop3A_422 : i32 to index
      %parallel_loop3A_424 = tpu.vector_load %arg5[%parallel_loop3A_423] {strides = array<i32>} : memref<32768xi32, #tpu.memory_space<vmem>>, vector<16xi32>,
      tpu.vector_store %arg5[%parallel_loop3A_423], %broadcast_in_dim3A_9 {strides = array<i32>} : memref<32768xi32, #tpu.memory_space<vmem>>, vector<16xi32>,
      %parallel_loop3A_425 = arith.constant 16 : i32
      %parallel_loop3A_426 = arith.muli %parallel_loop3A_279, %parallel_loop3A_425 : i32
      %parallel_loop3A_427 = arith.constant 11264 : i32
      %parallel_loop3A_428 = arith.addi %parallel_loop3A_427, %parallel_loop3A_426 : i32
      %parallel_loop3A_429 = arith.index_cast %parallel_loop3A_428 : i32 to index
      %parallel_loop3A_430 = tpu.vector_load %arg5[%parallel_loop3A_429] {strides = array<i32>} : memref<32768xi32, #tpu.memory_space<vmem>>, vector<16xi32>,
      %parallel_loop3A_431 = arith.addi %parallel_loop3A_418, %parallel_loop3A_430 : vector<16xi32>
      %parallel_loop3A_432 = arith.constant 16 : i32
      %parallel_loop3A_433 = arith.muli %parallel_loop3A_279, %parallel_loop3A_432 : i32
      %parallel_loop3A_434 = arith.constant 11264 : i32
      %parallel_loop3A_435 = arith.addi %parallel_loop3A_434, %parallel_loop3A_433 : i32
      %parallel_loop3A_436 = arith.index_cast %parallel_loop3A_435 : i32 to index
      %parallel_loop3A_437 = tpu.vector_load %arg5[%parallel_loop3A_436] {strides = array<i32>} : memref<32768xi32, #tpu.memory_space<vmem>>, vector<16xi32>,
      tpu.vector_store %arg5[%parallel_loop3A_436], %broadcast_in_dim3A_9 {strides = array<i32>} : memref<32768xi32, #tpu.memory_space<vmem>>, vector<16xi32>,
      %parallel_loop3A_438 = arith.constant 16 : i32
      %parallel_loop3A_439 = arith.muli %parallel_loop3A_279, %parallel_loop3A_438 : i32
      %parallel_loop3A_440 = arith.constant 12288 : i32
      %parallel_loop3A_441 = arith.addi %parallel_loop3A_440, %parallel_loop3A_439 : i32
      %parallel_loop3A_442 = arith.index_cast %parallel_loop3A_441 : i32 to index
      %parallel_loop3A_443 = tpu.vector_load %arg5[%parallel_loop3A_442] {strides = array<i32>} : memref<32768xi32, #tpu.memory_space<vmem>>, vector<16xi32>,
      %parallel_loop3A_444 = arith.addi %parallel_loop3A_431, %parallel_loop3A_443 : vector<16xi32>
      %parallel_loop3A_445 = arith.constant 16 : i32
      %parallel_loop3A_446 = arith.muli %parallel_loop3A_279, %parallel_loop3A_445 : i32
      %parallel_loop3A_447 = arith.constant 12288 : i32
      %parallel_loop3A_448 = arith.addi %parallel_loop3A_447, %parallel_loop3A_446 : i32
      %parallel_loop3A_449 = arith.index_cast %parallel_loop3A_448 : i32 to index
      %parallel_loop3A_450 = tpu.vector_load %arg5[%parallel_loop3A_449] {strides = array<i32>} : memref<32768xi32, #tpu.memory_space<vmem>>, vector<16xi32>,
      tpu.vector_store %arg5[%parallel_loop3A_449], %broadcast_in_dim3A_9 {strides = array<i32>} : memref<32768xi32, #tpu.memory_space<vmem>>, vector<16xi32>,
      %parallel_loop3A_451 = arith.constant 16 : i32
      %parallel_loop3A_452 = arith.muli %parallel_loop3A_279, %parallel_loop3A_451 : i32
      %parallel_loop3A_453 = arith.constant 13312 : i32
      %parallel_loop3A_454 = arith.addi %parallel_loop3A_453, %parallel_loop3A_452 : i32
      %parallel_loop3A_455 = arith.index_cast %parallel_loop3A_454 : i32 to index
      %parallel_loop3A_456 = tpu.vector_load %arg5[%parallel_loop3A_455] {strides = array<i32>} : memref<32768xi32, #tpu.memory_space<vmem>>, vector<16xi32>,
      %parallel_loop3A_457 = arith.addi %parallel_loop3A_444, %parallel_loop3A_456 : vector<16xi32>
      %parallel_loop3A_458 = arith.constant 16 : i32
      %parallel_loop3A_459 = arith.muli %parallel_loop3A_279, %parallel_loop3A_458 : i32
      %parallel_loop3A_460 = arith.constant 13312 : i32
      %parallel_loop3A_461 = arith.addi %parallel_loop3A_460, %parallel_loop3A_459 : i32
      %parallel_loop3A_462 = arith.index_cast %parallel_loop3A_461 : i32 to index
      %parallel_loop3A_463 = tpu.vector_load %arg5[%parallel_loop3A_462] {strides = array<i32>} : memref<32768xi32, #tpu.memory_space<vmem>>, vector<16xi32>,
      tpu.vector_store %arg5[%parallel_loop3A_462], %broadcast_in_dim3A_9 {strides = array<i32>} : memref<32768xi32, #tpu.memory_space<vmem>>, vector<16xi32>,
      %parallel_loop3A_464 = arith.constant 16 : i32
      %parallel_loop3A_465 = arith.muli %parallel_loop3A_279, %parallel_loop3A_464 : i32
      %parallel_loop3A_466 = arith.constant 14336 : i32
      %parallel_loop3A_467 = arith.addi %parallel_loop3A_466, %parallel_loop3A_465 : i32
      %parallel_loop3A_468 = arith.index_cast %parallel_loop3A_467 : i32 to index
      %parallel_loop3A_469 = tpu.vector_load %arg5[%parallel_loop3A_468] {strides = array<i32>} : memref<32768xi32, #tpu.memory_space<vmem>>, vector<16xi32>,
      %parallel_loop3A_470 = arith.addi %parallel_loop3A_457, %parallel_loop3A_469 : vector<16xi32>
      %parallel_loop3A_471 = arith.constant 16 : i32
      %parallel_loop3A_472 = arith.muli %parallel_loop3A_279, %parallel_loop3A_471 : i32
      %parallel_loop3A_473 = arith.constant 14336 : i32
      %parallel_loop3A_474 = arith.addi %parallel_loop3A_473, %parallel_loop3A_472 : i32
      %parallel_loop3A_475 = arith.index_cast %parallel_loop3A_474 : i32 to index
      %parallel_loop3A_476 = tpu.vector_load %arg5[%parallel_loop3A_475] {strides = array<i32>} : memref<32768xi32, #tpu.memory_space<vmem>>, vector<16xi32>,
      tpu.vector_store %arg5[%parallel_loop3A_475], %broadcast_in_dim3A_9 {strides = array<i32>} : memref<32768xi32, #tpu.memory_space<vmem>>, vector<16xi32>,
      %parallel_loop3A_477 = arith.constant 16 : i32
      %parallel_loop3A_478 = arith.muli %parallel_loop3A_279, %parallel_loop3A_477 : i32
      %parallel_loop3A_479 = arith.constant 15360 : i32
      %parallel_loop3A_480 = arith.addi %parallel_loop3A_479, %parallel_loop3A_478 : i32
      %parallel_loop3A_481 = arith.index_cast %parallel_loop3A_480 : i32 to index
      %parallel_loop3A_482 = tpu.vector_load %arg5[%parallel_loop3A_481] {strides = array<i32>} : memref<32768xi32, #tpu.memory_space<vmem>>, vector<16xi32>,
      %parallel_loop3A_483 = arith.addi %parallel_loop3A_470, %parallel_loop3A_482 : vector<16xi32>
      %parallel_loop3A_484 = arith.constant 16 : i32
      %parallel_loop3A_485 = arith.muli %parallel_loop3A_279, %parallel_loop3A_484 : i32
      %parallel_loop3A_486 = arith.constant 15360 : i32
      %parallel_loop3A_487 = arith.addi %parallel_loop3A_486, %parallel_loop3A_485 : i32
      %parallel_loop3A_488 = arith.index_cast %parallel_loop3A_487 : i32 to index
      %parallel_loop3A_489 = tpu.vector_load %arg5[%parallel_loop3A_488] {strides = array<i32>} : memref<32768xi32, #tpu.memory_space<vmem>>, vector<16xi32>,
      tpu.vector_store %arg5[%parallel_loop3A_488], %broadcast_in_dim3A_9 {strides = array<i32>} : memref<32768xi32, #tpu.memory_space<vmem>>, vector<16xi32>,
      %parallel_loop3A_490 = arith.constant 16 : i32
      %parallel_loop3A_491 = arith.muli %parallel_loop3A_279, %parallel_loop3A_490 : i32
      %parallel_loop3A_492 = arith.index_cast %parallel_loop3A_491 : i32 to index
      %parallel_loop3A_493 = tpu.vector_load %arg6[%parallel_loop3A_492] {strides = array<i32>} : memref<2048xi32, #tpu.memory_space<vmem>>, vector<16xi32>,
      tpu.vector_store %arg6[%parallel_loop3A_492], %parallel_loop3A_483 {strides = array<i32>} : memref<2048xi32, #tpu.memory_space<vmem>>, vector<16xi32>,
    } {sc.loop_unroll_factor = 2 : i64, sc.parallel_access}
    "tpu.region"() ({
      %run_scoped3A_279 = tpu.sem_alloc : memref<!tpu.dma_semaphore, #tpu.memory_space<semaphore_mem>>
      %dma_start3A_280 = arith.constant 0 : i32
      %dma_start3A_281 = tpu.memref_slice %arg6[%dma_start3A_280] : memref<2048xi32, #tpu.memory_space<vmem>> -> memref<1024xi32, #tpu.memory_space<vmem>>
      %dma_start3A_282 = arith.constant 0 : i32
      %dma_start3A_283 = tpu.memref_slice %arg12[%arg1, %dma_start3A_282] : memref<16x2048xi32, #tpu.memory_space<vmem_shared>> -> memref<1x1024xi32, #tpu.memory_space<vmem_shared>>
      %dma_start3A_284 = tpu.memref_squeeze %dma_start3A_283 : memref<1x1024xi32, #tpu.memory_space<vmem_shared>> -> memref<1024xi32, #tpu.memory_space<vmem_shared>>
      %dma_start3A_285 = arith.constant 0 : i32
      %dma_start3A_286 = tpu.memref_slice %arg12[%arg1, %dma_start3A_285] : memref<16x2048xi32, #tpu.memory_space<vmem_shared>> -> memref<1x1024xi32, #tpu.memory_space<vmem_shared>>
      %dma_start3A_287 = tpu.memref_squeeze %dma_start3A_286 : memref<1x1024xi32, #tpu.memory_space<vmem_shared>> -> memref<1024xi32, #tpu.memory_space<vmem_shared>>
      %dma_start3A_288 = arith.constant 0 : i32
      %dma_start3A_289 = tpu.memref_slice %arg6[%dma_start3A_288] : memref<2048xi32, #tpu.memory_space<vmem>> -> memref<1024xi32, #tpu.memory_space<vmem>>
      tpu.enqueue_dma source(%dma_start3A_289 : memref<1024xi32, #tpu.memory_space<vmem>>) target(%dma_start3A_287 : memref<1024xi32, #tpu.memory_space<vmem_shared>>) target_semaphore(%run_scoped3A_279 : memref<!tpu.dma_semaphore, #tpu.memory_space<semaphore_mem>>)
      %dma_wait3A_290 = arith.constant 0 : i32
      %dma_wait3A_291 = tpu.memref_slice %arg6[%dma_wait3A_290] : memref<2048xi32, #tpu.memory_space<vmem>> -> memref<1024xi32, #tpu.memory_space<vmem>>
      %dma_wait3A_292 = arith.constant 0 : i32
      %dma_wait3A_293 = tpu.memref_slice %arg12[%arg1, %dma_wait3A_292] : memref<16x2048xi32, #tpu.memory_space<vmem_shared>> -> memref<1x1024xi32, #tpu.memory_space<vmem_shared>>
      %dma_wait3A_294 = tpu.memref_squeeze %dma_wait3A_293 : memref<1x1024xi32, #tpu.memory_space<vmem_shared>> -> memref<1024xi32, #tpu.memory_space<vmem_shared>>
      %dma_wait3A_295 = arith.constant 0 : i32
      %dma_wait3A_296 = tpu.memref_slice %arg12[%arg1, %dma_wait3A_295] : memref<16x2048xi32, #tpu.memory_space<vmem_shared>> -> memref<1x1024xi32, #tpu.memory_space<vmem_shared>>
      %dma_wait3A_297 = tpu.memref_squeeze %dma_wait3A_296 : memref<1x1024xi32, #tpu.memory_space<vmem_shared>> -> memref<1024xi32, #tpu.memory_space<vmem_shared>>
      %dma_wait3A_298 = arith.constant 0 : i32
      %dma_wait3A_299 = tpu.memref_slice %arg6[%dma_wait3A_298] : memref<2048xi32, #tpu.memory_space<vmem>> -> memref<1024xi32, #tpu.memory_space<vmem>>
      tpu.wait_dma2 semaphore(%run_scoped3A_279 : memref<!tpu.dma_semaphore, #tpu.memory_space<semaphore_mem>>) src(%dma_wait3A_299 : memref<1024xi32, #tpu.memory_space<vmem>>) dst(%dma_wait3A_297 : memref<1024xi32, #tpu.memory_space<vmem_shared>>)
      tpu.yield
    }) : () -> ()
    %barrier3A_181 = arith.constant 0 : index
    tpu.barrier barrier_id(%barrier3A_181)
    %mul3A_182 = arith.constant 64 : i32
    %mul3A_183 = arith.muli %arg1, %mul3A_182 : i32
    %run_scoped3A_184 = arith.constant 0 : i32
    "tpu.region"() ({
      %run_scoped3A_279 = tpu.sem_alloc : memref<!tpu.dma_semaphore, #tpu.memory_space<semaphore_mem>>
      %dma_start3A_280 = arith.constant 0 : i32
      %dma_start3A_281 = tpu.memref_slice %arg7[%dma_start3A_280] : memref<2048xi32, #tpu.memory_space<vmem>> -> memref<64xi32, #tpu.memory_space<vmem>>
      %dma_start3A_282 = tpu.memref_slice %arg12[%run_scoped3A_184, %mul3A_183] : memref<16x2048xi32, #tpu.memory_space<vmem_shared>> -> memref<1x64xi32, #tpu.memory_space<vmem_shared>>
      %dma_start3A_283 = tpu.memref_squeeze %dma_start3A_282 : memref<1x64xi32, #tpu.memory_space<vmem_shared>> -> memref<64xi32, #tpu.memory_space<vmem_shared>>
      %dma_start3A_284 = arith.constant 0 : i32
      %dma_start3A_285 = tpu.memref_slice %arg7[%dma_start3A_284] : memref<2048xi32, #tpu.memory_space<vmem>> -> memref<64xi32, #tpu.memory_space<vmem>>
      %dma_start3A_286 = tpu.memref_slice %arg12[%run_scoped3A_184, %mul3A_183] : memref<16x2048xi32, #tpu.memory_space<vmem_shared>> -> memref<1x64xi32, #tpu.memory_space<vmem_shared>>
      %dma_start3A_287 = tpu.memref_squeeze %dma_start3A_286 : memref<1x64xi32, #tpu.memory_space<vmem_shared>> -> memref<64xi32, #tpu.memory_space<vmem_shared>>
      tpu.enqueue_dma source(%dma_start3A_287 : memref<64xi32, #tpu.memory_space<vmem_shared>>) target(%dma_start3A_285 : memref<64xi32, #tpu.memory_space<vmem>>) target_semaphore(%run_scoped3A_279 : memref<!tpu.dma_semaphore, #tpu.memory_space<semaphore_mem>>)
      %dma_wait3A_288 = arith.constant 0 : i32
      %dma_wait3A_289 = tpu.memref_slice %arg7[%dma_wait3A_288] : memref<2048xi32, #tpu.memory_space<vmem>> -> memref<64xi32, #tpu.memory_space<vmem>>
      %dma_wait3A_290 = tpu.memref_slice %arg12[%run_scoped3A_184, %mul3A_183] : memref<16x2048xi32, #tpu.memory_space<vmem_shared>> -> memref<1x64xi32, #tpu.memory_space<vmem_shared>>
      %dma_wait3A_291 = tpu.memref_squeeze %dma_wait3A_290 : memref<1x64xi32, #tpu.memory_space<vmem_shared>> -> memref<64xi32, #tpu.memory_space<vmem_shared>>
      %dma_wait3A_292 = arith.constant 0 : i32
      %dma_wait3A_293 = tpu.memref_slice %arg7[%dma_wait3A_292] : memref<2048xi32, #tpu.memory_space<vmem>> -> memref<64xi32, #tpu.memory_space<vmem>>
      %dma_wait3A_294 = tpu.memref_slice %arg12[%run_scoped3A_184, %mul3A_183] : memref<16x2048xi32, #tpu.memory_space<vmem_shared>> -> memref<1x64xi32, #tpu.memory_space<vmem_shared>>
      %dma_wait3A_295 = tpu.memref_squeeze %dma_wait3A_294 : memref<1x64xi32, #tpu.memory_space<vmem_shared>> -> memref<64xi32, #tpu.memory_space<vmem_shared>>
      tpu.wait_dma2 semaphore(%run_scoped3A_279 : memref<!tpu.dma_semaphore, #tpu.memory_space<semaphore_mem>>) src(%dma_wait3A_295 : memref<64xi32, #tpu.memory_space<vmem_shared>>) dst(%dma_wait3A_293 : memref<64xi32, #tpu.memory_space<vmem>>)
      tpu.yield
    }) : () -> ()
    %mul3A_185 = arith.constant 64 : i32
    %mul3A_186 = arith.muli %arg1, %mul3A_185 : i32
    %run_scoped3A_187 = arith.constant 1 : i32
    "tpu.region"() ({
      %run_scoped3A_279 = tpu.sem_alloc : memref<!tpu.dma_semaphore, #tpu.memory_space<semaphore_mem>>
      %dma_start3A_280 = arith.constant 64 : i32
      %dma_start3A_281 = tpu.memref_slice %arg7[%dma_start3A_280] : memref<2048xi32, #tpu.memory_space<vmem>> -> memref<64xi32, #tpu.memory_space<vmem>>
      %dma_start3A_282 = tpu.memref_slice %arg12[%run_scoped3A_187, %mul3A_186] : memref<16x2048xi32, #tpu.memory_space<vmem_shared>> -> memref<1x64xi32, #tpu.memory_space<vmem_shared>>
      %dma_start3A_283 = tpu.memref_squeeze %dma_start3A_282 : memref<1x64xi32, #tpu.memory_space<vmem_shared>> -> memref<64xi32, #tpu.memory_space<vmem_shared>>
      %dma_start3A_284 = arith.constant 64 : i32
      %dma_start3A_285 = tpu.memref_slice %arg7[%dma_start3A_284] : memref<2048xi32, #tpu.memory_space<vmem>> -> memref<64xi32, #tpu.memory_space<vmem>>
      %dma_start3A_286 = tpu.memref_slice %arg12[%run_scoped3A_187, %mul3A_186] : memref<16x2048xi32, #tpu.memory_space<vmem_shared>> -> memref<1x64xi32, #tpu.memory_space<vmem_shared>>
      %dma_start3A_287 = tpu.memref_squeeze %dma_start3A_286 : memref<1x64xi32, #tpu.memory_space<vmem_shared>> -> memref<64xi32, #tpu.memory_space<vmem_shared>>
      tpu.enqueue_dma source(%dma_start3A_287 : memref<64xi32, #tpu.memory_space<vmem_shared>>) target(%dma_start3A_285 : memref<64xi32, #tpu.memory_space<vmem>>) target_semaphore(%run_scoped3A_279 : memref<!tpu.dma_semaphore, #tpu.memory_space<semaphore_mem>>)
      %dma_wait3A_288 = arith.constant 64 : i32
      %dma_wait3A_289 = tpu.memref_slice %arg7[%dma_wait3A_288] : memref<2048xi32, #tpu.memory_space<vmem>> -> memref<64xi32, #tpu.memory_space<vmem>>
      %dma_wait3A_290 = tpu.memref_slice %arg12[%run_scoped3A_187, %mul3A_186] : memref<16x2048xi32, #tpu.memory_space<vmem_shared>> -> memref<1x64xi32, #tpu.memory_space<vmem_shared>>
      %dma_wait3A_291 = tpu.memref_squeeze %dma_wait3A_290 : memref<1x64xi32, #tpu.memory_space<vmem_shared>> -> memref<64xi32, #tpu.memory_space<vmem_shared>>
      %dma_wait3A_292 = arith.constant 64 : i32
      %dma_wait3A_293 = tpu.memref_slice %arg7[%dma_wait3A_292] : memref<2048xi32, #tpu.memory_space<vmem>> -> memref<64xi32, #tpu.memory_space<vmem>>
      %dma_wait3A_294 = tpu.memref_slice %arg12[%run_scoped3A_187, %mul3A_186] : memref<16x2048xi32, #tpu.memory_space<vmem_shared>> -> memref<1x64xi32, #tpu.memory_space<vmem_shared>>
      %dma_wait3A_295 = tpu.memref_squeeze %dma_wait3A_294 : memref<1x64xi32, #tpu.memory_space<vmem_shared>> -> memref<64xi32, #tpu.memory_space<vmem_shared>>
      tpu.wait_dma2 semaphore(%run_scoped3A_279 : memref<!tpu.dma_semaphore, #tpu.memory_space<semaphore_mem>>) src(%dma_wait3A_295 : memref<64xi32, #tpu.memory_space<vmem_shared>>) dst(%dma_wait3A_293 : memref<64xi32, #tpu.memory_space<vmem>>)
      tpu.yield
    }) : () -> ()
    %mul3A_188 = arith.constant 64 : i32
    %mul3A_189 = arith.muli %arg1, %mul3A_188 : i32
    %run_scoped3A_190 = arith.constant 2 : i32
    "tpu.region"() ({
      %run_scoped3A_279 = tpu.sem_alloc : memref<!tpu.dma_semaphore, #tpu.memory_space<semaphore_mem>>
      %dma_start3A_280 = arith.constant 128 : i32
      %dma_start3A_281 = tpu.memref_slice %arg7[%dma_start3A_280] : memref<2048xi32, #tpu.memory_space<vmem>> -> memref<64xi32, #tpu.memory_space<vmem>>
      %dma_start3A_282 = tpu.memref_slice %arg12[%run_scoped3A_190, %mul3A_189] : memref<16x2048xi32, #tpu.memory_space<vmem_shared>> -> memref<1x64xi32, #tpu.memory_space<vmem_shared>>
      %dma_start3A_283 = tpu.memref_squeeze %dma_start3A_282 : memref<1x64xi32, #tpu.memory_space<vmem_shared>> -> memref<64xi32, #tpu.memory_space<vmem_shared>>
      %dma_start3A_284 = arith.constant 128 : i32
      %dma_start3A_285 = tpu.memref_slice %arg7[%dma_start3A_284] : memref<2048xi32, #tpu.memory_space<vmem>> -> memref<64xi32, #tpu.memory_space<vmem>>
      %dma_start3A_286 = tpu.memref_slice %arg12[%run_scoped3A_190, %mul3A_189] : memref<16x2048xi32, #tpu.memory_space<vmem_shared>> -> memref<1x64xi32, #tpu.memory_space<vmem_shared>>
      %dma_start3A_287 = tpu.memref_squeeze %dma_start3A_286 : memref<1x64xi32, #tpu.memory_space<vmem_shared>> -> memref<64xi32, #tpu.memory_space<vmem_shared>>
      tpu.enqueue_dma source(%dma_start3A_287 : memref<64xi32, #tpu.memory_space<vmem_shared>>) target(%dma_start3A_285 : memref<64xi32, #tpu.memory_space<vmem>>) target_semaphore(%run_scoped3A_279 : memref<!tpu.dma_semaphore, #tpu.memory_space<semaphore_mem>>)
      %dma_wait3A_288 = arith.constant 128 : i32
      %dma_wait3A_289 = tpu.memref_slice %arg7[%dma_wait3A_288] : memref<2048xi32, #tpu.memory_space<vmem>> -> memref<64xi32, #tpu.memory_space<vmem>>
      %dma_wait3A_290 = tpu.memref_slice %arg12[%run_scoped3A_190, %mul3A_189] : memref<16x2048xi32, #tpu.memory_space<vmem_shared>> -> memref<1x64xi32, #tpu.memory_space<vmem_shared>>
      %dma_wait3A_291 = tpu.memref_squeeze %dma_wait3A_290 : memref<1x64xi32, #tpu.memory_space<vmem_shared>> -> memref<64xi32, #tpu.memory_space<vmem_shared>>
      %dma_wait3A_292 = arith.constant 128 : i32
      %dma_wait3A_293 = tpu.memref_slice %arg7[%dma_wait3A_292] : memref<2048xi32, #tpu.memory_space<vmem>> -> memref<64xi32, #tpu.memory_space<vmem>>
      %dma_wait3A_294 = tpu.memref_slice %arg12[%run_scoped3A_190, %mul3A_189] : memref<16x2048xi32, #tpu.memory_space<vmem_shared>> -> memref<1x64xi32, #tpu.memory_space<vmem_shared>>
      %dma_wait3A_295 = tpu.memref_squeeze %dma_wait3A_294 : memref<1x64xi32, #tpu.memory_space<vmem_shared>> -> memref<64xi32, #tpu.memory_space<vmem_shared>>
      tpu.wait_dma2 semaphore(%run_scoped3A_279 : memref<!tpu.dma_semaphore, #tpu.memory_space<semaphore_mem>>) src(%dma_wait3A_295 : memref<64xi32, #tpu.memory_space<vmem_shared>>) dst(%dma_wait3A_293 : memref<64xi32, #tpu.memory_space<vmem>>)
      tpu.yield
    }) : () -> ()
    %mul3A_191 = arith.constant 64 : i32
    %mul3A_192 = arith.muli %arg1, %mul3A_191 : i32
    %run_scoped3A_193 = arith.constant 3 : i32
    "tpu.region"() ({
      %run_scoped3A_279 = tpu.sem_alloc : memref<!tpu.dma_semaphore, #tpu.memory_space<semaphore_mem>>
      %dma_start3A_280 = arith.constant 192 : i32
      %dma_start3A_281 = tpu.memref_slice %arg7[%dma_start3A_280] : memref<2048xi32, #tpu.memory_space<vmem>> -> memref<64xi32, #tpu.memory_space<vmem>>
      %dma_start3A_282 = tpu.memref_slice %arg12[%run_scoped3A_193, %mul3A_192] : memref<16x2048xi32, #tpu.memory_space<vmem_shared>> -> memref<1x64xi32, #tpu.memory_space<vmem_shared>>
      %dma_start3A_283 = tpu.memref_squeeze %dma_start3A_282 : memref<1x64xi32, #tpu.memory_space<vmem_shared>> -> memref<64xi32, #tpu.memory_space<vmem_shared>>
      %dma_start3A_284 = arith.constant 192 : i32
      %dma_start3A_285 = tpu.memref_slice %arg7[%dma_start3A_284] : memref<2048xi32, #tpu.memory_space<vmem>> -> memref<64xi32, #tpu.memory_space<vmem>>
      %dma_start3A_286 = tpu.memref_slice %arg12[%run_scoped3A_193, %mul3A_192] : memref<16x2048xi32, #tpu.memory_space<vmem_shared>> -> memref<1x64xi32, #tpu.memory_space<vmem_shared>>
      %dma_start3A_287 = tpu.memref_squeeze %dma_start3A_286 : memref<1x64xi32, #tpu.memory_space<vmem_shared>> -> memref<64xi32, #tpu.memory_space<vmem_shared>>
      tpu.enqueue_dma source(%dma_start3A_287 : memref<64xi32, #tpu.memory_space<vmem_shared>>) target(%dma_start3A_285 : memref<64xi32, #tpu.memory_space<vmem>>) target_semaphore(%run_scoped3A_279 : memref<!tpu.dma_semaphore, #tpu.memory_space<semaphore_mem>>)
      %dma_wait3A_288 = arith.constant 192 : i32
      %dma_wait3A_289 = tpu.memref_slice %arg7[%dma_wait3A_288] : memref<2048xi32, #tpu.memory_space<vmem>> -> memref<64xi32, #tpu.memory_space<vmem>>
      %dma_wait3A_290 = tpu.memref_slice %arg12[%run_scoped3A_193, %mul3A_192] : memref<16x2048xi32, #tpu.memory_space<vmem_shared>> -> memref<1x64xi32, #tpu.memory_space<vmem_shared>>
      %dma_wait3A_291 = tpu.memref_squeeze %dma_wait3A_290 : memref<1x64xi32, #tpu.memory_space<vmem_shared>> -> memref<64xi32, #tpu.memory_space<vmem_shared>>
      %dma_wait3A_292 = arith.constant 192 : i32
      %dma_wait3A_293 = tpu.memref_slice %arg7[%dma_wait3A_292] : memref<2048xi32, #tpu.memory_space<vmem>> -> memref<64xi32, #tpu.memory_space<vmem>>
      %dma_wait3A_294 = tpu.memref_slice %arg12[%run_scoped3A_193, %mul3A_192] : memref<16x2048xi32, #tpu.memory_space<vmem_shared>> -> memref<1x64xi32, #tpu.memory_space<vmem_shared>>
      %dma_wait3A_295 = tpu.memref_squeeze %dma_wait3A_294 : memref<1x64xi32, #tpu.memory_space<vmem_shared>> -> memref<64xi32, #tpu.memory_space<vmem_shared>>
      tpu.wait_dma2 semaphore(%run_scoped3A_279 : memref<!tpu.dma_semaphore, #tpu.memory_space<semaphore_mem>>) src(%dma_wait3A_295 : memref<64xi32, #tpu.memory_space<vmem_shared>>) dst(%dma_wait3A_293 : memref<64xi32, #tpu.memory_space<vmem>>)
      tpu.yield
    }) : () -> ()
    %mul3A_194 = arith.constant 64 : i32
    %mul3A_195 = arith.muli %arg1, %mul3A_194 : i32
    %run_scoped3A_196 = arith.constant 4 : i32
    "tpu.region"() ({
      %run_scoped3A_279 = tpu.sem_alloc : memref<!tpu.dma_semaphore, #tpu.memory_space<semaphore_mem>>
      %dma_start3A_280 = arith.constant 256 : i32
      %dma_start3A_281 = tpu.memref_slice %arg7[%dma_start3A_280] : memref<2048xi32, #tpu.memory_space<vmem>> -> memref<64xi32, #tpu.memory_space<vmem>>
      %dma_start3A_282 = tpu.memref_slice %arg12[%run_scoped3A_196, %mul3A_195] : memref<16x2048xi32, #tpu.memory_space<vmem_shared>> -> memref<1x64xi32, #tpu.memory_space<vmem_shared>>
      %dma_start3A_283 = tpu.memref_squeeze %dma_start3A_282 : memref<1x64xi32, #tpu.memory_space<vmem_shared>> -> memref<64xi32, #tpu.memory_space<vmem_shared>>
      %dma_start3A_284 = arith.constant 256 : i32
      %dma_start3A_285 = tpu.memref_slice %arg7[%dma_start3A_284] : memref<2048xi32, #tpu.memory_space<vmem>> -> memref<64xi32, #tpu.memory_space<vmem>>
      %dma_start3A_286 = tpu.memref_slice %arg12[%run_scoped3A_196, %mul3A_195] : memref<16x2048xi32, #tpu.memory_space<vmem_shared>> -> memref<1x64xi32, #tpu.memory_space<vmem_shared>>
      %dma_start3A_287 = tpu.memref_squeeze %dma_start3A_286 : memref<1x64xi32, #tpu.memory_space<vmem_shared>> -> memref<64xi32, #tpu.memory_space<vmem_shared>>
      tpu.enqueue_dma source(%dma_start3A_287 : memref<64xi32, #tpu.memory_space<vmem_shared>>) target(%dma_start3A_285 : memref<64xi32, #tpu.memory_space<vmem>>) target_semaphore(%run_scoped3A_279 : memref<!tpu.dma_semaphore, #tpu.memory_space<semaphore_mem>>)
      %dma_wait3A_288 = arith.constant 256 : i32
      %dma_wait3A_289 = tpu.memref_slice %arg7[%dma_wait3A_288] : memref<2048xi32, #tpu.memory_space<vmem>> -> memref<64xi32, #tpu.memory_space<vmem>>
      %dma_wait3A_290 = tpu.memref_slice %arg12[%run_scoped3A_196, %mul3A_195] : memref<16x2048xi32, #tpu.memory_space<vmem_shared>> -> memref<1x64xi32, #tpu.memory_space<vmem_shared>>
      %dma_wait3A_291 = tpu.memref_squeeze %dma_wait3A_290 : memref<1x64xi32, #tpu.memory_space<vmem_shared>> -> memref<64xi32, #tpu.memory_space<vmem_shared>>
      %dma_wait3A_292 = arith.constant 256 : i32
      %dma_wait3A_293 = tpu.memref_slice %arg7[%dma_wait3A_292] : memref<2048xi32, #tpu.memory_space<vmem>> -> memref<64xi32, #tpu.memory_space<vmem>>
      %dma_wait3A_294 = tpu.memref_slice %arg12[%run_scoped3A_196, %mul3A_195] : memref<16x2048xi32, #tpu.memory_space<vmem_shared>> -> memref<1x64xi32, #tpu.memory_space<vmem_shared>>
      %dma_wait3A_295 = tpu.memref_squeeze %dma_wait3A_294 : memref<1x64xi32, #tpu.memory_space<vmem_shared>> -> memref<64xi32, #tpu.memory_space<vmem_shared>>
      tpu.wait_dma2 semaphore(%run_scoped3A_279 : memref<!tpu.dma_semaphore, #tpu.memory_space<semaphore_mem>>) src(%dma_wait3A_295 : memref<64xi32, #tpu.memory_space<vmem_shared>>) dst(%dma_wait3A_293 : memref<64xi32, #tpu.memory_space<vmem>>)
      tpu.yield
    }) : () -> ()
    %mul3A_197 = arith.constant 64 : i32
    %mul3A_198 = arith.muli %arg1, %mul3A_197 : i32
    %run_scoped3A_199 = arith.constant 5 : i32
    "tpu.region"() ({
      %run_scoped3A_279 = tpu.sem_alloc : memref<!tpu.dma_semaphore, #tpu.memory_space<semaphore_mem>>
      %dma_start3A_280 = arith.constant 320 : i32
      %dma_start3A_281 = tpu.memref_slice %arg7[%dma_start3A_280] : memref<2048xi32, #tpu.memory_space<vmem>> -> memref<64xi32, #tpu.memory_space<vmem>>
      %dma_start3A_282 = tpu.memref_slice %arg12[%run_scoped3A_199, %mul3A_198] : memref<16x2048xi32, #tpu.memory_space<vmem_shared>> -> memref<1x64xi32, #tpu.memory_space<vmem_shared>>
      %dma_start3A_283 = tpu.memref_squeeze %dma_start3A_282 : memref<1x64xi32, #tpu.memory_space<vmem_shared>> -> memref<64xi32, #tpu.memory_space<vmem_shared>>
      %dma_start3A_284 = arith.constant 320 : i32
      %dma_start3A_285 = tpu.memref_slice %arg7[%dma_start3A_284] : memref<2048xi32, #tpu.memory_space<vmem>> -> memref<64xi32, #tpu.memory_space<vmem>>
      %dma_start3A_286 = tpu.memref_slice %arg12[%run_scoped3A_199, %mul3A_198] : memref<16x2048xi32, #tpu.memory_space<vmem_shared>> -> memref<1x64xi32, #tpu.memory_space<vmem_shared>>
      %dma_start3A_287 = tpu.memref_squeeze %dma_start3A_286 : memref<1x64xi32, #tpu.memory_space<vmem_shared>> -> memref<64xi32, #tpu.memory_space<vmem_shared>>
      tpu.enqueue_dma source(%dma_start3A_287 : memref<64xi32, #tpu.memory_space<vmem_shared>>) target(%dma_start3A_285 : memref<64xi32, #tpu.memory_space<vmem>>) target_semaphore(%run_scoped3A_279 : memref<!tpu.dma_semaphore, #tpu.memory_space<semaphore_mem>>)
      %dma_wait3A_288 = arith.constant 320 : i32
      %dma_wait3A_289 = tpu.memref_slice %arg7[%dma_wait3A_288] : memref<2048xi32, #tpu.memory_space<vmem>> -> memref<64xi32, #tpu.memory_space<vmem>>
      %dma_wait3A_290 = tpu.memref_slice %arg12[%run_scoped3A_199, %mul3A_198] : memref<16x2048xi32, #tpu.memory_space<vmem_shared>> -> memref<1x64xi32, #tpu.memory_space<vmem_shared>>
      %dma_wait3A_291 = tpu.memref_squeeze %dma_wait3A_290 : memref<1x64xi32, #tpu.memory_space<vmem_shared>> -> memref<64xi32, #tpu.memory_space<vmem_shared>>
      %dma_wait3A_292 = arith.constant 320 : i32
      %dma_wait3A_293 = tpu.memref_slice %arg7[%dma_wait3A_292] : memref<2048xi32, #tpu.memory_space<vmem>> -> memref<64xi32, #tpu.memory_space<vmem>>
      %dma_wait3A_294 = tpu.memref_slice %arg12[%run_scoped3A_199, %mul3A_198] : memref<16x2048xi32, #tpu.memory_space<vmem_shared>> -> memref<1x64xi32, #tpu.memory_space<vmem_shared>>
      %dma_wait3A_295 = tpu.memref_squeeze %dma_wait3A_294 : memref<1x64xi32, #tpu.memory_space<vmem_shared>> -> memref<64xi32, #tpu.memory_space<vmem_shared>>
      tpu.wait_dma2 semaphore(%run_scoped3A_279 : memref<!tpu.dma_semaphore, #tpu.memory_space<semaphore_mem>>) src(%dma_wait3A_295 : memref<64xi32, #tpu.memory_space<vmem_shared>>) dst(%dma_wait3A_293 : memref<64xi32, #tpu.memory_space<vmem>>)
      tpu.yield
    }) : () -> ()
    %mul3A_200 = arith.constant 64 : i32
    %mul3A_201 = arith.muli %arg1, %mul3A_200 : i32
    %run_scoped3A_202 = arith.constant 6 : i32
    "tpu.region"() ({
      %run_scoped3A_279 = tpu.sem_alloc : memref<!tpu.dma_semaphore, #tpu.memory_space<semaphore_mem>>
      %dma_start3A_280 = arith.constant 384 : i32
      %dma_start3A_281 = tpu.memref_slice %arg7[%dma_start3A_280] : memref<2048xi32, #tpu.memory_space<vmem>> -> memref<64xi32, #tpu.memory_space<vmem>>
      %dma_start3A_282 = tpu.memref_slice %arg12[%run_scoped3A_202, %mul3A_201] : memref<16x2048xi32, #tpu.memory_space<vmem_shared>> -> memref<1x64xi32, #tpu.memory_space<vmem_shared>>
      %dma_start3A_283 = tpu.memref_squeeze %dma_start3A_282 : memref<1x64xi32, #tpu.memory_space<vmem_shared>> -> memref<64xi32, #tpu.memory_space<vmem_shared>>
      %dma_start3A_284 = arith.constant 384 : i32
      %dma_start3A_285 = tpu.memref_slice %arg7[%dma_start3A_284] : memref<2048xi32, #tpu.memory_space<vmem>> -> memref<64xi32, #tpu.memory_space<vmem>>
      %dma_start3A_286 = tpu.memref_slice %arg12[%run_scoped3A_202, %mul3A_201] : memref<16x2048xi32, #tpu.memory_space<vmem_shared>> -> memref<1x64xi32, #tpu.memory_space<vmem_shared>>
      %dma_start3A_287 = tpu.memref_squeeze %dma_start3A_286 : memref<1x64xi32, #tpu.memory_space<vmem_shared>> -> memref<64xi32, #tpu.memory_space<vmem_shared>>
      tpu.enqueue_dma source(%dma_start3A_287 : memref<64xi32, #tpu.memory_space<vmem_shared>>) target(%dma_start3A_285 : memref<64xi32, #tpu.memory_space<vmem>>) target_semaphore(%run_scoped3A_279 : memref<!tpu.dma_semaphore, #tpu.memory_space<semaphore_mem>>)
      %dma_wait3A_288 = arith.constant 384 : i32
      %dma_wait3A_289 = tpu.memref_slice %arg7[%dma_wait3A_288] : memref<2048xi32, #tpu.memory_space<vmem>> -> memref<64xi32, #tpu.memory_space<vmem>>
      %dma_wait3A_290 = tpu.memref_slice %arg12[%run_scoped3A_202, %mul3A_201] : memref<16x2048xi32, #tpu.memory_space<vmem_shared>> -> memref<1x64xi32, #tpu.memory_space<vmem_shared>>
      %dma_wait3A_291 = tpu.memref_squeeze %dma_wait3A_290 : memref<1x64xi32, #tpu.memory_space<vmem_shared>> -> memref<64xi32, #tpu.memory_space<vmem_shared>>
      %dma_wait3A_292 = arith.constant 384 : i32
      %dma_wait3A_293 = tpu.memref_slice %arg7[%dma_wait3A_292] : memref<2048xi32, #tpu.memory_space<vmem>> -> memref<64xi32, #tpu.memory_space<vmem>>
      %dma_wait3A_294 = tpu.memref_slice %arg12[%run_scoped3A_202, %mul3A_201] : memref<16x2048xi32, #tpu.memory_space<vmem_shared>> -> memref<1x64xi32, #tpu.memory_space<vmem_shared>>
      %dma_wait3A_295 = tpu.memref_squeeze %dma_wait3A_294 : memref<1x64xi32, #tpu.memory_space<vmem_shared>> -> memref<64xi32, #tpu.memory_space<vmem_shared>>
      tpu.wait_dma2 semaphore(%run_scoped3A_279 : memref<!tpu.dma_semaphore, #tpu.memory_space<semaphore_mem>>) src(%dma_wait3A_295 : memref<64xi32, #tpu.memory_space<vmem_shared>>) dst(%dma_wait3A_293 : memref<64xi32, #tpu.memory_space<vmem>>)
      tpu.yield
    }) : () -> ()
    %mul3A_203 = arith.constant 64 : i32
    %mul3A_204 = arith.muli %arg1, %mul3A_203 : i32
    %run_scoped3A_205 = arith.constant 7 : i32
    "tpu.region"() ({
      %run_scoped3A_279 = tpu.sem_alloc : memref<!tpu.dma_semaphore, #tpu.memory_space<semaphore_mem>>
      %dma_start3A_280 = arith.constant 448 : i32
      %dma_start3A_281 = tpu.memref_slice %arg7[%dma_start3A_280] : memref<2048xi32, #tpu.memory_space<vmem>> -> memref<64xi32, #tpu.memory_space<vmem>>
      %dma_start3A_282 = tpu.memref_slice %arg12[%run_scoped3A_205, %mul3A_204] : memref<16x2048xi32, #tpu.memory_space<vmem_shared>> -> memref<1x64xi32, #tpu.memory_space<vmem_shared>>
      %dma_start3A_283 = tpu.memref_squeeze %dma_start3A_282 : memref<1x64xi32, #tpu.memory_space<vmem_shared>> -> memref<64xi32, #tpu.memory_space<vmem_shared>>
      %dma_start3A_284 = arith.constant 448 : i32
      %dma_start3A_285 = tpu.memref_slice %arg7[%dma_start3A_284] : memref<2048xi32, #tpu.memory_space<vmem>> -> memref<64xi32, #tpu.memory_space<vmem>>
      %dma_start3A_286 = tpu.memref_slice %arg12[%run_scoped3A_205, %mul3A_204] : memref<16x2048xi32, #tpu.memory_space<vmem_shared>> -> memref<1x64xi32, #tpu.memory_space<vmem_shared>>
      %dma_start3A_287 = tpu.memref_squeeze %dma_start3A_286 : memref<1x64xi32, #tpu.memory_space<vmem_shared>> -> memref<64xi32, #tpu.memory_space<vmem_shared>>
      tpu.enqueue_dma source(%dma_start3A_287 : memref<64xi32, #tpu.memory_space<vmem_shared>>) target(%dma_start3A_285 : memref<64xi32, #tpu.memory_space<vmem>>) target_semaphore(%run_scoped3A_279 : memref<!tpu.dma_semaphore, #tpu.memory_space<semaphore_mem>>)
      %dma_wait3A_288 = arith.constant 448 : i32
      %dma_wait3A_289 = tpu.memref_slice %arg7[%dma_wait3A_288] : memref<2048xi32, #tpu.memory_space<vmem>> -> memref<64xi32, #tpu.memory_space<vmem>>
      %dma_wait3A_290 = tpu.memref_slice %arg12[%run_scoped3A_205, %mul3A_204] : memref<16x2048xi32, #tpu.memory_space<vmem_shared>> -> memref<1x64xi32, #tpu.memory_space<vmem_shared>>
      %dma_wait3A_291 = tpu.memref_squeeze %dma_wait3A_290 : memref<1x64xi32, #tpu.memory_space<vmem_shared>> -> memref<64xi32, #tpu.memory_space<vmem_shared>>
      %dma_wait3A_292 = arith.constant 448 : i32
      %dma_wait3A_293 = tpu.memref_slice %arg7[%dma_wait3A_292] : memref<2048xi32, #tpu.memory_space<vmem>> -> memref<64xi32, #tpu.memory_space<vmem>>
      %dma_wait3A_294 = tpu.memref_slice %arg12[%run_scoped3A_205, %mul3A_204] : memref<16x2048xi32, #tpu.memory_space<vmem_shared>> -> memref<1x64xi32, #tpu.memory_space<vmem_shared>>
      %dma_wait3A_295 = tpu.memref_squeeze %dma_wait3A_294 : memref<1x64xi32, #tpu.memory_space<vmem_shared>> -> memref<64xi32, #tpu.memory_space<vmem_shared>>
      tpu.wait_dma2 semaphore(%run_scoped3A_279 : memref<!tpu.dma_semaphore, #tpu.memory_space<semaphore_mem>>) src(%dma_wait3A_295 : memref<64xi32, #tpu.memory_space<vmem_shared>>) dst(%dma_wait3A_293 : memref<64xi32, #tpu.memory_space<vmem>>)
      tpu.yield
    }) : () -> ()
    %mul3A_206 = arith.constant 64 : i32
    %mul3A_207 = arith.muli %arg1, %mul3A_206 : i32
    %run_scoped3A_208 = arith.constant 8 : i32
    "tpu.region"() ({
      %run_scoped3A_279 = tpu.sem_alloc : memref<!tpu.dma_semaphore, #tpu.memory_space<semaphore_mem>>
      %dma_start3A_280 = arith.constant 512 : i32
      %dma_start3A_281 = tpu.memref_slice %arg7[%dma_start3A_280] : memref<2048xi32, #tpu.memory_space<vmem>> -> memref<64xi32, #tpu.memory_space<vmem>>
      %dma_start3A_282 = tpu.memref_slice %arg12[%run_scoped3A_208, %mul3A_207] : memref<16x2048xi32, #tpu.memory_space<vmem_shared>> -> memref<1x64xi32, #tpu.memory_space<vmem_shared>>
      %dma_start3A_283 = tpu.memref_squeeze %dma_start3A_282 : memref<1x64xi32, #tpu.memory_space<vmem_shared>> -> memref<64xi32, #tpu.memory_space<vmem_shared>>
      %dma_start3A_284 = arith.constant 512 : i32
      %dma_start3A_285 = tpu.memref_slice %arg7[%dma_start3A_284] : memref<2048xi32, #tpu.memory_space<vmem>> -> memref<64xi32, #tpu.memory_space<vmem>>
      %dma_start3A_286 = tpu.memref_slice %arg12[%run_scoped3A_208, %mul3A_207] : memref<16x2048xi32, #tpu.memory_space<vmem_shared>> -> memref<1x64xi32, #tpu.memory_space<vmem_shared>>
      %dma_start3A_287 = tpu.memref_squeeze %dma_start3A_286 : memref<1x64xi32, #tpu.memory_space<vmem_shared>> -> memref<64xi32, #tpu.memory_space<vmem_shared>>
      tpu.enqueue_dma source(%dma_start3A_287 : memref<64xi32, #tpu.memory_space<vmem_shared>>) target(%dma_start3A_285 : memref<64xi32, #tpu.memory_space<vmem>>) target_semaphore(%run_scoped3A_279 : memref<!tpu.dma_semaphore, #tpu.memory_space<semaphore_mem>>)
      %dma_wait3A_288 = arith.constant 512 : i32
      %dma_wait3A_289 = tpu.memref_slice %arg7[%dma_wait3A_288] : memref<2048xi32, #tpu.memory_space<vmem>> -> memref<64xi32, #tpu.memory_space<vmem>>
      %dma_wait3A_290 = tpu.memref_slice %arg12[%run_scoped3A_208, %mul3A_207] : memref<16x2048xi32, #tpu.memory_space<vmem_shared>> -> memref<1x64xi32, #tpu.memory_space<vmem_shared>>
      %dma_wait3A_291 = tpu.memref_squeeze %dma_wait3A_290 : memref<1x64xi32, #tpu.memory_space<vmem_shared>> -> memref<64xi32, #tpu.memory_space<vmem_shared>>
      %dma_wait3A_292 = arith.constant 512 : i32
      %dma_wait3A_293 = tpu.memref_slice %arg7[%dma_wait3A_292] : memref<2048xi32, #tpu.memory_space<vmem>> -> memref<64xi32, #tpu.memory_space<vmem>>
      %dma_wait3A_294 = tpu.memref_slice %arg12[%run_scoped3A_208, %mul3A_207] : memref<16x2048xi32, #tpu.memory_space<vmem_shared>> -> memref<1x64xi32, #tpu.memory_space<vmem_shared>>
      %dma_wait3A_295 = tpu.memref_squeeze %dma_wait3A_294 : memref<1x64xi32, #tpu.memory_space<vmem_shared>> -> memref<64xi32, #tpu.memory_space<vmem_shared>>
      tpu.wait_dma2 semaphore(%run_scoped3A_279 : memref<!tpu.dma_semaphore, #tpu.memory_space<semaphore_mem>>) src(%dma_wait3A_295 : memref<64xi32, #tpu.memory_space<vmem_shared>>) dst(%dma_wait3A_293 : memref<64xi32, #tpu.memory_space<vmem>>)
      tpu.yield
    }) : () -> ()
    %mul3A_209 = arith.constant 64 : i32
    %mul3A_210 = arith.muli %arg1, %mul3A_209 : i32
    %run_scoped3A_211 = arith.constant 9 : i32
    "tpu.region"() ({
      %run_scoped3A_279 = tpu.sem_alloc : memref<!tpu.dma_semaphore, #tpu.memory_space<semaphore_mem>>
      %dma_start3A_280 = arith.constant 576 : i32
      %dma_start3A_281 = tpu.memref_slice %arg7[%dma_start3A_280] : memref<2048xi32, #tpu.memory_space<vmem>> -> memref<64xi32, #tpu.memory_space<vmem>>
      %dma_start3A_282 = tpu.memref_slice %arg12[%run_scoped3A_211, %mul3A_210] : memref<16x2048xi32, #tpu.memory_space<vmem_shared>> -> memref<1x64xi32, #tpu.memory_space<vmem_shared>>
      %dma_start3A_283 = tpu.memref_squeeze %dma_start3A_282 : memref<1x64xi32, #tpu.memory_space<vmem_shared>> -> memref<64xi32, #tpu.memory_space<vmem_shared>>
      %dma_start3A_284 = arith.constant 576 : i32
      %dma_start3A_285 = tpu.memref_slice %arg7[%dma_start3A_284] : memref<2048xi32, #tpu.memory_space<vmem>> -> memref<64xi32, #tpu.memory_space<vmem>>
      %dma_start3A_286 = tpu.memref_slice %arg12[%run_scoped3A_211, %mul3A_210] : memref<16x2048xi32, #tpu.memory_space<vmem_shared>> -> memref<1x64xi32, #tpu.memory_space<vmem_shared>>
      %dma_start3A_287 = tpu.memref_squeeze %dma_start3A_286 : memref<1x64xi32, #tpu.memory_space<vmem_shared>> -> memref<64xi32, #tpu.memory_space<vmem_shared>>
      tpu.enqueue_dma source(%dma_start3A_287 : memref<64xi32, #tpu.memory_space<vmem_shared>>) target(%dma_start3A_285 : memref<64xi32, #tpu.memory_space<vmem>>) target_semaphore(%run_scoped3A_279 : memref<!tpu.dma_semaphore, #tpu.memory_space<semaphore_mem>>)
      %dma_wait3A_288 = arith.constant 576 : i32
      %dma_wait3A_289 = tpu.memref_slice %arg7[%dma_wait3A_288] : memref<2048xi32, #tpu.memory_space<vmem>> -> memref<64xi32, #tpu.memory_space<vmem>>
      %dma_wait3A_290 = tpu.memref_slice %arg12[%run_scoped3A_211, %mul3A_210] : memref<16x2048xi32, #tpu.memory_space<vmem_shared>> -> memref<1x64xi32, #tpu.memory_space<vmem_shared>>
      %dma_wait3A_291 = tpu.memref_squeeze %dma_wait3A_290 : memref<1x64xi32, #tpu.memory_space<vmem_shared>> -> memref<64xi32, #tpu.memory_space<vmem_shared>>
      %dma_wait3A_292 = arith.constant 576 : i32
      %dma_wait3A_293 = tpu.memref_slice %arg7[%dma_wait3A_292] : memref<2048xi32, #tpu.memory_space<vmem>> -> memref<64xi32, #tpu.memory_space<vmem>>
      %dma_wait3A_294 = tpu.memref_slice %arg12[%run_scoped3A_211, %mul3A_210] : memref<16x2048xi32, #tpu.memory_space<vmem_shared>> -> memref<1x64xi32, #tpu.memory_space<vmem_shared>>
      %dma_wait3A_295 = tpu.memref_squeeze %dma_wait3A_294 : memref<1x64xi32, #tpu.memory_space<vmem_shared>> -> memref<64xi32, #tpu.memory_space<vmem_shared>>
      tpu.wait_dma2 semaphore(%run_scoped3A_279 : memref<!tpu.dma_semaphore, #tpu.memory_space<semaphore_mem>>) src(%dma_wait3A_295 : memref<64xi32, #tpu.memory_space<vmem_shared>>) dst(%dma_wait3A_293 : memref<64xi32, #tpu.memory_space<vmem>>)
      tpu.yield
    }) : () -> ()
    %mul3A_212 = arith.constant 64 : i32
    %mul3A_213 = arith.muli %arg1, %mul3A_212 : i32
    %run_scoped3A_214 = arith.constant 10 : i32
    "tpu.region"() ({
      %run_scoped3A_279 = tpu.sem_alloc : memref<!tpu.dma_semaphore, #tpu.memory_space<semaphore_mem>>
      %dma_start3A_280 = arith.constant 640 : i32
      %dma_start3A_281 = tpu.memref_slice %arg7[%dma_start3A_280] : memref<2048xi32, #tpu.memory_space<vmem>> -> memref<64xi32, #tpu.memory_space<vmem>>
      %dma_start3A_282 = tpu.memref_slice %arg12[%run_scoped3A_214, %mul3A_213] : memref<16x2048xi32, #tpu.memory_space<vmem_shared>> -> memref<1x64xi32, #tpu.memory_space<vmem_shared>>
      %dma_start3A_283 = tpu.memref_squeeze %dma_start3A_282 : memref<1x64xi32, #tpu.memory_space<vmem_shared>> -> memref<64xi32, #tpu.memory_space<vmem_shared>>
      %dma_start3A_284 = arith.constant 640 : i32
      %dma_start3A_285 = tpu.memref_slice %arg7[%dma_start3A_284] : memref<2048xi32, #tpu.memory_space<vmem>> -> memref<64xi32, #tpu.memory_space<vmem>>
      %dma_start3A_286 = tpu.memref_slice %arg12[%run_scoped3A_214, %mul3A_213] : memref<16x2048xi32, #tpu.memory_space<vmem_shared>> -> memref<1x64xi32, #tpu.memory_space<vmem_shared>>
      %dma_start3A_287 = tpu.memref_squeeze %dma_start3A_286 : memref<1x64xi32, #tpu.memory_space<vmem_shared>> -> memref<64xi32, #tpu.memory_space<vmem_shared>>
      tpu.enqueue_dma source(%dma_start3A_287 : memref<64xi32, #tpu.memory_space<vmem_shared>>) target(%dma_start3A_285 : memref<64xi32, #tpu.memory_space<vmem>>) target_semaphore(%run_scoped3A_279 : memref<!tpu.dma_semaphore, #tpu.memory_space<semaphore_mem>>)
      %dma_wait3A_288 = arith.constant 640 : i32
      %dma_wait3A_289 = tpu.memref_slice %arg7[%dma_wait3A_288] : memref<2048xi32, #tpu.memory_space<vmem>> -> memref<64xi32, #tpu.memory_space<vmem>>
      %dma_wait3A_290 = tpu.memref_slice %arg12[%run_scoped3A_214, %mul3A_213] : memref<16x2048xi32, #tpu.memory_space<vmem_shared>> -> memref<1x64xi32, #tpu.memory_space<vmem_shared>>
      %dma_wait3A_291 = tpu.memref_squeeze %dma_wait3A_290 : memref<1x64xi32, #tpu.memory_space<vmem_shared>> -> memref<64xi32, #tpu.memory_space<vmem_shared>>
      %dma_wait3A_292 = arith.constant 640 : i32
      %dma_wait3A_293 = tpu.memref_slice %arg7[%dma_wait3A_292] : memref<2048xi32, #tpu.memory_space<vmem>> -> memref<64xi32, #tpu.memory_space<vmem>>
      %dma_wait3A_294 = tpu.memref_slice %arg12[%run_scoped3A_214, %mul3A_213] : memref<16x2048xi32, #tpu.memory_space<vmem_shared>> -> memref<1x64xi32, #tpu.memory_space<vmem_shared>>
      %dma_wait3A_295 = tpu.memref_squeeze %dma_wait3A_294 : memref<1x64xi32, #tpu.memory_space<vmem_shared>> -> memref<64xi32, #tpu.memory_space<vmem_shared>>
      tpu.wait_dma2 semaphore(%run_scoped3A_279 : memref<!tpu.dma_semaphore, #tpu.memory_space<semaphore_mem>>) src(%dma_wait3A_295 : memref<64xi32, #tpu.memory_space<vmem_shared>>) dst(%dma_wait3A_293 : memref<64xi32, #tpu.memory_space<vmem>>)
      tpu.yield
    }) : () -> ()
    %mul3A_215 = arith.constant 64 : i32
    %mul3A_216 = arith.muli %arg1, %mul3A_215 : i32
    %run_scoped3A_217 = arith.constant 11 : i32
    "tpu.region"() ({
      %run_scoped3A_279 = tpu.sem_alloc : memref<!tpu.dma_semaphore, #tpu.memory_space<semaphore_mem>>
      %dma_start3A_280 = arith.constant 704 : i32
      %dma_start3A_281 = tpu.memref_slice %arg7[%dma_start3A_280] : memref<2048xi32, #tpu.memory_space<vmem>> -> memref<64xi32, #tpu.memory_space<vmem>>
      %dma_start3A_282 = tpu.memref_slice %arg12[%run_scoped3A_217, %mul3A_216] : memref<16x2048xi32, #tpu.memory_space<vmem_shared>> -> memref<1x64xi32, #tpu.memory_space<vmem_shared>>
      %dma_start3A_283 = tpu.memref_squeeze %dma_start3A_282 : memref<1x64xi32, #tpu.memory_space<vmem_shared>> -> memref<64xi32, #tpu.memory_space<vmem_shared>>
      %dma_start3A_284 = arith.constant 704 : i32
      %dma_start3A_285 = tpu.memref_slice %arg7[%dma_start3A_284] : memref<2048xi32, #tpu.memory_space<vmem>> -> memref<64xi32, #tpu.memory_space<vmem>>
      %dma_start3A_286 = tpu.memref_slice %arg12[%run_scoped3A_217, %mul3A_216] : memref<16x2048xi32, #tpu.memory_space<vmem_shared>> -> memref<1x64xi32, #tpu.memory_space<vmem_shared>>
      %dma_start3A_287 = tpu.memref_squeeze %dma_start3A_286 : memref<1x64xi32, #tpu.memory_space<vmem_shared>> -> memref<64xi32, #tpu.memory_space<vmem_shared>>
      tpu.enqueue_dma source(%dma_start3A_287 : memref<64xi32, #tpu.memory_space<vmem_shared>>) target(%dma_start3A_285 : memref<64xi32, #tpu.memory_space<vmem>>) target_semaphore(%run_scoped3A_279 : memref<!tpu.dma_semaphore, #tpu.memory_space<semaphore_mem>>)
      %dma_wait3A_288 = arith.constant 704 : i32
      %dma_wait3A_289 = tpu.memref_slice %arg7[%dma_wait3A_288] : memref<2048xi32, #tpu.memory_space<vmem>> -> memref<64xi32, #tpu.memory_space<vmem>>
      %dma_wait3A_290 = tpu.memref_slice %arg12[%run_scoped3A_217, %mul3A_216] : memref<16x2048xi32, #tpu.memory_space<vmem_shared>> -> memref<1x64xi32, #tpu.memory_space<vmem_shared>>
      %dma_wait3A_291 = tpu.memref_squeeze %dma_wait3A_290 : memref<1x64xi32, #tpu.memory_space<vmem_shared>> -> memref<64xi32, #tpu.memory_space<vmem_shared>>
      %dma_wait3A_292 = arith.constant 704 : i32
      %dma_wait3A_293 = tpu.memref_slice %arg7[%dma_wait3A_292] : memref<2048xi32, #tpu.memory_space<vmem>> -> memref<64xi32, #tpu.memory_space<vmem>>
      %dma_wait3A_294 = tpu.memref_slice %arg12[%run_scoped3A_217, %mul3A_216] : memref<16x2048xi32, #tpu.memory_space<vmem_shared>> -> memref<1x64xi32, #tpu.memory_space<vmem_shared>>
      %dma_wait3A_295 = tpu.memref_squeeze %dma_wait3A_294 : memref<1x64xi32, #tpu.memory_space<vmem_shared>> -> memref<64xi32, #tpu.memory_space<vmem_shared>>
      tpu.wait_dma2 semaphore(%run_scoped3A_279 : memref<!tpu.dma_semaphore, #tpu.memory_space<semaphore_mem>>) src(%dma_wait3A_295 : memref<64xi32, #tpu.memory_space<vmem_shared>>) dst(%dma_wait3A_293 : memref<64xi32, #tpu.memory_space<vmem>>)
      tpu.yield
    }) : () -> ()
    %mul3A_218 = arith.constant 64 : i32
    %mul3A_219 = arith.muli %arg1, %mul3A_218 : i32
    %run_scoped3A_220 = arith.constant 12 : i32
    "tpu.region"() ({
      %run_scoped3A_279 = tpu.sem_alloc : memref<!tpu.dma_semaphore, #tpu.memory_space<semaphore_mem>>
      %dma_start3A_280 = arith.constant 768 : i32
      %dma_start3A_281 = tpu.memref_slice %arg7[%dma_start3A_280] : memref<2048xi32, #tpu.memory_space<vmem>> -> memref<64xi32, #tpu.memory_space<vmem>>
      %dma_start3A_282 = tpu.memref_slice %arg12[%run_scoped3A_220, %mul3A_219] : memref<16x2048xi32, #tpu.memory_space<vmem_shared>> -> memref<1x64xi32, #tpu.memory_space<vmem_shared>>
      %dma_start3A_283 = tpu.memref_squeeze %dma_start3A_282 : memref<1x64xi32, #tpu.memory_space<vmem_shared>> -> memref<64xi32, #tpu.memory_space<vmem_shared>>
      %dma_start3A_284 = arith.constant 768 : i32
      %dma_start3A_285 = tpu.memref_slice %arg7[%dma_start3A_284] : memref<2048xi32, #tpu.memory_space<vmem>> -> memref<64xi32, #tpu.memory_space<vmem>>
      %dma_start3A_286 = tpu.memref_slice %arg12[%run_scoped3A_220, %mul3A_219] : memref<16x2048xi32, #tpu.memory_space<vmem_shared>> -> memref<1x64xi32, #tpu.memory_space<vmem_shared>>
      %dma_start3A_287 = tpu.memref_squeeze %dma_start3A_286 : memref<1x64xi32, #tpu.memory_space<vmem_shared>> -> memref<64xi32, #tpu.memory_space<vmem_shared>>
      tpu.enqueue_dma source(%dma_start3A_287 : memref<64xi32, #tpu.memory_space<vmem_shared>>) target(%dma_start3A_285 : memref<64xi32, #tpu.memory_space<vmem>>) target_semaphore(%run_scoped3A_279 : memref<!tpu.dma_semaphore, #tpu.memory_space<semaphore_mem>>)
      %dma_wait3A_288 = arith.constant 768 : i32
      %dma_wait3A_289 = tpu.memref_slice %arg7[%dma_wait3A_288] : memref<2048xi32, #tpu.memory_space<vmem>> -> memref<64xi32, #tpu.memory_space<vmem>>
      %dma_wait3A_290 = tpu.memref_slice %arg12[%run_scoped3A_220, %mul3A_219] : memref<16x2048xi32, #tpu.memory_space<vmem_shared>> -> memref<1x64xi32, #tpu.memory_space<vmem_shared>>
      %dma_wait3A_291 = tpu.memref_squeeze %dma_wait3A_290 : memref<1x64xi32, #tpu.memory_space<vmem_shared>> -> memref<64xi32, #tpu.memory_space<vmem_shared>>
      %dma_wait3A_292 = arith.constant 768 : i32
      %dma_wait3A_293 = tpu.memref_slice %arg7[%dma_wait3A_292] : memref<2048xi32, #tpu.memory_space<vmem>> -> memref<64xi32, #tpu.memory_space<vmem>>
      %dma_wait3A_294 = tpu.memref_slice %arg12[%run_scoped3A_220, %mul3A_219] : memref<16x2048xi32, #tpu.memory_space<vmem_shared>> -> memref<1x64xi32, #tpu.memory_space<vmem_shared>>
      %dma_wait3A_295 = tpu.memref_squeeze %dma_wait3A_294 : memref<1x64xi32, #tpu.memory_space<vmem_shared>> -> memref<64xi32, #tpu.memory_space<vmem_shared>>
      tpu.wait_dma2 semaphore(%run_scoped3A_279 : memref<!tpu.dma_semaphore, #tpu.memory_space<semaphore_mem>>) src(%dma_wait3A_295 : memref<64xi32, #tpu.memory_space<vmem_shared>>) dst(%dma_wait3A_293 : memref<64xi32, #tpu.memory_space<vmem>>)
      tpu.yield
    }) : () -> ()
    %mul3A_221 = arith.constant 64 : i32
    %mul3A_222 = arith.muli %arg1, %mul3A_221 : i32
    %run_scoped3A_223 = arith.constant 13 : i32
    "tpu.region"() ({
      %run_scoped3A_279 = tpu.sem_alloc : memref<!tpu.dma_semaphore, #tpu.memory_space<semaphore_mem>>
      %dma_start3A_280 = arith.constant 832 : i32
      %dma_start3A_281 = tpu.memref_slice %arg7[%dma_start3A_280] : memref<2048xi32, #tpu.memory_space<vmem>> -> memref<64xi32, #tpu.memory_space<vmem>>
      %dma_start3A_282 = tpu.memref_slice %arg12[%run_scoped3A_223, %mul3A_222] : memref<16x2048xi32, #tpu.memory_space<vmem_shared>> -> memref<1x64xi32, #tpu.memory_space<vmem_shared>>
      %dma_start3A_283 = tpu.memref_squeeze %dma_start3A_282 : memref<1x64xi32, #tpu.memory_space<vmem_shared>> -> memref<64xi32, #tpu.memory_space<vmem_shared>>
      %dma_start3A_284 = arith.constant 832 : i32
      %dma_start3A_285 = tpu.memref_slice %arg7[%dma_start3A_284] : memref<2048xi32, #tpu.memory_space<vmem>> -> memref<64xi32, #tpu.memory_space<vmem>>
      %dma_start3A_286 = tpu.memref_slice %arg12[%run_scoped3A_223, %mul3A_222] : memref<16x2048xi32, #tpu.memory_space<vmem_shared>> -> memref<1x64xi32, #tpu.memory_space<vmem_shared>>
      %dma_start3A_287 = tpu.memref_squeeze %dma_start3A_286 : memref<1x64xi32, #tpu.memory_space<vmem_shared>> -> memref<64xi32, #tpu.memory_space<vmem_shared>>
      tpu.enqueue_dma source(%dma_start3A_287 : memref<64xi32, #tpu.memory_space<vmem_shared>>) target(%dma_start3A_285 : memref<64xi32, #tpu.memory_space<vmem>>) target_semaphore(%run_scoped3A_279 : memref<!tpu.dma_semaphore, #tpu.memory_space<semaphore_mem>>)
      %dma_wait3A_288 = arith.constant 832 : i32
      %dma_wait3A_289 = tpu.memref_slice %arg7[%dma_wait3A_288] : memref<2048xi32, #tpu.memory_space<vmem>> -> memref<64xi32, #tpu.memory_space<vmem>>
      %dma_wait3A_290 = tpu.memref_slice %arg12[%run_scoped3A_223, %mul3A_222] : memref<16x2048xi32, #tpu.memory_space<vmem_shared>> -> memref<1x64xi32, #tpu.memory_space<vmem_shared>>
      %dma_wait3A_291 = tpu.memref_squeeze %dma_wait3A_290 : memref<1x64xi32, #tpu.memory_space<vmem_shared>> -> memref<64xi32, #tpu.memory_space<vmem_shared>>
      %dma_wait3A_292 = arith.constant 832 : i32
      %dma_wait3A_293 = tpu.memref_slice %arg7[%dma_wait3A_292] : memref<2048xi32, #tpu.memory_space<vmem>> -> memref<64xi32, #tpu.memory_space<vmem>>
      %dma_wait3A_294 = tpu.memref_slice %arg12[%run_scoped3A_223, %mul3A_222] : memref<16x2048xi32, #tpu.memory_space<vmem_shared>> -> memref<1x64xi32, #tpu.memory_space<vmem_shared>>
      %dma_wait3A_295 = tpu.memref_squeeze %dma_wait3A_294 : memref<1x64xi32, #tpu.memory_space<vmem_shared>> -> memref<64xi32, #tpu.memory_space<vmem_shared>>
      tpu.wait_dma2 semaphore(%run_scoped3A_279 : memref<!tpu.dma_semaphore, #tpu.memory_space<semaphore_mem>>) src(%dma_wait3A_295 : memref<64xi32, #tpu.memory_space<vmem_shared>>) dst(%dma_wait3A_293 : memref<64xi32, #tpu.memory_space<vmem>>)
      tpu.yield
    }) : () -> ()
    %mul3A_224 = arith.constant 64 : i32
    %mul3A_225 = arith.muli %arg1, %mul3A_224 : i32
    %run_scoped3A_226 = arith.constant 14 : i32
    "tpu.region"() ({
      %run_scoped3A_279 = tpu.sem_alloc : memref<!tpu.dma_semaphore, #tpu.memory_space<semaphore_mem>>
      %dma_start3A_280 = arith.constant 896 : i32
      %dma_start3A_281 = tpu.memref_slice %arg7[%dma_start3A_280] : memref<2048xi32, #tpu.memory_space<vmem>> -> memref<64xi32, #tpu.memory_space<vmem>>
      %dma_start3A_282 = tpu.memref_slice %arg12[%run_scoped3A_226, %mul3A_225] : memref<16x2048xi32, #tpu.memory_space<vmem_shared>> -> memref<1x64xi32, #tpu.memory_space<vmem_shared>>
      %dma_start3A_283 = tpu.memref_squeeze %dma_start3A_282 : memref<1x64xi32, #tpu.memory_space<vmem_shared>> -> memref<64xi32, #tpu.memory_space<vmem_shared>>
      %dma_start3A_284 = arith.constant 896 : i32
      %dma_start3A_285 = tpu.memref_slice %arg7[%dma_start3A_284] : memref<2048xi32, #tpu.memory_space<vmem>> -> memref<64xi32, #tpu.memory_space<vmem>>
      %dma_start3A_286 = tpu.memref_slice %arg12[%run_scoped3A_226, %mul3A_225] : memref<16x2048xi32, #tpu.memory_space<vmem_shared>> -> memref<1x64xi32, #tpu.memory_space<vmem_shared>>
      %dma_start3A_287 = tpu.memref_squeeze %dma_start3A_286 : memref<1x64xi32, #tpu.memory_space<vmem_shared>> -> memref<64xi32, #tpu.memory_space<vmem_shared>>
      tpu.enqueue_dma source(%dma_start3A_287 : memref<64xi32, #tpu.memory_space<vmem_shared>>) target(%dma_start3A_285 : memref<64xi32, #tpu.memory_space<vmem>>) target_semaphore(%run_scoped3A_279 : memref<!tpu.dma_semaphore, #tpu.memory_space<semaphore_mem>>)
      %dma_wait3A_288 = arith.constant 896 : i32
      %dma_wait3A_289 = tpu.memref_slice %arg7[%dma_wait3A_288] : memref<2048xi32, #tpu.memory_space<vmem>> -> memref<64xi32, #tpu.memory_space<vmem>>
      %dma_wait3A_290 = tpu.memref_slice %arg12[%run_scoped3A_226, %mul3A_225] : memref<16x2048xi32, #tpu.memory_space<vmem_shared>> -> memref<1x64xi32, #tpu.memory_space<vmem_shared>>
      %dma_wait3A_291 = tpu.memref_squeeze %dma_wait3A_290 : memref<1x64xi32, #tpu.memory_space<vmem_shared>> -> memref<64xi32, #tpu.memory_space<vmem_shared>>
      %dma_wait3A_292 = arith.constant 896 : i32
      %dma_wait3A_293 = tpu.memref_slice %arg7[%dma_wait3A_292] : memref<2048xi32, #tpu.memory_space<vmem>> -> memref<64xi32, #tpu.memory_space<vmem>>
      %dma_wait3A_294 = tpu.memref_slice %arg12[%run_scoped3A_226, %mul3A_225] : memref<16x2048xi32, #tpu.memory_space<vmem_shared>> -> memref<1x64xi32, #tpu.memory_space<vmem_shared>>
      %dma_wait3A_295 = tpu.memref_squeeze %dma_wait3A_294 : memref<1x64xi32, #tpu.memory_space<vmem_shared>> -> memref<64xi32, #tpu.memory_space<vmem_shared>>
      tpu.wait_dma2 semaphore(%run_scoped3A_279 : memref<!tpu.dma_semaphore, #tpu.memory_space<semaphore_mem>>) src(%dma_wait3A_295 : memref<64xi32, #tpu.memory_space<vmem_shared>>) dst(%dma_wait3A_293 : memref<64xi32, #tpu.memory_space<vmem>>)
      tpu.yield
    }) : () -> ()
    %mul3A_227 = arith.constant 64 : i32
    %mul3A_228 = arith.muli %arg1, %mul3A_227 : i32
    %run_scoped3A_229 = arith.constant 15 : i32
    "tpu.region"() ({
      %run_scoped3A_279 = tpu.sem_alloc : memref<!tpu.dma_semaphore, #tpu.memory_space<semaphore_mem>>
      %dma_start3A_280 = arith.constant 960 : i32
      %dma_start3A_281 = tpu.memref_slice %arg7[%dma_start3A_280] : memref<2048xi32, #tpu.memory_space<vmem>> -> memref<64xi32, #tpu.memory_space<vmem>>
      %dma_start3A_282 = tpu.memref_slice %arg12[%run_scoped3A_229, %mul3A_228] : memref<16x2048xi32, #tpu.memory_space<vmem_shared>> -> memref<1x64xi32, #tpu.memory_space<vmem_shared>>
      %dma_start3A_283 = tpu.memref_squeeze %dma_start3A_282 : memref<1x64xi32, #tpu.memory_space<vmem_shared>> -> memref<64xi32, #tpu.memory_space<vmem_shared>>
      %dma_start3A_284 = arith.constant 960 : i32
      %dma_start3A_285 = tpu.memref_slice %arg7[%dma_start3A_284] : memref<2048xi32, #tpu.memory_space<vmem>> -> memref<64xi32, #tpu.memory_space<vmem>>
      %dma_start3A_286 = tpu.memref_slice %arg12[%run_scoped3A_229, %mul3A_228] : memref<16x2048xi32, #tpu.memory_space<vmem_shared>> -> memref<1x64xi32, #tpu.memory_space<vmem_shared>>
      %dma_start3A_287 = tpu.memref_squeeze %dma_start3A_286 : memref<1x64xi32, #tpu.memory_space<vmem_shared>> -> memref<64xi32, #tpu.memory_space<vmem_shared>>
      tpu.enqueue_dma source(%dma_start3A_287 : memref<64xi32, #tpu.memory_space<vmem_shared>>) target(%dma_start3A_285 : memref<64xi32, #tpu.memory_space<vmem>>) target_semaphore(%run_scoped3A_279 : memref<!tpu.dma_semaphore, #tpu.memory_space<semaphore_mem>>)
      %dma_wait3A_288 = arith.constant 960 : i32
      %dma_wait3A_289 = tpu.memref_slice %arg7[%dma_wait3A_288] : memref<2048xi32, #tpu.memory_space<vmem>> -> memref<64xi32, #tpu.memory_space<vmem>>
      %dma_wait3A_290 = tpu.memref_slice %arg12[%run_scoped3A_229, %mul3A_228] : memref<16x2048xi32, #tpu.memory_space<vmem_shared>> -> memref<1x64xi32, #tpu.memory_space<vmem_shared>>
      %dma_wait3A_291 = tpu.memref_squeeze %dma_wait3A_290 : memref<1x64xi32, #tpu.memory_space<vmem_shared>> -> memref<64xi32, #tpu.memory_space<vmem_shared>>
      %dma_wait3A_292 = arith.constant 960 : i32
      %dma_wait3A_293 = tpu.memref_slice %arg7[%dma_wait3A_292] : memref<2048xi32, #tpu.memory_space<vmem>> -> memref<64xi32, #tpu.memory_space<vmem>>
      %dma_wait3A_294 = tpu.memref_slice %arg12[%run_scoped3A_229, %mul3A_228] : memref<16x2048xi32, #tpu.memory_space<vmem_shared>> -> memref<1x64xi32, #tpu.memory_space<vmem_shared>>
      %dma_wait3A_295 = tpu.memref_squeeze %dma_wait3A_294 : memref<1x64xi32, #tpu.memory_space<vmem_shared>> -> memref<64xi32, #tpu.memory_space<vmem_shared>>
      tpu.wait_dma2 semaphore(%run_scoped3A_279 : memref<!tpu.dma_semaphore, #tpu.memory_space<semaphore_mem>>) src(%dma_wait3A_295 : memref<64xi32, #tpu.memory_space<vmem_shared>>) dst(%dma_wait3A_293 : memref<64xi32, #tpu.memory_space<vmem>>)
      tpu.yield
    }) : () -> ()
    %parallel_loop3A_230 = arith.constant 0 : i32
    %parallel_loop3A_231 = arith.constant 4 : i32
    %parallel_loop3A_232 = arith.constant 1 : i32
    scf.for %parallel_loop3A_279 = %parallel_loop3A_230 to %parallel_loop3A_231 step %parallel_loop3A_232  : i32 {
      %parallel_loop3A_280 = arith.constant 0 : i32
      %parallel_loop3A_281 = vector.broadcast %parallel_loop3A_280 : i32 to vector<16xi32>
      %parallel_loop3A_282 = arith.constant 16 : i32
      %parallel_loop3A_283 = arith.muli %parallel_loop3A_279, %parallel_loop3A_282 : i32
      %parallel_loop3A_284 = arith.constant 0 : i32
      %parallel_loop3A_285 = arith.addi %parallel_loop3A_284, %parallel_loop3A_283 : i32
      %parallel_loop3A_286 = arith.index_cast %parallel_loop3A_285 : i32 to index
      %parallel_loop3A_287 = tpu.vector_load %arg7[%parallel_loop3A_286] {strides = array<i32>} : memref<2048xi32, #tpu.memory_space<vmem>>, vector<16xi32>,
      %parallel_loop3A_288 = arith.addi %parallel_loop3A_281, %parallel_loop3A_287 : vector<16xi32>
      %parallel_loop3A_289 = arith.constant 16 : i32
      %parallel_loop3A_290 = arith.muli %parallel_loop3A_279, %parallel_loop3A_289 : i32
      %parallel_loop3A_291 = arith.constant 64 : i32
      %parallel_loop3A_292 = arith.addi %parallel_loop3A_291, %parallel_loop3A_290 : i32
      %parallel_loop3A_293 = arith.index_cast %parallel_loop3A_292 : i32 to index
      %parallel_loop3A_294 = tpu.vector_load %arg7[%parallel_loop3A_293] {strides = array<i32>} : memref<2048xi32, #tpu.memory_space<vmem>>, vector<16xi32>,
      %parallel_loop3A_295 = arith.addi %parallel_loop3A_288, %parallel_loop3A_294 : vector<16xi32>
      %parallel_loop3A_296 = arith.constant 16 : i32
      %parallel_loop3A_297 = arith.muli %parallel_loop3A_279, %parallel_loop3A_296 : i32
      %parallel_loop3A_298 = arith.constant 128 : i32
      %parallel_loop3A_299 = arith.addi %parallel_loop3A_298, %parallel_loop3A_297 : i32
      %parallel_loop3A_300 = arith.index_cast %parallel_loop3A_299 : i32 to index
      %parallel_loop3A_301 = tpu.vector_load %arg7[%parallel_loop3A_300] {strides = array<i32>} : memref<2048xi32, #tpu.memory_space<vmem>>, vector<16xi32>,
      %parallel_loop3A_302 = arith.addi %parallel_loop3A_295, %parallel_loop3A_301 : vector<16xi32>
      %parallel_loop3A_303 = arith.constant 16 : i32
      %parallel_loop3A_304 = arith.muli %parallel_loop3A_279, %parallel_loop3A_303 : i32
      %parallel_loop3A_305 = arith.constant 192 : i32
      %parallel_loop3A_306 = arith.addi %parallel_loop3A_305, %parallel_loop3A_304 : i32
      %parallel_loop3A_307 = arith.index_cast %parallel_loop3A_306 : i32 to index
      %parallel_loop3A_308 = tpu.vector_load %arg7[%parallel_loop3A_307] {strides = array<i32>} : memref<2048xi32, #tpu.memory_space<vmem>>, vector<16xi32>,
      %parallel_loop3A_309 = arith.addi %parallel_loop3A_302, %parallel_loop3A_308 : vector<16xi32>
      %parallel_loop3A_310 = arith.constant 16 : i32
      %parallel_loop3A_311 = arith.muli %parallel_loop3A_279, %parallel_loop3A_310 : i32
      %parallel_loop3A_312 = arith.constant 256 : i32
      %parallel_loop3A_313 = arith.addi %parallel_loop3A_312, %parallel_loop3A_311 : i32
      %parallel_loop3A_314 = arith.index_cast %parallel_loop3A_313 : i32 to index
      %parallel_loop3A_315 = tpu.vector_load %arg7[%parallel_loop3A_314] {strides = array<i32>} : memref<2048xi32, #tpu.memory_space<vmem>>, vector<16xi32>,
      %parallel_loop3A_316 = arith.addi %parallel_loop3A_309, %parallel_loop3A_315 : vector<16xi32>
      %parallel_loop3A_317 = arith.constant 16 : i32
      %parallel_loop3A_318 = arith.muli %parallel_loop3A_279, %parallel_loop3A_317 : i32
      %parallel_loop3A_319 = arith.constant 320 : i32
      %parallel_loop3A_320 = arith.addi %parallel_loop3A_319, %parallel_loop3A_318 : i32
      %parallel_loop3A_321 = arith.index_cast %parallel_loop3A_320 : i32 to index
      %parallel_loop3A_322 = tpu.vector_load %arg7[%parallel_loop3A_321] {strides = array<i32>} : memref<2048xi32, #tpu.memory_space<vmem>>, vector<16xi32>,
      %parallel_loop3A_323 = arith.addi %parallel_loop3A_316, %parallel_loop3A_322 : vector<16xi32>
      %parallel_loop3A_324 = arith.constant 16 : i32
      %parallel_loop3A_325 = arith.muli %parallel_loop3A_279, %parallel_loop3A_324 : i32
      %parallel_loop3A_326 = arith.constant 384 : i32
      %parallel_loop3A_327 = arith.addi %parallel_loop3A_326, %parallel_loop3A_325 : i32
      %parallel_loop3A_328 = arith.index_cast %parallel_loop3A_327 : i32 to index
      %parallel_loop3A_329 = tpu.vector_load %arg7[%parallel_loop3A_328] {strides = array<i32>} : memref<2048xi32, #tpu.memory_space<vmem>>, vector<16xi32>,
      %parallel_loop3A_330 = arith.addi %parallel_loop3A_323, %parallel_loop3A_329 : vector<16xi32>
      %parallel_loop3A_331 = arith.constant 16 : i32
      %parallel_loop3A_332 = arith.muli %parallel_loop3A_279, %parallel_loop3A_331 : i32
      %parallel_loop3A_333 = arith.constant 448 : i32
      %parallel_loop3A_334 = arith.addi %parallel_loop3A_333, %parallel_loop3A_332 : i32
      %parallel_loop3A_335 = arith.index_cast %parallel_loop3A_334 : i32 to index
      %parallel_loop3A_336 = tpu.vector_load %arg7[%parallel_loop3A_335] {strides = array<i32>} : memref<2048xi32, #tpu.memory_space<vmem>>, vector<16xi32>,
      %parallel_loop3A_337 = arith.addi %parallel_loop3A_330, %parallel_loop3A_336 : vector<16xi32>
      %parallel_loop3A_338 = arith.constant 16 : i32
      %parallel_loop3A_339 = arith.muli %parallel_loop3A_279, %parallel_loop3A_338 : i32
      %parallel_loop3A_340 = arith.constant 512 : i32
      %parallel_loop3A_341 = arith.addi %parallel_loop3A_340, %parallel_loop3A_339 : i32
      %parallel_loop3A_342 = arith.index_cast %parallel_loop3A_341 : i32 to index
      %parallel_loop3A_343 = tpu.vector_load %arg7[%parallel_loop3A_342] {strides = array<i32>} : memref<2048xi32, #tpu.memory_space<vmem>>, vector<16xi32>,
      %parallel_loop3A_344 = arith.addi %parallel_loop3A_337, %parallel_loop3A_343 : vector<16xi32>
      %parallel_loop3A_345 = arith.constant 16 : i32
      %parallel_loop3A_346 = arith.muli %parallel_loop3A_279, %parallel_loop3A_345 : i32
      %parallel_loop3A_347 = arith.constant 576 : i32
      %parallel_loop3A_348 = arith.addi %parallel_loop3A_347, %parallel_loop3A_346 : i32
      %parallel_loop3A_349 = arith.index_cast %parallel_loop3A_348 : i32 to index
      %parallel_loop3A_350 = tpu.vector_load %arg7[%parallel_loop3A_349] {strides = array<i32>} : memref<2048xi32, #tpu.memory_space<vmem>>, vector<16xi32>,
      %parallel_loop3A_351 = arith.addi %parallel_loop3A_344, %parallel_loop3A_350 : vector<16xi32>
      %parallel_loop3A_352 = arith.constant 16 : i32
      %parallel_loop3A_353 = arith.muli %parallel_loop3A_279, %parallel_loop3A_352 : i32
      %parallel_loop3A_354 = arith.constant 640 : i32
      %parallel_loop3A_355 = arith.addi %parallel_loop3A_354, %parallel_loop3A_353 : i32
      %parallel_loop3A_356 = arith.index_cast %parallel_loop3A_355 : i32 to index
      %parallel_loop3A_357 = tpu.vector_load %arg7[%parallel_loop3A_356] {strides = array<i32>} : memref<2048xi32, #tpu.memory_space<vmem>>, vector<16xi32>,
      %parallel_loop3A_358 = arith.addi %parallel_loop3A_351, %parallel_loop3A_357 : vector<16xi32>
      %parallel_loop3A_359 = arith.constant 16 : i32
      %parallel_loop3A_360 = arith.muli %parallel_loop3A_279, %parallel_loop3A_359 : i32
      %parallel_loop3A_361 = arith.constant 704 : i32
      %parallel_loop3A_362 = arith.addi %parallel_loop3A_361, %parallel_loop3A_360 : i32
      %parallel_loop3A_363 = arith.index_cast %parallel_loop3A_362 : i32 to index
      %parallel_loop3A_364 = tpu.vector_load %arg7[%parallel_loop3A_363] {strides = array<i32>} : memref<2048xi32, #tpu.memory_space<vmem>>, vector<16xi32>,
      %parallel_loop3A_365 = arith.addi %parallel_loop3A_358, %parallel_loop3A_364 : vector<16xi32>
      %parallel_loop3A_366 = arith.constant 16 : i32
      %parallel_loop3A_367 = arith.muli %parallel_loop3A_279, %parallel_loop3A_366 : i32
      %parallel_loop3A_368 = arith.constant 768 : i32
      %parallel_loop3A_369 = arith.addi %parallel_loop3A_368, %parallel_loop3A_367 : i32
      %parallel_loop3A_370 = arith.index_cast %parallel_loop3A_369 : i32 to index
      %parallel_loop3A_371 = tpu.vector_load %arg7[%parallel_loop3A_370] {strides = array<i32>} : memref<2048xi32, #tpu.memory_space<vmem>>, vector<16xi32>,
      %parallel_loop3A_372 = arith.addi %parallel_loop3A_365, %parallel_loop3A_371 : vector<16xi32>
      %parallel_loop3A_373 = arith.constant 16 : i32
      %parallel_loop3A_374 = arith.muli %parallel_loop3A_279, %parallel_loop3A_373 : i32
      %parallel_loop3A_375 = arith.constant 832 : i32
      %parallel_loop3A_376 = arith.addi %parallel_loop3A_375, %parallel_loop3A_374 : i32
      %parallel_loop3A_377 = arith.index_cast %parallel_loop3A_376 : i32 to index
      %parallel_loop3A_378 = tpu.vector_load %arg7[%parallel_loop3A_377] {strides = array<i32>} : memref<2048xi32, #tpu.memory_space<vmem>>, vector<16xi32>,
      %parallel_loop3A_379 = arith.addi %parallel_loop3A_372, %parallel_loop3A_378 : vector<16xi32>
      %parallel_loop3A_380 = arith.constant 16 : i32
      %parallel_loop3A_381 = arith.muli %parallel_loop3A_279, %parallel_loop3A_380 : i32
      %parallel_loop3A_382 = arith.constant 896 : i32
      %parallel_loop3A_383 = arith.addi %parallel_loop3A_382, %parallel_loop3A_381 : i32
      %parallel_loop3A_384 = arith.index_cast %parallel_loop3A_383 : i32 to index
      %parallel_loop3A_385 = tpu.vector_load %arg7[%parallel_loop3A_384] {strides = array<i32>} : memref<2048xi32, #tpu.memory_space<vmem>>, vector<16xi32>,
      %parallel_loop3A_386 = arith.addi %parallel_loop3A_379, %parallel_loop3A_385 : vector<16xi32>
      %parallel_loop3A_387 = arith.constant 16 : i32
      %parallel_loop3A_388 = arith.muli %parallel_loop3A_279, %parallel_loop3A_387 : i32
      %parallel_loop3A_389 = arith.constant 960 : i32
      %parallel_loop3A_390 = arith.addi %parallel_loop3A_389, %parallel_loop3A_388 : i32
      %parallel_loop3A_391 = arith.index_cast %parallel_loop3A_390 : i32 to index
      %parallel_loop3A_392 = tpu.vector_load %arg7[%parallel_loop3A_391] {strides = array<i32>} : memref<2048xi32, #tpu.memory_space<vmem>>, vector<16xi32>,
      %parallel_loop3A_393 = arith.addi %parallel_loop3A_386, %parallel_loop3A_392 : vector<16xi32>
      %parallel_loop3A_394 = arith.constant 16 : i32
      %parallel_loop3A_395 = arith.muli %parallel_loop3A_279, %parallel_loop3A_394 : i32
      %parallel_loop3A_396 = arith.index_cast %parallel_loop3A_395 : i32 to index
      %parallel_loop3A_397 = tpu.vector_load %arg6[%parallel_loop3A_396] {strides = array<i32>} : memref<2048xi32, #tpu.memory_space<vmem>>, vector<16xi32>,
      tpu.vector_store %arg6[%parallel_loop3A_396], %parallel_loop3A_393 {strides = array<i32>} : memref<2048xi32, #tpu.memory_space<vmem>>, vector<16xi32>,
    } {sc.loop_unroll_factor = 2 : i64, sc.parallel_access}
    %mul3A_233 = arith.constant 64 : i32
    %mul3A_234 = arith.muli %arg1, %mul3A_233 : i32
    "tpu.region"() ({
      %run_scoped3A_279 = tpu.sem_alloc : memref<!tpu.dma_semaphore, #tpu.memory_space<semaphore_mem>>
      %dma_start3A_280 = arith.constant 0 : i32
      %dma_start3A_281 = tpu.memref_slice %arg6[%dma_start3A_280] : memref<2048xi32, #tpu.memory_space<vmem>> -> memref<64xi32, #tpu.memory_space<vmem>>
      %dma_start3A_282 = tpu.memref_slice %arg13[%mul3A_234] : memref<2048xi32, #tpu.memory_space<vmem_shared>> -> memref<64xi32, #tpu.memory_space<vmem_shared>>
      %dma_start3A_283 = tpu.memref_slice %arg13[%mul3A_234] : memref<2048xi32, #tpu.memory_space<vmem_shared>> -> memref<64xi32, #tpu.memory_space<vmem_shared>>
      %dma_start3A_284 = arith.constant 0 : i32
      %dma_start3A_285 = tpu.memref_slice %arg6[%dma_start3A_284] : memref<2048xi32, #tpu.memory_space<vmem>> -> memref<64xi32, #tpu.memory_space<vmem>>
      tpu.enqueue_dma source(%dma_start3A_285 : memref<64xi32, #tpu.memory_space<vmem>>) target(%dma_start3A_283 : memref<64xi32, #tpu.memory_space<vmem_shared>>) target_semaphore(%run_scoped3A_279 : memref<!tpu.dma_semaphore, #tpu.memory_space<semaphore_mem>>)
      %dma_wait3A_286 = arith.constant 0 : i32
      %dma_wait3A_287 = tpu.memref_slice %arg6[%dma_wait3A_286] : memref<2048xi32, #tpu.memory_space<vmem>> -> memref<64xi32, #tpu.memory_space<vmem>>
      %dma_wait3A_288 = tpu.memref_slice %arg13[%mul3A_234] : memref<2048xi32, #tpu.memory_space<vmem_shared>> -> memref<64xi32, #tpu.memory_space<vmem_shared>>
      %dma_wait3A_289 = tpu.memref_slice %arg13[%mul3A_234] : memref<2048xi32, #tpu.memory_space<vmem_shared>> -> memref<64xi32, #tpu.memory_space<vmem_shared>>
      %dma_wait3A_290 = arith.constant 0 : i32
      %dma_wait3A_291 = tpu.memref_slice %arg6[%dma_wait3A_290] : memref<2048xi32, #tpu.memory_space<vmem>> -> memref<64xi32, #tpu.memory_space<vmem>>
      tpu.wait_dma2 semaphore(%run_scoped3A_279 : memref<!tpu.dma_semaphore, #tpu.memory_space<semaphore_mem>>) src(%dma_wait3A_291 : memref<64xi32, #tpu.memory_space<vmem>>) dst(%dma_wait3A_289 : memref<64xi32, #tpu.memory_space<vmem_shared>>)
      tpu.yield
    }) : () -> ()
    %barrier3A_235 = arith.constant 0 : index
    tpu.barrier barrier_id(%barrier3A_235)
    "tpu.region"() ({
      %run_scoped3A_279 = tpu.sem_alloc : memref<!tpu.dma_semaphore, #tpu.memory_space<semaphore_mem>>
      %dma_start3A_280 = arith.constant 0 : i32
      %dma_start3A_281 = tpu.memref_slice %arg6[%dma_start3A_280] : memref<2048xi32, #tpu.memory_space<vmem>> -> memref<1024xi32, #tpu.memory_space<vmem>>
      %dma_start3A_282 = arith.constant 0 : i32
      %dma_start3A_283 = tpu.memref_slice %arg13[%dma_start3A_282] : memref<2048xi32, #tpu.memory_space<vmem_shared>> -> memref<1024xi32, #tpu.memory_space<vmem_shared>>
      %dma_start3A_284 = arith.constant 0 : i32
      %dma_start3A_285 = tpu.memref_slice %arg6[%dma_start3A_284] : memref<2048xi32, #tpu.memory_space<vmem>> -> memref<1024xi32, #tpu.memory_space<vmem>>
      %dma_start3A_286 = arith.constant 0 : i32
      %dma_start3A_287 = tpu.memref_slice %arg13[%dma_start3A_286] : memref<2048xi32, #tpu.memory_space<vmem_shared>> -> memref<1024xi32, #tpu.memory_space<vmem_shared>>
      tpu.enqueue_dma source(%dma_start3A_287 : memref<1024xi32, #tpu.memory_space<vmem_shared>>) target(%dma_start3A_285 : memref<1024xi32, #tpu.memory_space<vmem>>) target_semaphore(%run_scoped3A_279 : memref<!tpu.dma_semaphore, #tpu.memory_space<semaphore_mem>>)
      %dma_wait3A_288 = arith.constant 0 : i32
      %dma_wait3A_289 = tpu.memref_slice %arg6[%dma_wait3A_288] : memref<2048xi32, #tpu.memory_space<vmem>> -> memref<1024xi32, #tpu.memory_space<vmem>>
      %dma_wait3A_290 = arith.constant 0 : i32
      %dma_wait3A_291 = tpu.memref_slice %arg13[%dma_wait3A_290] : memref<2048xi32, #tpu.memory_space<vmem_shared>> -> memref<1024xi32, #tpu.memory_space<vmem_shared>>
      %dma_wait3A_292 = arith.constant 0 : i32
      %dma_wait3A_293 = tpu.memref_slice %arg6[%dma_wait3A_292] : memref<2048xi32, #tpu.memory_space<vmem>> -> memref<1024xi32, #tpu.memory_space<vmem>>
      %dma_wait3A_294 = arith.constant 0 : i32
      %dma_wait3A_295 = tpu.memref_slice %arg13[%dma_wait3A_294] : memref<2048xi32, #tpu.memory_space<vmem_shared>> -> memref<1024xi32, #tpu.memory_space<vmem_shared>>
      tpu.wait_dma2 semaphore(%run_scoped3A_279 : memref<!tpu.dma_semaphore, #tpu.memory_space<semaphore_mem>>) src(%dma_wait3A_295 : memref<1024xi32, #tpu.memory_space<vmem_shared>>) dst(%dma_wait3A_293 : memref<1024xi32, #tpu.memory_space<vmem>>)
      tpu.yield
    }) : () -> ()
    %broadcast_in_dim3A_236 = vector.broadcast %sub3A_171 : i32 to vector<16xi32>
    %scan3A_237 = arith.constant 0 : i32
    %scan3A_238 = arith.constant 64 : i32
    %scan3A_239 = arith.addi %scan3A_237, %scan3A_238 : i32
    %scan3A_240 = arith.constant 1 : i32
    %scan3A_241:3 = scf.for %scan3A_279 = %scan3A_237 to %scan3A_239 step %scan3A_240 iter_args(%scan3A_280 = %broadcast_in_dim3A_9, %scan3A_281 = %broadcast_in_dim3A_9, %scan3A_282 = %broadcast_in_dim3A_9) -> (vector<16xi32>, vector<16xi32>, vector<16xi32>)  : i32 {
      %mul3A_283 = arith.constant 16 : i32
      %mul3A_284 = arith.muli %scan3A_279, %mul3A_283 : i32
      %get3A = arith.index_cast %mul3A_284 : i32 to index
      %get3A_285 = tpu.vector_load %arg6[%get3A] {strides = array<i32>} : memref<2048xi32, #tpu.memory_space<vmem>>, vector<16xi32>,
      %broadcast_in_dim3A_286 = arith.constant true
      %broadcast_in_dim3A_287 = vector.broadcast %broadcast_in_dim3A_286 : i1 to vector<16xi1>
      %masked_cumsum3A = tpu.scan <sum>, %get3A_285 masked %broadcast_in_dim3A_287 : vector<16xi32>, vector<16xi1> -> vector<16xi32>
      %add3A_288 = arith.addi %masked_cumsum3A, %scan3A_280 : vector<16xi32>
      %lt3A = arith.cmpi slt, %add3A_288, %broadcast_in_dim3A_236 : vector<16xi32>
      %convert_element_type3A_289 = arith.extui %lt3A : vector<16xi1> to vector<16xi32>
      %add3A_290 = arith.addi %scan3A_281, %convert_element_type3A_289 : vector<16xi32>
      %mul3A_291 = arith.muli %convert_element_type3A_289, %get3A_285 : vector<16xi32>
      %add3A_292 = arith.addi %scan3A_282, %mul3A_291 : vector<16xi32>
      %broadcast_in_dim3A_293 = vector.shape_cast %broadcast_in_dim3A_0 : vector<16xi32> to vector<16x1xi32>
      %gather3A = vector.shape_cast %broadcast_in_dim3A_293 : vector<16x1xi32> to vector<16xi32>
      %gather3A_294 = tpu.dynamic_gather %add3A_288[%gather3A] in [0] : vector<16xi32>, vector<16xi32> -> vector<16xi32>
      scf.yield %gather3A_294, %add3A_290, %add3A_292 : vector<16xi32>, vector<16xi32>, vector<16xi32>
    }
    %scan3A_242 = arith.constant 64 : i32
    %reduce_sum3A_243 = arith.constant true
    %reduce_sum3A_244 = vector.broadcast %reduce_sum3A_243 : i1 to vector<16xi1>
    %reduce_sum3A_245 = tpu.scan <sum>, %scan3A_241#1 masked %reduce_sum3A_244 : vector<16xi32>, vector<16xi1> -> vector<16xi32>
    %reduce_sum3A_246 = vector.extract %reduce_sum3A_245[15] : i32 from vector<16xi32>
    %reduce_sum3A_247 = arith.constant true
    %reduce_sum3A_248 = vector.broadcast %reduce_sum3A_247 : i1 to vector<16xi1>
    %reduce_sum3A_249 = tpu.scan <sum>, %scan3A_241#2 masked %reduce_sum3A_248 : vector<16xi32>, vector<16xi1> -> vector<16xi32>
    %reduce_sum3A_250 = vector.extract %reduce_sum3A_249[15] : i32 from vector<16xi32>
    "tpu.trace_stop"() : () -> ()
    %mul3A_251 = arith.constant 1024 : i32
    %mul3A_252 = arith.muli %add3A, %mul3A_251 : i32
    %add3A_253 = arith.addi %mul3A_252, %reduce_sum3A_246 : i32
    %add3A_254 = arith.addi %reduce_sum3A_90, %reduce_sum3A_170 : i32
    %add3A_255 = arith.addi %add3A_254, %reduce_sum3A_250 : i32
    %broadcast_in_dim3A_256 = vector.broadcast %add3A_253 : i32 to vector<16xi32>
    %broadcast_in_dim3A_257 = arith.constant 2147483647 : i32
    %broadcast_in_dim3A_258 = vector.broadcast %broadcast_in_dim3A_257 : i32 to vector<16xi32>
    %broadcast_in_dim3A_259 = arith.constant 0.00999999977 : f32
    %broadcast_in_dim3A_260 = vector.broadcast %broadcast_in_dim3A_259 : f32 to vector<16xf32>
    %parallel_loop3A_261 = arith.constant 0 : i32
    %parallel_loop3A_262 = arith.constant 1024 : i32
    %parallel_loop3A_263 = arith.constant 1 : i32
    "tpu.trace_start"() <{level = 10 : i32, message = "ph_p4"}> : () -> ()
    %parallel_loop3A_264:4 = scf.for %parallel_loop3A_279 = %parallel_loop3A_261 to %parallel_loop3A_262 step %parallel_loop3A_263 iter_args(%parallel_loop3A_280 = %broadcast_in_dim3A_11, %parallel_loop3A_281 = %broadcast_in_dim3A_11, %parallel_loop3A_282 = %broadcast_in_dim3A_11, %parallel_loop3A_283 = %broadcast_in_dim3A_11) -> (vector<16xf32>, vector<16xf32>, vector<16xf32>, vector<16xf32>)  : i32 {
      %parallel_loop3A_284 = arith.constant 4 : i32
      %parallel_loop3A_285 = arith.muli %parallel_loop3A_279, %parallel_loop3A_284 : i32
      %parallel_loop3A_286 = arith.constant 0 : i32
      %parallel_loop3A_287 = arith.addi %parallel_loop3A_285, %parallel_loop3A_286 : i32
      %parallel_loop3A_288 = arith.constant 16 : i32
      %parallel_loop3A_289 = arith.muli %parallel_loop3A_287, %parallel_loop3A_288 : i32
      %parallel_loop3A_290 = arith.index_cast %parallel_loop3A_289 : i32 to index
      %parallel_loop3A_291 = tpu.vector_load %arg4[%parallel_loop3A_290] {strides = array<i32>} : memref<65536xf32, #tpu.memory_space<vmem>>, vector<16xf32>,
      %parallel_loop3A_292 = vector.bitcast %parallel_loop3A_291 : vector<16xf32> to vector<16xi32>
      %parallel_loop3A_293 = arith.constant 31 : i32
      %parallel_loop3A_294 = vector.broadcast %parallel_loop3A_293 : i32 to vector<16xi32>
      %parallel_loop3A_295 = arith.shrsi %parallel_loop3A_292, %parallel_loop3A_294 : vector<16xi32>
      %parallel_loop3A_296 = arith.xori %parallel_loop3A_292, %parallel_loop3A_295 : vector<16xi32>
      %parallel_loop3A_297 = arith.andi %parallel_loop3A_296, %broadcast_in_dim3A_258 : vector<16xi32>
      %parallel_loop3A_298 = vector.bitcast %parallel_loop3A_297 : vector<16xi32> to vector<16xf32>
      %parallel_loop3A_299 = arith.minimumf %parallel_loop3A_298, %broadcast_in_dim3A_260 : vector<16xf32>
      %parallel_loop3A_300 = arith.constant 5.000000e-01 : f32
      %parallel_loop3A_301 = vector.broadcast %parallel_loop3A_300 : f32 to vector<16xf32>
      %parallel_loop3A_302 = arith.mulf %parallel_loop3A_301, %parallel_loop3A_299 : vector<16xf32>
      %parallel_loop3A_303 = arith.mulf %parallel_loop3A_302, %parallel_loop3A_299 : vector<16xf32>
      %parallel_loop3A_304 = arith.subf %parallel_loop3A_298, %parallel_loop3A_299 : vector<16xf32>
      %parallel_loop3A_305 = arith.constant 0.00999999977 : f32
      %parallel_loop3A_306 = vector.broadcast %parallel_loop3A_305 : f32 to vector<16xf32>
      %parallel_loop3A_307 = arith.mulf %parallel_loop3A_306, %parallel_loop3A_304 : vector<16xf32>
      %parallel_loop3A_308 = arith.addf %parallel_loop3A_303, %parallel_loop3A_307 : vector<16xf32>
      %parallel_loop3A_309 = arith.cmpi slt, %parallel_loop3A_292, %broadcast_in_dim3A_256 : vector<16xi32>
      %parallel_loop3A_310 = arith.select %parallel_loop3A_309, %parallel_loop3A_308, %broadcast_in_dim3A_11 : vector<16xi1>, vector<16xf32>
      %parallel_loop3A_311 = arith.addf %parallel_loop3A_280, %parallel_loop3A_310 : vector<16xf32>
      %parallel_loop3A_312 = arith.constant 4 : i32
      %parallel_loop3A_313 = arith.muli %parallel_loop3A_279, %parallel_loop3A_312 : i32
      %parallel_loop3A_314 = arith.constant 1 : i32
      %parallel_loop3A_315 = arith.addi %parallel_loop3A_313, %parallel_loop3A_314 : i32
      %parallel_loop3A_316 = arith.constant 16 : i32
      %parallel_loop3A_317 = arith.muli %parallel_loop3A_315, %parallel_loop3A_316 : i32
      %parallel_loop3A_318 = arith.index_cast %parallel_loop3A_317 : i32 to index
      %parallel_loop3A_319 = tpu.vector_load %arg4[%parallel_loop3A_318] {strides = array<i32>} : memref<65536xf32, #tpu.memory_space<vmem>>, vector<16xf32>,
      %parallel_loop3A_320 = vector.bitcast %parallel_loop3A_319 : vector<16xf32> to vector<16xi32>
      %parallel_loop3A_321 = arith.constant 31 : i32
      %parallel_loop3A_322 = vector.broadcast %parallel_loop3A_321 : i32 to vector<16xi32>
      %parallel_loop3A_323 = arith.shrsi %parallel_loop3A_320, %parallel_loop3A_322 : vector<16xi32>
      %parallel_loop3A_324 = arith.xori %parallel_loop3A_320, %parallel_loop3A_323 : vector<16xi32>
      %parallel_loop3A_325 = arith.andi %parallel_loop3A_324, %broadcast_in_dim3A_258 : vector<16xi32>
      %parallel_loop3A_326 = vector.bitcast %parallel_loop3A_325 : vector<16xi32> to vector<16xf32>
      %parallel_loop3A_327 = arith.minimumf %parallel_loop3A_326, %broadcast_in_dim3A_260 : vector<16xf32>
      %parallel_loop3A_328 = arith.constant 5.000000e-01 : f32
      %parallel_loop3A_329 = vector.broadcast %parallel_loop3A_328 : f32 to vector<16xf32>
      %parallel_loop3A_330 = arith.mulf %parallel_loop3A_329, %parallel_loop3A_327 : vector<16xf32>
      %parallel_loop3A_331 = arith.mulf %parallel_loop3A_330, %parallel_loop3A_327 : vector<16xf32>
      %parallel_loop3A_332 = arith.subf %parallel_loop3A_326, %parallel_loop3A_327 : vector<16xf32>
      %parallel_loop3A_333 = arith.constant 0.00999999977 : f32
      %parallel_loop3A_334 = vector.broadcast %parallel_loop3A_333 : f32 to vector<16xf32>
      %parallel_loop3A_335 = arith.mulf %parallel_loop3A_334, %parallel_loop3A_332 : vector<16xf32>
      %parallel_loop3A_336 = arith.addf %parallel_loop3A_331, %parallel_loop3A_335 : vector<16xf32>
      %parallel_loop3A_337 = arith.cmpi slt, %parallel_loop3A_320, %broadcast_in_dim3A_256 : vector<16xi32>
      %parallel_loop3A_338 = arith.select %parallel_loop3A_337, %parallel_loop3A_336, %broadcast_in_dim3A_11 : vector<16xi1>, vector<16xf32>
      %parallel_loop3A_339 = arith.addf %parallel_loop3A_281, %parallel_loop3A_338 : vector<16xf32>
      %parallel_loop3A_340 = arith.constant 4 : i32
      %parallel_loop3A_341 = arith.muli %parallel_loop3A_279, %parallel_loop3A_340 : i32
      %parallel_loop3A_342 = arith.constant 2 : i32
      %parallel_loop3A_343 = arith.addi %parallel_loop3A_341, %parallel_loop3A_342 : i32
      %parallel_loop3A_344 = arith.constant 16 : i32
      %parallel_loop3A_345 = arith.muli %parallel_loop3A_343, %parallel_loop3A_344 : i32
      %parallel_loop3A_346 = arith.index_cast %parallel_loop3A_345 : i32 to index
      %parallel_loop3A_347 = tpu.vector_load %arg4[%parallel_loop3A_346] {strides = array<i32>} : memref<65536xf32, #tpu.memory_space<vmem>>, vector<16xf32>,
      %parallel_loop3A_348 = vector.bitcast %parallel_loop3A_347 : vector<16xf32> to vector<16xi32>
      %parallel_loop3A_349 = arith.constant 31 : i32
      %parallel_loop3A_350 = vector.broadcast %parallel_loop3A_349 : i32 to vector<16xi32>
      %parallel_loop3A_351 = arith.shrsi %parallel_loop3A_348, %parallel_loop3A_350 : vector<16xi32>
      %parallel_loop3A_352 = arith.xori %parallel_loop3A_348, %parallel_loop3A_351 : vector<16xi32>
      %parallel_loop3A_353 = arith.andi %parallel_loop3A_352, %broadcast_in_dim3A_258 : vector<16xi32>
      %parallel_loop3A_354 = vector.bitcast %parallel_loop3A_353 : vector<16xi32> to vector<16xf32>
      %parallel_loop3A_355 = arith.minimumf %parallel_loop3A_354, %broadcast_in_dim3A_260 : vector<16xf32>
      %parallel_loop3A_356 = arith.constant 5.000000e-01 : f32
      %parallel_loop3A_357 = vector.broadcast %parallel_loop3A_356 : f32 to vector<16xf32>
      %parallel_loop3A_358 = arith.mulf %parallel_loop3A_357, %parallel_loop3A_355 : vector<16xf32>
      %parallel_loop3A_359 = arith.mulf %parallel_loop3A_358, %parallel_loop3A_355 : vector<16xf32>
      %parallel_loop3A_360 = arith.subf %parallel_loop3A_354, %parallel_loop3A_355 : vector<16xf32>
      %parallel_loop3A_361 = arith.constant 0.00999999977 : f32
      %parallel_loop3A_362 = vector.broadcast %parallel_loop3A_361 : f32 to vector<16xf32>
      %parallel_loop3A_363 = arith.mulf %parallel_loop3A_362, %parallel_loop3A_360 : vector<16xf32>
      %parallel_loop3A_364 = arith.addf %parallel_loop3A_359, %parallel_loop3A_363 : vector<16xf32>
      %parallel_loop3A_365 = arith.cmpi slt, %parallel_loop3A_348, %broadcast_in_dim3A_256 : vector<16xi32>
      %parallel_loop3A_366 = arith.select %parallel_loop3A_365, %parallel_loop3A_364, %broadcast_in_dim3A_11 : vector<16xi1>, vector<16xf32>
      %parallel_loop3A_367 = arith.addf %parallel_loop3A_282, %parallel_loop3A_366 : vector<16xf32>
      %parallel_loop3A_368 = arith.constant 4 : i32
      %parallel_loop3A_369 = arith.muli %parallel_loop3A_279, %parallel_loop3A_368 : i32
      %parallel_loop3A_370 = arith.constant 3 : i32
      %parallel_loop3A_371 = arith.addi %parallel_loop3A_369, %parallel_loop3A_370 : i32
      %parallel_loop3A_372 = arith.constant 16 : i32
      %parallel_loop3A_373 = arith.muli %parallel_loop3A_371, %parallel_loop3A_372 : i32
      %parallel_loop3A_374 = arith.index_cast %parallel_loop3A_373 : i32 to index
      %parallel_loop3A_375 = tpu.vector_load %arg4[%parallel_loop3A_374] {strides = array<i32>} : memref<65536xf32, #tpu.memory_space<vmem>>, vector<16xf32>,
      %parallel_loop3A_376 = vector.bitcast %parallel_loop3A_375 : vector<16xf32> to vector<16xi32>
      %parallel_loop3A_377 = arith.constant 31 : i32
      %parallel_loop3A_378 = vector.broadcast %parallel_loop3A_377 : i32 to vector<16xi32>
      %parallel_loop3A_379 = arith.shrsi %parallel_loop3A_376, %parallel_loop3A_378 : vector<16xi32>
      %parallel_loop3A_380 = arith.xori %parallel_loop3A_376, %parallel_loop3A_379 : vector<16xi32>
      %parallel_loop3A_381 = arith.andi %parallel_loop3A_380, %broadcast_in_dim3A_258 : vector<16xi32>
      %parallel_loop3A_382 = vector.bitcast %parallel_loop3A_381 : vector<16xi32> to vector<16xf32>
      %parallel_loop3A_383 = arith.minimumf %parallel_loop3A_382, %broadcast_in_dim3A_260 : vector<16xf32>
      %parallel_loop3A_384 = arith.constant 5.000000e-01 : f32
      %parallel_loop3A_385 = vector.broadcast %parallel_loop3A_384 : f32 to vector<16xf32>
      %parallel_loop3A_386 = arith.mulf %parallel_loop3A_385, %parallel_loop3A_383 : vector<16xf32>
      %parallel_loop3A_387 = arith.mulf %parallel_loop3A_386, %parallel_loop3A_383 : vector<16xf32>
      %parallel_loop3A_388 = arith.subf %parallel_loop3A_382, %parallel_loop3A_383 : vector<16xf32>
      %parallel_loop3A_389 = arith.constant 0.00999999977 : f32
      %parallel_loop3A_390 = vector.broadcast %parallel_loop3A_389 : f32 to vector<16xf32>
      %parallel_loop3A_391 = arith.mulf %parallel_loop3A_390, %parallel_loop3A_388 : vector<16xf32>
      %parallel_loop3A_392 = arith.addf %parallel_loop3A_387, %parallel_loop3A_391 : vector<16xf32>
      %parallel_loop3A_393 = arith.cmpi slt, %parallel_loop3A_376, %broadcast_in_dim3A_256 : vector<16xi32>
      %parallel_loop3A_394 = arith.select %parallel_loop3A_393, %parallel_loop3A_392, %broadcast_in_dim3A_11 : vector<16xi1>, vector<16xf32>
      %parallel_loop3A_395 = arith.addf %parallel_loop3A_283, %parallel_loop3A_394 : vector<16xf32>
      scf.yield %parallel_loop3A_311, %parallel_loop3A_339, %parallel_loop3A_367, %parallel_loop3A_395 : vector<16xf32>, vector<16xf32>, vector<16xf32>, vector<16xf32>
    } {sc.loop_unroll_factor = 2 : i64, sc.parallel_access}
    %add3A_265 = arith.addf %parallel_loop3A_264#0, %parallel_loop3A_264#1 : vector<16xf32>
    %add3A_266 = arith.addf %add3A_265, %parallel_loop3A_264#2 : vector<16xf32>
    %add3A_267 = arith.addf %add3A_266, %parallel_loop3A_264#3 : vector<16xf32>
    "tpu.trace_stop"() : () -> ()
    %reduce_sum3A_268 = arith.constant true
    %reduce_sum3A_269 = vector.broadcast %reduce_sum3A_268 : i1 to vector<16xi1>
    %reduce_sum3A_270 = tpu.scan <sum>, %add3A_267 masked %reduce_sum3A_269 : vector<16xf32>, vector<16xi1> -> vector<16xf32>
    %reduce_sum3A_271 = vector.extract %reduce_sum3A_270[15] : f32 from vector<16xf32>
    %broadcast_in_dim3A_272 = vector.broadcast %reduce_sum3A_271 : f32 to vector<16xf32>
    %swap3A = arith.constant 0 : index
    %swap3A_273 = tpu.vector_load %arg8[%swap3A] {strides = array<i32>} : memref<16xf32, #tpu.memory_space<vmem>>, vector<16xf32>,
    tpu.vector_store %arg8[%swap3A], %broadcast_in_dim3A_272 {strides = array<i32>} : memref<16xf32, #tpu.memory_space<vmem>>, vector<16xf32>,
    %mul3A_274 = arith.constant 16 : i32
    %mul3A_275 = arith.muli %arg1, %mul3A_274 : i32
    "tpu.region"() ({
      %run_scoped3A_279 = tpu.sem_alloc : memref<!tpu.dma_semaphore, #tpu.memory_space<semaphore_mem>>
      %dma_start3A_280 = tpu.memref_slice %arg14[%mul3A_275] : memref<256xf32, #tpu.memory_space<vmem_shared>> -> memref<16xf32, #tpu.memory_space<vmem_shared>>
      %dma_start3A_281 = tpu.memref_slice %arg14[%mul3A_275] : memref<256xf32, #tpu.memory_space<vmem_shared>> -> memref<16xf32, #tpu.memory_space<vmem_shared>>
      tpu.enqueue_dma source(%arg8 : memref<16xf32, #tpu.memory_space<vmem>>) target(%dma_start3A_281 : memref<16xf32, #tpu.memory_space<vmem_shared>>) target_semaphore(%run_scoped3A_279 : memref<!tpu.dma_semaphore, #tpu.memory_space<semaphore_mem>>)
      %dma_wait3A_282 = tpu.memref_slice %arg14[%mul3A_275] : memref<256xf32, #tpu.memory_space<vmem_shared>> -> memref<16xf32, #tpu.memory_space<vmem_shared>>
      %dma_wait3A_283 = tpu.memref_slice %arg14[%mul3A_275] : memref<256xf32, #tpu.memory_space<vmem_shared>> -> memref<16xf32, #tpu.memory_space<vmem_shared>>
      tpu.wait_dma2 semaphore(%run_scoped3A_279 : memref<!tpu.dma_semaphore, #tpu.memory_space<semaphore_mem>>) src(%arg8 : memref<16xf32, #tpu.memory_space<vmem>>) dst(%dma_wait3A_283 : memref<16xf32, #tpu.memory_space<vmem_shared>>)
      tpu.yield
    }) : () -> ()
    %barrier3A_276 = arith.constant 0 : index
    tpu.barrier barrier_id(%barrier3A_276)
    %eq3A = arith.constant 0 : i32
    %eq3A_277 = arith.cmpi eq, %arg1, %eq3A : i32
    %convert_element_type3A = arith.extui %eq3A_277 : i1 to i32
    %cond3A = arith.constant 0 : i32
    %cond3A_278 = arith.cmpi ne, %convert_element_type3A, %cond3A : i32
    scf.if %cond3A_278 {
      "tpu.region"() ({
        %run_scoped3A_328 = tpu.sem_alloc : memref<!tpu.dma_semaphore, #tpu.memory_space<semaphore_mem>>
        tpu.enqueue_dma source(%arg14 : memref<256xf32, #tpu.memory_space<vmem_shared>>) target(%arg9 : memref<256xf32, #tpu.memory_space<vmem>>) target_semaphore(%run_scoped3A_328 : memref<!tpu.dma_semaphore, #tpu.memory_space<semaphore_mem>>)
        tpu.wait_dma2 semaphore(%run_scoped3A_328 : memref<!tpu.dma_semaphore, #tpu.memory_space<semaphore_mem>>) src(%arg14 : memref<256xf32, #tpu.memory_space<vmem_shared>>) dst(%arg9 : memref<256xf32, #tpu.memory_space<vmem>>)
        tpu.yield
      }) : () -> ()
      %scan3A_279 = arith.constant 0 : i32
      %scan3A_280 = arith.constant 16 : i32
      %scan3A_281 = arith.addi %scan3A_279, %scan3A_280 : i32
      %scan3A_282 = arith.constant 4 : i32
      %scan3A_283 = scf.for %scan3A_328 = %scan3A_279 to %scan3A_281 step %scan3A_282 iter_args(%scan3A_329 = %broadcast_in_dim3A_11) -> (vector<16xf32>)  : i32 {
        %mul3A_330 = arith.constant 16 : i32
        %mul3A_331 = arith.muli %scan3A_328, %mul3A_330 : i32
        %get3A = arith.index_cast %mul3A_331 : i32 to index
        %get3A_332 = tpu.vector_load %arg9[%get3A] {strides = array<i32>} : memref<256xf32, #tpu.memory_space<vmem>>, vector<16xf32>,
        %add3A_333 = arith.addf %scan3A_329, %get3A_332 : vector<16xf32>
        %scan3A_334 = arith.constant 1 : i32
        %scan3A_335 = arith.addi %scan3A_328, %scan3A_334 : i32
        %mul3A_336 = arith.constant 16 : i32
        %mul3A_337 = arith.muli %scan3A_335, %mul3A_336 : i32
        %get3A_338 = arith.index_cast %mul3A_337 : i32 to index
        %get3A_339 = tpu.vector_load %arg9[%get3A_338] {strides = array<i32>} : memref<256xf32, #tpu.memory_space<vmem>>, vector<16xf32>,
        %add3A_340 = arith.addf %add3A_333, %get3A_339 : vector<16xf32>
        %scan3A_341 = arith.constant 2 : i32
        %scan3A_342 = arith.addi %scan3A_328, %scan3A_341 : i32
        %mul3A_343 = arith.constant 16 : i32
        %mul3A_344 = arith.muli %scan3A_342, %mul3A_343 : i32
        %get3A_345 = arith.index_cast %mul3A_344 : i32 to index
        %get3A_346 = tpu.vector_load %arg9[%get3A_345] {strides = array<i32>} : memref<256xf32, #tpu.memory_space<vmem>>, vector<16xf32>,
        %add3A_347 = arith.addf %add3A_340, %get3A_346 : vector<16xf32>
        %scan3A_348 = arith.constant 3 : i32
        %scan3A_349 = arith.addi %scan3A_328, %scan3A_348 : i32
        %mul3A_350 = arith.constant 16 : i32
        %mul3A_351 = arith.muli %scan3A_349, %mul3A_350 : i32
        %get3A_352 = arith.index_cast %mul3A_351 : i32 to index
        %get3A_353 = tpu.vector_load %arg9[%get3A_352] {strides = array<i32>} : memref<256xf32, #tpu.memory_space<vmem>>, vector<16xf32>,
        %add3A_354 = arith.addf %add3A_347, %get3A_353 : vector<16xf32>
        scf.yield %add3A_354 : vector<16xf32>
      }
      %scan3A_284 = arith.constant 16 : i32
      %shift_right_arithmetic3A = arith.constant 31 : i32
      %shift_right_arithmetic3A_285 = arith.shrsi %add3A_253, %shift_right_arithmetic3A : i32
      %and3A = arith.constant 2147483647 : i32
      %and3A_286 = arith.andi %shift_right_arithmetic3A_285, %and3A : i32
      %xor3A = arith.xori %add3A_253, %and3A_286 : i32
      %broadcast_in_dim3A_287 = vector.broadcast %xor3A : i32 to vector<16xi32>
      %bitcast3A = vector.bitcast %broadcast_in_dim3A_287 : vector<16xi32> to vector<16xf32>
      %abs3A = math.absf %bitcast3A : vector<16xf32>
      %le3A = arith.constant 0.00999999977 : f32
      %le3A_288 = vector.broadcast %le3A : f32 to vector<16xf32>
      %le3A_289 = arith.cmpf ole, %abs3A, %le3A_288 : vector<16xf32>
      %mul3A_290 = arith.constant 5.000000e-01 : f32
      %mul3A_291 = vector.broadcast %mul3A_290 : f32 to vector<16xf32>
      %mul3A_292 = arith.mulf %mul3A_291, %bitcast3A : vector<16xf32>
      %mul3A_293 = arith.mulf %mul3A_292, %bitcast3A : vector<16xf32>
      %sub3A_294 = arith.constant 5.000000e-03 : f32
      %sub3A_295 = vector.broadcast %sub3A_294 : f32 to vector<16xf32>
      %sub3A_296 = arith.subf %abs3A, %sub3A_295 : vector<16xf32>
      %mul3A_297 = arith.constant 0.00999999977 : f32
      %mul3A_298 = vector.broadcast %mul3A_297 : f32 to vector<16xf32>
      %mul3A_299 = arith.mulf %mul3A_298, %sub3A_296 : vector<16xf32>
      %select_n3A = arith.select %le3A_289, %mul3A_293, %mul3A_299 : vector<16xi1>, vector<16xf32>
      %broadcast_in_dim3A_300 = arith.constant 52428 : i32
      %broadcast_in_dim3A_301 = vector.broadcast %broadcast_in_dim3A_300 : i32 to vector<16xi32>
      %broadcast_in_dim3A_302 = vector.broadcast %add3A_255 : i32 to vector<16xi32>
      %sub3A_303 = arith.subi %broadcast_in_dim3A_301, %broadcast_in_dim3A_302 : vector<16xi32>
      %convert_element_type3A_304 = arith.sitofp %sub3A_303 : vector<16xi32> to vector<16xf32>
      %mul3A_305 = arith.mulf %convert_element_type3A_304, %select_n3A : vector<16xf32>
      %add3A_306 = arith.addf %scan3A_283, %mul3A_305 : vector<16xf32>
      %neg3A = arith.constant 0.000000e+00 : f32
      %neg3A_307 = vector.broadcast %neg3A : f32 to vector<16xf32>
      %neg3A_308 = arith.subf %neg3A_307, %add3A_306 : vector<16xf32>
      %div3A = arith.constant 5.242800e+04 : f32
      %div3A_309 = vector.broadcast %div3A : f32 to vector<16xf32>
      %div3A_310 = arith.divf %neg3A_308, %div3A_309 : vector<16xf32>
      %broadcast_in_dim3A_311 = arith.constant -0.00999999977 : f32
      %broadcast_in_dim3A_312 = vector.broadcast %broadcast_in_dim3A_311 : f32 to vector<16xf32>
      %sub3A_313 = arith.subf %broadcast_in_dim3A_312, %div3A_310 : vector<16xf32>
      %max3A = arith.maximumf %sub3A_313, %broadcast_in_dim3A_11 : vector<16xf32>
      %mul3A_314 = arith.constant 5.000000e+00 : f32
      %mul3A_315 = vector.broadcast %mul3A_314 : f32 to vector<16xf32>
      %mul3A_316 = arith.mulf %max3A, %mul3A_315 : vector<16xf32>
      %iota3A_317 = tpu.iota {dimensions = array<i32: 0>} : vector<16xi32>
      %eq3A_318 = arith.constant 0 : i32
      %eq3A_319 = vector.broadcast %eq3A_318 : i32 to vector<16xi32>
      %eq3A_320 = arith.cmpi eq, %iota3A_317, %eq3A_319 : vector<16xi32>
      %eq3A_321 = arith.constant 1 : i32
      %eq3A_322 = vector.broadcast %eq3A_321 : i32 to vector<16xi32>
      %eq3A_323 = arith.cmpi eq, %iota3A_317, %eq3A_322 : vector<16xi32>
      %select_n3A_324 = arith.select %eq3A_323, %mul3A_316, %broadcast_in_dim3A_11 : vector<16xi1>, vector<16xf32>
      %select_n3A_325 = arith.select %eq3A_320, %div3A_310, %select_n3A_324 : vector<16xi1>, vector<16xf32>
      %swap3A_326 = arith.constant 0 : index
      %swap3A_327 = tpu.vector_load %arg10[%swap3A_326] {strides = array<i32>} : memref<16xf32, #tpu.memory_space<vmem>>, vector<16xf32>,
      tpu.vector_store %arg10[%swap3A_326], %select_n3A_325 {strides = array<i32>} : memref<16xf32, #tpu.memory_space<vmem>>, vector<16xf32>,
      "tpu.region"() ({
        %run_scoped3A_328 = tpu.sem_alloc : memref<!tpu.dma_semaphore, #tpu.memory_space<semaphore_mem>>
        tpu.enqueue_dma source(%arg10 : memref<16xf32, #tpu.memory_space<vmem>>) target(%arg3 : memref<16xf32, #tpu.memory_space<hbm>>) target_semaphore(%run_scoped3A_328 : memref<!tpu.dma_semaphore, #tpu.memory_space<semaphore_mem>>)
        tpu.wait_dma2 semaphore(%run_scoped3A_328 : memref<!tpu.dma_semaphore, #tpu.memory_space<semaphore_mem>>) src(%arg10 : memref<16xf32, #tpu.memory_space<vmem>>) dst(%arg3 : memref<16xf32, #tpu.memory_space<hbm>>)
        tpu.yield
      }) : () -> ()
    } else {
    }
    return
  }
}

</mosaic_0001>

<sc_bundles>
// kernel: kernel.3.cloned.1.call-start
scs
__scs_entry_jumppad:
0x0: {  	(pc) =	sbr.rel $0x88, $3  }
0x1: {  	(tag) =	ssettag $0x0;
	lr =	simm.s32 $0x1  }
0x2: {  	[smem:$0x3FA0] =	sst lr;
	_ =	strace $0xD0000000  }
0x3: {  	_ = 	snop  }
0x4: {  	_ = 	snop  }
0x5: {  	_ = 	snop  }
0x6: {  	_ = 	snop  }
0x7: {  	_ = 	snop  }
__scs_overlays_trampoline_lowered:
0x8: {  	[smem:$0x3FAF] =	sst s0  }
0x9: {  	[smem:$0x3FB0] =	sst s1  }
0xa: {  	[smem:$0x3FB1] =	sst s2  }
0xb: {  	[smem:$0x3FB2] =	sst s3  }
0xc: {  	[smem:$0x3FB3] =	sst s4  }
0xd: {  	[smem:$0x3FB4] =	sst s5  }
0xe: {  	[smem:$0x3FB5] =	sst s6  }
0xf: {  	[smem:$0x3FB6] =	sst s7  }
0x10: {  	[smem:$0x3FB7] =	sst s8  }
0x11: {  	[smem:$0x3FB8] =	sst s9;
	s0 =	simm.s32 @!p0 $0x0  }
0x12: {  	s1 =	sld [smem:$0x3F9E];
	s0 =	simm.s32 @p0 $0x1  }
0x13: {  	[smem:$0x3FB9] =	sst s0;
	s0 =	simm.s32 @!p1 $0x0  }
0x14: {  	s2 =	sld [smem:$0x3F9D];
	s0 =	simm.s32 @p1 $0x1  }
0x15: {  	[smem:$0x3FBA] =	sst s0;
	s0 =	simm.s32 @!p2 $0x0  }
0x16: {  	s3 =	sld [smem:$0x3FDB];
	s0 =	simm.s32 @p2 $0x1  }
0x17: {  	s4 =	simm.s32 $0x1BF5;
	[smem:$0x3FBC] =	sst s0  }
0x18: {  	s0 =	sld [smem:$0x3F9F];
	_ =	swait.ge [sflag:s4], $0x0  }
0x19: {  	s7 =	sld [smem:$0x3FA0]  }
0x1a: {  	s8 =	sadd.s32 $0xFFFFE003, lr  }
0x1b: {  	s9 =	sadd.s32 $0xFFFFFEF7, lr;
	s5 =	simm.s32 $0xFFFFFFFF;
	p2 =	slt.u32 s8, $0xFFFFF086  }
0x1c: {  	p1 =	slt.u32 s9, $0xF7A;
	s5 =	simm.s32 @!p2 $0x0  }
0x1d: {  	s5 =	simm.s32 @p1 $0x1;
	p0 =	seq.s32 s7, s2  }
0x1e: {  	s7 =	smul.u32 @!p0 $0xF7A, s2;
	p2 =	seq.s32 @!p0 s5, $0x0  }
0x1f: {  	s9 =	smul.u32 $0xF7A, s1;
	s8 =	simm.s32 @!p0 $0x1BF5;
	p2 =	por !p2, p0  }
0x20: {  	[sflag:s8] =	ssyncset.s32 @!p0 $0xFFFFF086;
	s6 =	sadd.s32 @!p0 s3, s7;
	s7 =	simm.s32 @!p0 $0x108  }
0x21: {  	s3 =	sadd.s32 s3, s9;
	s6 =	sadd.s32 @!p0 $0x88, s6;
	s7 =	simm.s32 @p2 $0x1082  }
0x22: {  	[simem:s7], [sflag:s8] =	dma.local @!p0 [hbm:s6], $0xF7A  }
0x23: {  	s9 =	sor.u32 $0xD0000000, s2;
	s6 =	simm.s32 $0x108;
	_ =	swait.ge @!p0 [sflag:s8], $0x0  }
0x24: {  	s3 =	sadd.s32 $0x88, s3;
	s6 =	simm.s32 @!p1 $0x1082;
	[sflag:s4] =	ssyncset.s32 $0xFFFFF086  }
0x25: {  	[simem:s6], [sflag:s4] =	dma.local [hbm:s3], $0xF7A  }
0x26: {  	[smem:$0x3FA0] =	sst s1;
	(tag) =	ssettag s2;
	_ =	strace s9  }
0x27: {  	s1 =	sld [smem:$0x3FB0]  }
0x28: {  	s2 =	sld [smem:$0x3FB1]  }
0x29: {  	s4 =	sld [smem:$0x3FB3]  }
0x2a: {  	p0 =	seq.s32 s5, $0x0;
	s5 =	sld [smem:$0x3FB4]  }
0x2b: {  	s6 =	sld [smem:$0x3FB5]  }
0x2c: {  	s7 =	sld [smem:$0x3FB6]  }
0x2d: {  	s3 =	simm.s32 $0x108;
	s8 =	sld [smem:$0x3FB7]  }
0x2e: {  	s3 =	simm.s32 @!p0 $0x1082;
	s9 =	sld [smem:$0x3FB8]  }
0x2f: {  	lr =	sadd.s32 s0, s3;
	s0 =	sld [smem:$0x3FAF]  }
0x30: {  	s3 =	sld [smem:$0x3FB2]  }
0x31: {  	[smem:$0x3FBB] =	sst s10  }
0x32: {  	s10 =	sld [smem:$0x3FB9];
	_ =	sdelay $0x3  }
0x33: {  	p0 =	seq.s32 s10, $0x1;
	s10 =	sld [smem:$0x3FBB];
	_ =	sdelay $0x3  }
0x34: {  	[smem:$0x3FBB] =	sst s10  }
0x35: {  	s10 =	sld [smem:$0x3FBA];
	_ =	sdelay $0x3  }
0x36: {  	p1 =	seq.s32 s10, $0x1;
	s10 =	sld [smem:$0x3FBB];
	_ =	sdelay $0x3  }
0x37: {  	[smem:$0x3FBB] =	sst s10  }
0x38: {  	s10 =	sld [smem:$0x3FBC]  }
0x39: {  	_ = 	snop;
	(pc) =	sbr.ind lr, $3  }
0x3a: {  	_ = 	snop  }
0x3b: {  	_ = 	snop  }
0x3c: {  	p2 =	seq.s32 s10, $0x1;
	s10 =	sld [smem:$0x3FBB]  }
0x3d: {  	_ =	shalt  }
0x3e: {  	_ =	shalt  }
0x3f: {  	_ =	shalt  }
0x40: {  	_ =	shalt  }
0x41: {  	_ =	shalt  }
0x42: {  	_ =	shalt  }
0x43: {  	_ =	shalt  }
0x44: {  	_ =	shalt  }
0x45: {  	_ =	shalt  }
0x46: {  	_ =	shalt  }
0x47: {  	_ =	shalt  }
0x48: {  	_ =	shalt  }
0x49: {  	_ =	shalt  }
0x4a: {  	_ =	shalt  }
0x4b: {  	_ =	shalt  }
0x4c: {  	_ =	shalt  }
0x4d: {  	_ =	shalt  }
0x4e: {  	_ =	shalt  }
0x4f: {  	_ =	shalt  }
0x50: {  	_ =	shalt  }
0x51: {  	_ =	shalt  }
0x52: {  	_ =	shalt  }
0x53: {  	_ =	shalt  }
0x54: {  	_ =	shalt  }
0x55: {  	_ =	shalt  }
0x56: {  	_ =	shalt  }
0x57: {  	_ =	shalt  }
0x58: {  	_ =	shalt  }
0x59: {  	_ =	shalt  }
0x5a: {  	_ =	shalt  }
0x5b: {  	_ =	shalt  }
0x5c: {  	_ =	shalt  }
0x5d: {  	_ =	shalt  }
0x5e: {  	_ =	shalt  }
0x5f: {  	_ =	shalt  }
0x60: {  	_ =	shalt  }
0x61: {  	_ =	shalt  }
0x62: {  	_ =	shalt  }
0x63: {  	_ =	shalt  }
0x64: {  	_ =	shalt  }
0x65: {  	_ =	shalt  }
0x66: {  	_ =	shalt  }
0x67: {  	_ =	shalt  }
0x68: {  	_ =	shalt  }
0x69: {  	_ =	shalt  }
0x6a: {  	_ =	shalt  }
0x6b: {  	_ =	shalt  }
0x6c: {  	_ =	shalt  }
0x6d: {  	_ =	shalt  }
0x6e: {  	_ =	shalt  }
0x6f: {  	_ =	shalt  }
0x70: {  	_ =	shalt  }
0x71: {  	_ =	shalt  }
0x72: {  	_ =	shalt  }
0x73: {  	_ =	shalt  }
0x74: {  	_ =	shalt  }
0x75: {  	_ =	shalt  }
0x76: {  	_ =	shalt  }
0x77: {  	_ =	shalt  }
0x78: {  	_ =	shalt  }
0x79: {  	_ =	shalt  }
0x7a: {  	_ =	shalt  }
0x7b: {  	_ =	shalt  }
0x7c: {  	_ =	shalt  }
0x7d: {  	_ =	shalt  }
0x7e: {  	_ =	shalt  }
0x7f: {  	_ =	shalt  }
0x80: {  	_ =	shalt  }
0x81: {  	_ =	shalt  }
0x82: {  	_ =	shalt  }
0x83: {  	_ =	shalt  }
0x84: {  	_ =	shalt  }
0x85: {  	_ =	shalt  }
0x86: {  	_ =	shalt  }
0x87: {  	_ =	shalt  }
.Lfunc_end0:
.L_simem_size_0:
called_computation_lowered:
.L_overlay_start_0:
0x88: {  	s0 =	sld [smem:$0x3FD9]  }
0x89: {  	s1 =	sld [smem:$0x3FFE];
	_ =	sdelay $0x3  }
0x8a: {  	s0 =	sadd.s32 s1, s0  }
0x8b: {  	[smem:$0x3FC7] =	sst s0  }
0x8c: {  	_ = 	snop  }
0x8d: {  	s0 =	sld [smem:$0x3FC9];
	(tm) =	ssettm $0x1  }
0x8e: {  	s16 =	sld [smem:$0x3FFB];
	_ =	sdelay $0x3  }
0x8f: {  	_ =	strace s16  }
0x90: {  	s1 =	sld [smem:$0x3FFC];
	_ =	sdelay $0x3  }
0x91: {  	_ =	strace s1  }
0x92: {  	s1 =	sld [smem:$0x3FFD];
	_ =	sdelay $0x3  }
0x93: {  	_ =	strace s1  }
0x94: {  	_ =	strace $0x8FFFFFFF  }
0x95: {  	s17 =	sld [smem:$0x3FDB];
	_ =	sdelay $0x1  }
0x96: {  	s2 =	simm.s32 $_scs_section_size  }
0x97: {  	s3 =	simm.s32 $_size__tile_overlayer_lowered;
	s4 =	simm.s32 $_tile_overlayer_lowered  }
0x98: {  	s20 =	simm.s32 $0x1BFF;
	s19 =	sshll.u32 s4, $0x1;
	s1 =	sadd.s32 s2, s17  }
0x99: {  	s5 =	simm.s32 $0x0;
	s18 =	sshll.u32 s3, $0x1;
	s3 =	sadd.s32 s19, s1  }
0x9a: {  	[timem:s5], [sflag:s20] =	dma.local [hbm:s3], s18  }
0x9b: {  	_ =	swait.ge [sflag:s20], s18  }
0x9c: {  	s2 =	ssub.s32 $0x0, s18;
	[sflag:s20] =	ssyncset.done $0x0  }
0x9d: {  	[sflag:s20] =	ssyncadd.s32 s2;
	_ =	sdelay $0x1  }
0x9e: {  	s21 =	simm.s32 $0x1B8B  }
0x9f: {  	_ =	swait.ge [sflag:s21], $0x1  }
0xa0: {  	[sflag:s21] =	ssyncset.done $0x0  }
0xa1: {  	s23 =	simm.s32 $0x1B8E;
	s22 =	sld [smem:$0x3FFE];
	[sflag:s21] =	ssyncadd.s32 $0xFFFFFFFF  }
0xa2: {  	s24 =	simm.s32 $execute0_lowered;
	[smem:$0x3FD2] =	sst s23  }
0xa3: {  	s3 =	sshll.u32 s24, $0x1;
	_ =	strace $0x80000046;
	[dreg:$0x1] =	wrdreg $0xFFFFFFFF  }
0xa4: {  	s25 =	simm.s32 $_size_execute0_lowered;
	s1 =	sadd.s32 s1, s3;
	[dreg:$0x0] =	wrdreg $0x0  }
0xa5: {  	s3 =	sshll.u32 s25, $0x1;
	[dreg:$0x2] =	wrdreg s1  }
0xa6: {  	[dreg:$0x3] =	wrdreg s3  }
0xa7: {  	[dreg:$0x4] =	wrdreg $0xC0  }
0xa8: {  	_ =	task [dreg:s5], $0x5FFFF  }
0xa9: {  	[dreg:$0x1] =	wrdreg $0xFFFFFFFF  }
0xaa: {  	[dreg:$0x0] =	wrdreg $0x60  }
0xab: {  	[dreg:$0x2] =	wrdreg s0  }
0xac: {  	[dreg:$0x3] =	wrdreg s22  }
0xad: {  	[dreg:$0x4] =	wrdreg $0x192000  }
0xae: {  	[dreg:$0x5] =	wrdreg $0x19A000  }
0xaf: {  	[dreg:$0x6] =	wrdreg $0x19A800  }
0xb0: {  	[dreg:$0x7] =	wrdreg $0x9  }
0xb1: {  	_ =	task.clear_ibuf [dreg:s5], $0x8FFFF;
	_ =	strace $0x90000046  }
0xb2: {  	s26 =	simm.s32 $0x9;
	_ =	strace $0x80000051  }
0xb3: {  	_ =	swait.ge [sflag:s26], $0x1  }
0xb4: {  	[sflag:s26] =	ssyncadd.s32 $0xFFFFFFFF  }
0xb5: {  	_ =	strace $0x90000051  }
0xb6: {  	_ =	sfence  }
0xb7: {  	s28 =	sld [smem:$0x0];
	_ =	sdelay $0x1  }
0xb8: {  	s29 =	srdreg.scid  }
0xb9: {  	s30 =	sshll.u32 s29, $0xD;
	s31 =	sshrl.u32 s29, $0x2  }
0xba: {  	s2 =	sand.u32 $0x4000, s30;
	s1 =	sand.u32 $0x1, s29;
	s0 =	sadd.s32 s31, s28  }
0xbb: {  	s1 =	sor.u32 s2, s1;
	s0 =	sshll.u32 s0, $0x11  }
0xbc: {  	s0 =	sor.u32 s0, s1  }
0xbd: {  	s0 =	sadd.s32 $0x8F2B, s0  }
0xbe: {  	[sflag:s0] =	ssyncadd.remote.s32 $0x1  }
0xbf: {  	_ =	sfence.sel $0xFFFF  }
0xc0: {  	[dreg:$0x0] =	wrdreg $0xFFFFFFFF;
	(pc) =	sbr.abs _section_cstart, $3  }
0xc1: {  	[dreg:$0x1] =	wrdreg $0xFFFFFFFF  }
0xc2: {  	_ =	task.clear_ibuf [dreg:s5], $0x2FFFF;
	_ =	strace $0x9FFFFFFF  }
0xc3: {  	(tm) =	ssettm $0x7FFFFFFF  }
tec
execute0_lowered:
.L_overlay_start_1:
0x0: {  	(tag) =	ssettag $0x1  }
0x1: {  	s0 =	rddreg [dreg:$0x0]  }
0x2: {  	s1 =	rddreg [dreg:$0x1]  }
0x3: {  	s5 =	rddreg [dreg:$0x2]  }
0x4: {  	s4 =	rddreg [dreg:$0x3];
	s6 =	simm.s32 $0x0  }
0x5: {  	s3 =	stileid.u32;
	[smem:$0x7FF] =	sst s6  }
0x6: {  	s2 =	rddreg [dreg:$0x4];
	s7 =	sshll.u32 s3, $0xD;
	_ =	strace $0x80000047  }
0x7: {  	s0 =	sadd.s32 s0, s7;
	_ =	strace $0x80000048  }
0x8: {  	[tilespmem:s6], [sflag:$0x1] =	stream.linear.gather [hbm4b:s0+s6], $0x10000, $0x200038;
	[tilespmem:$0x19A90] =	vst v63  }
0x9: {  	v0 =	vimm.s32 $0x0;
	s0 =	simm.s32 $0x10040;
	_ =	strace $0x90000048  }
0xa: {  	_ =	strace $0x80000049;
	[tilespmem:s0+$0xFFFFFFC0] =	vst v0  }
0xb: {  	[tilespmem:s0+$0x30] =	vst v0  }
0xc: {  	[tilespmem:s0+$0x20] =	vst v0  }
0xd: {  	[tilespmem:s0+$0x10] =	vst v0  }
0xe: {  	[tilespmem:s0+$0x0] =	vst v0  }
0xf: {  	[tilespmem:s0+$0xFFFFFFF0] =	vst v0  }
0x10: {  	s1 =	sadd.s32 $0x600, s1;
	s6 =	simm.s32 $0x0;
	[tilespmem:s0+$0xFFFFFFE0] =	vst v0  }
.LBB2_1:
0x11: {  	s6 =	sadd.s32 $0x8, s6;
	[tilespmem:s0+$0xFFFFFFD0] =	vst v0;
	s0 =	sadd.s32 $0x80, s0  }
0x12: {  	[tilespmem:s0+$0xFFFFFFC0] =	vst v0;
	p0 =	slt.u32 s6, $0x7F8  }
0x13: {  	[tilespmem:s0+$0x30] =	vst v0  }
.Ltmp0:
0x14: {  	[tilespmem:s0+$0x20] =	vst v0;
	(pc) =	sbr.rel @p0 .LBB2_1-.Ltmp0, $4  }
0x15: {  	[tilespmem:s0+$0x10] =	vst v0  }
0x16: {  	[tilespmem:s0+$0x0] =	vst v0  }
0x17: {  	[tilespmem:s0+$0xFFFFFFF0] =	vst v0  }
0x18: {  	[tilespmem:s0+$0xFFFFFFE0] =	vst v0  }
0x19: {  	[tilespmem:s0+$0xFFFFFFD0] =	vst v0;
	s31 =	simm.s32 $0x1  }
0x1a: {  	_ =	swait.ge [sflag:s31], $0x10000  }
0x1b: {  	[sflag:s31] =	ssyncset.done $0x0  }
0x1c: {  	[sflag:s31] =	ssyncadd.s32 $0xFFFF0000  }
0x1d: {  	_ =	strace $0x90000049  }
0x1e: {  	s8 =	simm.s32 $0x40;
	_ =	strace $0x8000004A  }
0x1f: {  	v2 =	vld [tilespmem:s8+$0xFFFFFFC0]  }
0x20: {  	v4 =	vld [tilespmem:s8+$0xFFFFFFD0]  }
0x21: {  	v6 =	vld [tilespmem:s8+$0x10]  }
0x22: {  	v5 =	vld [tilespmem:s8+$0x20];
	_ =	sdelay $0x1  }
0x23: {  	v0 =	vlaneseq.u32;
	v3 =	vld [tilespmem:s8+$0xFFFFFFE0]  }
0x24: {  	v0 =	vmul.u32 $0x800, v0;
	v7 =	vld [tilespmem:s8+$0x30]  }
0x25: {  	v1 =	vshra.s32 v2, $0x1F;
	v11 =	vshra.s32 v4, $0x1F;
	v12 =	vshra.s32 v6, $0x1F  }
0x26: {  	v13 =	vshra.s32 v5, $0x1F;
	v8 =	vand.u32 $0x7FFFFFFF, v1;
	v1 =	vor.u32 $0x400, v0  }
0x27: {  	v0 =	vimm.s32 $0x1;
	v11 =	vand.u32 $0x7FFFFFFF, v11;
	v12 =	vand.u32 $0x7FFFFFFF, v12  }
0x28: {  	v9 =	vld [tilespmem:s8+$0x0];
	v2 =	vxor.u32 v2, v8;
	v8 =	vshra.s32 v3, $0x1F;
	v4 =	vxor.u32 v4, v11  }
0x29: {  	v14 =	vld [tilespmem:s8+$0xFFFFFFF0];
	v11 =	vshra.s32 v7, $0x1F;
	v6 =	vxor.u32 v6, v12;
	v10 =	vshra.s32 v2, $0x15;
	[tilespmem:s8+$0xFFFFFFC0] =	vst v2  }
0x2a: {  	s6 =	simm.s32 $0xC0;
	v8 =	vand.u32 $0x7FFFFFFF, v8;
	v2 =	vand.u32 $0x7FFFFFFF, v13;
	[tilespmem:s8+$0xFFFFFFD0] =	vst v4;
	v4 =	vshra.s32 v4, $0x15  }
0x2b: {  	v15 =	vld [tilespmem:s6+$0xFFFFFFE0];
	[tilespmem:s8+$0x10] =	vst v6;
	v6 =	vshra.s32 v6, $0x15;
	v8 =	vxor.u32 v3, v8;
	v4 =	vadd.s32 v1, v4  }
0x2c: {  	v3 =	vand.u32 $0x7FFFFFFF, v11;
	v2 =	vxor.u32 v5, v2;
	v11 =	vld [tilespmem:s6+$0xFFFFFFC0];
	v6 =	vadd.s32 v1, v6  }
0x2d: {  	v16 =	vld [tilespmem:s6+$0xFFFFFFD0];
	v7 =	vxor.u32 v7, v3;
	v3 =	vshra.s32 v9, $0x1F;
	v5 =	vshra.s32 v2, $0x15;
	[tilespmem:s8+$0xFFFFFFE0] =	vst v8  }
0x2e: {  	[tilespmem:s8+$0x20] =	vst v2;
	v2 =	vld [tilespmem:s6+$0x10];
	v13 =	vadd.s32 v1, v5;
	v5 =	vshra.s32 v14, $0x1F;
	v3 =	vand.u32 $0x7FFFFFFF, v3  }
0x2f: {  	s7 =	simm.s32 $0x10000;
	[tilespmem:s8+$0x30] =	vst v7;
	v7 =	vshra.s32 v7, $0x15;
	v17 =	vand.u32 $0x7FFFFFFF, v5;
	v9 =	vxor.u32 v9, v3;
	v5 =	vld [tilespmem:s6+$0x20]  }
0x30: {  	v3 =	vadd.s32 v1, v10;
	v18 =	vadd.s32 v1, v7;
	v10 =	vshra.s32 v9, $0x15;
	[tilespmem:v4+s7+$0x0] =	vst.idx.add.s32.msk $0xffff, v0  }
0x31: {  	v12 =	vxor.u32 v14, v17;
	[tilespmem:s8+$0x0] =	vst v9;
	v14 =	vshra.s32 v11, $0x1F;
	v17 =	vadd.s32 v1, v10;
	v10 =	vld [tilespmem:s6+$0x30]  }
0x32: {  	v9 =	vshra.s32 v15, $0x1F;
	[tilespmem:v6+s7+$0x0] =	vst.idx.add.s32.msk $0xffff, v0;
	v7 =	vand.u32 $0x7FFFFFFF, v14  }
0x33: {  	[tilespmem:s8+$0xFFFFFFF0] =	vst v12;
	v4 =	vshra.s32 v8, $0x15;
	v8 =	vxor.u32 v11, v7;
	v7 =	vld [tilespmem:s6+$0x0];
	v11 =	vshra.s32 v12, $0x15  }
0x34: {  	v9 =	vand.u32 $0x7FFFFFFF, v9;
	[tilespmem:v13+s7+$0x0] =	vst.idx.add.s32.msk $0xffff, v0;
	v12 =	vshra.s32 v16, $0x1F;
	v19 =	vadd.s32 v1, v11  }
0x35: {  	v4 =	vadd.s32 v1, v4;
	[tilespmem:s6+$0xFFFFFFC0] =	vst v8;
	v11 =	vshra.s32 v8, $0x15;
	v12 =	vand.u32 $0x7FFFFFFF, v12  }
0x36: {  	v8 =	vshra.s32 v2, $0x1F;
	v13 =	vshra.s32 v5, $0x1F;
	[tilespmem:v18+s7+$0x0] =	vst.idx.add.s32.msk $0xffff, v0;
	v6 =	vadd.s32 v1, v11  }
0x37: {  	v11 =	vxor.u32 v16, v12;
	v12 =	vxor.u32 v15, v9;
	v14 =	vand.u32 $0x7FFFFFFF, v13;
	[tilespmem:v17+s7+$0x0] =	vst.idx.add.s32.msk $0xffff, v0  }
0x38: {  	v9 =	vld [tilespmem:s6+$0xFFFFFFF0];
	[tilespmem:s6+$0xFFFFFFD0] =	vst v11;
	v13 =	vshra.s32 v11, $0x15;
	v11 =	vshra.s32 v12, $0x15;
	v15 =	vshra.s32 v7, $0x1F  }
0x39: {  	s9 =	simm.s32 $0x140;
	s8 =	simm.s32 $0x8;
	v16 =	vshra.s32 v10, $0x1F;
	v11 =	vadd.s32 v1, v11;
	v15 =	vand.u32 $0x7FFFFFFF, v15;
	[tilespmem:v19+s7+$0x0] =	vst.idx.add.s32.msk $0xffff, v0  }
.LBB2_3:
0x3a: {  	s8 =	sadd.s32 $0x8, s8;
	v15 =	vxor.u32 v7, v15;
	v5 =	vxor.u32 v5, v14;
	v7 =	vand.u32 $0x7FFFFFFF, v16;
	[tilespmem:v3+s7+$0x0] =	vst.idx.add.s32.msk $0xffff, v0  }
0x3b: {  	v3 =	vmovc v6;
	p0 =	slt.u32 s8, $0xFF8;
	v14 =	vshra.s32 v15, $0x15;
	v16 =	vshra.s32 v5, $0x15;
	v7 =	vxor.u32 v10, v7;
	[tilespmem:v4+s7+$0x0] =	vst.idx.add.s32.msk $0xffff, v0  }
0x3c: {  	v10 =	vadd.s32 v1, v13;
	v4 =	vmovc v11;
	v6 =	vld [tilespmem:s9+$0xFFFFFFC0];
	v13 =	vadd.s32 v1, v16;
	[tilespmem:s6+$0x30] =	vst v7;
	v7 =	vshra.s32 v7, $0x15  }
0x3d: {  	v8 =	vand.u32 $0x7FFFFFFF, v8;
	v11 =	vld [tilespmem:s9+$0xFFFFFFE0];
	[tilespmem:s6+$0xFFFFFFE0] =	vst v12;
	v12 =	vshra.s32 v9, $0x1F;
	v16 =	vadd.s32 v1, v7  }
0x3e: {  	v2 =	vxor.u32 v2, v8;
	v17 =	vld [tilespmem:s9+$0xFFFFFFD0];
	v7 =	vand.u32 $0x7FFFFFFF, v12;
	[tilespmem:s6+$0x20] =	vst v5  }
0x3f: {  	v5 =	vld [tilespmem:s9+$0x20];
	v8 =	vxor.u32 v9, v7;
	[tilespmem:s6+$0x10] =	vst v2;
	v7 =	vshra.s32 v2, $0x15  }
0x40: {  	v2 =	vld [tilespmem:s9+$0x10];
	[tilespmem:s6+$0xFFFFFFF0] =	vst v8;
	v9 =	vadd.s32 v1, v7  }
0x41: {  	v12 =	vadd.s32 v1, v14;
	v7 =	vshra.s32 v6, $0x1F;
	[tilespmem:v10+s7+$0x0] =	vst.idx.add.s32.msk $0xffff, v0  }
0x42: {  	v7 =	vand.u32 $0x7FFFFFFF, v7;
	v14 =	vshra.s32 v11, $0x1F;
	[tilespmem:v13+s7+$0x0] =	vst.idx.add.s32.msk $0xffff, v0  }
0x43: {  	v8 =	vshra.s32 v8, $0x15;
	v6 =	vxor.u32 v6, v7;
	v7 =	vld [tilespmem:s9+$0x0];
	[tilespmem:s6+$0x0] =	vst v15;
	s6 =	smov.u32 s9  }
0x44: {  	v18 =	vadd.s32 v1, v8;
	v13 =	vshra.s32 v17, $0x1F;
	[tilespmem:s9+$0xFFFFFFC0] =	vst v6;
	v6 =	vshra.s32 v6, $0x15;
	v10 =	vld [tilespmem:s9+$0x30]  }
.Ltmp1:
0x45: {  	v13 =	vand.u32 $0x7FFFFFFF, v13;
	v15 =	vshra.s32 v5, $0x1F;
	v8 =	vshra.s32 v2, $0x1F;
	[tilespmem:v9+s7+$0x0] =	vst.idx.add.s32.msk $0xffff, v0;
	(pc) =	sbr.rel @p0 .LBB2_3-.Ltmp1, $4  }
0x46: {  	v6 =	vadd.s32 v1, v6;
	v9 =	vxor.u32 v17, v13;
	v13 =	vand.u32 $0x7FFFFFFF, v14;
	[tilespmem:v12+s7+$0x0] =	vst.idx.add.s32.msk $0xffff, v0  }
0x47: {  	v14 =	vand.u32 $0x7FFFFFFF, v15;
	v12 =	vxor.u32 v11, v13;
	[tilespmem:v16+s7+$0x0] =	vst.idx.add.s32.msk $0xffff, v0  }
0x48: {  	v13 =	vshra.s32 v9, $0x15;
	v11 =	vshra.s32 v12, $0x15;
	[tilespmem:s9+$0xFFFFFFD0] =	vst v9;
	v9 =	vld [tilespmem:s9+$0xFFFFFFF0];
	v15 =	vshra.s32 v7, $0x1F  }
0x49: {  	v11 =	vadd.s32 v1, v11;
	s9 =	sadd.s32 $0x80, s9;
	v15 =	vand.u32 $0x7FFFFFFF, v15;
	v16 =	vshra.s32 v10, $0x1F;
	[tilespmem:v18+s7+$0x0] =	vst.idx.add.s32.msk $0xffff, v0  }
0x4a: {  	_ =	sdelay $0x3  }
0x4b: {  	[tilespmem:v3+s7+$0x0] =	vst.idx.add.s32.msk $0xffff, v0  }
0x4c: {  	[tilespmem:v4+s7+$0x0] =	vst.idx.add.s32.msk $0xffff, v0  }
0x4d: {  	[tilespmem:s6+$0xFFFFFFE0] =	vst v12  }
0x4e: {  	v16 =	vand.u32 $0x7FFFFFFF, v16;
	v3 =	vxor.u32 v5, v14;
	[tilespmem:v6+s7+$0x0] =	vst.idx.add.s32.msk $0xffff, v0  }
0x4f: {  	v47 =	vadd.s32 v1, v13;
	v8 =	vand.u32 $0x7FFFFFFF, v8;
	v7 =	vxor.u32 v7, v15;
	[tilespmem:s6+$0x20] =	vst v3  }
0x50: {  	v5 =	vxor.u32 v10, v16;
	v4 =	vshra.s32 v3, $0x15;
	v2 =	vxor.u32 v2, v8;
	[tilespmem:s6+$0x0] =	vst v7  }
0x51: {  	[tilespmem:v11+s7+$0x0] =	vst.idx.add.s32.msk $0xffff, v0;
	v4 =	vadd.s32 v1, v4;
	v3 =	vshra.s32 v2, $0x15;
	v48 =	vshra.s32 v9, $0x1F  }
0x52: {  	v50 =	vshra.s32 v7, $0x15;
	[tilespmem:s6+$0x10] =	vst v2;
	v2 =	vadd.s32 v1, v3;
	v49 =	vand.u32 $0x7FFFFFFF, v48  }
0x53: {  	[tilespmem:s6+$0x30] =	vst v5;
	v3 =	vshra.s32 v5, $0x15;
	v5 =	vadd.s32 v1, v50;
	v8 =	vxor.u32 v9, v49  }
0x54: {  	v3 =	vadd.s32 v1, v3;
	[tilespmem:s6+$0xFFFFFFF0] =	vst v8;
	v8 =	vshra.s32 v8, $0x15  }
0x55: {  	[tilespmem:v47+s7+$0x0] =	vst.idx.add.s32.msk $0xffff, v0;
	v1 =	vadd.s32 v1, v8  }
0x56: {  	[tilespmem:v4+s7+$0x0] =	vst.idx.add.s32.msk $0xffff, v0  }
0x57: {  	[tilespmem:v2+s7+$0x0] =	vst.idx.add.s32.msk $0xffff, v0  }
0x58: {  	[tilespmem:v5+s7+$0x0] =	vst.idx.add.s32.msk $0xffff, v0  }
0x59: {  	[tilespmem:v3+s7+$0x0] =	vst.idx.add.s32.msk $0xffff, v0  }
0x5a: {  	[tilespmem:v1+s7+$0x0] =	vst.idx.add.s32.msk $0xffff, v0  }
0x5b: {  	_ =	strace $0x9000004A  }
0x5c: {  	s7 =	simm.s32 $0x0;
	_ =	strace $0x8000004B  }
0x5d: {  	v1 =	vld [tilespmem:s7+$0x10000]  }
0x5e: {  	v51 =	vld [tilespmem:s7+$0x10010]  }
0x5f: {  	v53 =	vld [tilespmem:s7+$0x10810]  }
0x60: {  	v0 =	vimm.s32 $0x0;
	v55 =	vld [tilespmem:s7+$0x11010]  }
0x61: {  	[tilespmem:s7+$0x10000] =	vst v0;
	v56 =	vld [tilespmem:s7+$0x11810]  }
0x62: {  	[tilespmem:s7+$0x10010] =	vst v0;
	v57 =	vld [tilespmem:s7+$0x12010]  }
0x63: {  	[tilespmem:s7+$0x10810] =	vst v0;
	v58 =	vld [tilespmem:s7+$0x12810]  }
0x64: {  	[tilespmem:s7+$0x11010] =	vst v0;
	v17 =	vld [tilespmem:s7+$0x13010]  }
0x65: {  	s6 =	simm.s32 $0x0;
	[tilespmem:s7+$0x11810] =	vst v0;
	v19 =	vld [tilespmem:s7+$0x13810]  }
0x66: {  	s8 =	sand.u32 $0x7E0, s6;
	[tilespmem:s7+$0x12010] =	vst v0;
	v61 =	vld [tilespmem:s7+$0x15810]  }
0x67: {  	[tilespmem:s7+$0x12810] =	vst v0;
	v2 =	vld [tilespmem:s8+$0x10800]  }
0x68: {  	[tilespmem:s7+$0x13010] =	vst v0;
	v3 =	vld [tilespmem:s8+$0x11000]  }
0x69: {  	[tilespmem:s7+$0x13810] =	vst v0;
	v4 =	vld [tilespmem:s8+$0x11800]  }
0x6a: {  	[tilespmem:s7+$0x15810] =	vst v0;
	v5 =	vld [tilespmem:s8+$0x12000]  }
0x6b: {  	v6 =	vld [tilespmem:s8+$0x12800];
	[tilespmem:s8+$0x10800] =	vst v0  }
0x6c: {  	v7 =	vld [tilespmem:s8+$0x13000];
	[tilespmem:s8+$0x11000] =	vst v0  }
0x6d: {  	v52 =	vld [tilespmem:s8+$0x13800];
	[tilespmem:s8+$0x11800] =	vst v0  }
0x6e: {  	v54 =	vld [tilespmem:s8+$0x14000];
	[tilespmem:s8+$0x12000] =	vst v0;
	v1 =	vadd.s32 v1, v2  }
0x6f: {  	[tilespmem:s8+$0x12800] =	vst v0;
	v59 =	vld [tilespmem:s8+$0x14800];
	v1 =	vadd.s32 v3, v1  }
0x70: {  	[tilespmem:s8+$0x13000] =	vst v0;
	v18 =	vld [tilespmem:s8+$0x15000];
	v1 =	vadd.s32 v4, v1  }
0x71: {  	[tilespmem:s8+$0x13800] =	vst v0;
	v60 =	vld [tilespmem:s8+$0x17000];
	v1 =	vadd.s32 v5, v1  }
0x72: {  	[tilespmem:s8+$0x14000] =	vst v0;
	v62 =	vld [tilespmem:s8+$0x17800];
	v1 =	vadd.s32 v6, v1  }
0x73: {  	[tilespmem:s8+$0x14800] =	vst v0;
	v2 =	vld [tilespmem:s8+$0x15800];
	v1 =	vadd.s32 v7, v1  }
0x74: {  	[tilespmem:s8+$0x15000] =	vst v0;
	v8 =	vadd.s32 v51, v53;
	v4 =	vld [tilespmem:s8+$0x16000];
	v1 =	vadd.s32 v52, v1  }
0x75: {  	[tilespmem:s8+$0x17000] =	vst v0;
	v8 =	vadd.s32 v55, v8;
	v6 =	vld [tilespmem:s8+$0x16800];
	v1 =	vadd.s32 v54, v1  }
0x76: {  	[tilespmem:s8+$0x17800] =	vst v0;
	v3 =	vld [tilespmem:s7+$0x14010];
	v8 =	vadd.s32 v56, v8;
	v1 =	vadd.s32 v59, v1  }
0x77: {  	[tilespmem:s8+$0x15800] =	vst v0;
	v8 =	vadd.s32 v57, v8;
	v5 =	vld [tilespmem:s7+$0x14810];
	v63 =	vadd.s32 v18, v1  }
0x78: {  	[tilespmem:s7+$0x14010] =	vst v0;
	v8 =	vadd.s32 v58, v8;
	v7 =	vld [tilespmem:s7+$0x15010];
	v2 =	vadd.s32 v2, v63  }
0x79: {  	[tilespmem:s8+$0x16000] =	vst v0;
	v8 =	vadd.s32 v17, v8;
	v4 =	vadd.s32 v4, v2  }
0x7a: {  	[tilespmem:s7+$0x14810] =	vst v0;
	v1 =	vld [tilespmem:s7+$0x16010];
	v4 =	vadd.s32 v6, v4;
	v6 =	vadd.s32 v19, v8  }
0x7b: {  	[tilespmem:s8+$0x16800] =	vst v0;
	v2 =	vld [tilespmem:s7+$0x16810];
	v4 =	vadd.s32 v60, v4;
	v6 =	vadd.s32 v3, v6  }
0x7c: {  	[tilespmem:s7+$0x15010] =	vst v0;
	v3 =	vld [tilespmem:s7+$0x17010];
	v4 =	vadd.s32 v62, v4;
	v5 =	vadd.s32 v5, v6  }
0x7d: {  	[tilespmem:s7+$0x18000] =	vst v4;
	v5 =	vadd.s32 v7, v5;
	v4 =	vld [tilespmem:s7+$0x17810]  }
0x7e: {  	s9 =	simm.s32 $0x80;
	s8 =	simm.s32 $0x0;
	[tilespmem:s7+$0x16010] =	vst v0;
	v5 =	vadd.s32 v61, v5  }
.LBB2_5:
0x7f: {  	s11 =	sshra.s32 s9, $0x2;
	s8 =	sadd.s32 $0x2, s8;
	v1 =	vadd.s32 v1, v5;
	[tilespmem:s7+$0x16810] =	vst v0;
	s6 =	sadd.s32 $0x20, s6  }
0x80: {  	v5 =	vld [tilespmem:s11+$0x10000];
	[tilespmem:s11+$0x10000] =	vst v0;
	s10 =	sand.u32 $0x7E0, s6;
	p0 =	slt.u32 s8, $0x7E;
	v1 =	vadd.s32 v2, v1  }
0x81: {  	v2 =	vld [tilespmem:s10+$0x10800];
	[tilespmem:s10+$0x10800] =	vst v0;
	v1 =	vadd.s32 v3, v1  }
0x82: {  	v3 =	vld [tilespmem:s10+$0x11000];
	[tilespmem:s10+$0x11000] =	vst v0;
	v1 =	vadd.s32 v4, v1  }
0x83: {  	v4 =	vld [tilespmem:s10+$0x11800];
	[tilespmem:s10+$0x11800] =	vst v0  }
0x84: {  	v6 =	vld [tilespmem:s10+$0x12000];
	[tilespmem:s10+$0x12000] =	vst v0  }
0x85: {  	v7 =	vld [tilespmem:s10+$0x12800];
	[tilespmem:s10+$0x12800] =	vst v0  }
0x86: {  	v2 =	vadd.s32 v5, v2;
	v5 =	vld [tilespmem:s10+$0x13000];
	[tilespmem:s10+$0x13000] =	vst v0  }
0x87: {  	v2 =	vadd.s32 v3, v2;
	v3 =	vld [tilespmem:s10+$0x13800];
	[tilespmem:s10+$0x13800] =	vst v0  }
0x88: {  	v2 =	vadd.s32 v4, v2;
	v4 =	vld [tilespmem:s10+$0x14000];
	[tilespmem:s10+$0x14000] =	vst v0  }
0x89: {  	v2 =	vadd.s32 v6, v2;
	v6 =	vld [tilespmem:s10+$0x14800];
	[tilespmem:s10+$0x14800] =	vst v0  }
0x8a: {  	v2 =	vadd.s32 v7, v2;
	v7 =	vld [tilespmem:s10+$0x15000];
	[tilespmem:s10+$0x15000] =	vst v0  }
0x8b: {  	v2 =	vadd.s32 v5, v2;
	v5 =	vld [tilespmem:s10+$0x15800];
	[tilespmem:s10+$0x15800] =	vst v0  }
0x8c: {  	v2 =	vadd.s32 v3, v2;
	v3 =	vld [tilespmem:s10+$0x16000];
	[tilespmem:s10+$0x16000] =	vst v0  }
0x8d: {  	v2 =	vadd.s32 v4, v2;
	v4 =	vld [tilespmem:s10+$0x16800];
	[tilespmem:s7+$0x18010] =	vst v1  }
0x8e: {  	v1 =	vadd.s32 v6, v2;
	v2 =	vld [tilespmem:s10+$0x17000];
	[tilespmem:s7+$0x17010] =	vst v0  }
0x8f: {  	v1 =	vadd.s32 v7, v1;
	v6 =	vld [tilespmem:s10+$0x17800];
	[tilespmem:s7+$0x17810] =	vst v0;
	s7 =	smov.u32 s11  }
0x90: {  	v1 =	vadd.s32 v5, v1;
	v5 =	vld [tilespmem:s7+$0x10010];
	[tilespmem:s7+$0x10010] =	vst v0  }
0x91: {  	v1 =	vadd.s32 v3, v1;
	v3 =	vld [tilespmem:s7+$0x10810];
	[tilespmem:s7+$0x10810] =	vst v0  }
0x92: {  	v1 =	vadd.s32 v4, v1;
	[tilespmem:s10+$0x16800] =	vst v0;
	v4 =	vld [tilespmem:s7+$0x11010]  }
0x93: {  	v1 =	vadd.s32 v2, v1;
	[tilespmem:s10+$0x17000] =	vst v0;
	v2 =	vld [tilespmem:s7+$0x11810]  }
0x94: {  	v1 =	vadd.s32 v6, v1;
	[tilespmem:s10+$0x17800] =	vst v0;
	v6 =	vld [tilespmem:s7+$0x12010]  }
0x95: {  	[tilespmem:s7+$0x18000] =	vst v1;
	v1 =	vld [tilespmem:s7+$0x12810]  }
0x96: {  	v3 =	vadd.s32 v5, v3;
	[tilespmem:s7+$0x11010] =	vst v0;
	v5 =	vld [tilespmem:s7+$0x13010]  }
0x97: {  	v3 =	vadd.s32 v4, v3;
	[tilespmem:s7+$0x11810] =	vst v0;
	v4 =	vld [tilespmem:s7+$0x13810]  }
0x98: {  	v2 =	vadd.s32 v2, v3;
	[tilespmem:s7+$0x12010] =	vst v0;
	v3 =	vld [tilespmem:s7+$0x14010]  }
0x99: {  	v2 =	vadd.s32 v6, v2;
	[tilespmem:s7+$0x12810] =	vst v0;
	v6 =	vld [tilespmem:s7+$0x14810]  }
0x9a: {  	v1 =	vadd.s32 v1, v2;
	[tilespmem:s7+$0x13010] =	vst v0;
	v7 =	vld [tilespmem:s7+$0x15010]  }
0x9b: {  	v1 =	vadd.s32 v5, v1;
	[tilespmem:s7+$0x13810] =	vst v0;
	v5 =	vld [tilespmem:s7+$0x15810]  }
.Ltmp2:
0x9c: {  	v2 =	vadd.s32 v4, v1;
	[tilespmem:s7+$0x14010] =	vst v0;
	v1 =	vld [tilespmem:s7+$0x16010];
	(pc) =	sbr.rel @p0 .LBB2_5-.Ltmp2, $4  }
0x9d: {  	v3 =	vadd.s32 v3, v2;
	[tilespmem:s7+$0x14810] =	vst v0;
	v2 =	vld [tilespmem:s7+$0x16810]  }
0x9e: {  	v4 =	vadd.s32 v6, v3;
	[tilespmem:s7+$0x15010] =	vst v0;
	v3 =	vld [tilespmem:s7+$0x17010]  }
0x9f: {  	v6 =	vadd.s32 v7, v4;
	[tilespmem:s7+$0x15810] =	vst v0;
	v4 =	vld [tilespmem:s7+$0x17810]  }
0xa0: {  	s9 =	sadd.s32 $0x80, s9;
	v5 =	vadd.s32 v5, v6;
	[tilespmem:s7+$0x16010] =	vst v0  }
0xa1: {  	v1 =	vadd.s32 v1, v5  }
0xa2: {  	s0 =	sshll.u32 s3, $0xB;
	[tilespmem:s7+$0x16810] =	vst v0;
	v1 =	vadd.s32 v2, v1  }
0xa3: {  	s6 =	sshll.u32 s3, $0x7;
	[tilespmem:s7+$0x17010] =	vst v0;
	s12 =	simm.s32 $0x80;
	s0 =	sand.u32 $0x4000, s0;
	v1 =	vadd.s32 v3, v1  }
0xa4: {  	[tilespmem:s7+$0x17810] =	vst v0;
	s13 =	simm.s32 $0x400;
	s6 =	sand.u32 $0x380, s6;
	s0 =	sadd.s32 s0, s5;
	v1 =	vadd.s32 v4, v1  }
0xa5: {  	s8 =	simm.s32 $0x18000;
	s6 =	sadd.s32 s6, s0;
	[tilespmem:s7+$0x18010] =	vst v1;
	s7 =	simm.s32 $0x2  }
0xa6: {  	[spmem:s6] =	stream.strided.scatter [tilespmem:s8], [sflag:$0x2], $0x800, s13, s12, $0x200038;
	[tilespmem:$0x19A90] =	vst v63  }
0xa7: {  	_ =	swait.ge [sflag:s7], $0x800  }
0xa8: {  	[sflag:s7] =	ssyncset.done $0x0  }
0xa9: {  	s14 =	sshll.u32 s3, $0xA;
	[sflag:s7] =	ssyncadd.s32 $0xFFFFF800  }
0xaa: {  	s15 =	simm.s32 $0x18800;
	s8 =	sadd.s32 s14, s5;
	[bflag:$0x0] =	sbarrier.arrive $0xFFFF  }
0xab: {  	[tilespmem:s15], [sflag:$0x2] =	stream.linear.gather [spmem:s8], $0x80, $0x200038;
	[tilespmem:$0x19A90] =	vst v63  }
0xac: {  	_ =	swait.ge [sflag:s7], $0x80  }
0xad: {  	[sflag:s7] =	ssyncset.done $0x0  }
0xae: {  	s16 =	simm.s32 $0x18880;
	s9 =	sadd.s32 $0x80, s8;
	[sflag:s7] =	ssyncadd.s32 $0xFFFFFF80  }
0xaf: {  	[tilespmem:s16], [sflag:$0x2] =	stream.linear.gather [spmem:s9], $0x80, $0x200038;
	[tilespmem:$0x19A90] =	vst v63  }
0xb0: {  	_ =	swait.ge [sflag:s7], $0x80  }
0xb1: {  	[sflag:s7] =	ssyncset.done $0x0  }
0xb2: {  	s17 =	simm.s32 $0x18900;
	s10 =	sadd.s32 $0x100, s8;
	[sflag:s7] =	ssyncadd.s32 $0xFFFFFF80  }
0xb3: {  	[tilespmem:s17], [sflag:$0x2] =	stream.linear.gather [spmem:s10], $0x80, $0x200038;
	[tilespmem:$0x19A90] =	vst v63  }
0xb4: {  	_ =	swait.ge [sflag:s7], $0x80  }
0xb5: {  	[sflag:s7] =	ssyncset.done $0x0  }
0xb6: {  	s18 =	simm.s32 $0x18980;
	s11 =	sadd.s32 $0x180, s8;
	[sflag:s7] =	ssyncadd.s32 $0xFFFFFF80  }
0xb7: {  	[tilespmem:s18], [sflag:$0x2] =	stream.linear.gather [spmem:s11], $0x80, $0x200038;
	[tilespmem:$0x19A90] =	vst v63  }
0xb8: {  	_ =	swait.ge [sflag:s7], $0x80  }
0xb9: {  	[sflag:s7] =	ssyncset.done $0x0  }
0xba: {  	s19 =	simm.s32 $0x18A00;
	s12 =	sadd.s32 $0x200, s8;
	[sflag:s7] =	ssyncadd.s32 $0xFFFFFF80  }
0xbb: {  	[tilespmem:s19], [sflag:$0x2] =	stream.linear.gather [spmem:s12], $0x80, $0x200038;
	[tilespmem:$0x19A90] =	vst v63  }
0xbc: {  	_ =	swait.ge [sflag:s7], $0x80  }
0xbd: {  	[sflag:s7] =	ssyncset.done $0x0  }
0xbe: {  	s20 =	simm.s32 $0x18A80;
	s13 =	sadd.s32 $0x280, s8;
	[sflag:s7] =	ssyncadd.s32 $0xFFFFFF80  }
0xbf: {  	[tilespmem:s20], [sflag:$0x2] =	stream.linear.gather [spmem:s13], $0x80, $0x200038;
	[tilespmem:$0x19A90] =	vst v63  }
0xc0: {  	_ =	swait.ge [sflag:s7], $0x80  }
0xc1: {  	[sflag:s7] =	ssyncset.done $0x0  }
0xc2: {  	s21 =	simm.s32 $0x18B00;
	s14 =	sadd.s32 $0x300, s8;
	[sflag:s7] =	ssyncadd.s32 $0xFFFFFF80  }
0xc3: {  	[tilespmem:s21], [sflag:$0x2] =	stream.linear.gather [spmem:s14], $0x80, $0x200038;
	[tilespmem:$0x19A90] =	vst v63  }
0xc4: {  	_ =	swait.ge [sflag:s7], $0x80  }
0xc5: {  	[sflag:s7] =	ssyncset.done $0x0  }
0xc6: {  	s22 =	simm.s32 $0x18B80;
	s15 =	sadd.s32 $0x380, s8;
	[sflag:s7] =	ssyncadd.s32 $0xFFFFFF80  }
0xc7: {  	[tilespmem:s22], [sflag:$0x2] =	stream.linear.gather [spmem:s15], $0x80, $0x200038;
	[tilespmem:$0x19A90] =	vst v63  }
0xc8: {  	_ =	swait.ge [sflag:s7], $0x80  }
0xc9: {  	[sflag:s7] =	ssyncset.done $0x0  }
0xca: {  	s25 =	simm.s32 $0x18C00;
	s16 =	sadd.s32 $0x4000, s8;
	[sflag:s7] =	ssyncadd.s32 $0xFFFFFF80  }
0xcb: {  	[tilespmem:s25], [sflag:$0x2] =	stream.linear.gather [spmem:s16], $0x80, $0x200038;
	[tilespmem:$0x19A90] =	vst v63  }
0xcc: {  	_ =	swait.ge [sflag:s7], $0x80  }
0xcd: {  	[sflag:s7] =	ssyncset.done $0x0  }
0xce: {  	s23 =	simm.s32 $0x18C80;
	s17 =	sadd.s32 $0x4080, s8;
	[sflag:s7] =	ssyncadd.s32 $0xFFFFFF80  }
0xcf: {  	[tilespmem:s23], [sflag:$0x2] =	stream.linear.gather [spmem:s17], $0x80, $0x200038;
	[tilespmem:$0x19A90] =	vst v63  }
0xd0: {  	_ =	swait.ge [sflag:s7], $0x80  }
0xd1: {  	[sflag:s7] =	ssyncset.done $0x0  }
0xd2: {  	s24 =	simm.s32 $0x18D00;
	s18 =	sadd.s32 $0x4100, s8;
	[sflag:s7] =	ssyncadd.s32 $0xFFFFFF80  }
0xd3: {  	[tilespmem:s24], [sflag:$0x2] =	stream.linear.gather [spmem:s18], $0x80, $0x200038;
	[tilespmem:$0x19A90] =	vst v63  }
0xd4: {  	_ =	swait.ge [sflag:s7], $0x80  }
0xd5: {  	[sflag:s7] =	ssyncset.done $0x0  }
0xd6: {  	s26 =	simm.s32 $0x18D80;
	s19 =	sadd.s32 $0x4180, s8;
	[sflag:s7] =	ssyncadd.s32 $0xFFFFFF80  }
0xd7: {  	[tilespmem:s26], [sflag:$0x2] =	stream.linear.gather [spmem:s19], $0x80, $0x200038;
	[tilespmem:$0x19A90] =	vst v63  }
0xd8: {  	_ =	swait.ge [sflag:s7], $0x80  }
0xd9: {  	[sflag:s7] =	ssyncset.done $0x0  }
0xda: {  	s28 =	simm.s32 $0x18E00;
	s20 =	sadd.s32 $0x4200, s8;
	[sflag:s7] =	ssyncadd.s32 $0xFFFFFF80  }
0xdb: {  	[tilespmem:s28], [sflag:$0x2] =	stream.linear.gather [spmem:s20], $0x80, $0x200038;
	[tilespmem:$0x19A90] =	vst v63  }
0xdc: {  	_ =	swait.ge [sflag:s7], $0x80  }
0xdd: {  	[sflag:s7] =	ssyncset.done $0x0  }
0xde: {  	s29 =	simm.s32 $0x18E80;
	s21 =	sadd.s32 $0x4280, s8;
	[sflag:s7] =	ssyncadd.s32 $0xFFFFFF80  }
0xdf: {  	[tilespmem:s29], [sflag:$0x2] =	stream.linear.gather [spmem:s21], $0x80, $0x200038;
	[tilespmem:$0x19A90] =	vst v63  }
0xe0: {  	_ =	swait.ge [sflag:s7], $0x80  }
0xe1: {  	[sflag:s7] =	ssyncset.done $0x0  }
0xe2: {  	s30 =	simm.s32 $0x18F00;
	s22 =	sadd.s32 $0x4300, s8;
	[sflag:s7] =	ssyncadd.s32 $0xFFFFFF80  }
0xe3: {  	[tilespmem:s30], [sflag:$0x2] =	stream.linear.gather [spmem:s22], $0x80, $0x200038;
	[tilespmem:$0x19A90] =	vst v63  }
0xe4: {  	_ =	swait.ge [sflag:s7], $0x80  }
0xe5: {  	[sflag:s7] =	ssyncset.done $0x0  }
0xe6: {  	s31 =	simm.s32 $0x18F80;
	s23 =	sadd.s32 $0x4380, s8;
	[sflag:s7] =	ssyncadd.s32 $0xFFFFFF80  }
0xe7: {  	[tilespmem:s31], [sflag:$0x2] =	stream.linear.gather [spmem:s23], $0x80, $0x200038;
	[tilespmem:$0x19A90] =	vst v63  }
0xe8: {  	_ =	swait.ge [sflag:s7], $0x80  }
0xe9: {  	[sflag:s7] =	ssyncset.done $0x0  }
0xea: {  	[sflag:s7] =	ssyncadd.s32 $0xFFFFFF80  }
0xeb: {  	v0 =	vld [tilespmem:s25+$0xFFFFFC10]  }
0xec: {  	v1 =	vld [tilespmem:s25+$0xFFFFFC90]  }
0xed: {  	v2 =	vld [tilespmem:s25+$0xFFFFFD10]  }
0xee: {  	v3 =	vld [tilespmem:s25+$0xFFFFFD90]  }
0xef: {  	v4 =	vld [tilespmem:s25+$0xFFFFFE10]  }
0xf0: {  	v5 =	vld [tilespmem:s25+$0xFFFFFE90]  }
0xf1: {  	v6 =	vld [tilespmem:s25+$0xFFFFFF10]  }
0xf2: {  	v7 =	vld [tilespmem:s25+$0xFFFFFF90]  }
0xf3: {  	v8 =	vld [tilespmem:s25+$0x10]  }
0xf4: {  	v9 =	vld [tilespmem:s25+$0x90]  }
0xf5: {  	v10 =	vld [tilespmem:s25+$0x110]  }
0xf6: {  	v11 =	vld [tilespmem:s25+$0x190]  }
0xf7: {  	v12 =	vld [tilespmem:s25+$0x210]  }
0xf8: {  	v13 =	vld [tilespmem:s25+$0x290]  }
0xf9: {  	v14 =	vld [tilespmem:s25+$0x310]  }
0xfa: {  	v15 =	vld [tilespmem:s25+$0x390]  }
0xfb: {  	v0 =	vadd.s32 v0, v1;
	v1 =	vld [tilespmem:s25+$0xFFFFFC80]  }
0xfc: {  	v0 =	vadd.s32 v2, v0;
	v2 =	vld [tilespmem:s25+$0xFFFFFC00]  }
0xfd: {  	v0 =	vadd.s32 v3, v0;
	v3 =	vld [tilespmem:s25+$0xFFFFFD00]  }
0xfe: {  	v0 =	vadd.s32 v4, v0;
	v4 =	vld [tilespmem:s25+$0xFFFFFD80]  }
0xff: {  	v0 =	vadd.s32 v5, v0;
	v5 =	vld [tilespmem:s25+$0xFFFFFE00]  }
0x100: {  	v0 =	vadd.s32 v6, v0;
	v6 =	vld [tilespmem:s25+$0xFFFFFE80]  }
0x101: {  	v0 =	vadd.s32 v7, v0;
	v1 =	vadd.s32 v2, v1;
	v2 =	vld [tilespmem:s25+$0xFFFFFF00]  }
0x102: {  	v0 =	vadd.s32 v8, v0;
	v1 =	vadd.s32 v3, v1;
	v3 =	vld [tilespmem:s25+$0xFFFFFF80]  }
0x103: {  	v0 =	vadd.s32 v9, v0;
	v1 =	vadd.s32 v4, v1;
	v4 =	vld [tilespmem:s25+$0x0]  }
0x104: {  	v0 =	vadd.s32 v10, v0;
	v1 =	vadd.s32 v5, v1;
	v5 =	vld [tilespmem:s25+$0x80]  }
0x105: {  	v0 =	vadd.s32 v11, v0;
	v1 =	vadd.s32 v6, v1;
	v6 =	vld [tilespmem:s25+$0x100]  }
0x106: {  	v7 =	vadd.s32 v12, v0;
	v1 =	vadd.s32 v2, v1;
	v0 =	vld [tilespmem:s25+$0x180]  }
0x107: {  	v2 =	vadd.s32 v13, v7;
	v3 =	vadd.s32 v3, v1;
	v1 =	vld [tilespmem:s25+$0x200]  }
0x108: {  	v7 =	vadd.s32 v14, v2;
	v3 =	vadd.s32 v4, v3;
	v2 =	vld [tilespmem:s25+$0x280]  }
0x109: {  	s24 =	simm.s32 $0x18010;
	v4 =	vadd.s32 v15, v7;
	v5 =	vadd.s32 v5, v3;
	v3 =	vld [tilespmem:s25+$0x300]  }
0x10a: {  	s7 =	simm.s32 $0x0;
	[tilespmem:s24+$0x0] =	vst v4;
	v5 =	vadd.s32 v6, v5;
	v4 =	vld [tilespmem:s25+$0x380];
	s25 =	simm.s32 $0x18C20  }
.LBB2_7:
0x10b: {  	v6 =	vld [tilespmem:s25+$0xFFFFFC10];
	v0 =	vadd.s32 v0, v5  }
0x10c: {  	s7 =	sadd.s32 $0x2, s7;
	v5 =	vld [tilespmem:s25+$0xFFFFFC90];
	v0 =	vadd.s32 v1, v0  }
0x10d: {  	p0 =	slt.u32 s7, $0x6;
	v1 =	vld [tilespmem:s25+$0xFFFFFD10];
	v0 =	vadd.s32 v2, v0  }
0x10e: {  	v2 =	vld [tilespmem:s25+$0xFFFFFD90];
	v0 =	vadd.s32 v3, v0  }
0x10f: {  	v3 =	vld [tilespmem:s25+$0xFFFFFE10];
	v0 =	vadd.s32 v4, v0  }
0x110: {  	v4 =	vld [tilespmem:s25+$0xFFFFFE90];
	[tilespmem:s24+$0xFFFFFFF0] =	vst v0  }
0x111: {  	v0 =	vadd.s32 v6, v5;
	v5 =	vld [tilespmem:s25+$0xFFFFFF10]  }
0x112: {  	v0 =	vadd.s32 v1, v0;
	v1 =	vld [tilespmem:s25+$0xFFFFFF90]  }
0x113: {  	v0 =	vadd.s32 v2, v0;
	v2 =	vld [tilespmem:s25+$0x10]  }
0x114: {  	v0 =	vadd.s32 v3, v0;
	v3 =	vld [tilespmem:s25+$0x90]  }
0x115: {  	v0 =	vadd.s32 v4, v0;
	v4 =	vld [tilespmem:s25+$0x110]  }
0x116: {  	v0 =	vadd.s32 v5, v0;
	v5 =	vld [tilespmem:s25+$0x190]  }
0x117: {  	v0 =	vadd.s32 v1, v0;
	v1 =	vld [tilespmem:s25+$0x210]  }
0x118: {  	v0 =	vadd.s32 v2, v0;
	v2 =	vld [tilespmem:s25+$0x290]  }
0x119: {  	v0 =	vadd.s32 v3, v0;
	v3 =	vld [tilespmem:s25+$0x310]  }
0x11a: {  	v0 =	vadd.s32 v4, v0;
	v4 =	vld [tilespmem:s25+$0x390]  }
0x11b: {  	v6 =	vld [tilespmem:s25+$0xFFFFFC80];
	v0 =	vadd.s32 v5, v0  }
0x11c: {  	v5 =	vld [tilespmem:s25+$0xFFFFFC00];
	v0 =	vadd.s32 v1, v0  }
0x11d: {  	v1 =	vld [tilespmem:s25+$0xFFFFFD00];
	v0 =	vadd.s32 v2, v0  }
0x11e: {  	v2 =	vld [tilespmem:s25+$0xFFFFFD80];
	v0 =	vadd.s32 v3, v0  }
0x11f: {  	s24 =	sadd.s32 $0x20, s24;
	v3 =	vld [tilespmem:s25+$0xFFFFFE00];
	v0 =	vadd.s32 v4, v0  }
0x120: {  	v4 =	vld [tilespmem:s25+$0xFFFFFE80];
	[tilespmem:s24+$0x0] =	vst v0  }
0x121: {  	v0 =	vadd.s32 v5, v6;
	v5 =	vld [tilespmem:s25+$0xFFFFFF00]  }
0x122: {  	v0 =	vadd.s32 v1, v0;
	v1 =	vld [tilespmem:s25+$0xFFFFFF80]  }
0x123: {  	v0 =	vadd.s32 v2, v0;
	v2 =	vld [tilespmem:s25+$0x0]  }
0x124: {  	v0 =	vadd.s32 v3, v0;
	v3 =	vld [tilespmem:s25+$0x80]  }
0x125: {  	v0 =	vadd.s32 v4, v0;
	v4 =	vld [tilespmem:s25+$0x100]  }
.Ltmp3:
0x126: {  	v5 =	vadd.s32 v5, v0;
	v0 =	vld [tilespmem:s25+$0x180];
	(pc) =	sbr.rel @p0 .LBB2_7-.Ltmp3, $4  }
0x127: {  	v5 =	vadd.s32 v1, v5;
	v1 =	vld [tilespmem:s25+$0x200]  }
0x128: {  	v5 =	vadd.s32 v2, v5;
	v2 =	vld [tilespmem:s25+$0x280]  }
0x129: {  	v5 =	vadd.s32 v3, v5;
	v3 =	vld [tilespmem:s25+$0x300]  }
0x12a: {  	v5 =	vadd.s32 v4, v5;
	v4 =	vld [tilespmem:s25+$0x380];
	s25 =	sadd.s32 $0x20, s25  }
0x12b: {  	v0 =	vadd.s32 v0, v5  }
0x12c: {  	v0 =	vadd.s32 v1, v0  }
0x12d: {  	v0 =	vadd.s32 v2, v0  }
0x12e: {  	s7 =	sshll.u32 s3, $0x9;
	v0 =	vadd.s32 v3, v0  }
0x12f: {  	s0 =	sshrl.u32 s7, $0x2;
	v0 =	vadd.s32 v4, v0  }
0x130: {  	s28 =	simm.s32 $0x18000;
	s25 =	simm.s32 $0x2;
	[tilespmem:s24+$0xFFFFFFF0] =	vst v0;
	s24 =	sadd.s32 s0, s4  }
0x131: {  	[spmem:s24] =	stream.linear.scatter [tilespmem:s28], [sflag:$0x2], $0x80, $0x200038;
	[tilespmem:$0x19A90] =	vst v63  }
0x132: {  	_ =	swait.ge [sflag:s25], $0x80  }
0x133: {  	[sflag:s25] =	ssyncset.done $0x0  }
0x134: {  	[sflag:s25] =	ssyncadd.s32 $0xFFFFFF80  }
0x135: {  	[bflag:$0x0] =	sbarrier.arrive $0xFFFF  }
0x136: {  	[tilespmem:s28], [sflag:$0x2] =	stream.linear.gather [spmem:s4], $0x800, $0x200038;
	[tilespmem:$0x19A90] =	vst v63  }
0x137: {  	_ =	swait.ge [sflag:s25], $0x800  }
0x138: {  	[sflag:s25] =	ssyncset.done $0x0  }
0x139: {  	s29 =	simm.s32 $0x0;
	[sflag:s25] =	ssyncadd.s32 $0xFFFFF800  }
0x13a: {  	v3 =	vld [tilespmem:s29+$0x18000];
	_ =	sdelay $0x4  }
0x13b: {  	(xrf0) =	vadd.scan.msk.s32 $0xffff, v3  }
0x13c: {  	s30 =	simm.s32 $0x10  }
0x13d: {  	v0 =	vld [tilespmem:s30+$0x18000];
	_ =	sdelay $0x3  }
0x13e: {  	v2 =	vimm.s32 $0x0;
	v1, _, _ =	vpop (xrf0)  }
0x13f: {  	s31 =	simm.s32 $0x20;
	v4 =	vimm.s32 $0xF;
	(xrf0) =	vadd.scan.msk.s32 $0xffff, v0;
	v1 =	vadd.s32 v2, v1  }
0x140: {  	vm0 =	vlt.s32 v1, $0xCCCC;
	v7 =	vperm.xlane v1, v4;
	v1 =	vld [tilespmem:s31+$0x18000]  }
0x141: {  	v5 =	vimm.s32 $0x0  }
0x142: {  	s0 =	simm.s32 $0xC0;
	v8 =	vsel vm0, $0x1, v2;
	v6 =	vnsel vm0, $0x0, v3;
	v3 =	vimm.s32 $0x0  }
.LBB2_9:
0x143: {  	p0 =	sne.s32 s0, $0x1FC0;
	v5 =	vadd.s32 v8, v5;
	v3 =	vadd.s32 v3, v6;
	s25 =	smov.u32 s0;
	s0 =	sadd.s32 $0x40, s0  }
.Ltmp4:
0x144: {  	(pc) =	sbr.rel @p0 .LBB2_9-.Ltmp4, $4  }
0x145: {  	s25 =	sshra.s32 s25, $0x2;
	(xrf0) =	vadd.scan.msk.s32 $0xffff, v1;
	v6, _, _ =	vpop (xrf0);
	v9 =	vmov v1  }
0x146: {  	v1 =	vld [tilespmem:s25+$0x18000];
	v6 =	vadd.s32 v7, v6  }
0x147: {  	vm0 =	vlt.s32 v6, $0xCCCC;
	v7 =	vperm.xlane v6, v4  }
0x148: {  	v8 =	vsel vm0, $0x1, v2;
	v6 =	vnsel vm0, $0x0, v0;
	v0 =	vmov v9  }
0x149: {  	_ =	sdelay $0x1  }
0x14a: {  	(xrf0) =	vadd.scan.msk.s32 $0xffff, v1;
	_ =	sdelay $0x2  }
0x14b: {  	v9, _, _ =	vpop (xrf0)  }
0x14c: {  	v7 =	vadd.s32 v7, v9  }
0x14d: {  	v4 =	vperm.xlane v7, v4  }
0x14e: {  	v9, _, _ =	vpop (xrf0)  }
0x14f: {  	vm0 =	vlt.s32 v7, $0xCCCC;
	v4 =	vadd.s32 v4, v9  }
0x150: {  	v5 =	vadd.s32 v8, v5;
	v7 =	vsel vm0, $0x1, v2;
	vm1 =	vlt.s32 v4, $0xCCCC  }
0x151: {  	v4 =	vadd.s32 v7, v5;
	v2 =	vsel vm1, $0x1, v2  }
0x152: {  	v2 =	vadd.s32 v2, v4  }
0x153: {  	(xrf0) =	vadd.scan.msk.s32 $0xffff, v2;
	_ =	sdelay $0x5  }
0x154: {  	v2, _, _ =	vpop (xrf0)  }
0x155: {  	(v2sf) =	vpush v2, $0xF;
	_ =	sdelay $0xe  }
0x156: {  	s0 =	spop (v2sf)  }
0x157: {  	_ =	strace $0x9000004B  }
0x158: {  	s28 =	simm.s32 $0x40;
	_ =	strace $0x8000004C  }
0x159: {  	v4 =	vld [tilespmem:s28+$0xFFFFFFC0]  }
0x15a: {  	v2 =	vadd.s32 v3, v6;
	v6 =	vld [tilespmem:s28+$0x30]  }
0x15b: {  	v5 =	vld [tilespmem:s28+$0xFFFFFFF0]  }
0x15c: {  	v0 =	vnsel vm0, $0x0, v0;
	v3 =	vnsel vm1, $0x0, v1;
	v1 =	vlaneseq.u32  }
0x15d: {  	v0 =	vadd.s32 v2, v0;
	v1 =	vmul.u32 $0x800, v1;
	s25 =	sadd.s32 $0xFFFFFC00, s0  }
0x15e: {  	v2 =	vmov s25;
	v10 =	vld [tilespmem:s28+$0xFFFFFFE0];
	v7 =	vshra.s32 v4, $0x15;
	v4 =	vshrl.u32 v4, $0xA  }
0x15f: {  	v8 =	vld [tilespmem:s28+$0x0];
	v9 =	vshrl.u32 v6, $0xA;
	vm0 =	veq.s32 v7, v2;
	v4 =	vand.u32 $0x7FF, v4  }
0x160: {  	v7 =	vshrl.u32 v5, $0xA;
	v5 =	vshra.s32 v5, $0x15;
	v11 =	vor.u32 v1, v4  }
0x161: {  	v6 =	vshra.s32 v6, $0x15;
	v7 =	vand.u32 $0x7FF, v7;
	v4 =	vld [tilespmem:s28+$0x20];
	vm1 =	veq.s32 v5, v2  }
0x162: {  	v12 =	vand.u32 $0x7FF, v9;
	vm2 =	veq.s32 v6, v2;
	v5 =	vld [tilespmem:s28+$0xFFFFFFD0];
	v7 =	vor.u32 v1, v7  }
0x163: {  	v0 =	vadd.s32 v0, v3;
	v3 =	vimm.s32 $0x1;
	v6 =	vor.u32 v1, v12  }
0x164: {  	s26 =	simm.s32 $0x10000;
	v63 =	vshra.s32 v8, $0x15;
	v13 =	vshrl.u32 v8, $0xA;
	v8 =	vld [tilespmem:s28+$0x10];
	v9 =	vshrl.u32 v10, $0xA  }
0x165: {  	s29 =	simm.s32 $0xC0;
	v10 =	vshra.s32 v10, $0x15;
	s28 =	simm.s32 $0x0;
	[tilespmem:v11+s26+$0x0] =	vst.idx.add.s32.msk vm0, v3;
	vm0 =	veq.s32 v63, v2;
	v11 =	vand.u32 $0x7FF, v13  }
.LBB2_11:
0x166: {  	v12 =	vld [tilespmem:s29+$0xFFFFFFF0];
	s28 =	sadd.s32 $0x8, s28;
	vm5 =	veq.s32 v10, v2;
	v9 =	vand.u32 $0x7FF, v9;
	v10 =	vor.u32 v1, v11  }
0x167: {  	v11 =	vshra.s32 v5, $0x15;
	p0 =	slt.u32 s28, $0xFF8;
	v9 =	vor.u32 v1, v9;
	[tilespmem:v7+s26+$0x0] =	vst.idx.add.s32.msk vm1, v3;
	v7 =	vshra.s32 v4, $0x15  }
0x168: {  	vm4 =	veq.s32 v11, v2;
	v4 =	vshrl.u32 v4, $0xA;
	vm3 =	veq.s32 v7, v2;
	[tilespmem:v6+s26+$0x0] =	vst.idx.add.s32.msk vm2, v3  }
0x169: {  	v5 =	vshrl.u32 v5, $0xA;
	v4 =	vand.u32 $0x7FF, v4;
	v6 =	vld [tilespmem:s29+$0xFFFFFFC0];
	v7 =	vshrl.u32 v8, $0xA  }
0x16a: {  	v5 =	vand.u32 $0x7FF, v5;
	v8 =	vshra.s32 v8, $0x15;
	v13 =	vor.u32 v1, v4;
	v11 =	vld [tilespmem:s29+$0x30]  }
0x16b: {  	vm6 =	veq.s32 v8, v2;
	v7 =	vand.u32 $0x7FF, v7;
	v14 =	vshrl.u32 v12, $0xA;
	v4 =	vld [tilespmem:s29+$0x20]  }
0x16c: {  	v15 =	vor.u32 v1, v5;
	v16 =	vor.u32 v1, v7;
	v8 =	vld [tilespmem:s29+$0xFFFFFFE0]  }
0x16d: {  	[tilespmem:v9+s26+$0x0] =	vst.idx.add.s32.msk vm5, v3  }
0x16e: {  	v5 =	vshra.s32 v6, $0x15;
	v6 =	vshrl.u32 v6, $0xA;
	[tilespmem:v10+s26+$0x0] =	vst.idx.add.s32.msk vm0, v3  }
0x16f: {  	vm0 =	veq.s32 v5, v2;
	v5 =	vand.u32 $0x7FF, v6;
	v6 =	vshra.s32 v12, $0x15;
	v12 =	vld [tilespmem:s29+$0x0]  }
0x170: {  	v7 =	vand.u32 $0x7FF, v14;
	v9 =	vshrl.u32 v11, $0xA;
	v17 =	vor.u32 v1, v5;
	v5 =	vld [tilespmem:s29+$0xFFFFFFD0]  }
.Ltmp5:
0x171: {  	vm1 =	veq.s32 v6, v2;
	v6 =	vshra.s32 v11, $0x15;
	v10 =	vand.u32 $0x7FF, v9;
	[tilespmem:v15+s26+$0x0] =	vst.idx.add.s32.msk vm4, v3;
	(pc) =	sbr.rel @p0 .LBB2_11-.Ltmp5, $4  }
0x172: {  	v7 =	vor.u32 v1, v7;
	vm2 =	veq.s32 v6, v2;
	[tilespmem:v13+s26+$0x0] =	vst.idx.add.s32.msk vm3, v3  }
0x173: {  	v9 =	vshrl.u32 v8, $0xA;
	v6 =	vor.u32 v1, v10;
	[tilespmem:v16+s26+$0x0] =	vst.idx.add.s32.msk vm6, v3  }
0x174: {  	v10 =	vshra.s32 v8, $0x15;
	v11 =	vshra.s32 v12, $0x15;
	v12 =	vshrl.u32 v12, $0xA;
	v8 =	vld [tilespmem:s29+$0x10]  }
0x175: {  	s29 =	sadd.s32 $0x80, s29;
	[tilespmem:v17+s26+$0x0] =	vst.idx.add.s32.msk vm0, v3;
	vm0 =	veq.s32 v11, v2;
	v11 =	vand.u32 $0x7FF, v12  }
0x176: {  	vm3 =	veq.s32 v10, v2;
	v9 =	vand.u32 $0x7FF, v9;
	v53 =	vor.u32 v1, v11  }
0x177: {  	v54 =	vshra.s32 v5, $0x15;
	v12 =	vshra.s32 v4, $0x15;
	v5 =	vshrl.u32 v5, $0xA  }
0x178: {  	v4 =	vshrl.u32 v4, $0xA;
	v9 =	vor.u32 v1, v9;
	vm4 =	veq.s32 v54, v2  }
0x179: {  	vm5 =	veq.s32 v12, v2;
	v5 =	vand.u32 $0x7FF, v5;
	v4 =	vand.u32 $0x7FF, v4  }
0x17a: {  	v5 =	vor.u32 v1, v5;
	v55 =	vshrl.u32 v8, $0xA;
	v8 =	vshra.s32 v8, $0x15  }
0x17b: {  	[tilespmem:v7+s26+$0x0] =	vst.idx.add.s32.msk vm1, v3;
	v4 =	vor.u32 v1, v4;
	vm15 =	veq.s32 v8, v2;
	v2 =	vand.u32 $0x7FF, v55  }
0x17c: {  	[tilespmem:v6+s26+$0x0] =	vst.idx.add.s32.msk vm2, v3;
	v1 =	vor.u32 v1, v2  }
0x17d: {  	[tilespmem:v53+s26+$0x0] =	vst.idx.add.s32.msk vm0, v3  }
0x17e: {  	[tilespmem:v9+s26+$0x0] =	vst.idx.add.s32.msk vm3, v3  }
0x17f: {  	[tilespmem:v5+s26+$0x0] =	vst.idx.add.s32.msk vm4, v3  }
0x180: {  	[tilespmem:v4+s26+$0x0] =	vst.idx.add.s32.msk vm5, v3  }
0x181: {  	[tilespmem:v1+s26+$0x0] =	vst.idx.add.s32.msk vm15, v3  }
0x182: {  	_ =	strace $0x9000004C  }
0x183: {  	s26 =	simm.s32 $0x0;
	_ =	strace $0x8000004D  }
0x184: {  	v2 =	vld [tilespmem:s26+$0x10000]  }
0x185: {  	v56 =	vld [tilespmem:s26+$0x10010]  }
0x186: {  	v58 =	vld [tilespmem:s26+$0x10810]  }
0x187: {  	v1 =	vimm.s32 $0x0;
	v13 =	vld [tilespmem:s26+$0x11010]  }
0x188: {  	[tilespmem:s26+$0x10000] =	vst v1;
	v14 =	vld [tilespmem:s26+$0x11810]  }
0x189: {  	[tilespmem:s26+$0x10010] =	vst v1;
	v15 =	vld [tilespmem:s26+$0x12010]  }
0x18a: {  	[tilespmem:s26+$0x10810] =	vst v1;
	v16 =	vld [tilespmem:s26+$0x12810]  }
0x18b: {  	[tilespmem:s26+$0x11010] =	vst v1;
	v18 =	vld [tilespmem:s26+$0x13010]  }
0x18c: {  	s28 =	simm.s32 $0x0;
	[tilespmem:s26+$0x11810] =	vst v1;
	v20 =	vld [tilespmem:s26+$0x13810]  }
0x18d: {  	s29 =	sand.u32 $0x7E0, s28;
	[tilespmem:s26+$0x12010] =	vst v1;
	v61 =	vld [tilespmem:s26+$0x15810]  }
0x18e: {  	[tilespmem:s26+$0x12810] =	vst v1;
	v3 =	vld [tilespmem:s29+$0x10800]  }
0x18f: {  	[tilespmem:s26+$0x13010] =	vst v1;
	v4 =	vld [tilespmem:s29+$0x11000]  }
0x190: {  	[tilespmem:s26+$0x13810] =	vst v1;
	v5 =	vld [tilespmem:s29+$0x11800]  }
0x191: {  	[tilespmem:s26+$0x15810] =	vst v1;
	v6 =	vld [tilespmem:s29+$0x12000]  }
0x192: {  	v7 =	vld [tilespmem:s29+$0x12800];
	[tilespmem:s29+$0x10800] =	vst v1  }
0x193: {  	v8 =	vld [tilespmem:s29+$0x13000];
	[tilespmem:s29+$0x11000] =	vst v1  }
0x194: {  	v57 =	vld [tilespmem:s29+$0x13800];
	[tilespmem:s29+$0x11800] =	vst v1  }
0x195: {  	v59 =	vld [tilespmem:s29+$0x14000];
	[tilespmem:s29+$0x12000] =	vst v1;
	v2 =	vadd.s32 v2, v3  }
0x196: {  	[tilespmem:s29+$0x12800] =	vst v1;
	v17 =	vld [tilespmem:s29+$0x14800];
	v2 =	vadd.s32 v4, v2  }
0x197: {  	[tilespmem:s29+$0x13000] =	vst v1;
	v19 =	vld [tilespmem:s29+$0x15000];
	v2 =	vadd.s32 v5, v2  }
0x198: {  	[tilespmem:s29+$0x13800] =	vst v1;
	v60 =	vld [tilespmem:s29+$0x17000];
	v2 =	vadd.s32 v6, v2  }
0x199: {  	[tilespmem:s29+$0x14000] =	vst v1;
	v62 =	vld [tilespmem:s29+$0x17800];
	v2 =	vadd.s32 v7, v2  }
0x19a: {  	[tilespmem:s29+$0x14800] =	vst v1;
	v3 =	vld [tilespmem:s29+$0x15800];
	v2 =	vadd.s32 v8, v2  }
0x19b: {  	[tilespmem:s29+$0x15000] =	vst v1;
	v9 =	vadd.s32 v56, v58;
	v5 =	vld [tilespmem:s29+$0x16000];
	v2 =	vadd.s32 v57, v2  }
0x19c: {  	[tilespmem:s29+$0x17000] =	vst v1;
	v9 =	vadd.s32 v13, v9;
	v7 =	vld [tilespmem:s29+$0x16800];
	v2 =	vadd.s32 v59, v2  }
0x19d: {  	[tilespmem:s29+$0x17800] =	vst v1;
	v4 =	vld [tilespmem:s26+$0x14010];
	v9 =	vadd.s32 v14, v9;
	v2 =	vadd.s32 v17, v2  }
0x19e: {  	[tilespmem:s29+$0x15800] =	vst v1;
	v9 =	vadd.s32 v15, v9;
	v6 =	vld [tilespmem:s26+$0x14810];
	v63 =	vadd.s32 v19, v2  }
0x19f: {  	[tilespmem:s26+$0x14010] =	vst v1;
	v9 =	vadd.s32 v16, v9;
	v8 =	vld [tilespmem:s26+$0x15010];
	v3 =	vadd.s32 v3, v63  }
0x1a0: {  	[tilespmem:s29+$0x16000] =	vst v1;
	v9 =	vadd.s32 v18, v9;
	v5 =	vadd.s32 v5, v3  }
0x1a1: {  	[tilespmem:s26+$0x14810] =	vst v1;
	v2 =	vld [tilespmem:s26+$0x16010];
	v5 =	vadd.s32 v7, v5;
	v7 =	vadd.s32 v20, v9  }
0x1a2: {  	[tilespmem:s29+$0x16800] =	vst v1;
	v3 =	vld [tilespmem:s26+$0x16810];
	v5 =	vadd.s32 v60, v5;
	v7 =	vadd.s32 v4, v7  }
0x1a3: {  	[tilespmem:s26+$0x15010] =	vst v1;
	v4 =	vld [tilespmem:s26+$0x17010];
	v5 =	vadd.s32 v62, v5;
	v6 =	vadd.s32 v6, v7  }
0x1a4: {  	[tilespmem:s26+$0x18000] =	vst v5;
	v6 =	vadd.s32 v8, v6;
	v5 =	vld [tilespmem:s26+$0x17810]  }
0x1a5: {  	s30 =	simm.s32 $0x80;
	s29 =	simm.s32 $0x0;
	[tilespmem:s26+$0x16010] =	vst v1;
	v6 =	vadd.s32 v61, v6  }
.LBB2_13:
0x1a6: {  	s0 =	sshra.s32 s30, $0x2;
	s29 =	sadd.s32 $0x2, s29;
	v2 =	vadd.s32 v2, v6;
	[tilespmem:s26+$0x16810] =	vst v1;
	s28 =	sadd.s32 $0x20, s28  }
0x1a7: {  	v6 =	vld [tilespmem:s0+$0x10000];
	[tilespmem:s0+$0x10000] =	vst v1;
	s31 =	sand.u32 $0x7E0, s28;
	p0 =	slt.u32 s29, $0x7E;
	v2 =	vadd.s32 v3, v2  }
0x1a8: {  	v3 =	vld [tilespmem:s31+$0x10800];
	[tilespmem:s31+$0x10800] =	vst v1;
	v2 =	vadd.s32 v4, v2  }
0x1a9: {  	v4 =	vld [tilespmem:s31+$0x11000];
	[tilespmem:s31+$0x11000] =	vst v1;
	v2 =	vadd.s32 v5, v2  }
0x1aa: {  	v5 =	vld [tilespmem:s31+$0x11800];
	[tilespmem:s31+$0x11800] =	vst v1  }
0x1ab: {  	v7 =	vld [tilespmem:s31+$0x12000];
	[tilespmem:s31+$0x12000] =	vst v1  }
0x1ac: {  	v8 =	vld [tilespmem:s31+$0x12800];
	[tilespmem:s31+$0x12800] =	vst v1  }
0x1ad: {  	v3 =	vadd.s32 v6, v3;
	v6 =	vld [tilespmem:s31+$0x13000];
	[tilespmem:s31+$0x13000] =	vst v1  }
0x1ae: {  	v3 =	vadd.s32 v4, v3;
	v4 =	vld [tilespmem:s31+$0x13800];
	[tilespmem:s31+$0x13800] =	vst v1  }
0x1af: {  	v3 =	vadd.s32 v5, v3;
	v5 =	vld [tilespmem:s31+$0x14000];
	[tilespmem:s31+$0x14000] =	vst v1  }
0x1b0: {  	v3 =	vadd.s32 v7, v3;
	v7 =	vld [tilespmem:s31+$0x14800];
	[tilespmem:s31+$0x14800] =	vst v1  }
0x1b1: {  	v3 =	vadd.s32 v8, v3;
	v8 =	vld [tilespmem:s31+$0x15000];
	[tilespmem:s31+$0x15000] =	vst v1  }
0x1b2: {  	v3 =	vadd.s32 v6, v3;
	v6 =	vld [tilespmem:s31+$0x15800];
	[tilespmem:s31+$0x15800] =	vst v1  }
0x1b3: {  	v3 =	vadd.s32 v4, v3;
	v4 =	vld [tilespmem:s31+$0x16000];
	[tilespmem:s31+$0x16000] =	vst v1  }
0x1b4: {  	v3 =	vadd.s32 v5, v3;
	v5 =	vld [tilespmem:s31+$0x16800];
	[tilespmem:s26+$0x18010] =	vst v2  }
0x1b5: {  	v2 =	vadd.s32 v7, v3;
	v3 =	vld [tilespmem:s31+$0x17000];
	[tilespmem:s26+$0x17010] =	vst v1  }
0x1b6: {  	v2 =	vadd.s32 v8, v2;
	v7 =	vld [tilespmem:s31+$0x17800];
	[tilespmem:s26+$0x17810] =	vst v1;
	s26 =	smov.u32 s0  }
0x1b7: {  	v2 =	vadd.s32 v6, v2;
	v6 =	vld [tilespmem:s26+$0x10010];
	[tilespmem:s26+$0x10010] =	vst v1  }
0x1b8: {  	v2 =	vadd.s32 v4, v2;
	v4 =	vld [tilespmem:s26+$0x10810];
	[tilespmem:s26+$0x10810] =	vst v1  }
0x1b9: {  	v2 =	vadd.s32 v5, v2;
	[tilespmem:s31+$0x16800] =	vst v1;
	v5 =	vld [tilespmem:s26+$0x11010]  }
0x1ba: {  	v2 =	vadd.s32 v3, v2;
	[tilespmem:s31+$0x17000] =	vst v1;
	v3 =	vld [tilespmem:s26+$0x11810]  }
0x1bb: {  	v2 =	vadd.s32 v7, v2;
	[tilespmem:s31+$0x17800] =	vst v1;
	v7 =	vld [tilespmem:s26+$0x12010]  }
0x1bc: {  	[tilespmem:s26+$0x18000] =	vst v2;
	v2 =	vld [tilespmem:s26+$0x12810]  }
0x1bd: {  	v4 =	vadd.s32 v6, v4;
	[tilespmem:s26+$0x11010] =	vst v1;
	v6 =	vld [tilespmem:s26+$0x13010]  }
0x1be: {  	v4 =	vadd.s32 v5, v4;
	[tilespmem:s26+$0x11810] =	vst v1;
	v5 =	vld [tilespmem:s26+$0x13810]  }
0x1bf: {  	v3 =	vadd.s32 v3, v4;
	[tilespmem:s26+$0x12010] =	vst v1;
	v4 =	vld [tilespmem:s26+$0x14010]  }
0x1c0: {  	v3 =	vadd.s32 v7, v3;
	[tilespmem:s26+$0x12810] =	vst v1;
	v7 =	vld [tilespmem:s26+$0x14810]  }
0x1c1: {  	v2 =	vadd.s32 v2, v3;
	[tilespmem:s26+$0x13010] =	vst v1;
	v8 =	vld [tilespmem:s26+$0x15010]  }
0x1c2: {  	v2 =	vadd.s32 v6, v2;
	[tilespmem:s26+$0x13810] =	vst v1;
	v6 =	vld [tilespmem:s26+$0x15810]  }
.Ltmp6:
0x1c3: {  	v3 =	vadd.s32 v5, v2;
	[tilespmem:s26+$0x14010] =	vst v1;
	v2 =	vld [tilespmem:s26+$0x16010];
	(pc) =	sbr.rel @p0 .LBB2_13-.Ltmp6, $4  }
0x1c4: {  	v4 =	vadd.s32 v4, v3;
	[tilespmem:s26+$0x14810] =	vst v1;
	v3 =	vld [tilespmem:s26+$0x16810]  }
0x1c5: {  	v5 =	vadd.s32 v7, v4;
	[tilespmem:s26+$0x15010] =	vst v1;
	v4 =	vld [tilespmem:s26+$0x17010]  }
0x1c6: {  	v7 =	vadd.s32 v8, v5;
	[tilespmem:s26+$0x15810] =	vst v1;
	v5 =	vld [tilespmem:s26+$0x17810]  }
0x1c7: {  	s30 =	sadd.s32 $0x80, s30;
	v6 =	vadd.s32 v6, v7;
	[tilespmem:s26+$0x16010] =	vst v1  }
0x1c8: {  	v2 =	vadd.s32 v2, v6  }
0x1c9: {  	[tilespmem:s26+$0x16810] =	vst v1;
	v2 =	vadd.s32 v3, v2  }
0x1ca: {  	[tilespmem:s26+$0x17010] =	vst v1;
	v2 =	vadd.s32 v4, v2  }
0x1cb: {  	[tilespmem:s26+$0x17810] =	vst v1;
	s0 =	simm.s32 $0x80;
	v2 =	vadd.s32 v5, v2  }
0x1cc: {  	s30 =	simm.s32 $0x400;
	s28 =	simm.s32 $0x18000;
	[tilespmem:s26+$0x18010] =	vst v2;
	s26 =	simm.s32 $0x2  }
0x1cd: {  	[spmem:s6] =	stream.strided.scatter [tilespmem:s28], [sflag:$0x2], $0x800, s30, s0, $0x200038;
	[tilespmem:$0x19A90] =	vst v63  }
0x1ce: {  	_ =	swait.ge [sflag:s26], $0x800  }
0x1cf: {  	[sflag:s26] =	ssyncset.done $0x0  }
0x1d0: {  	[sflag:s26] =	ssyncadd.s32 $0xFFFFF800  }
0x1d1: {  	s31 =	simm.s32 $0x18800;
	[bflag:$0x0] =	sbarrier.arrive $0xFFFF  }
0x1d2: {  	[tilespmem:s31], [sflag:$0x2] =	stream.linear.gather [spmem:s8], $0x80, $0x200038;
	[tilespmem:$0x19A90] =	vst v63  }
0x1d3: {  	_ =	swait.ge [sflag:s26], $0x80  }
0x1d4: {  	[sflag:s26] =	ssyncset.done $0x0  }
0x1d5: {  	s8 =	simm.s32 $0x18880;
	[sflag:s26] =	ssyncadd.s32 $0xFFFFFF80  }
0x1d6: {  	[tilespmem:s8], [sflag:$0x2] =	stream.linear.gather [spmem:s9], $0x80, $0x200038;
	[tilespmem:$0x19A90] =	vst v63  }
0x1d7: {  	_ =	swait.ge [sflag:s26], $0x80  }
0x1d8: {  	[sflag:s26] =	ssyncset.done $0x0  }
0x1d9: {  	s9 =	simm.s32 $0x18900;
	[sflag:s26] =	ssyncadd.s32 $0xFFFFFF80  }
0x1da: {  	[tilespmem:s9], [sflag:$0x2] =	stream.linear.gather [spmem:s10], $0x80, $0x200038;
	[tilespmem:$0x19A90] =	vst v63  }
0x1db: {  	_ =	swait.ge [sflag:s26], $0x80  }
0x1dc: {  	[sflag:s26] =	ssyncset.done $0x0  }
0x1dd: {  	s10 =	simm.s32 $0x18980;
	[sflag:s26] =	ssyncadd.s32 $0xFFFFFF80  }
0x1de: {  	[tilespmem:s10], [sflag:$0x2] =	stream.linear.gather [spmem:s11], $0x80, $0x200038;
	[tilespmem:$0x19A90] =	vst v63  }
0x1df: {  	_ =	swait.ge [sflag:s26], $0x80  }
0x1e0: {  	[sflag:s26] =	ssyncset.done $0x0  }
0x1e1: {  	s11 =	simm.s32 $0x18A00;
	[sflag:s26] =	ssyncadd.s32 $0xFFFFFF80  }
0x1e2: {  	[tilespmem:s11], [sflag:$0x2] =	stream.linear.gather [spmem:s12], $0x80, $0x200038;
	[tilespmem:$0x19A90] =	vst v63  }
0x1e3: {  	_ =	swait.ge [sflag:s26], $0x80  }
0x1e4: {  	[sflag:s26] =	ssyncset.done $0x0  }
0x1e5: {  	s12 =	simm.s32 $0x18A80;
	[sflag:s26] =	ssyncadd.s32 $0xFFFFFF80  }
0x1e6: {  	[tilespmem:s12], [sflag:$0x2] =	stream.linear.gather [spmem:s13], $0x80, $0x200038;
	[tilespmem:$0x19A90] =	vst v63  }
0x1e7: {  	_ =	swait.ge [sflag:s26], $0x80  }
0x1e8: {  	[sflag:s26] =	ssyncset.done $0x0  }
0x1e9: {  	s13 =	simm.s32 $0x18B00;
	[sflag:s26] =	ssyncadd.s32 $0xFFFFFF80  }
0x1ea: {  	[tilespmem:s13], [sflag:$0x2] =	stream.linear.gather [spmem:s14], $0x80, $0x200038;
	[tilespmem:$0x19A90] =	vst v63  }
0x1eb: {  	_ =	swait.ge [sflag:s26], $0x80  }
0x1ec: {  	[sflag:s26] =	ssyncset.done $0x0  }
0x1ed: {  	s14 =	simm.s32 $0x18B80;
	[sflag:s26] =	ssyncadd.s32 $0xFFFFFF80  }
0x1ee: {  	[tilespmem:s14], [sflag:$0x2] =	stream.linear.gather [spmem:s15], $0x80, $0x200038;
	[tilespmem:$0x19A90] =	vst v63  }
0x1ef: {  	_ =	swait.ge [sflag:s26], $0x80  }
0x1f0: {  	[sflag:s26] =	ssyncset.done $0x0  }
0x1f1: {  	s15 =	simm.s32 $0x18C00;
	[sflag:s26] =	ssyncadd.s32 $0xFFFFFF80  }
0x1f2: {  	[tilespmem:s15], [sflag:$0x2] =	stream.linear.gather [spmem:s16], $0x80, $0x200038;
	[tilespmem:$0x19A90] =	vst v63  }
0x1f3: {  	_ =	swait.ge [sflag:s26], $0x80  }
0x1f4: {  	[sflag:s26] =	ssyncset.done $0x0  }
0x1f5: {  	s16 =	simm.s32 $0x18C80;
	[sflag:s26] =	ssyncadd.s32 $0xFFFFFF80  }
0x1f6: {  	[tilespmem:s16], [sflag:$0x2] =	stream.linear.gather [spmem:s17], $0x80, $0x200038;
	[tilespmem:$0x19A90] =	vst v63  }
0x1f7: {  	_ =	swait.ge [sflag:s26], $0x80  }
0x1f8: {  	[sflag:s26] =	ssyncset.done $0x0  }
0x1f9: {  	s17 =	simm.s32 $0x18D00;
	[sflag:s26] =	ssyncadd.s32 $0xFFFFFF80  }
0x1fa: {  	[tilespmem:s17], [sflag:$0x2] =	stream.linear.gather [spmem:s18], $0x80, $0x200038;
	[tilespmem:$0x19A90] =	vst v63  }
0x1fb: {  	_ =	swait.ge [sflag:s26], $0x80  }
0x1fc: {  	[sflag:s26] =	ssyncset.done $0x0  }
0x1fd: {  	s18 =	simm.s32 $0x18D80;
	[sflag:s26] =	ssyncadd.s32 $0xFFFFFF80  }
0x1fe: {  	[tilespmem:s18], [sflag:$0x2] =	stream.linear.gather [spmem:s19], $0x80, $0x200038;
	[tilespmem:$0x19A90] =	vst v63  }
0x1ff: {  	_ =	swait.ge [sflag:s26], $0x80  }
0x200: {  	[sflag:s26] =	ssyncset.done $0x0  }
0x201: {  	s28 =	simm.s32 $0x18E00;
	[sflag:s26] =	ssyncadd.s32 $0xFFFFFF80  }
0x202: {  	[tilespmem:s28], [sflag:$0x2] =	stream.linear.gather [spmem:s20], $0x80, $0x200038;
	[tilespmem:$0x19A90] =	vst v63  }
0x203: {  	_ =	swait.ge [sflag:s26], $0x80  }
0x204: {  	[sflag:s26] =	ssyncset.done $0x0  }
0x205: {  	s29 =	simm.s32 $0x18E80;
	[sflag:s26] =	ssyncadd.s32 $0xFFFFFF80  }
0x206: {  	[tilespmem:s29], [sflag:$0x2] =	stream.linear.gather [spmem:s21], $0x80, $0x200038;
	[tilespmem:$0x19A90] =	vst v63  }
0x207: {  	_ =	swait.ge [sflag:s26], $0x80  }
0x208: {  	[sflag:s26] =	ssyncset.done $0x0  }
0x209: {  	s30 =	simm.s32 $0x18F00;
	[sflag:s26] =	ssyncadd.s32 $0xFFFFFF80  }
0x20a: {  	[tilespmem:s30], [sflag:$0x2] =	stream.linear.gather [spmem:s22], $0x80, $0x200038;
	[tilespmem:$0x19A90] =	vst v63  }
0x20b: {  	_ =	swait.ge [sflag:s26], $0x80  }
0x20c: {  	[sflag:s26] =	ssyncset.done $0x0  }
0x20d: {  	s31 =	simm.s32 $0x18F80;
	[sflag:s26] =	ssyncadd.s32 $0xFFFFFF80  }
0x20e: {  	[tilespmem:s31], [sflag:$0x2] =	stream.linear.gather [spmem:s23], $0x80, $0x200038;
	[tilespmem:$0x19A90] =	vst v63  }
0x20f: {  	_ =	swait.ge [sflag:s26], $0x80  }
0x210: {  	[sflag:s26] =	ssyncset.done $0x0  }
0x211: {  	[sflag:s26] =	ssyncadd.s32 $0xFFFFFF80  }
0x212: {  	v1 =	vld [tilespmem:s15+$0xFFFFFC10]  }
0x213: {  	v2 =	vld [tilespmem:s15+$0xFFFFFC90]  }
0x214: {  	v3 =	vld [tilespmem:s15+$0xFFFFFD10]  }
0x215: {  	v4 =	vld [tilespmem:s15+$0xFFFFFD90]  }
0x216: {  	v5 =	vld [tilespmem:s15+$0xFFFFFE10]  }
0x217: {  	v6 =	vld [tilespmem:s15+$0xFFFFFE90]  }
0x218: {  	v7 =	vld [tilespmem:s15+$0xFFFFFF10]  }
0x219: {  	v8 =	vld [tilespmem:s15+$0xFFFFFF90]  }
0x21a: {  	v9 =	vld [tilespmem:s15+$0x10]  }
0x21b: {  	v10 =	vld [tilespmem:s15+$0x90]  }
0x21c: {  	v11 =	vld [tilespmem:s15+$0x110]  }
0x21d: {  	v12 =	vld [tilespmem:s15+$0x190]  }
0x21e: {  	v13 =	vld [tilespmem:s15+$0x210]  }
0x21f: {  	v14 =	vld [tilespmem:s15+$0x290]  }
0x220: {  	v15 =	vld [tilespmem:s15+$0x310]  }
0x221: {  	v16 =	vld [tilespmem:s15+$0x390]  }
0x222: {  	v1 =	vadd.s32 v1, v2;
	v2 =	vld [tilespmem:s15+$0xFFFFFC80]  }
0x223: {  	v1 =	vadd.s32 v3, v1;
	v3 =	vld [tilespmem:s15+$0xFFFFFC00]  }
0x224: {  	v1 =	vadd.s32 v4, v1;
	v4 =	vld [tilespmem:s15+$0xFFFFFD00]  }
0x225: {  	v1 =	vadd.s32 v5, v1;
	v5 =	vld [tilespmem:s15+$0xFFFFFD80]  }
0x226: {  	v1 =	vadd.s32 v6, v1;
	v6 =	vld [tilespmem:s15+$0xFFFFFE00]  }
0x227: {  	v1 =	vadd.s32 v7, v1;
	v7 =	vld [tilespmem:s15+$0xFFFFFE80]  }
0x228: {  	v1 =	vadd.s32 v8, v1;
	v2 =	vadd.s32 v3, v2;
	v3 =	vld [tilespmem:s15+$0xFFFFFF00]  }
0x229: {  	v1 =	vadd.s32 v9, v1;
	v2 =	vadd.s32 v4, v2;
	v4 =	vld [tilespmem:s15+$0xFFFFFF80]  }
0x22a: {  	v1 =	vadd.s32 v10, v1;
	v2 =	vadd.s32 v5, v2;
	v5 =	vld [tilespmem:s15+$0x0]  }
0x22b: {  	v1 =	vadd.s32 v11, v1;
	v2 =	vadd.s32 v6, v2;
	v6 =	vld [tilespmem:s15+$0x80]  }
0x22c: {  	v1 =	vadd.s32 v12, v1;
	v2 =	vadd.s32 v7, v2;
	v7 =	vld [tilespmem:s15+$0x100]  }
0x22d: {  	v8 =	vadd.s32 v13, v1;
	v2 =	vadd.s32 v3, v2;
	v1 =	vld [tilespmem:s15+$0x180]  }
0x22e: {  	v3 =	vadd.s32 v14, v8;
	v4 =	vadd.s32 v4, v2;
	v2 =	vld [tilespmem:s15+$0x200]  }
0x22f: {  	v8 =	vadd.s32 v15, v3;
	v4 =	vadd.s32 v5, v4;
	v3 =	vld [tilespmem:s15+$0x280]  }
0x230: {  	s8 =	simm.s32 $0x18010;
	v5 =	vadd.s32 v16, v8;
	v6 =	vadd.s32 v6, v4;
	v4 =	vld [tilespmem:s15+$0x300]  }
0x231: {  	s9 =	simm.s32 $0x0;
	s10 =	simm.s32 $0x18C20;
	[tilespmem:s8+$0x0] =	vst v5;
	v6 =	vadd.s32 v7, v6;
	v5 =	vld [tilespmem:s15+$0x380]  }
.LBB2_15:
0x232: {  	v7 =	vld [tilespmem:s10+$0xFFFFFC10];
	v1 =	vadd.s32 v1, v6  }
0x233: {  	s9 =	sadd.s32 $0x2, s9;
	v6 =	vld [tilespmem:s10+$0xFFFFFC90];
	v1 =	vadd.s32 v2, v1  }
0x234: {  	p0 =	slt.u32 s9, $0x6;
	v2 =	vld [tilespmem:s10+$0xFFFFFD10];
	v1 =	vadd.s32 v3, v1  }
0x235: {  	v3 =	vld [tilespmem:s10+$0xFFFFFD90];
	v1 =	vadd.s32 v4, v1  }
0x236: {  	v4 =	vld [tilespmem:s10+$0xFFFFFE10];
	v1 =	vadd.s32 v5, v1  }
0x237: {  	v5 =	vld [tilespmem:s10+$0xFFFFFE90];
	[tilespmem:s8+$0xFFFFFFF0] =	vst v1  }
0x238: {  	v1 =	vadd.s32 v7, v6;
	v6 =	vld [tilespmem:s10+$0xFFFFFF10]  }
0x239: {  	v1 =	vadd.s32 v2, v1;
	v2 =	vld [tilespmem:s10+$0xFFFFFF90]  }
0x23a: {  	v1 =	vadd.s32 v3, v1;
	v3 =	vld [tilespmem:s10+$0x10]  }
0x23b: {  	v1 =	vadd.s32 v4, v1;
	v4 =	vld [tilespmem:s10+$0x90]  }
0x23c: {  	v1 =	vadd.s32 v5, v1;
	v5 =	vld [tilespmem:s10+$0x110]  }
0x23d: {  	v1 =	vadd.s32 v6, v1;
	v6 =	vld [tilespmem:s10+$0x190]  }
0x23e: {  	v1 =	vadd.s32 v2, v1;
	v2 =	vld [tilespmem:s10+$0x210]  }
0x23f: {  	v1 =	vadd.s32 v3, v1;
	v3 =	vld [tilespmem:s10+$0x290]  }
0x240: {  	v1 =	vadd.s32 v4, v1;
	v4 =	vld [tilespmem:s10+$0x310]  }
0x241: {  	v1 =	vadd.s32 v5, v1;
	v5 =	vld [tilespmem:s10+$0x390]  }
0x242: {  	v7 =	vld [tilespmem:s10+$0xFFFFFC80];
	v1 =	vadd.s32 v6, v1  }
0x243: {  	v6 =	vld [tilespmem:s10+$0xFFFFFC00];
	v1 =	vadd.s32 v2, v1  }
0x244: {  	v2 =	vld [tilespmem:s10+$0xFFFFFD00];
	v1 =	vadd.s32 v3, v1  }
0x245: {  	v3 =	vld [tilespmem:s10+$0xFFFFFD80];
	v1 =	vadd.s32 v4, v1  }
0x246: {  	s8 =	sadd.s32 $0x20, s8;
	v4 =	vld [tilespmem:s10+$0xFFFFFE00];
	v1 =	vadd.s32 v5, v1  }
0x247: {  	v5 =	vld [tilespmem:s10+$0xFFFFFE80];
	[tilespmem:s8+$0x0] =	vst v1  }
0x248: {  	v1 =	vadd.s32 v6, v7;
	v6 =	vld [tilespmem:s10+$0xFFFFFF00]  }
0x249: {  	v1 =	vadd.s32 v2, v1;
	v2 =	vld [tilespmem:s10+$0xFFFFFF80]  }
0x24a: {  	v1 =	vadd.s32 v3, v1;
	v3 =	vld [tilespmem:s10+$0x0]  }
0x24b: {  	v1 =	vadd.s32 v4, v1;
	v4 =	vld [tilespmem:s10+$0x80]  }
0x24c: {  	v1 =	vadd.s32 v5, v1;
	v5 =	vld [tilespmem:s10+$0x100]  }
.Ltmp7:
0x24d: {  	v6 =	vadd.s32 v6, v1;
	v1 =	vld [tilespmem:s10+$0x180];
	(pc) =	sbr.rel @p0 .LBB2_15-.Ltmp7, $4  }
0x24e: {  	v6 =	vadd.s32 v2, v6;
	v2 =	vld [tilespmem:s10+$0x200]  }
0x24f: {  	v6 =	vadd.s32 v3, v6;
	v3 =	vld [tilespmem:s10+$0x280]  }
0x250: {  	v6 =	vadd.s32 v4, v6;
	v4 =	vld [tilespmem:s10+$0x300]  }
0x251: {  	v6 =	vadd.s32 v5, v6;
	v5 =	vld [tilespmem:s10+$0x380];
	s10 =	sadd.s32 $0x20, s10  }
0x252: {  	(xrf0) =	vadd.scan.msk.s32 $0xffff, v0;
	_ =	sdelay $0x5  }
0x253: {  	v0, _, _ =	vpop (xrf0)  }
0x254: {  	(v2sf) =	vpush v0, $0xF;
	_ =	sdelay $0x7  }
0x255: {  	v0 =	vadd.s32 v1, v6  }
0x256: {  	v0 =	vadd.s32 v2, v0  }
0x257: {  	v0 =	vadd.s32 v3, v0  }
0x258: {  	v0 =	vadd.s32 v4, v0  }
0x259: {  	v0 =	vadd.s32 v5, v0  }
0x25a: {  	s0 =	simm.s32 $0x18000;
	[tilespmem:s8+$0xFFFFFFF0] =	vst v0  }
0x25b: {  	[spmem:s24] =	stream.linear.scatter [tilespmem:s0], [sflag:$0x2], $0x80, $0x200038;
	[tilespmem:$0x19A90] =	vst v63  }
0x25c: {  	s9 =	simm.s32 $0x2;
	s8 =	spop (v2sf)  }
0x25d: {  	_ =	swait.ge [sflag:s9], $0x80  }
0x25e: {  	[sflag:s9] =	ssyncset.done $0x0  }
0x25f: {  	[sflag:s9] =	ssyncadd.s32 $0xFFFFFF80  }
0x260: {  	[bflag:$0x0] =	sbarrier.arrive $0xFFFF  }
0x261: {  	[tilespmem:s0], [sflag:$0x2] =	stream.linear.gather [spmem:s4], $0x800, $0x200038;
	[tilespmem:$0x19A90] =	vst v63  }
0x262: {  	_ =	swait.ge [sflag:s9], $0x800  }
0x263: {  	[sflag:s9] =	ssyncset.done $0x0  }
0x264: {  	s29 =	simm.s32 $0x0;
	[sflag:s9] =	ssyncadd.s32 $0xFFFFF800  }
0x265: {  	v2 =	vld [tilespmem:s29+$0x18000];
	_ =	sdelay $0x4  }
0x266: {  	(xrf0) =	vadd.scan.msk.s32 $0xffff, v2  }
0x267: {  	s30 =	simm.s32 $0x10  }
0x268: {  	v0 =	vld [tilespmem:s30+$0x18000];
	_ =	sdelay $0x3  }
0x269: {  	v1 =	vimm.s32 $0x0;
	s10 =	ssub.s32 $0xCCCC, s8;
	v3, _, _ =	vpop (xrf0)  }
0x26a: {  	s31 =	simm.s32 $0x20;
	v5 =	vimm.s32 $0xF;
	v4 =	vmov s10;
	(xrf0) =	vadd.scan.msk.s32 $0xffff, v0;
	v3 =	vadd.s32 v1, v3  }
0x26b: {  	vm0 =	vlt.s32 v3, v4;
	v8 =	vperm.xlane v3, v5;
	v3 =	vld [tilespmem:s31+$0x18000]  }
0x26c: {  	v6 =	vimm.s32 $0x0  }
0x26d: {  	s0 =	simm.s32 $0xC0;
	v9 =	vsel vm0, $0x1, v1;
	v7 =	vnsel vm0, $0x0, v2;
	v2 =	vimm.s32 $0x0  }
.LBB2_17:
0x26e: {  	p0 =	sne.s32 s0, $0x1FC0;
	v6 =	vadd.s32 v9, v6;
	v2 =	vadd.s32 v2, v7;
	s9 =	smov.u32 s0;
	s0 =	sadd.s32 $0x40, s0  }
.Ltmp8:
0x26f: {  	(pc) =	sbr.rel @p0 .LBB2_17-.Ltmp8, $4  }
0x270: {  	s9 =	sshra.s32 s9, $0x2;
	(xrf0) =	vadd.scan.msk.s32 $0xffff, v3;
	v7, _, _ =	vpop (xrf0);
	v10 =	vmov v3  }
0x271: {  	v3 =	vld [tilespmem:s9+$0x18000];
	v7 =	vadd.s32 v8, v7  }
0x272: {  	vm0 =	vlt.s32 v7, v4;
	v8 =	vperm.xlane v7, v5  }
0x273: {  	v9 =	vsel vm0, $0x1, v1;
	v7 =	vnsel vm0, $0x0, v0;
	v0 =	vmov v10  }
0x274: {  	_ =	sdelay $0x1  }
0x275: {  	(xrf0) =	vadd.scan.msk.s32 $0xffff, v3;
	_ =	sdelay $0x2  }
0x276: {  	v10, _, _ =	vpop (xrf0)  }
0x277: {  	v8 =	vadd.s32 v8, v10  }
0x278: {  	v5 =	vperm.xlane v8, v5  }
0x279: {  	v10, _, _ =	vpop (xrf0)  }
0x27a: {  	vm0 =	vlt.s32 v8, v4;
	v5 =	vadd.s32 v5, v10  }
0x27b: {  	v6 =	vadd.s32 v9, v6;
	v8 =	vsel vm0, $0x1, v1;
	vm1 =	vlt.s32 v5, v4  }
0x27c: {  	v4 =	vadd.s32 v8, v6;
	v1 =	vsel vm1, $0x1, v1  }
0x27d: {  	v1 =	vadd.s32 v1, v4  }
0x27e: {  	(xrf0) =	vadd.scan.msk.s32 $0xffff, v1;
	_ =	sdelay $0x5  }
0x27f: {  	v1, _, _ =	vpop (xrf0)  }
0x280: {  	(v2sf) =	vpush v1, $0xF;
	_ =	sdelay $0xe  }
0x281: {  	s0 =	spop (v2sf)  }
0x282: {  	_ =	strace $0x9000004D  }
0x283: {  	s12 =	simm.s32 $0x40;
	_ =	strace $0x8000004E  }
0x284: {  	v4 =	vld [tilespmem:s12+$0xFFFFFFC0]  }
0x285: {  	v6 =	vld [tilespmem:s12+$0xFFFFFFE0];
	_ =	sdelay $0x1  }
0x286: {  	s9 =	sshll.u32 s25, $0xB  }
0x287: {  	v0 =	vnsel vm0, $0x0, v0;
	v5 =	vadd.s32 v2, v7;
	v1 =	vlaneseq.u32;
	s9 =	sadd.s32 s9, s0;
	v8 =	vld [tilespmem:s12+$0xFFFFFFF0]  }
0x288: {  	v1 =	vmul.u32 $0x400, v1;
	v2 =	vmov s9;
	v10 =	vld [tilespmem:s12+$0x20];
	v7 =	vshra.s32 v4, $0xA  }
0x289: {  	v4 =	vand.u32 $0x3FF, v4;
	vm3 =	veq.s32 v7, v2;
	v7 =	vshra.s32 v6, $0xA  }
0x28a: {  	v12 =	vld [tilespmem:s12+$0x30];
	v11 =	vor.u32 v1, v4;
	v6 =	vand.u32 $0x3FF, v6;
	vm2 =	veq.s32 v7, v2  }
0x28b: {  	v0 =	vadd.s32 v5, v0;
	v3 =	vnsel vm1, $0x0, v3;
	v4 =	vld [tilespmem:s12+$0xFFFFFFD0];
	v7 =	vor.u32 v1, v6  }
0x28c: {  	v0 =	vadd.s32 v0, v3;
	v3 =	vimm.s32 $0x1  }
0x28d: {  	v5 =	vand.u32 $0x3FF, v8;
	v13 =	vshra.s32 v10, $0xA;
	v6 =	vshra.s32 v8, $0xA;
	v8 =	vld [tilespmem:s12+$0x10]  }
0x28e: {  	s11 =	simm.s32 $0x10000;
	v9 =	vld [tilespmem:s12+$0x0];
	vm1 =	veq.s32 v13, v2;
	vm0 =	veq.s32 v6, v2;
	v6 =	vand.u32 $0x3FF, v10  }
0x28f: {  	s13 =	simm.s32 $0xC0;
	s12 =	simm.s32 $0x0;
	v10 =	vand.u32 $0x3FF, v12;
	v6 =	vor.u32 v1, v6;
	[tilespmem:v11+s11+$0x0] =	vst.idx.add.s32.msk vm3, v3;
	v11 =	vshra.s32 v12, $0xA  }
.LBB2_19:
0x290: {  	s12 =	sadd.s32 $0x8, s12;
	v12 =	vshra.s32 v4, $0xA;
	[tilespmem:v7+s11+$0x0] =	vst.idx.add.s32.msk vm2, v3;
	vm3 =	veq.s32 v11, v2  }
0x291: {  	v4 =	vand.u32 $0x3FF, v4;
	v7 =	vor.u32 v1, v5;
	v11 =	vld [tilespmem:s13+$0xFFFFFFF0];
	p0 =	slt.u32 s12, $0xFF8;
	vm4 =	veq.s32 v12, v2  }
0x292: {  	v10 =	vor.u32 v1, v10;
	v13 =	vor.u32 v1, v4;
	v12 =	vld [tilespmem:s13+$0xFFFFFFE0];
	v4 =	vshra.s32 v8, $0xA  }
0x293: {  	v14 =	vld [tilespmem:s13+$0xFFFFFFC0];
	v5 =	vshra.s32 v9, $0xA;
	vm5 =	veq.s32 v4, v2;
	v4 =	vand.u32 $0x3FF, v8  }
0x294: {  	v15 =	vld [tilespmem:s13+$0x30];
	vm6 =	veq.s32 v5, v2;
	v5 =	vand.u32 $0x3FF, v9;
	v8 =	vor.u32 v1, v4  }
0x295: {  	v16 =	vld [tilespmem:s13+$0x20];
	v9 =	vor.u32 v1, v5  }
0x296: {  	v4 =	vld [tilespmem:s13+$0xFFFFFFD0];
	v5 =	vand.u32 $0x3FF, v11  }
0x297: {  	[tilespmem:v7+s11+$0x0] =	vst.idx.add.s32.msk vm0, v3  }
0x298: {  	v17 =	vshra.s32 v12, $0xA;
	v12 =	vand.u32 $0x3FF, v12;
	v7 =	vshra.s32 v14, $0xA;
	[tilespmem:v6+s11+$0x0] =	vst.idx.add.s32.msk vm1, v3  }
0x299: {  	v6 =	vand.u32 $0x3FF, v14;
	vm2 =	veq.s32 v17, v2;
	vm7 =	veq.s32 v7, v2;
	[tilespmem:v8+s11+$0x0] =	vst.idx.add.s32.msk vm5, v3  }
0x29a: {  	v6 =	vor.u32 v1, v6;
	v7 =	vor.u32 v1, v12;
	[tilespmem:v9+s11+$0x0] =	vst.idx.add.s32.msk vm6, v3  }
.Ltmp9:
0x29b: {  	v8 =	vshra.s32 v11, $0xA;
	[tilespmem:v10+s11+$0x0] =	vst.idx.add.s32.msk vm3, v3;
	(pc) =	sbr.rel @p0 .LBB2_19-.Ltmp9, $4  }
0x29c: {  	vm0 =	veq.s32 v8, v2;
	[tilespmem:v13+s11+$0x0] =	vst.idx.add.s32.msk vm4, v3  }
0x29d: {  	v10 =	vshra.s32 v16, $0xA;
	v8 =	vld [tilespmem:s13+$0x10]  }
0x29e: {  	vm1 =	veq.s32 v10, v2;
	v10 =	vand.u32 $0x3FF, v16;
	v9 =	vld [tilespmem:s13+$0x0]  }
0x29f: {  	v11 =	vshra.s32 v15, $0xA;
	s13 =	sadd.s32 $0x80, s13;
	[tilespmem:v6+s11+$0x0] =	vst.idx.add.s32.msk vm7, v3;
	v6 =	vor.u32 v1, v10;
	v10 =	vand.u32 $0x3FF, v15  }
0x2a0: {  	_ = 	snop  }
0x2a1: {  	v5 =	vor.u32 v1, v5  }
0x2a2: {  	v52 =	vshra.s32 v4, $0xA;
	vm5 =	veq.s32 v11, v2;
	v12 =	vshra.s32 v8, $0xA  }
0x2a3: {  	vm15 =	veq.s32 v52, v2;
	v50 =	vand.u32 $0x3FF, v8;
	vm3 =	veq.s32 v12, v2  }
0x2a4: {  	v13 =	vshra.s32 v9, $0xA;
	v51 =	vand.u32 $0x3FF, v9;
	v8 =	vor.u32 v1, v50  }
0x2a5: {  	vm4 =	veq.s32 v13, v2;
	v2 =	vand.u32 $0x3FF, v4;
	v4 =	vor.u32 v1, v10  }
0x2a6: {  	[tilespmem:v7+s11+$0x0] =	vst.idx.add.s32.msk vm2, v3;
	v9 =	vor.u32 v1, v51  }
0x2a7: {  	[tilespmem:v6+s11+$0x0] =	vst.idx.add.s32.msk vm1, v3;
	v1 =	vor.u32 v1, v2  }
0x2a8: {  	[tilespmem:v5+s11+$0x0] =	vst.idx.add.s32.msk vm0, v3  }
0x2a9: {  	[tilespmem:v8+s11+$0x0] =	vst.idx.add.s32.msk vm3, v3  }
0x2aa: {  	[tilespmem:v4+s11+$0x0] =	vst.idx.add.s32.msk vm5, v3  }
0x2ab: {  	[tilespmem:v9+s11+$0x0] =	vst.idx.add.s32.msk vm4, v3  }
0x2ac: {  	[tilespmem:v1+s11+$0x0] =	vst.idx.add.s32.msk vm15, v3  }
0x2ad: {  	_ =	strace $0x9000004E  }
0x2ae: {  	s11 =	simm.s32 $0x12010;
	_ =	strace $0x8000004F  }
0x2af: {  	v2 =	vld [tilespmem:s11+$0xFFFFDFF0]  }
0x2b0: {  	v54 =	vld [tilespmem:s11+$0xFFFFE000]  }
0x2b1: {  	v56 =	vld [tilespmem:s11+$0xFFFFE400]  }
0x2b2: {  	v58 =	vld [tilespmem:s11+$0xFFFFE800]  }
0x2b3: {  	v14 =	vld [tilespmem:s11+$0xFFFFEC00]  }
0x2b4: {  	v1 =	vimm.s32 $0x0;
	v15 =	vld [tilespmem:s11+$0xFFFFF000]  }
0x2b5: {  	[tilespmem:s11+$0xFFFFDFF0] =	vst v1;
	v16 =	vld [tilespmem:s11+$0xFFFFF400]  }
0x2b6: {  	[tilespmem:s11+$0xFFFFE000] =	vst v1;
	v18 =	vld [tilespmem:s11+$0xFFFFF800]  }
0x2b7: {  	[tilespmem:s11+$0xFFFFE400] =	vst v1;
	v20 =	vld [tilespmem:s11+$0xFFFFFC00]  }
0x2b8: {  	[tilespmem:s11+$0xFFFFE800] =	vst v1;
	v59 =	vld [tilespmem:s11+$0x800]  }
0x2b9: {  	s0 =	simm.s32 $0x0;
	[tilespmem:s11+$0xFFFFEC00] =	vst v1;
	v61 =	vld [tilespmem:s11+$0xC00]  }
0x2ba: {  	s12 =	sand.u32 $0x3E0, s0;
	[tilespmem:s11+$0xFFFFF000] =	vst v1;
	v63 =	vld [tilespmem:s11+$0x1000]  }
0x2bb: {  	[tilespmem:s11+$0xFFFFF400] =	vst v1;
	v3 =	vld [tilespmem:s12+$0x10400]  }
0x2bc: {  	[tilespmem:s11+$0xFFFFF800] =	vst v1;
	v4 =	vld [tilespmem:s12+$0x10800]  }
0x2bd: {  	[tilespmem:s11+$0xFFFFFC00] =	vst v1;
	v5 =	vld [tilespmem:s12+$0x10C00]  }
0x2be: {  	[tilespmem:s11+$0x800] =	vst v1;
	v6 =	vld [tilespmem:s12+$0x11000]  }
0x2bf: {  	[tilespmem:s11+$0xC00] =	vst v1;
	v7 =	vld [tilespmem:s12+$0x11400]  }
0x2c0: {  	[tilespmem:s11+$0x1000] =	vst v1;
	v53 =	vld [tilespmem:s12+$0x11800]  }
0x2c1: {  	[tilespmem:s12+$0x10400] =	vst v1;
	v55 =	vld [tilespmem:s12+$0x11C00]  }
0x2c2: {  	[tilespmem:s12+$0x10800] =	vst v1;
	v57 =	vld [tilespmem:s12+$0x12000];
	v2 =	vadd.s32 v2, v3  }
0x2c3: {  	[tilespmem:s12+$0x10C00] =	vst v1;
	v17 =	vld [tilespmem:s12+$0x12400];
	v2 =	vadd.s32 v4, v2  }
0x2c4: {  	[tilespmem:s12+$0x11000] =	vst v1;
	v19 =	vld [tilespmem:s12+$0x12800];
	v2 =	vadd.s32 v5, v2  }
0x2c5: {  	[tilespmem:s12+$0x11400] =	vst v1;
	v60 =	vld [tilespmem:s12+$0x13800];
	v2 =	vadd.s32 v6, v2  }
0x2c6: {  	[tilespmem:s12+$0x11800] =	vst v1;
	v62 =	vld [tilespmem:s12+$0x13C00];
	v2 =	vadd.s32 v7, v2  }
0x2c7: {  	[tilespmem:s12+$0x11C00] =	vst v1;
	v3 =	vld [tilespmem:s12+$0x12C00];
	v2 =	vadd.s32 v53, v2  }
0x2c8: {  	[tilespmem:s12+$0x12000] =	vst v1;
	v9 =	vadd.s32 v54, v56;
	v5 =	vld [tilespmem:s12+$0x13000];
	v2 =	vadd.s32 v55, v2  }
0x2c9: {  	[tilespmem:s12+$0x12400] =	vst v1;
	v9 =	vadd.s32 v58, v9;
	v7 =	vld [tilespmem:s12+$0x13400];
	v2 =	vadd.s32 v57, v2  }
0x2ca: {  	[tilespmem:s12+$0x12800] =	vst v1;
	v4 =	vld [tilespmem:s11+$0x0];
	v9 =	vadd.s32 v14, v9;
	v2 =	vadd.s32 v17, v2  }
0x2cb: {  	[tilespmem:s12+$0x13800] =	vst v1;
	v9 =	vadd.s32 v15, v9;
	v6 =	vld [tilespmem:s11+$0x400];
	v2 =	vadd.s32 v19, v2  }
0x2cc: {  	[tilespmem:s12+$0x13C00] =	vst v1;
	v2 =	vadd.s32 v3, v2;
	v3 =	vadd.s32 v16, v9  }
0x2cd: {  	[tilespmem:s12+$0x12C00] =	vst v1;
	v5 =	vadd.s32 v5, v2;
	v3 =	vadd.s32 v18, v3  }
0x2ce: {  	[tilespmem:s11+$0x0] =	vst v1;
	v5 =	vadd.s32 v7, v5;
	v3 =	vadd.s32 v20, v3  }
0x2cf: {  	[tilespmem:s12+$0x13000] =	vst v1;
	v2 =	vld [tilespmem:s11+$0x1400];
	v5 =	vadd.s32 v60, v5;
	v4 =	vadd.s32 v4, v3  }
0x2d0: {  	[tilespmem:s12+$0x13400] =	vst v1;
	s12 =	simm.s32 $0x18010;
	v3 =	vld [tilespmem:s11+$0x1800];
	v5 =	vadd.s32 v62, v5;
	v4 =	vadd.s32 v6, v4  }
0x2d1: {  	[tilespmem:s12+$0xFFFFFFF0] =	vst v5;
	v5 =	vadd.s32 v59, v4;
	v4 =	vld [tilespmem:s11+$0x1C00]  }
0x2d2: {  	[tilespmem:s11+$0x400] =	vst v1;
	v5 =	vadd.s32 v61, v5  }
0x2d3: {  	s13 =	simm.s32 $0x0;
	s14 =	simm.s32 $0x12030;
	s15 =	simm.s32 $0x20;
	[tilespmem:s11+$0x1400] =	vst v1;
	v5 =	vadd.s32 v63, v5  }
.LBB2_21:
0x2d4: {  	v6 =	vld [tilespmem:s14+$0xFFFFDFF0];
	[tilespmem:s14+$0xFFFFDFF0] =	vst v1;
	s16 =	sand.u32 $0x3E0, s15;
	s13 =	sadd.s32 $0x2, s13;
	v2 =	vadd.s32 v2, v5  }
0x2d5: {  	v5 =	vld [tilespmem:s16+$0x10400];
	[tilespmem:s16+$0x10400] =	vst v1;
	p0 =	slt.u32 s13, $0x3E;
	v2 =	vadd.s32 v3, v2  }
0x2d6: {  	v3 =	vld [tilespmem:s16+$0x10800];
	[tilespmem:s16+$0x10800] =	vst v1;
	v2 =	vadd.s32 v4, v2  }
0x2d7: {  	v4 =	vld [tilespmem:s16+$0x10C00];
	[tilespmem:s16+$0x10C00] =	vst v1  }
0x2d8: {  	v7 =	vld [tilespmem:s16+$0x11000];
	[tilespmem:s16+$0x11000] =	vst v1  }
0x2d9: {  	v8 =	vld [tilespmem:s16+$0x11400];
	[tilespmem:s16+$0x11400] =	vst v1  }
0x2da: {  	v5 =	vadd.s32 v6, v5;
	v6 =	vld [tilespmem:s16+$0x11800];
	[tilespmem:s16+$0x11800] =	vst v1  }
0x2db: {  	v3 =	vadd.s32 v3, v5;
	v5 =	vld [tilespmem:s16+$0x11C00];
	[tilespmem:s16+$0x11C00] =	vst v1  }
0x2dc: {  	v3 =	vadd.s32 v4, v3;
	v4 =	vld [tilespmem:s16+$0x12000];
	[tilespmem:s16+$0x12000] =	vst v1  }
0x2dd: {  	v3 =	vadd.s32 v7, v3;
	v7 =	vld [tilespmem:s16+$0x12400];
	[tilespmem:s16+$0x12400] =	vst v1  }
0x2de: {  	v3 =	vadd.s32 v8, v3;
	v8 =	vld [tilespmem:s16+$0x12800];
	[tilespmem:s16+$0x12800] =	vst v1  }
0x2df: {  	v3 =	vadd.s32 v6, v3;
	v6 =	vld [tilespmem:s16+$0x12C00];
	[tilespmem:s16+$0x12C00] =	vst v1  }
0x2e0: {  	v3 =	vadd.s32 v5, v3;
	v5 =	vld [tilespmem:s16+$0x13000];
	[tilespmem:s16+$0x13000] =	vst v1  }
0x2e1: {  	v3 =	vadd.s32 v4, v3;
	v4 =	vld [tilespmem:s16+$0x13400];
	[tilespmem:s11+$0x1800] =	vst v1  }
0x2e2: {  	v3 =	vadd.s32 v7, v3;
	v7 =	vld [tilespmem:s16+$0x13800];
	[tilespmem:s11+$0x1C00] =	vst v1;
	s11 =	smov.u32 s14  }
0x2e3: {  	v3 =	vadd.s32 v8, v3;
	v8 =	vld [tilespmem:s16+$0x13C00];
	[tilespmem:s12+$0x0] =	vst v2  }
0x2e4: {  	v2 =	vadd.s32 v6, v3;
	v3 =	vld [tilespmem:s14+$0xFFFFE000];
	[tilespmem:s14+$0xFFFFE000] =	vst v1  }
0x2e5: {  	v2 =	vadd.s32 v5, v2;
	v5 =	vld [tilespmem:s14+$0xFFFFE400];
	[tilespmem:s14+$0xFFFFE400] =	vst v1  }
0x2e6: {  	v2 =	vadd.s32 v4, v2;
	[tilespmem:s16+$0x13400] =	vst v1;
	v4 =	vld [tilespmem:s14+$0xFFFFE800]  }
0x2e7: {  	v2 =	vadd.s32 v7, v2;
	[tilespmem:s16+$0x13800] =	vst v1;
	v6 =	vld [tilespmem:s14+$0xFFFFEC00]  }
0x2e8: {  	s12 =	sadd.s32 $0x20, s12;
	v2 =	vadd.s32 v8, v2;
	[tilespmem:s16+$0x13C00] =	vst v1;
	v7 =	vld [tilespmem:s14+$0xFFFFF000]  }
0x2e9: {  	[tilespmem:s12+$0xFFFFFFF0] =	vst v2;
	v2 =	vld [tilespmem:s14+$0xFFFFF400]  }
0x2ea: {  	v3 =	vadd.s32 v3, v5;
	[tilespmem:s14+$0xFFFFE800] =	vst v1;
	v5 =	vld [tilespmem:s14+$0xFFFFF800]  }
0x2eb: {  	v3 =	vadd.s32 v4, v3;
	[tilespmem:s14+$0xFFFFEC00] =	vst v1;
	v4 =	vld [tilespmem:s14+$0xFFFFFC00]  }
0x2ec: {  	v3 =	vadd.s32 v6, v3;
	[tilespmem:s14+$0xFFFFF000] =	vst v1;
	v6 =	vld [tilespmem:s14+$0x0]  }
0x2ed: {  	v3 =	vadd.s32 v7, v3;
	[tilespmem:s14+$0xFFFFF400] =	vst v1;
	v7 =	vld [tilespmem:s14+$0x400]  }
0x2ee: {  	v2 =	vadd.s32 v2, v3;
	[tilespmem:s14+$0xFFFFF800] =	vst v1;
	v8 =	vld [tilespmem:s14+$0x800]  }
0x2ef: {  	v2 =	vadd.s32 v5, v2;
	[tilespmem:s14+$0xFFFFFC00] =	vst v1;
	v5 =	vld [tilespmem:s14+$0xC00]  }
0x2f0: {  	v2 =	vadd.s32 v4, v2;
	[tilespmem:s14+$0x0] =	vst v1;
	v9 =	vld [tilespmem:s14+$0x1000]  }
.Ltmp10:
0x2f1: {  	v3 =	vadd.s32 v6, v2;
	[tilespmem:s14+$0x400] =	vst v1;
	v2 =	vld [tilespmem:s14+$0x1400];
	(pc) =	sbr.rel @p0 .LBB2_21-.Ltmp10, $4  }
0x2f2: {  	v4 =	vadd.s32 v7, v3;
	[tilespmem:s14+$0x800] =	vst v1;
	v3 =	vld [tilespmem:s14+$0x1800]  }
0x2f3: {  	v6 =	vadd.s32 v8, v4;
	[tilespmem:s14+$0xC00] =	vst v1;
	v4 =	vld [tilespmem:s14+$0x1C00]  }
0x2f4: {  	v5 =	vadd.s32 v5, v6;
	[tilespmem:s14+$0x1000] =	vst v1  }
0x2f5: {  	s15 =	sadd.s32 $0x20, s15;
	s14 =	sadd.s32 $0x20, s14;
	v5 =	vadd.s32 v9, v5;
	[tilespmem:s11+$0x1400] =	vst v1  }
0x2f6: {  	v2 =	vadd.s32 v2, v5  }
0x2f7: {  	[tilespmem:s11+$0x1800] =	vst v1;
	v2 =	vadd.s32 v3, v2  }
0x2f8: {  	[tilespmem:s11+$0x1C00] =	vst v1;
	s0 =	simm.s32 $0x80;
	v2 =	vadd.s32 v4, v2  }
0x2f9: {  	s16 =	simm.s32 $0x400;
	s17 =	simm.s32 $0x18000;
	s11 =	simm.s32 $0x2;
	[tilespmem:s12+$0x0] =	vst v2  }
0x2fa: {  	[spmem:s6] =	stream.strided.scatter [tilespmem:s17], [sflag:$0x2], $0x400, s16, s0, $0x200038;
	[tilespmem:$0x19A90] =	vst v63  }
0x2fb: {  	_ =	swait.ge [sflag:s11], $0x400  }
0x2fc: {  	s18 =	sand.u32 $0x1C00, s7;
	s6 =	sshll.u32 s3, $0x6;
	[sflag:s11] =	ssyncset.done $0x0  }
0x2fd: {  	s0 =	sadd.s32 s18, s5;
	s13 =	sand.u32 $0x40, s6;
	[sflag:s11] =	ssyncadd.s32 $0xFFFFFC00  }
0x2fe: {  	s19 =	simm.s32 $0x18800;
	s12 =	sadd.s32 s13, s0;
	[bflag:$0x0] =	sbarrier.arrive $0xFFFF  }
0x2ff: {  	[tilespmem:s19], [sflag:$0x2] =	stream.linear.gather [spmem:s12], $0x40, $0x200038;
	[tilespmem:$0x19A90] =	vst v63  }
0x300: {  	_ =	swait.ge [sflag:s11], $0x40  }
0x301: {  	[sflag:s11] =	ssyncset.done $0x0  }
0x302: {  	s14 =	simm.s32 $0x18840;
	s20 =	sadd.s32 $0x80, s12;
	[sflag:s11] =	ssyncadd.s32 $0xFFFFFFC0  }
0x303: {  	[tilespmem:s14], [sflag:$0x2] =	stream.linear.gather [spmem:s20], $0x40, $0x200038;
	[tilespmem:$0x19A90] =	vst v63  }
0x304: {  	_ =	swait.ge [sflag:s11], $0x40  }
0x305: {  	[sflag:s11] =	ssyncset.done $0x0  }
0x306: {  	s22 =	simm.s32 $0x18880;
	s21 =	sadd.s32 $0x100, s12;
	[sflag:s11] =	ssyncadd.s32 $0xFFFFFFC0  }
0x307: {  	[tilespmem:s22], [sflag:$0x2] =	stream.linear.gather [spmem:s21], $0x40, $0x200038;
	[tilespmem:$0x19A90] =	vst v63  }
0x308: {  	_ =	swait.ge [sflag:s11], $0x40  }
0x309: {  	[sflag:s11] =	ssyncset.done $0x0  }
0x30a: {  	s24 =	simm.s32 $0x188C0;
	s23 =	sadd.s32 $0x180, s12;
	[sflag:s11] =	ssyncadd.s32 $0xFFFFFFC0  }
0x30b: {  	[tilespmem:s24], [sflag:$0x2] =	stream.linear.gather [spmem:s23], $0x40, $0x200038;
	[tilespmem:$0x19A90] =	vst v63  }
0x30c: {  	s25 =	sor.u32 s7, s13;
	_ =	swait.ge [sflag:s11], $0x40  }
0x30d: {  	s7 =	sor.u32 $0x200, s25;
	[sflag:s11] =	ssyncset.done $0x0  }
0x30e: {  	s26 =	simm.s32 $0x18900;
	s7 =	sadd.s32 s7, s5;
	[sflag:s11] =	ssyncadd.s32 $0xFFFFFFC0  }
0x30f: {  	[tilespmem:s26], [sflag:$0x2] =	stream.linear.gather [spmem:s7], $0x40, $0x200038;
	[tilespmem:$0x19A90] =	vst v63  }
0x310: {  	_ =	swait.ge [sflag:s11], $0x40  }
0x311: {  	s28 =	sor.u32 $0x280, s25;
	[sflag:s11] =	ssyncset.done $0x0  }
0x312: {  	s29 =	simm.s32 $0x18940;
	s7 =	sadd.s32 s28, s5;
	[sflag:s11] =	ssyncadd.s32 $0xFFFFFFC0  }
0x313: {  	[tilespmem:s29], [sflag:$0x2] =	stream.linear.gather [spmem:s7], $0x40, $0x200038;
	[tilespmem:$0x19A90] =	vst v63  }
0x314: {  	_ =	swait.ge [sflag:s11], $0x40  }
0x315: {  	s30 =	sor.u32 $0x300, s25;
	[sflag:s11] =	ssyncset.done $0x0  }
0x316: {  	s31 =	simm.s32 $0x18980;
	s7 =	sadd.s32 s30, s5;
	[sflag:s11] =	ssyncadd.s32 $0xFFFFFFC0  }
0x317: {  	[tilespmem:s31], [sflag:$0x2] =	stream.linear.gather [spmem:s7], $0x40, $0x200038;
	[tilespmem:$0x19A90] =	vst v63  }
0x318: {  	_ =	swait.ge [sflag:s11], $0x40  }
0x319: {  	s0 =	sor.u32 $0x380, s25;
	[sflag:s11] =	ssyncset.done $0x0  }
0x31a: {  	s0 =	sadd.s32 s0, s5;
	s14 =	simm.s32 $0x189C0;
	[sflag:s11] =	ssyncadd.s32 $0xFFFFFFC0  }
0x31b: {  	[tilespmem:s14], [sflag:$0x2] =	stream.linear.gather [spmem:s0], $0x40, $0x200038;
	[tilespmem:$0x19A90] =	vst v63  }
0x31c: {  	_ =	swait.ge [sflag:s11], $0x40  }
0x31d: {  	[sflag:s11] =	ssyncset.done $0x0  }
0x31e: {  	s16 =	simm.s32 $0x18A00;
	s15 =	sadd.s32 $0x4000, s12;
	[sflag:s11] =	ssyncadd.s32 $0xFFFFFFC0  }
0x31f: {  	[tilespmem:s16], [sflag:$0x2] =	stream.linear.gather [spmem:s15], $0x40, $0x200038;
	[tilespmem:$0x19A90] =	vst v63  }
0x320: {  	_ =	swait.ge [sflag:s11], $0x40  }
0x321: {  	[sflag:s11] =	ssyncset.done $0x0  }
0x322: {  	s18 =	simm.s32 $0x18A40;
	s17 =	sadd.s32 $0x4080, s12;
	[sflag:s11] =	ssyncadd.s32 $0xFFFFFFC0  }
0x323: {  	[tilespmem:s18], [sflag:$0x2] =	stream.linear.gather [spmem:s17], $0x40, $0x200038;
	[tilespmem:$0x19A90] =	vst v63  }
0x324: {  	_ =	swait.ge [sflag:s11], $0x40  }
0x325: {  	[sflag:s11] =	ssyncset.done $0x0  }
0x326: {  	s19 =	sadd.s32 $0x4100, s12;
	s20 =	simm.s32 $0x18A80;
	[sflag:s11] =	ssyncadd.s32 $0xFFFFFFC0  }
0x327: {  	[tilespmem:s20], [sflag:$0x2] =	stream.linear.gather [spmem:s19], $0x40, $0x200038;
	[tilespmem:$0x19A90] =	vst v63  }
0x328: {  	_ =	swait.ge [sflag:s11], $0x40  }
0x329: {  	[sflag:s11] =	ssyncset.done $0x0  }
0x32a: {  	s21 =	sadd.s32 $0x4180, s12;
	s22 =	simm.s32 $0x18AC0;
	[sflag:s11] =	ssyncadd.s32 $0xFFFFFFC0  }
0x32b: {  	[tilespmem:s22], [sflag:$0x2] =	stream.linear.gather [spmem:s21], $0x40, $0x200038;
	[tilespmem:$0x19A90] =	vst v63  }
0x32c: {  	_ =	swait.ge [sflag:s11], $0x40  }
0x32d: {  	[sflag:s11] =	ssyncset.done $0x0  }
0x32e: {  	s23 =	sadd.s32 $0x4200, s12;
	s24 =	simm.s32 $0x18B00;
	[sflag:s11] =	ssyncadd.s32 $0xFFFFFFC0  }
0x32f: {  	[tilespmem:s24], [sflag:$0x2] =	stream.linear.gather [spmem:s23], $0x40, $0x200038;
	[tilespmem:$0x19A90] =	vst v63  }
0x330: {  	_ =	swait.ge [sflag:s11], $0x40  }
0x331: {  	[sflag:s11] =	ssyncset.done $0x0  }
0x332: {  	s25 =	sadd.s32 $0x4280, s12;
	s26 =	simm.s32 $0x18B40;
	[sflag:s11] =	ssyncadd.s32 $0xFFFFFFC0  }
0x333: {  	[tilespmem:s26], [sflag:$0x2] =	stream.linear.gather [spmem:s25], $0x40, $0x200038;
	[tilespmem:$0x19A90] =	vst v63  }
0x334: {  	_ =	swait.ge [sflag:s11], $0x40  }
0x335: {  	[sflag:s11] =	ssyncset.done $0x0  }
0x336: {  	s28 =	sadd.s32 $0x4300, s12;
	s29 =	simm.s32 $0x18B80;
	[sflag:s11] =	ssyncadd.s32 $0xFFFFFFC0  }
0x337: {  	[tilespmem:s29], [sflag:$0x2] =	stream.linear.gather [spmem:s28], $0x40, $0x200038;
	[tilespmem:$0x19A90] =	vst v63  }
0x338: {  	_ =	swait.ge [sflag:s11], $0x40  }
0x339: {  	[sflag:s11] =	ssyncset.done $0x0  }
0x33a: {  	s30 =	sadd.s32 $0x4380, s12;
	s31 =	simm.s32 $0x18BC0;
	[sflag:s11] =	ssyncadd.s32 $0xFFFFFFC0  }
0x33b: {  	[tilespmem:s31], [sflag:$0x2] =	stream.linear.gather [spmem:s30], $0x40, $0x200038;
	[tilespmem:$0x19A90] =	vst v63  }
0x33c: {  	_ =	swait.ge [sflag:s11], $0x40  }
0x33d: {  	[sflag:s11] =	ssyncset.done $0x0  }
0x33e: {  	p0 =	por $0x1, $0x1;
	s5 =	simm.s32 $0x0;
	[sflag:s11] =	ssyncadd.s32 $0xFFFFFFC0  }
.LBB2_23:
0x33f: {  	v1 =	vld [tilespmem:s5+$0x18800]  }
0x340: {  	v2 =	vld [tilespmem:s5+$0x18840]  }
0x341: {  	v3 =	vld [tilespmem:s5+$0x18880]  }
0x342: {  	v4 =	vld [tilespmem:s5+$0x188C0]  }
0x343: {  	v5 =	vld [tilespmem:s5+$0x18900]  }
0x344: {  	v6 =	vld [tilespmem:s5+$0x18940]  }
0x345: {  	v7 =	vld [tilespmem:s5+$0x18980]  }
0x346: {  	v8 =	vld [tilespmem:s5+$0x189C0]  }
0x347: {  	v9 =	vld [tilespmem:s5+$0x18A00]  }
0x348: {  	v10 =	vld [tilespmem:s5+$0x18A40]  }
0x349: {  	v11 =	vld [tilespmem:s5+$0x18A80]  }
0x34a: {  	v12 =	vld [tilespmem:s5+$0x18AC0]  }
0x34b: {  	v13 =	vld [tilespmem:s5+$0x18B00]  }
0x34c: {  	v14 =	vld [tilespmem:s5+$0x18B40]  }
0x34d: {  	v15 =	vld [tilespmem:s5+$0x18B80]  }
0x34e: {  	v16 =	vld [tilespmem:s5+$0x18BC0]  }
0x34f: {  	v17 =	vld [tilespmem:s5+$0x18810]  }
0x350: {  	v18 =	vld [tilespmem:s5+$0x18850]  }
0x351: {  	v19 =	vld [tilespmem:s5+$0x18890]  }
0x352: {  	v20 =	vld [tilespmem:s5+$0x188D0]  }
0x353: {  	v21 =	vld [tilespmem:s5+$0x18910]  }
0x354: {  	v1 =	vadd.s32 v1, v2;
	v2 =	vld [tilespmem:s5+$0x18950]  }
0x355: {  	v56 =	vld [tilespmem:s5+$0x18990];
	v1 =	vadd.s32 v3, v1;
	v3 =	vadd.s32 v17, v18  }
0x356: {  	v57 =	vld [tilespmem:s5+$0x189D0];
	v1 =	vadd.s32 v4, v1;
	v3 =	vadd.s32 v19, v3  }
0x357: {  	v58 =	vld [tilespmem:s5+$0x18A10];
	v1 =	vadd.s32 v5, v1;
	v3 =	vadd.s32 v20, v3  }
0x358: {  	v59 =	vld [tilespmem:s5+$0x18A50];
	v1 =	vadd.s32 v6, v1;
	v3 =	vadd.s32 v21, v3  }
0x359: {  	v1 =	vadd.s32 v7, v1;
	v2 =	vadd.s32 v2, v3;
	v3 =	vld [tilespmem:s5+$0x18A90]  }
0x35a: {  	v60 =	vld [tilespmem:s5+$0x18AD0];
	v1 =	vadd.s32 v8, v1;
	v2 =	vadd.s32 v56, v2  }
0x35b: {  	v61 =	vld [tilespmem:s5+$0x18B10];
	v1 =	vadd.s32 v9, v1;
	v2 =	vadd.s32 v57, v2  }
0x35c: {  	v62 =	vld [tilespmem:s5+$0x18B50];
	v1 =	vadd.s32 v10, v1;
	v2 =	vadd.s32 v58, v2  }
0x35d: {  	v63 =	vld [tilespmem:s5+$0x18B90];
	v1 =	vadd.s32 v11, v1;
	v2 =	vadd.s32 v59, v2  }
0x35e: {  	v1 =	vadd.s32 v12, v1;
	v2 =	vadd.s32 v3, v2;
	v3 =	vld [tilespmem:s5+$0x18BD0]  }
0x35f: {  	p1 =	por p0, p0;
	v1 =	vadd.s32 v13, v1;
	v2 =	vadd.s32 v60, v2  }
.Ltmp11:
0x360: {  	v1 =	vadd.s32 v14, v1;
	v2 =	vadd.s32 v61, v2;
	(pc) =	sbr.rel @p1 .LBB2_23-.Ltmp11, $4  }
0x361: {  	v1 =	vadd.s32 v15, v1;
	v2 =	vadd.s32 v62, v2  }
0x362: {  	v1 =	vadd.s32 v16, v1;
	v2 =	vadd.s32 v63, v2  }
0x363: {  	[tilespmem:s5+$0x18000] =	vst v1;
	v1 =	vadd.s32 v3, v2  }
0x364: {  	p0 =	por $0x0, $0x0;
	[tilespmem:s5+$0x18010] =	vst v1;
	s5 =	simm.s32 $0x20  }
0x365: {  	(xrf0) =	vadd.scan.msk.s32 $0xffff, v0;
	_ =	sdelay $0x5  }
0x366: {  	v0, _, _ =	vpop (xrf0)  }
0x367: {  	(v2sf) =	vpush v0, $0xF;
	_ =	sdelay $0xc  }
0x368: {  	s0 =	sadd.s32 s6, s4;
	s7 =	simm.s32 $0x18000  }
0x369: {  	[spmem:s0] =	stream.linear.scatter [tilespmem:s7], [sflag:$0x2], $0x40, $0x200038;
	[tilespmem:$0x19A90] =	vst v63  }
0x36a: {  	s26 =	simm.s32 $0x2;
	s5 =	spop (v2sf)  }
0x36b: {  	_ =	swait.ge [sflag:s26], $0x40  }
0x36c: {  	[sflag:s26] =	ssyncset.done $0x0  }
0x36d: {  	[sflag:s26] =	ssyncadd.s32 $0xFFFFFFC0  }
0x36e: {  	[bflag:$0x0] =	sbarrier.arrive $0xFFFF  }
0x36f: {  	[tilespmem:s7], [sflag:$0x2] =	stream.linear.gather [spmem:s4], $0x400, $0x200038;
	[tilespmem:$0x19A90] =	vst v63  }
0x370: {  	_ =	swait.ge [sflag:s26], $0x400  }
0x371: {  	[sflag:s26] =	ssyncset.done $0x0  }
0x372: {  	s28 =	simm.s32 $0x0;
	[sflag:s26] =	ssyncadd.s32 $0xFFFFFC00  }
0x373: {  	v2 =	vld [tilespmem:s28+$0x18000];
	_ =	sdelay $0x4  }
0x374: {  	(xrf0) =	vadd.scan.msk.s32 $0xffff, v2  }
0x375: {  	s29 =	simm.s32 $0x10  }
0x376: {  	v0 =	vld [tilespmem:s29+$0x18000];
	_ =	sdelay $0x3  }
0x377: {  	v3 =	vimm.s32 $0x0;
	s30 =	ssub.s32 s10, s5;
	v1, _, _ =	vpop (xrf0)  }
0x378: {  	v5 =	vimm.s32 $0xF;
	s31 =	simm.s32 $0x20;
	v4 =	vmov s30;
	(xrf0) =	vadd.scan.msk.s32 $0xffff, v0;
	v1 =	vadd.s32 v3, v1  }
0x379: {  	vm0 =	vlt.s32 v1, v4;
	v8 =	vperm.xlane v1, v5;
	v1 =	vld [tilespmem:s31+$0x18000]  }
0x37a: {  	v7 =	vimm.s32 $0x0  }
0x37b: {  	s0 =	simm.s32 $0xC0;
	v9 =	vsel vm0, $0x1, v3;
	v6 =	vnsel vm0, $0x0, v2;
	v2 =	vimm.s32 $0x0  }
.LBB2_25:
0x37c: {  	p0 =	sne.s32 s0, $0xFC0;
	v7 =	vadd.s32 v9, v7;
	v2 =	vadd.s32 v2, v6;
	s4 =	smov.u32 s0;
	s0 =	sadd.s32 $0x40, s0  }
.Ltmp12:
0x37d: {  	(pc) =	sbr.rel @p0 .LBB2_25-.Ltmp12, $4  }
0x37e: {  	s4 =	sshra.s32 s4, $0x2;
	(xrf0) =	vadd.scan.msk.s32 $0xffff, v1;
	v6, _, _ =	vpop (xrf0);
	v10 =	vmov v1  }
0x37f: {  	v1 =	vld [tilespmem:s4+$0x18000];
	v6 =	vadd.s32 v8, v6  }
0x380: {  	vm0 =	vlt.s32 v6, v4;
	v8 =	vperm.xlane v6, v5  }
0x381: {  	v9 =	vsel vm0, $0x1, v3;
	v6 =	vnsel vm0, $0x0, v0;
	v0 =	vmov v10  }
0x382: {  	_ =	sdelay $0x1  }
0x383: {  	(xrf0) =	vadd.scan.msk.s32 $0xffff, v1;
	_ =	sdelay $0x2  }
0x384: {  	v10, _, _ =	vpop (xrf0)  }
0x385: {  	v8 =	vadd.s32 v8, v10  }
0x386: {  	v5 =	vperm.xlane v8, v5  }
0x387: {  	v10, _, _ =	vpop (xrf0)  }
0x388: {  	vm0 =	vlt.s32 v8, v4;
	v5 =	vadd.s32 v5, v10  }
0x389: {  	v7 =	vadd.s32 v9, v7;
	v8 =	vsel vm0, $0x1, v3;
	vm1 =	vlt.s32 v5, v4  }
0x38a: {  	v4 =	vadd.s32 v8, v7;
	v3 =	vsel vm1, $0x1, v3  }
0x38b: {  	v3 =	vadd.s32 v3, v4  }
0x38c: {  	(xrf0) =	vadd.scan.msk.s32 $0xffff, v3;
	_ =	sdelay $0x5  }
0x38d: {  	v3, _, _ =	vpop (xrf0)  }
0x38e: {  	(v2sf) =	vpush v3, $0xF;
	_ =	sdelay $0xe  }
0x38f: {  	s0 =	spop (v2sf)  }
0x390: {  	_ =	strace $0x9000004F  }
0x391: {  	s7 =	simm.s32 $0x40;
	_ =	strace $0x80000050  }
0x392: {  	v4 =	vld [tilespmem:s7+$0x0]  }
0x393: {  	v5 =	vld [tilespmem:s7+$0x10]  }
0x394: {  	v7 =	vld [tilespmem:s7+$0x20]  }
0x395: {  	v8 =	vld [tilespmem:s7+$0x30]  }
0x396: {  	v9 =	vld [tilespmem:s7+$0xFFFFFFC0]  }
0x397: {  	v10 =	vld [tilespmem:s7+$0xFFFFFFD0]  }
0x398: {  	s4 =	sshll.u32 s9, $0xA;
	v11 =	vld [tilespmem:s7+$0xFFFFFFE0]  }
0x399: {  	v2 =	vadd.s32 v2, v6;
	v0 =	vnsel vm0, $0x0, v0;
	s4 =	sadd.s32 s4, s0  }
0x39a: {  	v0 =	vadd.s32 v2, v0;
	v2 =	vnsel vm1, $0x0, v1;
	v1 =	vmov s4  }
0x39b: {  	v0 =	vadd.s32 v0, v2;
	v2 =	vimm.f32 $0.0e+00;
	v3 =	vld [tilespmem:s7+$0xFFFFFFF0];
	vm2 =	vlt.s32 v4, v1  }
0x39c: {  	vm3 =	vlt.s32 v5, v1;
	vm1 =	vlt.s32 v7, v1;
	vm0 =	vlt.s32 v8, v1  }
0x39d: {  	vm4 =	vlt.s32 v9, v1;
	vm5 =	vlt.s32 v10, v1;
	vm6 =	vlt.s32 v11, v1  }
0x39e: {  	v6 =	vshra.s32 v4, $0x1F;
	v12 =	vshra.s32 v5, $0x1F;
	v13 =	vshra.s32 v7, $0x1F  }
0x39f: {  	v14 =	vshra.s32 v9, $0x1F;
	v15 =	vshra.s32 v10, $0x1F;
	v16 =	vshra.s32 v8, $0x1F  }
0x3a0: {  	v17 =	vshra.s32 v11, $0x1F;
	v18 =	vshra.s32 v3, $0x1F;
	v4 =	vxor.u32 v4, v6  }
0x3a1: {  	v5 =	vxor.u32 v5, v12;
	v6 =	vxor.u32 v7, v13;
	v7 =	vxor.u32 v8, v16  }
0x3a2: {  	v8 =	vxor.u32 v9, v14;
	v9 =	vxor.u32 v10, v15;
	v10 =	vxor.u32 v11, v17  }
0x3a3: {  	v11 =	vxor.u32 v3, v18;
	v4 =	vand.u32 $0x7FFFFFFF, v4;
	v5 =	vand.u32 $0x7FFFFFFF, v5  }
0x3a4: {  	v17 =	vand.u32 $0x7FFFFFFF, v8;
	v6 =	vand.u32 $0x7FFFFFFF, v6;
	v18 =	vand.u32 $0x7FFFFFFF, v7  }
0x3a5: {  	v19 =	vand.u32 $0x7FFFFFFF, v9;
	v20 =	vand.u32 $0x7FFFFFFF, v10;
	v23 =	vand.u32 $0x7FFFFFFF, v11  }
0x3a6: {  	v10 =	vmin.f32 v4, $9.999999770e-03;
	v11 =	vmin.f32 v5, $9.999999770e-03;
	v21 =	vmin.f32 v6, $9.999999770e-03  }
0x3a7: {  	v22 =	vmin.f32 v17, $9.999999770e-03;
	v25 =	vmin.f32 v19, $9.999999770e-03;
	v24 =	vmin.f32 v18, $9.999999770e-03  }
0x3a8: {  	v8 =	vmin.f32 v20, $9.999999770e-03;
	v13 =	vmul.f32 $5.000000000e-01, v10;
	v14 =	vmul.f32 $5.000000000e-01, v11  }
0x3a9: {  	v7 =	vmin.f32 v23, $9.999999770e-03;
	v26 =	vmul.f32 $5.000000000e-01, v21;
	v27 =	vmul.f32 $5.000000000e-01, v24  }
0x3aa: {  	v28 =	vmul.f32 $5.000000000e-01, v22;
	v29 =	vmul.f32 $5.000000000e-01, v25;
	v4 =	vsub.f32 v4, v10  }
0x3ab: {  	v12 =	vmul.f32 $5.000000000e-01, v8;
	v9 =	vmul.f32 $5.000000000e-01, v7;
	v5 =	vsub.f32 v5, v11  }
0x3ac: {  	v23 =	vsub.f32 v23, v7;
	v13 =	vmul.f32 v13, v10;
	v15 =	vmul.f32 $9.999999770e-03, v4  }
0x3ad: {  	v4 =	vsub.f32 v6, v21;
	v14 =	vmul.f32 v14, v11;
	v16 =	vmul.f32 $9.999999770e-03, v5  }
0x3ae: {  	v5 =	vsub.f32 v18, v24;
	v6 =	vsub.f32 v17, v22;
	v17 =	vmul.f32 v26, v21  }
0x3af: {  	v10 =	vmul.f32 v27, v24;
	v24 =	vsub.f32 v20, v8;
	v20 =	vmul.f32 v29, v25  }
0x3b0: {  	v18 =	vmul.f32 $9.999999770e-03, v4;
	v4 =	vsub.f32 v19, v25;
	v11 =	vmul.f32 $9.999999770e-03, v5  }
0x3b1: {  	v19 =	vmul.f32 v28, v22;
	v21 =	vmul.f32 $9.999999770e-03, v6;
	v5 =	vimm.f32 $0.0e+00  }
0x3b2: {  	s9 =	simm.s32 $0xC0;
	s7 =	simm.s32 $0x0;
	v6 =	vimm.f32 $0.0e+00;
	v22 =	vmul.f32 $9.999999770e-03, v4;
	v4 =	vimm.f32 $0.0e+00  }
.LBB2_27:
0x3b3: {  	v25 =	vld [tilespmem:s9+$0x0];
	v8 =	vmul.f32 v12, v8;
	v12 =	vmul.f32 $9.999999770e-03, v24;
	v13 =	vadd.f32 v15, v13  }
0x3b4: {  	v7 =	vmul.f32 v9, v7;
	v9 =	vadd.f32 v16, v14;
	v14 =	vadd.f32 v18, v17;
	v15 =	vld [tilespmem:s9+$0x10]  }
0x3b5: {  	v17 =	vadd.f32 v21, v19;
	v10 =	vadd.f32 v11, v10;
	v18 =	vmul.f32 $9.999999770e-03, v23;
	v16 =	vld [tilespmem:s9+$0x20]  }
0x3b6: {  	vm7 =	vlt.s32 v3, v1;
	v19 =	vadd.f32 v22, v20;
	v8 =	vadd.f32 v12, v8;
	v11 =	vld [tilespmem:s9+$0x30]  }
0x3b7: {  	v9 =	vnsel vm3, $0x0, v9;
	v3 =	vadd.f32 v18, v7;
	v7 =	vnsel vm2, $0x0, v13;
	v12 =	vld [tilespmem:s9+$0xFFFFFFC0]  }
0x3b8: {  	v17 =	vnsel vm4, $0x0, v17;
	v18 =	vnsel vm5, $0x0, v19;
	v8 =	vnsel vm6, $0x0, v8;
	v13 =	vld [tilespmem:s9+$0xFFFFFFD0]  }
0x3b9: {  	v2 =	vadd.f32 v17, v2;
	v5 =	vadd.f32 v18, v5;
	v3 =	vnsel vm7, $0x0, v3;
	v19 =	vld [tilespmem:s9+$0xFFFFFFE0]  }
0x3ba: {  	v6 =	vadd.f32 v8, v6;
	v8 =	vnsel vm1, $0x0, v14;
	v4 =	vadd.f32 v3, v4  }
0x3bb: {  	v2 =	vadd.f32 v7, v2;
	v7 =	vnsel vm0, $0x0, v10;
	v5 =	vadd.f32 v9, v5  }
0x3bc: {  	vm2 =	vlt.s32 v25, v1;
	v6 =	vadd.f32 v8, v6;
	v4 =	vadd.f32 v7, v4;
	v3 =	vld [tilespmem:s9+$0xFFFFFFF0]  }
0x3bd: {  	vm3 =	vlt.s32 v15, v1;
	vm1 =	vlt.s32 v16, v1;
	vm0 =	vlt.s32 v11, v1  }
0x3be: {  	vm4 =	vlt.s32 v12, v1;
	vm5 =	vlt.s32 v13, v1;
	vm6 =	vlt.s32 v19, v1  }
0x3bf: {  	v8 =	vshra.s32 v15, $0x1F;
	v9 =	vshra.s32 v16, $0x1F;
	v7 =	vshra.s32 v25, $0x1F  }
0x3c0: {  	v17 =	vshra.s32 v11, $0x1F;
	v10 =	vshra.s32 v12, $0x1F;
	v14 =	vshra.s32 v13, $0x1F  }
0x3c1: {  	v7 =	vxor.u32 v25, v7;
	v18 =	vshra.s32 v19, $0x1F;
	v20 =	vshra.s32 v3, $0x1F  }
0x3c2: {  	v8 =	vxor.u32 v15, v8;
	v9 =	vxor.u32 v16, v9;
	v11 =	vxor.u32 v11, v17  }
0x3c3: {  	v10 =	vxor.u32 v12, v10;
	v12 =	vxor.u32 v13, v14;
	v13 =	vxor.u32 v19, v18  }
0x3c4: {  	v16 =	vand.u32 $0x7FFFFFFF, v8;
	v15 =	vand.u32 $0x7FFFFFFF, v7;
	v14 =	vxor.u32 v3, v20  }
0x3c5: {  	v17 =	vand.u32 $0x7FFFFFFF, v9;
	v11 =	vand.u32 $0x7FFFFFFF, v11;
	v10 =	vand.u32 $0x7FFFFFFF, v10  }
0x3c6: {  	v19 =	vand.u32 $0x7FFFFFFF, v12;
	v20 =	vand.u32 $0x7FFFFFFF, v13;
	v23 =	vand.u32 $0x7FFFFFFF, v14  }
0x3c7: {  	v18 =	vmin.f32 v17, $9.999999770e-03;
	v13 =	vmin.f32 v15, $9.999999770e-03;
	v14 =	vmin.f32 v16, $9.999999770e-03  }
0x3c8: {  	v24 =	vmin.f32 v11, $9.999999770e-03;
	v21 =	vmin.f32 v10, $9.999999770e-03;
	v22 =	vmin.f32 v19, $9.999999770e-03  }
0x3c9: {  	v8 =	vmin.f32 v20, $9.999999770e-03;
	v25 =	vmul.f32 $5.000000000e-01, v13;
	v26 =	vmul.f32 $5.000000000e-01, v14  }
0x3ca: {  	s7 =	sadd.s32 $0x2, s7;
	v28 =	vmul.f32 $5.000000000e-01, v24;
	v27 =	vmul.f32 $5.000000000e-01, v18;
	v7 =	vmin.f32 v23, $9.999999770e-03  }
0x3cb: {  	p0 =	slt.u32 s7, $0x3FE;
	v29 =	vmul.f32 $5.000000000e-01, v21;
	v30 =	vmul.f32 $5.000000000e-01, v22;
	v15 =	vsub.f32 v15, v13  }
0x3cc: {  	v12 =	vmul.f32 $5.000000000e-01, v8;
	v16 =	vsub.f32 v16, v14;
	v9 =	vmul.f32 $5.000000000e-01, v7  }
0x3cd: {  	v13 =	vmul.f32 v25, v13;
	v15 =	vmul.f32 $9.999999770e-03, v15;
	v25 =	vsub.f32 v17, v18  }
.Ltmp13:
0x3ce: {  	v11 =	vsub.f32 v11, v24;
	v14 =	vmul.f32 v26, v14;
	v16 =	vmul.f32 $9.999999770e-03, v16;
	(pc) =	sbr.rel @p0 .LBB2_27-.Ltmp13, $4  }
0x3cf: {  	v17 =	vmul.f32 v27, v18;
	v26 =	vsub.f32 v10, v21;
	v18 =	vmul.f32 $9.999999770e-03, v25  }
0x3d0: {  	v11 =	vmul.f32 $9.999999770e-03, v11;
	v10 =	vmul.f32 v28, v24;
	v25 =	vsub.f32 v19, v22  }
0x3d1: {  	v24 =	vsub.f32 v20, v8;
	v19 =	vmul.f32 v29, v21;
	v21 =	vmul.f32 $9.999999770e-03, v26  }
0x3d2: {  	s9 =	sadd.s32 $0x80, s9;
	v23 =	vsub.f32 v23, v7;
	v20 =	vmul.f32 v30, v22;
	v22 =	vmul.f32 $9.999999770e-03, v25  }
0x3d3: {  	v8 =	vmul.f32 v12, v8;
	v54 =	vmul.f32 $9.999999770e-03, v24  }
0x3d4: {  	v13 =	vadd.f32 v15, v13;
	v7 =	vmul.f32 v9, v7;
	v55 =	vadd.f32 v16, v14  }
0x3d5: {  	v56 =	vadd.f32 v21, v19;
	v57 =	vmul.f32 $9.999999770e-03, v23;
	v58 =	vadd.f32 v22, v20  }
0x3d6: {  	v17 =	vadd.f32 v18, v17;
	vm7 =	vlt.s32 v3, v1;
	v8 =	vadd.f32 v54, v8  }
0x3d7: {  	v3 =	vnsel vm4, $0x0, v56;
	v1 =	vadd.f32 v57, v7;
	v59 =	vnsel vm5, $0x0, v58  }
0x3d8: {  	v2 =	vadd.f32 v3, v2;
	v8 =	vnsel vm6, $0x0, v8;
	v3 =	vadd.f32 v59, v5  }
0x3d9: {  	v60 =	vnsel vm2, $0x0, v13;
	v61 =	vnsel vm3, $0x0, v55;
	v6 =	vadd.f32 v8, v6  }
0x3da: {  	v1 =	vnsel vm7, $0x0, v1;
	v2 =	vadd.f32 v60, v2;
	v3 =	vadd.f32 v61, v3  }
0x3db: {  	v62 =	vadd.f32 v11, v10;
	v63 =	vnsel vm1, $0x0, v17;
	v1 =	vadd.f32 v1, v4  }
0x3dc: {  	v4 =	vadd.f32 v63, v6;
	v2 =	vadd.f32 v3, v2  }
0x3dd: {  	v3 =	vnsel vm0, $0x0, v62  }
0x3de: {  	v1 =	vadd.f32 v3, v1;
	v2 =	vadd.f32 v4, v2;
	_ =	sdelay $0x1  }
0x3df: {  	v1 =	vadd.f32 v1, v2  }
0x3e0: {  	_ =	strace $0x90000050  }
0x3e1: {  	(xrf2) =	vadd.scan.msk.f32 $0xffff, v1;
	_ =	sdelay $0x9  }
0x3e2: {  	v1, _, _ =	vpop (xrf2)  }
0x3e3: {  	v1 =	vbroadcast v1, $0xF  }
0x3e4: {  	s0 =	sshrl.u32 s6, $0x2  }
0x3e5: {  	s31 =	simm.s32 $0x19000;
	s6 =	simm.s32 $0x2;
	s0 =	sadd.s32 s0, s2;
	[tilespmem:$0x19000] =	vst v1  }
0x3e6: {  	[spmem:s0] =	stream.linear.scatter [tilespmem:s31], [sflag:$0x2], $0x10, $0x38;
	[tilespmem:$0x19A90] =	vst v63  }
0x3e7: {  	_ =	swait.ge [sflag:s6], $0x10  }
0x3e8: {  	[sflag:s6] =	ssyncset.done $0x0  }
0x3e9: {  	[sflag:s6] =	ssyncadd.s32 $0xFFFFFFF0  }
0x3ea: {  	p0 =	sne.s32 s3, $0x0;
	[bflag:$0x0] =	sbarrier.arrive $0xFFFF  }
0x3eb: {  	_ =	sfence.sel @p0 $0x180000  }
0x3ec: {  	[bflag:$0x0] =	sbarrier.arrive @p0 $0xFFFF  }
0x3ed: {  	_ =	strace @p0 $0x90000047  }
0x3ee: {  	[bflag:$0x2] =	sbarrier.arrive @p0 $0xFFFF  }
0x3ef: {  	_ =	shalt @p0  }
.LBB2_29:
0x3f0: {  	(xrf0) =	vadd.scan.msk.s32 $0xffff, v0;
	_ =	sdelay $0x5  }
0x3f1: {  	v0, _, _ =	vpop (xrf0)  }
0x3f2: {  	(v2sf) =	vpush v0, $0xF;
	_ =	sdelay $0x4  }
0x3f3: {  	v48 =	vimm.f32 $5.242800000e+04  }
0x3f4: {  	(erf) = vrcp.f32 v48;
	_ =	sdelay $0x6  }
0x3f5: {  	s0 =	simm.s32 $0x19080  }
0x3f6: {  	[tilespmem:s0], [sflag:$0x2] =	stream.linear.gather [spmem:s2], $0x100, $0x38;
	[tilespmem:$0x19A90] =	vst v63  }
0x3f7: {  	v0 =	vpop (erf);
	s25 =	spop (v2sf)  }
0x3f8: {  	_ =	swait.ge [sflag:s6], $0x100  }
0x3f9: {  	[sflag:s6] =	ssyncset.done $0x0  }
0x3fa: {  	[sflag:s6] =	ssyncadd.s32 $0xFFFFFF00  }
0x3fb: {  	v1 =	vld [tilespmem:$0x19080];
	_ =	sdelay $0x1  }
0x3fc: {  	v2 =	vld [tilespmem:$0x19090];
	_ =	sdelay $0x1  }
0x3fd: {  	v3 =	vld [tilespmem:$0x190A0]  }
0x3fe: {  	v1 =	vadd.f32 $0.0e+00, v1  }
0x3ff: {  	v4 =	vld [tilespmem:$0x190B0]  }
0x400: {  	v1 =	vadd.f32 v2, v1  }
0x401: {  	v49 =	vld [tilespmem:$0x190C0]  }
0x402: {  	v1 =	vadd.f32 v3, v1  }
0x403: {  	v50 =	vld [tilespmem:$0x190D0]  }
0x404: {  	v1 =	vadd.f32 v4, v1  }
0x405: {  	v51 =	vld [tilespmem:$0x190E0]  }
0x406: {  	v1 =	vadd.f32 v49, v1  }
0x407: {  	v52 =	vld [tilespmem:$0x190F0]  }
0x408: {  	v1 =	vadd.f32 v50, v1  }
0x409: {  	v53 =	vld [tilespmem:$0x19100]  }
0x40a: {  	v1 =	vadd.f32 v51, v1  }
0x40b: {  	v54 =	vld [tilespmem:$0x19110]  }
0x40c: {  	v1 =	vadd.f32 v52, v1  }
0x40d: {  	v55 =	vld [tilespmem:$0x19120]  }
0x40e: {  	v1 =	vadd.f32 v53, v1  }
0x40f: {  	v56 =	vld [tilespmem:$0x19130]  }
0x410: {  	s26 =	sshra.s32 s4, $0x1F;
	v1 =	vadd.f32 v54, v1  }
0x411: {  	s2 =	sand.u32 $0x7FFFFFFF, s26;
	v57 =	vld [tilespmem:$0x19140]  }
0x412: {  	s2 =	sxor.u32 s4, s2;
	v1 =	vadd.f32 v55, v1  }
0x413: {  	v5 =	vmov s2;
	v58 =	vld [tilespmem:$0x19150]  }
0x414: {  	s28 =	sadd.s32 s8, s5;
	v59 =	vbroadcast v5, $0x0;
	v1 =	vadd.f32 v56, v1  }
0x415: {  	s0 =	sadd.s32 s25, s28;
	v60 =	vld [tilespmem:$0x19160]  }
0x416: {  	v61 =	vand.u32 $0x7FFFFFFF, v59;
	v6 =	vmov s0;
	v1 =	vadd.f32 v57, v1  }
0x417: {  	v8 =	vmul.f32 $5.000000000e-01, v59;
	v9 =	vadd.f32 $-4.999999890e-03, v61;
	v6 =	vsub.s32 $0xCCCC, v6;
	v7 =	vld [tilespmem:$0x19170]  }
0x418: {  	v62 =	vcvt.s32.f32 v6;
	v1 =	vadd.f32 v58, v1  }
0x419: {  	v63 =	vmul.f32 $9.999999770e-03, v9;
	v3 =	vmul.f32 v8, v59  }
0x41a: {  	vm0 =	vle.f32 v61, $9.999999770e-03;
	v2 =	vbroadcast v62, $0x0;
	v1 =	vadd.f32 v60, v1  }
0x41b: {  	v3 =	vsel vm0, v3, v63  }
0x41c: {  	v2 =	vmul.f32 v3, v2;
	v1 =	vadd.f32 v7, v1;
	_ =	sdelay $0x1  }
0x41d: {  	v1 =	vadd.f32 v1, v2;
	_ =	sdelay $0x1  }
0x41e: {  	v1 =	vsub.f32 $0.0e+00, v1;
	_ =	sdelay $0x1  }
0x41f: {  	v0 =	vmul.f32 v1, v0;
	_ =	sdelay $0x1  }
0x420: {  	v1 =	vsub.f32 $-9.999999770e-03, v0;
	_ =	sdelay $0x1  }
0x421: {  	v1 =	vmax.f32 v1, $0.0e+00  }
0x422: {  	v1 =	vmul.f32 $5.000000000e+00, v1  }
0x423: {  	vm14 =	vcmask $0x3F08  }
0x424: {  	vm15 =	vmmov $0x1;
	v1 =	vsel vm14, $0x0, v1  }
0x425: {  	v0 =	vsel vm15, v0, v1  }
0x426: {  	s29 =	simm.s32 $0x0;
	s30 =	simm.s32 $0x19180;
	[tilespmem:$0x19180] =	vst v0  }
0x427: {  	[hbm4b:s1+s29] =	stream.linear.scatter [tilespmem:s30], [sflag:$0x2], $0x80, $0x38;
	[tilespmem:$0x19A90] =	vst v63  }
0x428: {  	_ =	swait.ge [sflag:s6], $0x80  }
0x429: {  	[sflag:s6] =	ssyncset.done $0x0  }
0x42a: {  	[sflag:s6] =	ssyncadd.s32 $0xFFFFFF80  }
0x42b: {  	_ =	sfence.sel $0x180000  }
0x42c: {  	[bflag:$0x0] =	sbarrier.arrive $0xFFFF  }
0x42d: {  	_ =	strace $0x90000047  }
0x42e: {  	[bflag:$0x2] =	sbarrier.arrive $0xFFFF  }
0x42f: {  	s31 =	rddreg [dreg:$0x5]  }
0x430: {  	s0 =	sadd.s32 $0x100000, s31  }
0x431: {  	[sflag:s0] =	ssyncadd.tile.s32 $0x1;
	_ =	shalt  }
.Lfunc_end2:
_tile_overlayer_lowered:
.L_overlay_start_2:
0x432: {  	(tag) =	ssettag $0x2  }
0x433: {  	s0 =	rddreg [dreg:$0x0];
	s2 =	stileid.u32  }
0x434: {  	s1 =	rddreg [dreg:$0x1];
	p0 =	sne.s32 s2, $0x0  }
0x435: {  	s3 =	rddreg [dreg:$0x2];
	[bflag:$0x3] =	sbarrier.arrive $0xFFFF;
	s2 =	simm.s32 @!p0 $0x1C02  }
0x436: {  	[timem:s3], [sflag:s2] =	dma.local @!p0 [hbm:s0], s1  }
0x437: {  	s0 =	simm.s32 @!p0 $0x2  }
0x438: {  	_ =	swait.ge @!p0 [sflag:s0], s1  }
0x439: {  	s1 =	ssub.s32 @!p0 $0x0, s1;
	[sflag:s0] =	ssyncset.done @!p0 $0x0  }
0x43a: {  	[sflag:s0] =	ssyncadd.s32 @!p0 s1  }
0x43b: {  	[bflag:$0x3] =	sbarrier.arrive $0xFFFF  }
0x43c: {  	_ =	shalt  }

</sc_bundles>
